<compile_context>
chip_gen: v7x
topology: tpu7x:2x2x1
jax: 0.10.2.dev20260603
libtpu: 0.0.44.dev20260713+nightly
codegen_flags: <defaults>
</compile_context>

<pallas_src>
import functools
import math

import jax
import jax.numpy as jnp
from jax import lax
from jax.experimental import pallas as pl
from jax.experimental.pallas import tpu as pltpu
from jax.experimental.pallas import tpu_sc as plsc

N = 10000
EMB = 128
NT = 4
ET = 38
H = 4
DH = EMB // H
TAB = (ET + 1) * NT * NT
NPAD = 10240
C = 96
CPW = 108
NW = 32
EPW = C * CPW
EPAD = NW * EPW
RPT = NPAD // 16

_f32 = jnp.float32
_i32 = jnp.int32


def _dense_body(xx, enc, we1, be1, we2, be2, wkx, wke, bk, wmx, wme, bm,
                wq, bq, qn_o, kn_o, mn_o, kc_o, mc_o):
    eh = jnp.maximum(
        jnp.dot(enc[...], we1[...], preferred_element_type=_f32) + be1[...], 0.0)
    eemb = jnp.dot(eh, we2[...], preferred_element_type=_f32) + be2[...]
    kc_o[...] = jnp.dot(eemb, wke[...], preferred_element_type=_f32) + bk[...]
    mc_o[...] = jnp.dot(eemb, wme[...], preferred_element_type=_f32) + bm[...]
    xv = xx[...]
    qn_o[...] = (jnp.dot(xv, wq[...], preferred_element_type=_f32)
                 + bq[...]) * (1.0 / math.sqrt(DH))
    kn_o[...] = jnp.dot(xv, wkx[...], preferred_element_type=_f32)
    mn_o[...] = jnp.dot(xv, wmx[...], preferred_element_type=_f32)


_dense_call = pl.pallas_call(
    _dense_body,
    out_shape=[
        jax.ShapeDtypeStruct((N, EMB), _f32),
        jax.ShapeDtypeStruct((N, EMB), _f32),
        jax.ShapeDtypeStruct((N, EMB), _f32),
        jax.ShapeDtypeStruct((TAB, EMB), _f32),
        jax.ShapeDtypeStruct((TAB, EMB), _f32),
    ],
)


def _mlp_body(aggr, w1, b1, gamma, beta, w2, b2, out):
    a = aggr[0:N, :] + aggr[NPAD:NPAD + N, :]
    h1 = jnp.dot(a, w1[...], preferred_element_type=_f32) + b1[...]
    mu = jnp.mean(h1, axis=0, keepdims=True)
    d = h1 - mu
    var = jnp.mean(d * d, axis=0, keepdims=True)
    h1 = d * lax.rsqrt(var + 1e-5) * gamma[...] + beta[...]
    h1 = jnp.maximum(h1, 0.0)
    out[...] = jnp.dot(h1, w2[...], preferred_element_type=_f32) + b2[...]


_mlp_call = pl.pallas_call(
    _mlp_body,
    out_shape=jax.ShapeDtypeStruct((N, EMB), _f32),
)


def _pass1_body(qn, kn, kc, src, dst, eta, ntp, zsums,
                ex_out, sums_out, combo_out,
                kc_l, nt_l, qbuf, kbuf, csums, sidx, didx, etb, cbuf,
                sums_sh, sem1, sem2):
    cid = lax.axis_index("c")
    sid = lax.axis_index("s")
    wid = sid * 2 + cid
    lanes = jnp.arange(16, dtype=_i32)
    ones16 = jnp.ones((16,), _f32)
    zero16 = jnp.zeros((16,), _f32)

    pltpu.sync_copy(kc, kc_l)
    pltpu.sync_copy(ntp, nt_l)
    row0 = sid * RPT
    pltpu.sync_copy(zsums.at[pl.ds(row0, RPT)], sums_sh.at[pl.ds(row0, RPT)])
    for r in range(C):
        csums[r, :] = zero16
    plsc.subcore_barrier()

    def chunk_body(ci, _):
        base = wid * EPW + ci * C
        pltpu.sync_copy(src.at[pl.ds(base, C)], sidx)
        pltpu.sync_copy(dst.at[pl.ds(base, C)], didx)
        pltpu.sync_copy(eta.at[pl.ds(base, C)], etb)
        cp1 = pltpu.async_copy(qn.at[sidx], qbuf, sem1)
        cp2 = pltpu.async_copy(kn.at[didx], kbuf, sem2)
        cp1.wait()
        cp2.wait()
        for g in range(C // 16):
            rows = lanes + g * 16
            s16 = sidx[pl.ds(g * 16, 16)]
            d16 = didx[pl.ds(g * 16, 16)]
            e16 = etb[pl.ds(g * 16, 16)]
            nts = plsc.load_gather(nt_l, [s16 >> 4, s16 & 15])
            ntd = plsc.load_gather(nt_l, [d16 >> 4, d16 & 15])
            combo = e16 * (NT * NT) + nts * NT + ntd
            cbuf[pl.ds(g * 16, 16)] = combo

            def dot_body(j, accs):
                res = []
                for h in range(H):
                    dcol = jnp.full((16,), h * DH, _i32) + j
                    q = plsc.load_gather(qbuf, [rows, dcol])
                    k = plsc.load_gather(kbuf, [rows, dcol])
                    kcv = plsc.load_gather(kc_l, [combo, dcol])
                    res.append(accs[h] + q * (k + kcv))
                return tuple(res)

            accs = lax.fori_loop(0, DH, dot_body,
                                 (zero16, zero16, zero16, zero16))
            for h in range(H):
                exh = jnp.exp(accs[h])
                plsc.store_scatter(csums, [rows, jnp.full((16,), h, _i32)], exh)
            plsc.store_scatter(csums, [rows, jnp.full((16,), H, _i32)], ones16)
        pltpu.sync_copy(csums, ex_out.at[pl.ds(base, C)])
        pltpu.sync_copy(cbuf, combo_out.at[pl.ds(base, C)])
        pltpu.sync_copy(csums, sums_sh.at[sidx], add=True)
        return 0

    lax.fori_loop(0, CPW, chunk_body, 0)
    plsc.subcore_barrier()
    pltpu.sync_copy(sums_sh.at[pl.ds(row0, RPT)],
                    sums_out.at[pl.ds(cid * NPAD + row0, RPT)])


_pass1 = pl.kernel(
    _pass1_body,
    out_type=[
        jax.ShapeDtypeStruct((EPAD, 16), _f32),
        jax.ShapeDtypeStruct((2 * NPAD, 16), _f32),
        jax.ShapeDtypeStruct((EPAD,), _i32),
    ],
    mesh=plsc.VectorSubcoreMesh(core_axis_name="c", subcore_axis_name="s",
                                num_cores=2, num_subcores=16),
    scratch_types=[
        pltpu.VMEM((TAB, EMB), _f32),
        pltpu.VMEM((NPAD // 16, 16), _i32),
        pltpu.VMEM((C, EMB), _f32),
        pltpu.VMEM((C, EMB), _f32),
        pltpu.VMEM((C, 16), _f32),
        pltpu.VMEM((C,), _i32),
        pltpu.VMEM((C,), _i32),
        pltpu.VMEM((C,), _i32),
        pltpu.VMEM((C,), _i32),
        pltpu.MemorySpace.VMEM_SHARED((NPAD, 16), _f32),
        pltpu.SemaphoreType.DMA,
        pltpu.SemaphoreType.DMA,
    ],
    compiler_params=pltpu.CompilerParams(needs_layout_passes=False,
                                         use_tc_tiling_on_sc=False),
)


def _pass2_body(mn, mc, src, dst, combo_in, ex_in, sums, zaggr,
                aggr_out,
                mbuf, mcbuf, outch, s0b, s1b, s1idx, exch, sidx, didx,
                cbuf, aggr_sh, sem1, sem2):
    cid = lax.axis_index("c")
    sid = lax.axis_index("s")
    wid = sid * 2 + cid
    lanes = jnp.arange(16, dtype=_i32)

    row0 = sid * RPT
    pltpu.sync_copy(zaggr.at[pl.ds(row0, RPT)], aggr_sh.at[pl.ds(row0, RPT)])
    plsc.subcore_barrier()

    def chunk_body(ci, _):
        base = wid * EPW + ci * C
        pltpu.sync_copy(src.at[pl.ds(base, C)], sidx)
        pltpu.sync_copy(dst.at[pl.ds(base, C)], didx)
        pltpu.sync_copy(combo_in.at[pl.ds(base, C)], cbuf)
        pltpu.sync_copy(ex_in.at[pl.ds(base, C)], exch)
        for t in range(C // 16):
            s1idx[pl.ds(t * 16, 16)] = sidx[pl.ds(t * 16, 16)] + NPAD
        cp1 = pltpu.async_copy(mn.at[sidx], mbuf, sem1)
        cp2 = pltpu.async_copy(sums.at[sidx], s0b, sem2)
        cp1.wait()
        cp2.wait()
        cp3 = pltpu.async_copy(mc.at[cbuf], mcbuf, sem1)
        cp4 = pltpu.async_copy(sums.at[s1idx], s1b, sem2)
        cp3.wait()
        cp4.wait()
        for g in range(C // 16):
            rows = lanes + g * 16
            colH = jnp.full((16,), H, _i32)
            cnt = (plsc.load_gather(s0b, [rows, colH])
                   + plsc.load_gather(s1b, [rows, colH]))
            alphas = []
            for h in range(H):
                colh = jnp.full((16,), h, _i32)
                ssum = (plsc.load_gather(s0b, [rows, colh])
                        + plsc.load_gather(s1b, [rows, colh]))
                exh = plsc.load_gather(exch, [rows, colh])
                alphas.append(exh * cnt / (ssum + 1e-16))

            def col_body(j, _):
                for h in range(H):
                    dcol = jnp.full((16,), h * DH, _i32) + j
                    m = (plsc.load_gather(mbuf, [rows, dcol])
                         + plsc.load_gather(mcbuf, [rows, dcol]))
                    plsc.store_scatter(outch, [rows, dcol], m * alphas[h])
                return 0

            lax.fori_loop(0, DH, col_body, 0)
        pltpu.sync_copy(outch, aggr_sh.at[didx], add=True)
        return 0

    lax.fori_loop(0, CPW, chunk_body, 0)
    plsc.subcore_barrier()
    pltpu.sync_copy(aggr_sh.at[pl.ds(row0, RPT)],
                    aggr_out.at[pl.ds(cid * NPAD + row0, RPT)])


_pass2 = pl.kernel(
    _pass2_body,
    out_type=jax.ShapeDtypeStruct((2 * NPAD, EMB), _f32),
    mesh=plsc.VectorSubcoreMesh(core_axis_name="c", subcore_axis_name="s",
                                num_cores=2, num_subcores=16),
    scratch_types=[
        pltpu.VMEM((C, EMB), _f32),
        pltpu.VMEM((C, EMB), _f32),
        pltpu.VMEM((C, EMB), _f32),
        pltpu.VMEM((C, 16), _f32),
        pltpu.VMEM((C, 16), _f32),
        pltpu.VMEM((C,), _i32),
        pltpu.VMEM((C, 16), _f32),
        pltpu.VMEM((C,), _i32),
        pltpu.VMEM((C,), _i32),
        pltpu.VMEM((C,), _i32),
        pltpu.MemorySpace.VMEM_SHARED((NPAD, EMB), _f32),
        pltpu.SemaphoreType.DMA,
        pltpu.SemaphoreType.DMA,
    ],
    compiler_params=pltpu.CompilerParams(needs_layout_passes=False,
                                         use_tc_tiling_on_sc=False),
)


def kernel(x, node_feature_extra, edge_index, edge_type, node_type,
           W_enc1, b_enc1, W_enc2, b_enc2,
           W_key, b_key, W_msg, b_msg, W_query, b_query,
           W_mlp1, b_mlp1, bn_gamma, bn_beta, W_mlp2, b_mlp2):
    E = edge_index.shape[1]
    xx = jnp.concatenate([x, node_feature_extra], axis=1)

    cidx = jnp.arange(TAB)
    et = cidx // (NT * NT)
    ht = (cidx // NT) % NT
    tt = cidx % NT
    enc = jnp.concatenate([
        jax.nn.one_hot(et, ET + 1, dtype=_f32),
        jax.nn.one_hot(ht, NT, dtype=_f32),
        jax.nn.one_hot(tt, NT, dtype=_f32),
    ], axis=1)
    enc = jnp.pad(enc, ((0, 0), (0, 1)))
    we1 = jnp.pad(W_enc1, ((0, 1), (0, 0)))

    qn, kn, mn, kc, mc = _dense_call(
        xx, enc, we1, b_enc1.reshape(1, -1), W_enc2, b_enc2.reshape(1, -1),
        W_key[:2 * EMB], W_key[2 * EMB:], b_key.reshape(1, -1),
        W_msg[:2 * EMB], W_msg[2 * EMB:], b_msg.reshape(1, -1),
        W_query, b_query.reshape(1, -1))

    qn_p = jnp.pad(qn, ((0, NPAD - N), (0, 0)))
    kn_p = jnp.pad(kn, ((0, NPAD - N), (0, 0)))
    mn_p = jnp.pad(mn, ((0, NPAD - N), (0, 0)))

    loop = jnp.arange(N, dtype=_i32)
    pad_e = EPAD - (E + N)
    src = jnp.concatenate([edge_index[0], loop, jnp.full((pad_e,), N, _i32)])
    dst = jnp.concatenate([edge_index[1], loop, jnp.full((pad_e,), N, _i32)])
    eta = jnp.concatenate([edge_type.astype(_i32), jnp.full((N,), ET, _i32),
                           jnp.full((pad_e,), ET, _i32)])
    ntp = jnp.concatenate([node_type.astype(_i32),
                           jnp.zeros((NPAD - N,), _i32)]).reshape(NPAD // 16, 16)
    zsums = jnp.zeros((NPAD, 16), _f32)
    zaggr = jnp.zeros((NPAD, EMB), _f32)

    ex_flat, sums, combo = _pass1(qn_p, kn_p, kc, src, dst, eta, ntp, zsums)
    aggr2 = _pass2(mn_p, mc, src, dst, combo, ex_flat, sums, zaggr)

    return _mlp_call(aggr2, W_mlp1, b_mlp1.reshape(1, -1),
                     bn_gamma.reshape(1, -1), bn_beta.reshape(1, -1),
                     W_mlp2, b_mlp2.reshape(1, -1))

# --- scband reference (transcript-rebuilt; emitter-appended) ---
"""Pipeline reference for scband-grease-lmencoder-89781996356179 (READ-ONLY COPY).

The authoritative reference and input builder live on the scoring server;
editing this copy changes nothing except your own understanding.
"""

import jax, jax.numpy as jnp
import numpy as np

N = 10000
E = 320000
EMB = 128
NT = 4
ET = 38
H = 4
DH = EMB // H
ENC_IN = (ET + 1) + 2 * NT


def setup_inputs(seed: int = 0) -> dict:
    key = jax.random.key(seed)
    ks = jax.random.split(key, 24)
    s = 0.05
    inp = {}
    inp["x"] = jax.random.normal(ks[0], (N, EMB), dtype=jnp.float32)
    inp["node_feature_extra"] = jax.random.normal(ks[1], (N, EMB), dtype=jnp.float32)
    inp["edge_index"] = jax.random.randint(ks[2], (2, E), 0, N, dtype=jnp.int32)
    inp["edge_type"] = jax.random.randint(ks[3], (E,), 0, ET, dtype=jnp.int32)
    inp["node_type"] = jax.random.randint(ks[4], (N,), 0, NT, dtype=jnp.int32)
    inp["W_enc1"] = jax.random.normal(ks[5], (ENC_IN, EMB), dtype=jnp.float32) * s
    inp["b_enc1"] = jnp.zeros((EMB,), jnp.float32)
    inp["W_enc2"] = jax.random.normal(ks[6], (EMB, EMB), dtype=jnp.float32) * s
    inp["b_enc2"] = jnp.zeros((EMB,), jnp.float32)
    inp["W_key"] = jax.random.normal(ks[7], (3 * EMB, EMB), dtype=jnp.float32) * s
    inp["b_key"] = jnp.zeros((EMB,), jnp.float32)
    inp["W_msg"] = jax.random.normal(ks[8], (3 * EMB, EMB), dtype=jnp.float32) * s
    inp["b_msg"] = jnp.zeros((EMB,), jnp.float32)
    inp["W_query"] = jax.random.normal(ks[9], (2 * EMB, EMB), dtype=jnp.float32) * s
    inp["b_query"] = jnp.zeros((EMB,), jnp.float32)
    inp["W_mlp1"] = jax.random.normal(ks[10], (EMB, EMB), dtype=jnp.float32) * s
    inp["b_mlp1"] = jnp.zeros((EMB,), jnp.float32)
    inp["bn_gamma"] = jnp.ones((EMB,), jnp.float32)
    inp["bn_beta"] = jnp.zeros((EMB,), jnp.float32)
    inp["W_mlp2"] = jax.random.normal(ks[11], (EMB, EMB), dtype=jnp.float32) * s
    inp["b_mlp2"] = jnp.zeros((EMB,), jnp.float32)
    return inp


def reference(x, node_feature_extra, edge_index, edge_type, node_type,
              W_enc1, b_enc1, W_enc2, b_enc2,
              W_key, b_key, W_msg, b_msg, W_query, b_query,
              W_mlp1, b_mlp1, bn_gamma, bn_beta, W_mlp2, b_mlp2):
    n = x.shape[0]
    # one-hot edge features (real edges + self loops)
    edge_vec = jax.nn.one_hot(edge_type, ET + 1, dtype=jnp.float32)
    self_edge_vec = jnp.zeros((n, ET + 1), jnp.float32).at[:, ET].set(1.0)
    head_type = node_type[edge_index[0]]
    tail_type = node_type[edge_index[1]]
    head_vec = jax.nn.one_hot(head_type, NT, dtype=jnp.float32)
    tail_vec = jax.nn.one_hot(tail_type, NT, dtype=jnp.float32)
    headtail_vec = jnp.concatenate([head_vec, tail_vec], axis=1)
    self_head_vec = jax.nn.one_hot(node_type, NT, dtype=jnp.float32)
    self_headtail_vec = jnp.concatenate([self_head_vec, self_head_vec], axis=1)
    edge_vec = jnp.concatenate([edge_vec, self_edge_vec], axis=0)
    headtail_vec = jnp.concatenate([headtail_vec, self_headtail_vec], axis=0)
    enc_in = jnp.concatenate([edge_vec, headtail_vec], axis=1)
    h = jax.nn.relu(enc_in @ W_enc1 + b_enc1)
    edge_embeddings = h @ W_enc2 + b_enc2
    # add self loops
    loop = jnp.arange(n, dtype=edge_index.dtype)
    ei = jnp.concatenate([edge_index, jnp.stack([loop, loop], axis=0)], axis=1)
    xx = jnp.concatenate([x, node_feature_extra], axis=1)
    src = ei[0]
    dst = ei[1]
    x_i = jnp.take(xx, dst, axis=0)  # target (flow source_to_target)
    x_j = jnp.take(xx, src, axis=0)  # source
    key_h = (jnp.concatenate([x_i, edge_embeddings], axis=1) @ W_key + b_key).reshape(-1, H, DH)
    msg = (jnp.concatenate([x_j, edge_embeddings], axis=1) @ W_msg + b_msg).reshape(-1, H, DH)
    query = (x_j @ W_query + b_query).reshape(-1, H, DH) / np.sqrt(DH)
    scores = jnp.sum(query * key_h, axis=2)  # [Et, H]
    seg = src  # softmax grouped by SOURCE node, as in original code
    smax = jax.ops.segment_max(scores, seg, num_segments=n)
    smax = jnp.where(jnp.isfinite(smax), smax, 0.0)
    ex = jnp.exp(scores - smax[seg])
    ssum = jax.ops.segment_sum(ex, seg, num_segments=n)
    alpha = ex / (ssum[seg] + 1e-16)
    ones = jnp.ones((ei.shape[1],), jnp.float32)
    cnt = jax.ops.segment_sum(ones, seg, num_segments=n)[seg]
    alpha = alpha * cnt[:, None]
    out_msg = (msg * alpha[:, :, None]).reshape(-1, H * DH)
    aggr = jax.ops.segment_sum(out_msg, dst, num_segments=n)
    # mlp: Linear -> BatchNorm1d (training-mode batch stats) -> ReLU -> Linear
    h1 = aggr @ W_mlp1 + b_mlp1
    mu = jnp.mean(h1, axis=0)
    var = jnp.var(h1, axis=0)
    h1 = (h1 - mu) / jnp.sqrt(var + 1e-5) * bn_gamma + bn_beta
    h1 = jax.nn.relu(h1)
    out = h1 @ W_mlp2 + b_mlp2
    return out

if __name__ == "__main__":
    import jax
    _d = setup_inputs()
    print(jax.jit(kernel)(*tuple(_d.values())))

</pallas_src>

<mosaic_0001>
#map = affine_map<(d0, d1) -> (0, 0)>
#map1 = affine_map<(d0, d1) -> (0)>
module attributes {stable_mosaic.version = 14 : i64} {
  func.func @_pass1_body(%arg0: i32, %arg1: i32, %arg2: memref<10240x128xf32, #tpu.memory_space<hbm>>, %arg3: memref<10240x128xf32, #tpu.memory_space<hbm>>, %arg4: memref<624x128xf32, #tpu.memory_space<hbm>>, %arg5: memref<331776xi32, #tpu.memory_space<hbm>>, %arg6: memref<331776xi32, #tpu.memory_space<hbm>>, %arg7: memref<331776xi32, #tpu.memory_space<hbm>>, %arg8: memref<640x16xi32, #tpu.memory_space<hbm>>, %arg9: memref<10240x16xf32, #tpu.memory_space<hbm>>, %arg10: memref<331776x16xf32, #tpu.memory_space<hbm>>, %arg11: memref<20480x16xf32, #tpu.memory_space<hbm>>, %arg12: memref<331776xi32, #tpu.memory_space<hbm>>, %arg13: memref<624x128xf32, #tpu.memory_space<vmem>>, %arg14: memref<640x16xi32, #tpu.memory_space<vmem>>, %arg15: memref<96x128xf32, #tpu.memory_space<vmem>>, %arg16: memref<96x128xf32, #tpu.memory_space<vmem>>, %arg17: memref<96x16xf32, #tpu.memory_space<vmem>>, %arg18: memref<96xi32, #tpu.memory_space<vmem>>, %arg19: memref<96xi32, #tpu.memory_space<vmem>>, %arg20: memref<96xi32, #tpu.memory_space<vmem>>, %arg21: memref<96xi32, #tpu.memory_space<vmem>>, %arg22: memref<10240x16xf32, #tpu.memory_space<vmem_shared>>, %arg23: memref<!tpu.dma_semaphore, #tpu.memory_space<semaphore_mem>>, %arg24: memref<!tpu.dma_semaphore, #tpu.memory_space<semaphore_mem>>) attributes {dimension_semantics = [#tpu.dimension_semantics<core_parallel>, #tpu.dimension_semantics<subcore_parallel>], iteration_bounds = array<i64: 2, 16>, scalar_prefetch = 0 : i64, scratch_operands = 12 : i64, tpu.core_type = #tpu.core_type<sc_vector_subcore>, window_params = [{transform_indices = #map}, {transform_indices = #map}, {transform_indices = #map}, {transform_indices = #map1}, {transform_indices = #map1}, {transform_indices = #map1}, {transform_indices = #map}, {transform_indices = #map}, {transform_indices = #map}, {transform_indices = #map}, {transform_indices = #map1}]} {
    %mul3A = arith.constant 2 : i32
    %mul3A_0 = arith.muli %arg1, %mul3A : i32
    %add3A = arith.addi %mul3A_0, %arg0 : i32
    %iota3A = tpu.iota {dimensions = array<i32: 0>} : vector<16xi32>
    %broadcast_in_dim3A = arith.constant 1.000000e+00 : f32
    %broadcast_in_dim3A_1 = vector.broadcast %broadcast_in_dim3A : f32 to vector<16xf32>
    %broadcast_in_dim3A_2 = arith.constant 0.000000e+00 : f32
    %broadcast_in_dim3A_3 = vector.broadcast %broadcast_in_dim3A_2 : f32 to vector<16xf32>
    "tpu.region"() ({
      %run_scoped3A = tpu.sem_alloc : memref<!tpu.dma_semaphore, #tpu.memory_space<semaphore_mem>>
      tpu.enqueue_dma source(%arg4 : memref<624x128xf32, #tpu.memory_space<hbm>>) target(%arg13 : memref<624x128xf32, #tpu.memory_space<vmem>>) target_semaphore(%run_scoped3A : memref<!tpu.dma_semaphore, #tpu.memory_space<semaphore_mem>>)
      tpu.wait_dma2 semaphore(%run_scoped3A : memref<!tpu.dma_semaphore, #tpu.memory_space<semaphore_mem>>) src(%arg4 : memref<624x128xf32, #tpu.memory_space<hbm>>) dst(%arg13 : memref<624x128xf32, #tpu.memory_space<vmem>>)
      tpu.yield
    }) : () -> ()
    "tpu.region"() ({
      %run_scoped3A = tpu.sem_alloc : memref<!tpu.dma_semaphore, #tpu.memory_space<semaphore_mem>>
      tpu.enqueue_dma source(%arg8 : memref<640x16xi32, #tpu.memory_space<hbm>>) target(%arg14 : memref<640x16xi32, #tpu.memory_space<vmem>>) target_semaphore(%run_scoped3A : memref<!tpu.dma_semaphore, #tpu.memory_space<semaphore_mem>>)
      tpu.wait_dma2 semaphore(%run_scoped3A : memref<!tpu.dma_semaphore, #tpu.memory_space<semaphore_mem>>) src(%arg8 : memref<640x16xi32, #tpu.memory_space<hbm>>) dst(%arg14 : memref<640x16xi32, #tpu.memory_space<vmem>>)
      tpu.yield
    }) : () -> ()
    %mul3A_4 = arith.constant 640 : i32
    %mul3A_5 = arith.muli %arg1, %mul3A_4 : i32
    "tpu.region"() ({
      %run_scoped3A = tpu.sem_alloc : memref<!tpu.dma_semaphore, #tpu.memory_space<semaphore_mem>>
      %dma_start3A = arith.constant 0 : i32
      %dma_start3A_399 = tpu.memref_slice %arg22[%mul3A_5, %dma_start3A] : memref<10240x16xf32, #tpu.memory_space<vmem_shared>> -> memref<640x16xf32, #tpu.memory_space<vmem_shared>>
      %dma_start3A_400 = arith.constant 0 : i32
      %dma_start3A_401 = tpu.memref_slice %arg9[%mul3A_5, %dma_start3A_400] : memref<10240x16xf32, #tpu.memory_space<hbm>> -> memref<640x16xf32, #tpu.memory_space<hbm>>
      tpu.enqueue_dma source(%dma_start3A_401 : memref<640x16xf32, #tpu.memory_space<hbm>>) target(%dma_start3A_399 : memref<640x16xf32, #tpu.memory_space<vmem_shared>>) target_semaphore(%run_scoped3A : memref<!tpu.dma_semaphore, #tpu.memory_space<semaphore_mem>>)
      %dma_wait3A = arith.constant 0 : i32
      %dma_wait3A_402 = tpu.memref_slice %arg22[%mul3A_5, %dma_wait3A] : memref<10240x16xf32, #tpu.memory_space<vmem_shared>> -> memref<640x16xf32, #tpu.memory_space<vmem_shared>>
      %dma_wait3A_403 = arith.constant 0 : i32
      %dma_wait3A_404 = tpu.memref_slice %arg9[%mul3A_5, %dma_wait3A_403] : memref<10240x16xf32, #tpu.memory_space<hbm>> -> memref<640x16xf32, #tpu.memory_space<hbm>>
      tpu.wait_dma2 semaphore(%run_scoped3A : memref<!tpu.dma_semaphore, #tpu.memory_space<semaphore_mem>>) src(%dma_wait3A_404 : memref<640x16xf32, #tpu.memory_space<hbm>>) dst(%dma_wait3A_402 : memref<640x16xf32, #tpu.memory_space<vmem_shared>>)
      tpu.yield
    }) : () -> ()
    %swap3A = arith.constant 0 : i32
    %swap3A_6 = arith.index_cast %swap3A : i32 to index
    %swap3A_7 = arith.constant 0 : index
    %swap3A_8 = tpu.vector_load %arg17[%swap3A_6, %swap3A_7] {strides = array<i32>} : memref<96x16xf32, #tpu.memory_space<vmem>>, vector<16xf32>,
    tpu.vector_store %arg17[%swap3A_6, %swap3A_7], %broadcast_in_dim3A_3 {strides = array<i32>} : memref<96x16xf32, #tpu.memory_space<vmem>>, vector<16xf32>,
    %swap3A_9 = arith.constant 1 : i32
    %swap3A_10 = arith.index_cast %swap3A_9 : i32 to index
    %swap3A_11 = arith.constant 0 : index
    %swap3A_12 = tpu.vector_load %arg17[%swap3A_10, %swap3A_11] {strides = array<i32>} : memref<96x16xf32, #tpu.memory_space<vmem>>, vector<16xf32>,
    tpu.vector_store %arg17[%swap3A_10, %swap3A_11], %broadcast_in_dim3A_3 {strides = array<i32>} : memref<96x16xf32, #tpu.memory_space<vmem>>, vector<16xf32>,
    %swap3A_13 = arith.constant 2 : i32
    %swap3A_14 = arith.index_cast %swap3A_13 : i32 to index
    %swap3A_15 = arith.constant 0 : index
    %swap3A_16 = tpu.vector_load %arg17[%swap3A_14, %swap3A_15] {strides = array<i32>} : memref<96x16xf32, #tpu.memory_space<vmem>>, vector<16xf32>,
    tpu.vector_store %arg17[%swap3A_14, %swap3A_15], %broadcast_in_dim3A_3 {strides = array<i32>} : memref<96x16xf32, #tpu.memory_space<vmem>>, vector<16xf32>,
    %swap3A_17 = arith.constant 3 : i32
    %swap3A_18 = arith.index_cast %swap3A_17 : i32 to index
    %swap3A_19 = arith.constant 0 : index
    %swap3A_20 = tpu.vector_load %arg17[%swap3A_18, %swap3A_19] {strides = array<i32>} : memref<96x16xf32, #tpu.memory_space<vmem>>, vector<16xf32>,
    tpu.vector_store %arg17[%swap3A_18, %swap3A_19], %broadcast_in_dim3A_3 {strides = array<i32>} : memref<96x16xf32, #tpu.memory_space<vmem>>, vector<16xf32>,
    %swap3A_21 = arith.constant 4 : i32
    %swap3A_22 = arith.index_cast %swap3A_21 : i32 to index
    %swap3A_23 = arith.constant 0 : index
    %swap3A_24 = tpu.vector_load %arg17[%swap3A_22, %swap3A_23] {strides = array<i32>} : memref<96x16xf32, #tpu.memory_space<vmem>>, vector<16xf32>,
    tpu.vector_store %arg17[%swap3A_22, %swap3A_23], %broadcast_in_dim3A_3 {strides = array<i32>} : memref<96x16xf32, #tpu.memory_space<vmem>>, vector<16xf32>,
    %swap3A_25 = arith.constant 5 : i32
    %swap3A_26 = arith.index_cast %swap3A_25 : i32 to index
    %swap3A_27 = arith.constant 0 : index
    %swap3A_28 = tpu.vector_load %arg17[%swap3A_26, %swap3A_27] {strides = array<i32>} : memref<96x16xf32, #tpu.memory_space<vmem>>, vector<16xf32>,
    tpu.vector_store %arg17[%swap3A_26, %swap3A_27], %broadcast_in_dim3A_3 {strides = array<i32>} : memref<96x16xf32, #tpu.memory_space<vmem>>, vector<16xf32>,
    %swap3A_29 = arith.constant 6 : i32
    %swap3A_30 = arith.index_cast %swap3A_29 : i32 to index
    %swap3A_31 = arith.constant 0 : index
    %swap3A_32 = tpu.vector_load %arg17[%swap3A_30, %swap3A_31] {strides = array<i32>} : memref<96x16xf32, #tpu.memory_space<vmem>>, vector<16xf32>,
    tpu.vector_store %arg17[%swap3A_30, %swap3A_31], %broadcast_in_dim3A_3 {strides = array<i32>} : memref<96x16xf32, #tpu.memory_space<vmem>>, vector<16xf32>,
    %swap3A_33 = arith.constant 7 : i32
    %swap3A_34 = arith.index_cast %swap3A_33 : i32 to index
    %swap3A_35 = arith.constant 0 : index
    %swap3A_36 = tpu.vector_load %arg17[%swap3A_34, %swap3A_35] {strides = array<i32>} : memref<96x16xf32, #tpu.memory_space<vmem>>, vector<16xf32>,
    tpu.vector_store %arg17[%swap3A_34, %swap3A_35], %broadcast_in_dim3A_3 {strides = array<i32>} : memref<96x16xf32, #tpu.memory_space<vmem>>, vector<16xf32>,
    %swap3A_37 = arith.constant 8 : i32
    %swap3A_38 = arith.index_cast %swap3A_37 : i32 to index
    %swap3A_39 = arith.constant 0 : index
    %swap3A_40 = tpu.vector_load %arg17[%swap3A_38, %swap3A_39] {strides = array<i32>} : memref<96x16xf32, #tpu.memory_space<vmem>>, vector<16xf32>,
    tpu.vector_store %arg17[%swap3A_38, %swap3A_39], %broadcast_in_dim3A_3 {strides = array<i32>} : memref<96x16xf32, #tpu.memory_space<vmem>>, vector<16xf32>,
    %swap3A_41 = arith.constant 9 : i32
    %swap3A_42 = arith.index_cast %swap3A_41 : i32 to index
    %swap3A_43 = arith.constant 0 : index
    %swap3A_44 = tpu.vector_load %arg17[%swap3A_42, %swap3A_43] {strides = array<i32>} : memref<96x16xf32, #tpu.memory_space<vmem>>, vector<16xf32>,
    tpu.vector_store %arg17[%swap3A_42, %swap3A_43], %broadcast_in_dim3A_3 {strides = array<i32>} : memref<96x16xf32, #tpu.memory_space<vmem>>, vector<16xf32>,
    %swap3A_45 = arith.constant 10 : i32
    %swap3A_46 = arith.index_cast %swap3A_45 : i32 to index
    %swap3A_47 = arith.constant 0 : index
    %swap3A_48 = tpu.vector_load %arg17[%swap3A_46, %swap3A_47] {strides = array<i32>} : memref<96x16xf32, #tpu.memory_space<vmem>>, vector<16xf32>,
    tpu.vector_store %arg17[%swap3A_46, %swap3A_47], %broadcast_in_dim3A_3 {strides = array<i32>} : memref<96x16xf32, #tpu.memory_space<vmem>>, vector<16xf32>,
    %swap3A_49 = arith.constant 11 : i32
    %swap3A_50 = arith.index_cast %swap3A_49 : i32 to index
    %swap3A_51 = arith.constant 0 : index
    %swap3A_52 = tpu.vector_load %arg17[%swap3A_50, %swap3A_51] {strides = array<i32>} : memref<96x16xf32, #tpu.memory_space<vmem>>, vector<16xf32>,
    tpu.vector_store %arg17[%swap3A_50, %swap3A_51], %broadcast_in_dim3A_3 {strides = array<i32>} : memref<96x16xf32, #tpu.memory_space<vmem>>, vector<16xf32>,
    %swap3A_53 = arith.constant 12 : i32
    %swap3A_54 = arith.index_cast %swap3A_53 : i32 to index
    %swap3A_55 = arith.constant 0 : index
    %swap3A_56 = tpu.vector_load %arg17[%swap3A_54, %swap3A_55] {strides = array<i32>} : memref<96x16xf32, #tpu.memory_space<vmem>>, vector<16xf32>,
    tpu.vector_store %arg17[%swap3A_54, %swap3A_55], %broadcast_in_dim3A_3 {strides = array<i32>} : memref<96x16xf32, #tpu.memory_space<vmem>>, vector<16xf32>,
    %swap3A_57 = arith.constant 13 : i32
    %swap3A_58 = arith.index_cast %swap3A_57 : i32 to index
    %swap3A_59 = arith.constant 0 : index
    %swap3A_60 = tpu.vector_load %arg17[%swap3A_58, %swap3A_59] {strides = array<i32>} : memref<96x16xf32, #tpu.memory_space<vmem>>, vector<16xf32>,
    tpu.vector_store %arg17[%swap3A_58, %swap3A_59], %broadcast_in_dim3A_3 {strides = array<i32>} : memref<96x16xf32, #tpu.memory_space<vmem>>, vector<16xf32>,
    %swap3A_61 = arith.constant 14 : i32
    %swap3A_62 = arith.index_cast %swap3A_61 : i32 to index
    %swap3A_63 = arith.constant 0 : index
    %swap3A_64 = tpu.vector_load %arg17[%swap3A_62, %swap3A_63] {strides = array<i32>} : memref<96x16xf32, #tpu.memory_space<vmem>>, vector<16xf32>,
    tpu.vector_store %arg17[%swap3A_62, %swap3A_63], %broadcast_in_dim3A_3 {strides = array<i32>} : memref<96x16xf32, #tpu.memory_space<vmem>>, vector<16xf32>,
    %swap3A_65 = arith.constant 15 : i32
    %swap3A_66 = arith.index_cast %swap3A_65 : i32 to index
    %swap3A_67 = arith.constant 0 : index
    %swap3A_68 = tpu.vector_load %arg17[%swap3A_66, %swap3A_67] {strides = array<i32>} : memref<96x16xf32, #tpu.memory_space<vmem>>, vector<16xf32>,
    tpu.vector_store %arg17[%swap3A_66, %swap3A_67], %broadcast_in_dim3A_3 {strides = array<i32>} : memref<96x16xf32, #tpu.memory_space<vmem>>, vector<16xf32>,
    %swap3A_69 = arith.constant 16 : i32
    %swap3A_70 = arith.index_cast %swap3A_69 : i32 to index
    %swap3A_71 = arith.constant 0 : index
    %swap3A_72 = tpu.vector_load %arg17[%swap3A_70, %swap3A_71] {strides = array<i32>} : memref<96x16xf32, #tpu.memory_space<vmem>>, vector<16xf32>,
    tpu.vector_store %arg17[%swap3A_70, %swap3A_71], %broadcast_in_dim3A_3 {strides = array<i32>} : memref<96x16xf32, #tpu.memory_space<vmem>>, vector<16xf32>,
    %swap3A_73 = arith.constant 17 : i32
    %swap3A_74 = arith.index_cast %swap3A_73 : i32 to index
    %swap3A_75 = arith.constant 0 : index
    %swap3A_76 = tpu.vector_load %arg17[%swap3A_74, %swap3A_75] {strides = array<i32>} : memref<96x16xf32, #tpu.memory_space<vmem>>, vector<16xf32>,
    tpu.vector_store %arg17[%swap3A_74, %swap3A_75], %broadcast_in_dim3A_3 {strides = array<i32>} : memref<96x16xf32, #tpu.memory_space<vmem>>, vector<16xf32>,
    %swap3A_77 = arith.constant 18 : i32
    %swap3A_78 = arith.index_cast %swap3A_77 : i32 to index
    %swap3A_79 = arith.constant 0 : index
    %swap3A_80 = tpu.vector_load %arg17[%swap3A_78, %swap3A_79] {strides = array<i32>} : memref<96x16xf32, #tpu.memory_space<vmem>>, vector<16xf32>,
    tpu.vector_store %arg17[%swap3A_78, %swap3A_79], %broadcast_in_dim3A_3 {strides = array<i32>} : memref<96x16xf32, #tpu.memory_space<vmem>>, vector<16xf32>,
    %swap3A_81 = arith.constant 19 : i32
    %swap3A_82 = arith.index_cast %swap3A_81 : i32 to index
    %swap3A_83 = arith.constant 0 : index
    %swap3A_84 = tpu.vector_load %arg17[%swap3A_82, %swap3A_83] {strides = array<i32>} : memref<96x16xf32, #tpu.memory_space<vmem>>, vector<16xf32>,
    tpu.vector_store %arg17[%swap3A_82, %swap3A_83], %broadcast_in_dim3A_3 {strides = array<i32>} : memref<96x16xf32, #tpu.memory_space<vmem>>, vector<16xf32>,
    %swap3A_85 = arith.constant 20 : i32
    %swap3A_86 = arith.index_cast %swap3A_85 : i32 to index
    %swap3A_87 = arith.constant 0 : index
    %swap3A_88 = tpu.vector_load %arg17[%swap3A_86, %swap3A_87] {strides = array<i32>} : memref<96x16xf32, #tpu.memory_space<vmem>>, vector<16xf32>,
    tpu.vector_store %arg17[%swap3A_86, %swap3A_87], %broadcast_in_dim3A_3 {strides = array<i32>} : memref<96x16xf32, #tpu.memory_space<vmem>>, vector<16xf32>,
    %swap3A_89 = arith.constant 21 : i32
    %swap3A_90 = arith.index_cast %swap3A_89 : i32 to index
    %swap3A_91 = arith.constant 0 : index
    %swap3A_92 = tpu.vector_load %arg17[%swap3A_90, %swap3A_91] {strides = array<i32>} : memref<96x16xf32, #tpu.memory_space<vmem>>, vector<16xf32>,
    tpu.vector_store %arg17[%swap3A_90, %swap3A_91], %broadcast_in_dim3A_3 {strides = array<i32>} : memref<96x16xf32, #tpu.memory_space<vmem>>, vector<16xf32>,
    %swap3A_93 = arith.constant 22 : i32
    %swap3A_94 = arith.index_cast %swap3A_93 : i32 to index
    %swap3A_95 = arith.constant 0 : index
    %swap3A_96 = tpu.vector_load %arg17[%swap3A_94, %swap3A_95] {strides = array<i32>} : memref<96x16xf32, #tpu.memory_space<vmem>>, vector<16xf32>,
    tpu.vector_store %arg17[%swap3A_94, %swap3A_95], %broadcast_in_dim3A_3 {strides = array<i32>} : memref<96x16xf32, #tpu.memory_space<vmem>>, vector<16xf32>,
    %swap3A_97 = arith.constant 23 : i32
    %swap3A_98 = arith.index_cast %swap3A_97 : i32 to index
    %swap3A_99 = arith.constant 0 : index
    %swap3A_100 = tpu.vector_load %arg17[%swap3A_98, %swap3A_99] {strides = array<i32>} : memref<96x16xf32, #tpu.memory_space<vmem>>, vector<16xf32>,
    tpu.vector_store %arg17[%swap3A_98, %swap3A_99], %broadcast_in_dim3A_3 {strides = array<i32>} : memref<96x16xf32, #tpu.memory_space<vmem>>, vector<16xf32>,
    %swap3A_101 = arith.constant 24 : i32
    %swap3A_102 = arith.index_cast %swap3A_101 : i32 to index
    %swap3A_103 = arith.constant 0 : index
    %swap3A_104 = tpu.vector_load %arg17[%swap3A_102, %swap3A_103] {strides = array<i32>} : memref<96x16xf32, #tpu.memory_space<vmem>>, vector<16xf32>,
    tpu.vector_store %arg17[%swap3A_102, %swap3A_103], %broadcast_in_dim3A_3 {strides = array<i32>} : memref<96x16xf32, #tpu.memory_space<vmem>>, vector<16xf32>,
    %swap3A_105 = arith.constant 25 : i32
    %swap3A_106 = arith.index_cast %swap3A_105 : i32 to index
    %swap3A_107 = arith.constant 0 : index
    %swap3A_108 = tpu.vector_load %arg17[%swap3A_106, %swap3A_107] {strides = array<i32>} : memref<96x16xf32, #tpu.memory_space<vmem>>, vector<16xf32>,
    tpu.vector_store %arg17[%swap3A_106, %swap3A_107], %broadcast_in_dim3A_3 {strides = array<i32>} : memref<96x16xf32, #tpu.memory_space<vmem>>, vector<16xf32>,
    %swap3A_109 = arith.constant 26 : i32
    %swap3A_110 = arith.index_cast %swap3A_109 : i32 to index
    %swap3A_111 = arith.constant 0 : index
    %swap3A_112 = tpu.vector_load %arg17[%swap3A_110, %swap3A_111] {strides = array<i32>} : memref<96x16xf32, #tpu.memory_space<vmem>>, vector<16xf32>,
    tpu.vector_store %arg17[%swap3A_110, %swap3A_111], %broadcast_in_dim3A_3 {strides = array<i32>} : memref<96x16xf32, #tpu.memory_space<vmem>>, vector<16xf32>,
    %swap3A_113 = arith.constant 27 : i32
    %swap3A_114 = arith.index_cast %swap3A_113 : i32 to index
    %swap3A_115 = arith.constant 0 : index
    %swap3A_116 = tpu.vector_load %arg17[%swap3A_114, %swap3A_115] {strides = array<i32>} : memref<96x16xf32, #tpu.memory_space<vmem>>, vector<16xf32>,
    tpu.vector_store %arg17[%swap3A_114, %swap3A_115], %broadcast_in_dim3A_3 {strides = array<i32>} : memref<96x16xf32, #tpu.memory_space<vmem>>, vector<16xf32>,
    %swap3A_117 = arith.constant 28 : i32
    %swap3A_118 = arith.index_cast %swap3A_117 : i32 to index
    %swap3A_119 = arith.constant 0 : index
    %swap3A_120 = tpu.vector_load %arg17[%swap3A_118, %swap3A_119] {strides = array<i32>} : memref<96x16xf32, #tpu.memory_space<vmem>>, vector<16xf32>,
    tpu.vector_store %arg17[%swap3A_118, %swap3A_119], %broadcast_in_dim3A_3 {strides = array<i32>} : memref<96x16xf32, #tpu.memory_space<vmem>>, vector<16xf32>,
    %swap3A_121 = arith.constant 29 : i32
    %swap3A_122 = arith.index_cast %swap3A_121 : i32 to index
    %swap3A_123 = arith.constant 0 : index
    %swap3A_124 = tpu.vector_load %arg17[%swap3A_122, %swap3A_123] {strides = array<i32>} : memref<96x16xf32, #tpu.memory_space<vmem>>, vector<16xf32>,
    tpu.vector_store %arg17[%swap3A_122, %swap3A_123], %broadcast_in_dim3A_3 {strides = array<i32>} : memref<96x16xf32, #tpu.memory_space<vmem>>, vector<16xf32>,
    %swap3A_125 = arith.constant 30 : i32
    %swap3A_126 = arith.index_cast %swap3A_125 : i32 to index
    %swap3A_127 = arith.constant 0 : index
    %swap3A_128 = tpu.vector_load %arg17[%swap3A_126, %swap3A_127] {strides = array<i32>} : memref<96x16xf32, #tpu.memory_space<vmem>>, vector<16xf32>,
    tpu.vector_store %arg17[%swap3A_126, %swap3A_127], %broadcast_in_dim3A_3 {strides = array<i32>} : memref<96x16xf32, #tpu.memory_space<vmem>>, vector<16xf32>,
    %swap3A_129 = arith.constant 31 : i32
    %swap3A_130 = arith.index_cast %swap3A_129 : i32 to index
    %swap3A_131 = arith.constant 0 : index
    %swap3A_132 = tpu.vector_load %arg17[%swap3A_130, %swap3A_131] {strides = array<i32>} : memref<96x16xf32, #tpu.memory_space<vmem>>, vector<16xf32>,
    tpu.vector_store %arg17[%swap3A_130, %swap3A_131], %broadcast_in_dim3A_3 {strides = array<i32>} : memref<96x16xf32, #tpu.memory_space<vmem>>, vector<16xf32>,
    %swap3A_133 = arith.constant 32 : i32
    %swap3A_134 = arith.index_cast %swap3A_133 : i32 to index
    %swap3A_135 = arith.constant 0 : index
    %swap3A_136 = tpu.vector_load %arg17[%swap3A_134, %swap3A_135] {strides = array<i32>} : memref<96x16xf32, #tpu.memory_space<vmem>>, vector<16xf32>,
    tpu.vector_store %arg17[%swap3A_134, %swap3A_135], %broadcast_in_dim3A_3 {strides = array<i32>} : memref<96x16xf32, #tpu.memory_space<vmem>>, vector<16xf32>,
    %swap3A_137 = arith.constant 33 : i32
    %swap3A_138 = arith.index_cast %swap3A_137 : i32 to index
    %swap3A_139 = arith.constant 0 : index
    %swap3A_140 = tpu.vector_load %arg17[%swap3A_138, %swap3A_139] {strides = array<i32>} : memref<96x16xf32, #tpu.memory_space<vmem>>, vector<16xf32>,
    tpu.vector_store %arg17[%swap3A_138, %swap3A_139], %broadcast_in_dim3A_3 {strides = array<i32>} : memref<96x16xf32, #tpu.memory_space<vmem>>, vector<16xf32>,
    %swap3A_141 = arith.constant 34 : i32
    %swap3A_142 = arith.index_cast %swap3A_141 : i32 to index
    %swap3A_143 = arith.constant 0 : index
    %swap3A_144 = tpu.vector_load %arg17[%swap3A_142, %swap3A_143] {strides = array<i32>} : memref<96x16xf32, #tpu.memory_space<vmem>>, vector<16xf32>,
    tpu.vector_store %arg17[%swap3A_142, %swap3A_143], %broadcast_in_dim3A_3 {strides = array<i32>} : memref<96x16xf32, #tpu.memory_space<vmem>>, vector<16xf32>,
    %swap3A_145 = arith.constant 35 : i32
    %swap3A_146 = arith.index_cast %swap3A_145 : i32 to index
    %swap3A_147 = arith.constant 0 : index
    %swap3A_148 = tpu.vector_load %arg17[%swap3A_146, %swap3A_147] {strides = array<i32>} : memref<96x16xf32, #tpu.memory_space<vmem>>, vector<16xf32>,
    tpu.vector_store %arg17[%swap3A_146, %swap3A_147], %broadcast_in_dim3A_3 {strides = array<i32>} : memref<96x16xf32, #tpu.memory_space<vmem>>, vector<16xf32>,
    %swap3A_149 = arith.constant 36 : i32
    %swap3A_150 = arith.index_cast %swap3A_149 : i32 to index
    %swap3A_151 = arith.constant 0 : index
    %swap3A_152 = tpu.vector_load %arg17[%swap3A_150, %swap3A_151] {strides = array<i32>} : memref<96x16xf32, #tpu.memory_space<vmem>>, vector<16xf32>,
    tpu.vector_store %arg17[%swap3A_150, %swap3A_151], %broadcast_in_dim3A_3 {strides = array<i32>} : memref<96x16xf32, #tpu.memory_space<vmem>>, vector<16xf32>,
    %swap3A_153 = arith.constant 37 : i32
    %swap3A_154 = arith.index_cast %swap3A_153 : i32 to index
    %swap3A_155 = arith.constant 0 : index
    %swap3A_156 = tpu.vector_load %arg17[%swap3A_154, %swap3A_155] {strides = array<i32>} : memref<96x16xf32, #tpu.memory_space<vmem>>, vector<16xf32>,
    tpu.vector_store %arg17[%swap3A_154, %swap3A_155], %broadcast_in_dim3A_3 {strides = array<i32>} : memref<96x16xf32, #tpu.memory_space<vmem>>, vector<16xf32>,
    %swap3A_157 = arith.constant 38 : i32
    %swap3A_158 = arith.index_cast %swap3A_157 : i32 to index
    %swap3A_159 = arith.constant 0 : index
    %swap3A_160 = tpu.vector_load %arg17[%swap3A_158, %swap3A_159] {strides = array<i32>} : memref<96x16xf32, #tpu.memory_space<vmem>>, vector<16xf32>,
    tpu.vector_store %arg17[%swap3A_158, %swap3A_159], %broadcast_in_dim3A_3 {strides = array<i32>} : memref<96x16xf32, #tpu.memory_space<vmem>>, vector<16xf32>,
    %swap3A_161 = arith.constant 39 : i32
    %swap3A_162 = arith.index_cast %swap3A_161 : i32 to index
    %swap3A_163 = arith.constant 0 : index
    %swap3A_164 = tpu.vector_load %arg17[%swap3A_162, %swap3A_163] {strides = array<i32>} : memref<96x16xf32, #tpu.memory_space<vmem>>, vector<16xf32>,
    tpu.vector_store %arg17[%swap3A_162, %swap3A_163], %broadcast_in_dim3A_3 {strides = array<i32>} : memref<96x16xf32, #tpu.memory_space<vmem>>, vector<16xf32>,
    %swap3A_165 = arith.constant 40 : i32
    %swap3A_166 = arith.index_cast %swap3A_165 : i32 to index
    %swap3A_167 = arith.constant 0 : index
    %swap3A_168 = tpu.vector_load %arg17[%swap3A_166, %swap3A_167] {strides = array<i32>} : memref<96x16xf32, #tpu.memory_space<vmem>>, vector<16xf32>,
    tpu.vector_store %arg17[%swap3A_166, %swap3A_167], %broadcast_in_dim3A_3 {strides = array<i32>} : memref<96x16xf32, #tpu.memory_space<vmem>>, vector<16xf32>,
    %swap3A_169 = arith.constant 41 : i32
    %swap3A_170 = arith.index_cast %swap3A_169 : i32 to index
    %swap3A_171 = arith.constant 0 : index
    %swap3A_172 = tpu.vector_load %arg17[%swap3A_170, %swap3A_171] {strides = array<i32>} : memref<96x16xf32, #tpu.memory_space<vmem>>, vector<16xf32>,
    tpu.vector_store %arg17[%swap3A_170, %swap3A_171], %broadcast_in_dim3A_3 {strides = array<i32>} : memref<96x16xf32, #tpu.memory_space<vmem>>, vector<16xf32>,
    %swap3A_173 = arith.constant 42 : i32
    %swap3A_174 = arith.index_cast %swap3A_173 : i32 to index
    %swap3A_175 = arith.constant 0 : index
    %swap3A_176 = tpu.vector_load %arg17[%swap3A_174, %swap3A_175] {strides = array<i32>} : memref<96x16xf32, #tpu.memory_space<vmem>>, vector<16xf32>,
    tpu.vector_store %arg17[%swap3A_174, %swap3A_175], %broadcast_in_dim3A_3 {strides = array<i32>} : memref<96x16xf32, #tpu.memory_space<vmem>>, vector<16xf32>,
    %swap3A_177 = arith.constant 43 : i32
    %swap3A_178 = arith.index_cast %swap3A_177 : i32 to index
    %swap3A_179 = arith.constant 0 : index
    %swap3A_180 = tpu.vector_load %arg17[%swap3A_178, %swap3A_179] {strides = array<i32>} : memref<96x16xf32, #tpu.memory_space<vmem>>, vector<16xf32>,
    tpu.vector_store %arg17[%swap3A_178, %swap3A_179], %broadcast_in_dim3A_3 {strides = array<i32>} : memref<96x16xf32, #tpu.memory_space<vmem>>, vector<16xf32>,
    %swap3A_181 = arith.constant 44 : i32
    %swap3A_182 = arith.index_cast %swap3A_181 : i32 to index
    %swap3A_183 = arith.constant 0 : index
    %swap3A_184 = tpu.vector_load %arg17[%swap3A_182, %swap3A_183] {strides = array<i32>} : memref<96x16xf32, #tpu.memory_space<vmem>>, vector<16xf32>,
    tpu.vector_store %arg17[%swap3A_182, %swap3A_183], %broadcast_in_dim3A_3 {strides = array<i32>} : memref<96x16xf32, #tpu.memory_space<vmem>>, vector<16xf32>,
    %swap3A_185 = arith.constant 45 : i32
    %swap3A_186 = arith.index_cast %swap3A_185 : i32 to index
    %swap3A_187 = arith.constant 0 : index
    %swap3A_188 = tpu.vector_load %arg17[%swap3A_186, %swap3A_187] {strides = array<i32>} : memref<96x16xf32, #tpu.memory_space<vmem>>, vector<16xf32>,
    tpu.vector_store %arg17[%swap3A_186, %swap3A_187], %broadcast_in_dim3A_3 {strides = array<i32>} : memref<96x16xf32, #tpu.memory_space<vmem>>, vector<16xf32>,
    %swap3A_189 = arith.constant 46 : i32
    %swap3A_190 = arith.index_cast %swap3A_189 : i32 to index
    %swap3A_191 = arith.constant 0 : index
    %swap3A_192 = tpu.vector_load %arg17[%swap3A_190, %swap3A_191] {strides = array<i32>} : memref<96x16xf32, #tpu.memory_space<vmem>>, vector<16xf32>,
    tpu.vector_store %arg17[%swap3A_190, %swap3A_191], %broadcast_in_dim3A_3 {strides = array<i32>} : memref<96x16xf32, #tpu.memory_space<vmem>>, vector<16xf32>,
    %swap3A_193 = arith.constant 47 : i32
    %swap3A_194 = arith.index_cast %swap3A_193 : i32 to index
    %swap3A_195 = arith.constant 0 : index
    %swap3A_196 = tpu.vector_load %arg17[%swap3A_194, %swap3A_195] {strides = array<i32>} : memref<96x16xf32, #tpu.memory_space<vmem>>, vector<16xf32>,
    tpu.vector_store %arg17[%swap3A_194, %swap3A_195], %broadcast_in_dim3A_3 {strides = array<i32>} : memref<96x16xf32, #tpu.memory_space<vmem>>, vector<16xf32>,
    %swap3A_197 = arith.constant 48 : i32
    %swap3A_198 = arith.index_cast %swap3A_197 : i32 to index
    %swap3A_199 = arith.constant 0 : index
    %swap3A_200 = tpu.vector_load %arg17[%swap3A_198, %swap3A_199] {strides = array<i32>} : memref<96x16xf32, #tpu.memory_space<vmem>>, vector<16xf32>,
    tpu.vector_store %arg17[%swap3A_198, %swap3A_199], %broadcast_in_dim3A_3 {strides = array<i32>} : memref<96x16xf32, #tpu.memory_space<vmem>>, vector<16xf32>,
    %swap3A_201 = arith.constant 49 : i32
    %swap3A_202 = arith.index_cast %swap3A_201 : i32 to index
    %swap3A_203 = arith.constant 0 : index
    %swap3A_204 = tpu.vector_load %arg17[%swap3A_202, %swap3A_203] {strides = array<i32>} : memref<96x16xf32, #tpu.memory_space<vmem>>, vector<16xf32>,
    tpu.vector_store %arg17[%swap3A_202, %swap3A_203], %broadcast_in_dim3A_3 {strides = array<i32>} : memref<96x16xf32, #tpu.memory_space<vmem>>, vector<16xf32>,
    %swap3A_205 = arith.constant 50 : i32
    %swap3A_206 = arith.index_cast %swap3A_205 : i32 to index
    %swap3A_207 = arith.constant 0 : index
    %swap3A_208 = tpu.vector_load %arg17[%swap3A_206, %swap3A_207] {strides = array<i32>} : memref<96x16xf32, #tpu.memory_space<vmem>>, vector<16xf32>,
    tpu.vector_store %arg17[%swap3A_206, %swap3A_207], %broadcast_in_dim3A_3 {strides = array<i32>} : memref<96x16xf32, #tpu.memory_space<vmem>>, vector<16xf32>,
    %swap3A_209 = arith.constant 51 : i32
    %swap3A_210 = arith.index_cast %swap3A_209 : i32 to index
    %swap3A_211 = arith.constant 0 : index
    %swap3A_212 = tpu.vector_load %arg17[%swap3A_210, %swap3A_211] {strides = array<i32>} : memref<96x16xf32, #tpu.memory_space<vmem>>, vector<16xf32>,
    tpu.vector_store %arg17[%swap3A_210, %swap3A_211], %broadcast_in_dim3A_3 {strides = array<i32>} : memref<96x16xf32, #tpu.memory_space<vmem>>, vector<16xf32>,
    %swap3A_213 = arith.constant 52 : i32
    %swap3A_214 = arith.index_cast %swap3A_213 : i32 to index
    %swap3A_215 = arith.constant 0 : index
    %swap3A_216 = tpu.vector_load %arg17[%swap3A_214, %swap3A_215] {strides = array<i32>} : memref<96x16xf32, #tpu.memory_space<vmem>>, vector<16xf32>,
    tpu.vector_store %arg17[%swap3A_214, %swap3A_215], %broadcast_in_dim3A_3 {strides = array<i32>} : memref<96x16xf32, #tpu.memory_space<vmem>>, vector<16xf32>,
    %swap3A_217 = arith.constant 53 : i32
    %swap3A_218 = arith.index_cast %swap3A_217 : i32 to index
    %swap3A_219 = arith.constant 0 : index
    %swap3A_220 = tpu.vector_load %arg17[%swap3A_218, %swap3A_219] {strides = array<i32>} : memref<96x16xf32, #tpu.memory_space<vmem>>, vector<16xf32>,
    tpu.vector_store %arg17[%swap3A_218, %swap3A_219], %broadcast_in_dim3A_3 {strides = array<i32>} : memref<96x16xf32, #tpu.memory_space<vmem>>, vector<16xf32>,
    %swap3A_221 = arith.constant 54 : i32
    %swap3A_222 = arith.index_cast %swap3A_221 : i32 to index
    %swap3A_223 = arith.constant 0 : index
    %swap3A_224 = tpu.vector_load %arg17[%swap3A_222, %swap3A_223] {strides = array<i32>} : memref<96x16xf32, #tpu.memory_space<vmem>>, vector<16xf32>,
    tpu.vector_store %arg17[%swap3A_222, %swap3A_223], %broadcast_in_dim3A_3 {strides = array<i32>} : memref<96x16xf32, #tpu.memory_space<vmem>>, vector<16xf32>,
    %swap3A_225 = arith.constant 55 : i32
    %swap3A_226 = arith.index_cast %swap3A_225 : i32 to index
    %swap3A_227 = arith.constant 0 : index
    %swap3A_228 = tpu.vector_load %arg17[%swap3A_226, %swap3A_227] {strides = array<i32>} : memref<96x16xf32, #tpu.memory_space<vmem>>, vector<16xf32>,
    tpu.vector_store %arg17[%swap3A_226, %swap3A_227], %broadcast_in_dim3A_3 {strides = array<i32>} : memref<96x16xf32, #tpu.memory_space<vmem>>, vector<16xf32>,
    %swap3A_229 = arith.constant 56 : i32
    %swap3A_230 = arith.index_cast %swap3A_229 : i32 to index
    %swap3A_231 = arith.constant 0 : index
    %swap3A_232 = tpu.vector_load %arg17[%swap3A_230, %swap3A_231] {strides = array<i32>} : memref<96x16xf32, #tpu.memory_space<vmem>>, vector<16xf32>,
    tpu.vector_store %arg17[%swap3A_230, %swap3A_231], %broadcast_in_dim3A_3 {strides = array<i32>} : memref<96x16xf32, #tpu.memory_space<vmem>>, vector<16xf32>,
    %swap3A_233 = arith.constant 57 : i32
    %swap3A_234 = arith.index_cast %swap3A_233 : i32 to index
    %swap3A_235 = arith.constant 0 : index
    %swap3A_236 = tpu.vector_load %arg17[%swap3A_234, %swap3A_235] {strides = array<i32>} : memref<96x16xf32, #tpu.memory_space<vmem>>, vector<16xf32>,
    tpu.vector_store %arg17[%swap3A_234, %swap3A_235], %broadcast_in_dim3A_3 {strides = array<i32>} : memref<96x16xf32, #tpu.memory_space<vmem>>, vector<16xf32>,
    %swap3A_237 = arith.constant 58 : i32
    %swap3A_238 = arith.index_cast %swap3A_237 : i32 to index
    %swap3A_239 = arith.constant 0 : index
    %swap3A_240 = tpu.vector_load %arg17[%swap3A_238, %swap3A_239] {strides = array<i32>} : memref<96x16xf32, #tpu.memory_space<vmem>>, vector<16xf32>,
    tpu.vector_store %arg17[%swap3A_238, %swap3A_239], %broadcast_in_dim3A_3 {strides = array<i32>} : memref<96x16xf32, #tpu.memory_space<vmem>>, vector<16xf32>,
    %swap3A_241 = arith.constant 59 : i32
    %swap3A_242 = arith.index_cast %swap3A_241 : i32 to index
    %swap3A_243 = arith.constant 0 : index
    %swap3A_244 = tpu.vector_load %arg17[%swap3A_242, %swap3A_243] {strides = array<i32>} : memref<96x16xf32, #tpu.memory_space<vmem>>, vector<16xf32>,
    tpu.vector_store %arg17[%swap3A_242, %swap3A_243], %broadcast_in_dim3A_3 {strides = array<i32>} : memref<96x16xf32, #tpu.memory_space<vmem>>, vector<16xf32>,
    %swap3A_245 = arith.constant 60 : i32
    %swap3A_246 = arith.index_cast %swap3A_245 : i32 to index
    %swap3A_247 = arith.constant 0 : index
    %swap3A_248 = tpu.vector_load %arg17[%swap3A_246, %swap3A_247] {strides = array<i32>} : memref<96x16xf32, #tpu.memory_space<vmem>>, vector<16xf32>,
    tpu.vector_store %arg17[%swap3A_246, %swap3A_247], %broadcast_in_dim3A_3 {strides = array<i32>} : memref<96x16xf32, #tpu.memory_space<vmem>>, vector<16xf32>,
    %swap3A_249 = arith.constant 61 : i32
    %swap3A_250 = arith.index_cast %swap3A_249 : i32 to index
    %swap3A_251 = arith.constant 0 : index
    %swap3A_252 = tpu.vector_load %arg17[%swap3A_250, %swap3A_251] {strides = array<i32>} : memref<96x16xf32, #tpu.memory_space<vmem>>, vector<16xf32>,
    tpu.vector_store %arg17[%swap3A_250, %swap3A_251], %broadcast_in_dim3A_3 {strides = array<i32>} : memref<96x16xf32, #tpu.memory_space<vmem>>, vector<16xf32>,
    %swap3A_253 = arith.constant 62 : i32
    %swap3A_254 = arith.index_cast %swap3A_253 : i32 to index
    %swap3A_255 = arith.constant 0 : index
    %swap3A_256 = tpu.vector_load %arg17[%swap3A_254, %swap3A_255] {strides = array<i32>} : memref<96x16xf32, #tpu.memory_space<vmem>>, vector<16xf32>,
    tpu.vector_store %arg17[%swap3A_254, %swap3A_255], %broadcast_in_dim3A_3 {strides = array<i32>} : memref<96x16xf32, #tpu.memory_space<vmem>>, vector<16xf32>,
    %swap3A_257 = arith.constant 63 : i32
    %swap3A_258 = arith.index_cast %swap3A_257 : i32 to index
    %swap3A_259 = arith.constant 0 : index
    %swap3A_260 = tpu.vector_load %arg17[%swap3A_258, %swap3A_259] {strides = array<i32>} : memref<96x16xf32, #tpu.memory_space<vmem>>, vector<16xf32>,
    tpu.vector_store %arg17[%swap3A_258, %swap3A_259], %broadcast_in_dim3A_3 {strides = array<i32>} : memref<96x16xf32, #tpu.memory_space<vmem>>, vector<16xf32>,
    %swap3A_261 = arith.constant 64 : i32
    %swap3A_262 = arith.index_cast %swap3A_261 : i32 to index
    %swap3A_263 = arith.constant 0 : index
    %swap3A_264 = tpu.vector_load %arg17[%swap3A_262, %swap3A_263] {strides = array<i32>} : memref<96x16xf32, #tpu.memory_space<vmem>>, vector<16xf32>,
    tpu.vector_store %arg17[%swap3A_262, %swap3A_263], %broadcast_in_dim3A_3 {strides = array<i32>} : memref<96x16xf32, #tpu.memory_space<vmem>>, vector<16xf32>,
    %swap3A_265 = arith.constant 65 : i32
    %swap3A_266 = arith.index_cast %swap3A_265 : i32 to index
    %swap3A_267 = arith.constant 0 : index
    %swap3A_268 = tpu.vector_load %arg17[%swap3A_266, %swap3A_267] {strides = array<i32>} : memref<96x16xf32, #tpu.memory_space<vmem>>, vector<16xf32>,
    tpu.vector_store %arg17[%swap3A_266, %swap3A_267], %broadcast_in_dim3A_3 {strides = array<i32>} : memref<96x16xf32, #tpu.memory_space<vmem>>, vector<16xf32>,
    %swap3A_269 = arith.constant 66 : i32
    %swap3A_270 = arith.index_cast %swap3A_269 : i32 to index
    %swap3A_271 = arith.constant 0 : index
    %swap3A_272 = tpu.vector_load %arg17[%swap3A_270, %swap3A_271] {strides = array<i32>} : memref<96x16xf32, #tpu.memory_space<vmem>>, vector<16xf32>,
    tpu.vector_store %arg17[%swap3A_270, %swap3A_271], %broadcast_in_dim3A_3 {strides = array<i32>} : memref<96x16xf32, #tpu.memory_space<vmem>>, vector<16xf32>,
    %swap3A_273 = arith.constant 67 : i32
    %swap3A_274 = arith.index_cast %swap3A_273 : i32 to index
    %swap3A_275 = arith.constant 0 : index
    %swap3A_276 = tpu.vector_load %arg17[%swap3A_274, %swap3A_275] {strides = array<i32>} : memref<96x16xf32, #tpu.memory_space<vmem>>, vector<16xf32>,
    tpu.vector_store %arg17[%swap3A_274, %swap3A_275], %broadcast_in_dim3A_3 {strides = array<i32>} : memref<96x16xf32, #tpu.memory_space<vmem>>, vector<16xf32>,
    %swap3A_277 = arith.constant 68 : i32
    %swap3A_278 = arith.index_cast %swap3A_277 : i32 to index
    %swap3A_279 = arith.constant 0 : index
    %swap3A_280 = tpu.vector_load %arg17[%swap3A_278, %swap3A_279] {strides = array<i32>} : memref<96x16xf32, #tpu.memory_space<vmem>>, vector<16xf32>,
    tpu.vector_store %arg17[%swap3A_278, %swap3A_279], %broadcast_in_dim3A_3 {strides = array<i32>} : memref<96x16xf32, #tpu.memory_space<vmem>>, vector<16xf32>,
    %swap3A_281 = arith.constant 69 : i32
    %swap3A_282 = arith.index_cast %swap3A_281 : i32 to index
    %swap3A_283 = arith.constant 0 : index
    %swap3A_284 = tpu.vector_load %arg17[%swap3A_282, %swap3A_283] {strides = array<i32>} : memref<96x16xf32, #tpu.memory_space<vmem>>, vector<16xf32>,
    tpu.vector_store %arg17[%swap3A_282, %swap3A_283], %broadcast_in_dim3A_3 {strides = array<i32>} : memref<96x16xf32, #tpu.memory_space<vmem>>, vector<16xf32>,
    %swap3A_285 = arith.constant 70 : i32
    %swap3A_286 = arith.index_cast %swap3A_285 : i32 to index
    %swap3A_287 = arith.constant 0 : index
    %swap3A_288 = tpu.vector_load %arg17[%swap3A_286, %swap3A_287] {strides = array<i32>} : memref<96x16xf32, #tpu.memory_space<vmem>>, vector<16xf32>,
    tpu.vector_store %arg17[%swap3A_286, %swap3A_287], %broadcast_in_dim3A_3 {strides = array<i32>} : memref<96x16xf32, #tpu.memory_space<vmem>>, vector<16xf32>,
    %swap3A_289 = arith.constant 71 : i32
    %swap3A_290 = arith.index_cast %swap3A_289 : i32 to index
    %swap3A_291 = arith.constant 0 : index
    %swap3A_292 = tpu.vector_load %arg17[%swap3A_290, %swap3A_291] {strides = array<i32>} : memref<96x16xf32, #tpu.memory_space<vmem>>, vector<16xf32>,
    tpu.vector_store %arg17[%swap3A_290, %swap3A_291], %broadcast_in_dim3A_3 {strides = array<i32>} : memref<96x16xf32, #tpu.memory_space<vmem>>, vector<16xf32>,
    %swap3A_293 = arith.constant 72 : i32
    %swap3A_294 = arith.index_cast %swap3A_293 : i32 to index
    %swap3A_295 = arith.constant 0 : index
    %swap3A_296 = tpu.vector_load %arg17[%swap3A_294, %swap3A_295] {strides = array<i32>} : memref<96x16xf32, #tpu.memory_space<vmem>>, vector<16xf32>,
    tpu.vector_store %arg17[%swap3A_294, %swap3A_295], %broadcast_in_dim3A_3 {strides = array<i32>} : memref<96x16xf32, #tpu.memory_space<vmem>>, vector<16xf32>,
    %swap3A_297 = arith.constant 73 : i32
    %swap3A_298 = arith.index_cast %swap3A_297 : i32 to index
    %swap3A_299 = arith.constant 0 : index
    %swap3A_300 = tpu.vector_load %arg17[%swap3A_298, %swap3A_299] {strides = array<i32>} : memref<96x16xf32, #tpu.memory_space<vmem>>, vector<16xf32>,
    tpu.vector_store %arg17[%swap3A_298, %swap3A_299], %broadcast_in_dim3A_3 {strides = array<i32>} : memref<96x16xf32, #tpu.memory_space<vmem>>, vector<16xf32>,
    %swap3A_301 = arith.constant 74 : i32
    %swap3A_302 = arith.index_cast %swap3A_301 : i32 to index
    %swap3A_303 = arith.constant 0 : index
    %swap3A_304 = tpu.vector_load %arg17[%swap3A_302, %swap3A_303] {strides = array<i32>} : memref<96x16xf32, #tpu.memory_space<vmem>>, vector<16xf32>,
    tpu.vector_store %arg17[%swap3A_302, %swap3A_303], %broadcast_in_dim3A_3 {strides = array<i32>} : memref<96x16xf32, #tpu.memory_space<vmem>>, vector<16xf32>,
    %swap3A_305 = arith.constant 75 : i32
    %swap3A_306 = arith.index_cast %swap3A_305 : i32 to index
    %swap3A_307 = arith.constant 0 : index
    %swap3A_308 = tpu.vector_load %arg17[%swap3A_306, %swap3A_307] {strides = array<i32>} : memref<96x16xf32, #tpu.memory_space<vmem>>, vector<16xf32>,
    tpu.vector_store %arg17[%swap3A_306, %swap3A_307], %broadcast_in_dim3A_3 {strides = array<i32>} : memref<96x16xf32, #tpu.memory_space<vmem>>, vector<16xf32>,
    %swap3A_309 = arith.constant 76 : i32
    %swap3A_310 = arith.index_cast %swap3A_309 : i32 to index
    %swap3A_311 = arith.constant 0 : index
    %swap3A_312 = tpu.vector_load %arg17[%swap3A_310, %swap3A_311] {strides = array<i32>} : memref<96x16xf32, #tpu.memory_space<vmem>>, vector<16xf32>,
    tpu.vector_store %arg17[%swap3A_310, %swap3A_311], %broadcast_in_dim3A_3 {strides = array<i32>} : memref<96x16xf32, #tpu.memory_space<vmem>>, vector<16xf32>,
    %swap3A_313 = arith.constant 77 : i32
    %swap3A_314 = arith.index_cast %swap3A_313 : i32 to index
    %swap3A_315 = arith.constant 0 : index
    %swap3A_316 = tpu.vector_load %arg17[%swap3A_314, %swap3A_315] {strides = array<i32>} : memref<96x16xf32, #tpu.memory_space<vmem>>, vector<16xf32>,
    tpu.vector_store %arg17[%swap3A_314, %swap3A_315], %broadcast_in_dim3A_3 {strides = array<i32>} : memref<96x16xf32, #tpu.memory_space<vmem>>, vector<16xf32>,
    %swap3A_317 = arith.constant 78 : i32
    %swap3A_318 = arith.index_cast %swap3A_317 : i32 to index
    %swap3A_319 = arith.constant 0 : index
    %swap3A_320 = tpu.vector_load %arg17[%swap3A_318, %swap3A_319] {strides = array<i32>} : memref<96x16xf32, #tpu.memory_space<vmem>>, vector<16xf32>,
    tpu.vector_store %arg17[%swap3A_318, %swap3A_319], %broadcast_in_dim3A_3 {strides = array<i32>} : memref<96x16xf32, #tpu.memory_space<vmem>>, vector<16xf32>,
    %swap3A_321 = arith.constant 79 : i32
    %swap3A_322 = arith.index_cast %swap3A_321 : i32 to index
    %swap3A_323 = arith.constant 0 : index
    %swap3A_324 = tpu.vector_load %arg17[%swap3A_322, %swap3A_323] {strides = array<i32>} : memref<96x16xf32, #tpu.memory_space<vmem>>, vector<16xf32>,
    tpu.vector_store %arg17[%swap3A_322, %swap3A_323], %broadcast_in_dim3A_3 {strides = array<i32>} : memref<96x16xf32, #tpu.memory_space<vmem>>, vector<16xf32>,
    %swap3A_325 = arith.constant 80 : i32
    %swap3A_326 = arith.index_cast %swap3A_325 : i32 to index
    %swap3A_327 = arith.constant 0 : index
    %swap3A_328 = tpu.vector_load %arg17[%swap3A_326, %swap3A_327] {strides = array<i32>} : memref<96x16xf32, #tpu.memory_space<vmem>>, vector<16xf32>,
    tpu.vector_store %arg17[%swap3A_326, %swap3A_327], %broadcast_in_dim3A_3 {strides = array<i32>} : memref<96x16xf32, #tpu.memory_space<vmem>>, vector<16xf32>,
    %swap3A_329 = arith.constant 81 : i32
    %swap3A_330 = arith.index_cast %swap3A_329 : i32 to index
    %swap3A_331 = arith.constant 0 : index
    %swap3A_332 = tpu.vector_load %arg17[%swap3A_330, %swap3A_331] {strides = array<i32>} : memref<96x16xf32, #tpu.memory_space<vmem>>, vector<16xf32>,
    tpu.vector_store %arg17[%swap3A_330, %swap3A_331], %broadcast_in_dim3A_3 {strides = array<i32>} : memref<96x16xf32, #tpu.memory_space<vmem>>, vector<16xf32>,
    %swap3A_333 = arith.constant 82 : i32
    %swap3A_334 = arith.index_cast %swap3A_333 : i32 to index
    %swap3A_335 = arith.constant 0 : index
    %swap3A_336 = tpu.vector_load %arg17[%swap3A_334, %swap3A_335] {strides = array<i32>} : memref<96x16xf32, #tpu.memory_space<vmem>>, vector<16xf32>,
    tpu.vector_store %arg17[%swap3A_334, %swap3A_335], %broadcast_in_dim3A_3 {strides = array<i32>} : memref<96x16xf32, #tpu.memory_space<vmem>>, vector<16xf32>,
    %swap3A_337 = arith.constant 83 : i32
    %swap3A_338 = arith.index_cast %swap3A_337 : i32 to index
    %swap3A_339 = arith.constant 0 : index
    %swap3A_340 = tpu.vector_load %arg17[%swap3A_338, %swap3A_339] {strides = array<i32>} : memref<96x16xf32, #tpu.memory_space<vmem>>, vector<16xf32>,
    tpu.vector_store %arg17[%swap3A_338, %swap3A_339], %broadcast_in_dim3A_3 {strides = array<i32>} : memref<96x16xf32, #tpu.memory_space<vmem>>, vector<16xf32>,
    %swap3A_341 = arith.constant 84 : i32
    %swap3A_342 = arith.index_cast %swap3A_341 : i32 to index
    %swap3A_343 = arith.constant 0 : index
    %swap3A_344 = tpu.vector_load %arg17[%swap3A_342, %swap3A_343] {strides = array<i32>} : memref<96x16xf32, #tpu.memory_space<vmem>>, vector<16xf32>,
    tpu.vector_store %arg17[%swap3A_342, %swap3A_343], %broadcast_in_dim3A_3 {strides = array<i32>} : memref<96x16xf32, #tpu.memory_space<vmem>>, vector<16xf32>,
    %swap3A_345 = arith.constant 85 : i32
    %swap3A_346 = arith.index_cast %swap3A_345 : i32 to index
    %swap3A_347 = arith.constant 0 : index
    %swap3A_348 = tpu.vector_load %arg17[%swap3A_346, %swap3A_347] {strides = array<i32>} : memref<96x16xf32, #tpu.memory_space<vmem>>, vector<16xf32>,
    tpu.vector_store %arg17[%swap3A_346, %swap3A_347], %broadcast_in_dim3A_3 {strides = array<i32>} : memref<96x16xf32, #tpu.memory_space<vmem>>, vector<16xf32>,
    %swap3A_349 = arith.constant 86 : i32
    %swap3A_350 = arith.index_cast %swap3A_349 : i32 to index
    %swap3A_351 = arith.constant 0 : index
    %swap3A_352 = tpu.vector_load %arg17[%swap3A_350, %swap3A_351] {strides = array<i32>} : memref<96x16xf32, #tpu.memory_space<vmem>>, vector<16xf32>,
    tpu.vector_store %arg17[%swap3A_350, %swap3A_351], %broadcast_in_dim3A_3 {strides = array<i32>} : memref<96x16xf32, #tpu.memory_space<vmem>>, vector<16xf32>,
    %swap3A_353 = arith.constant 87 : i32
    %swap3A_354 = arith.index_cast %swap3A_353 : i32 to index
    %swap3A_355 = arith.constant 0 : index
    %swap3A_356 = tpu.vector_load %arg17[%swap3A_354, %swap3A_355] {strides = array<i32>} : memref<96x16xf32, #tpu.memory_space<vmem>>, vector<16xf32>,
    tpu.vector_store %arg17[%swap3A_354, %swap3A_355], %broadcast_in_dim3A_3 {strides = array<i32>} : memref<96x16xf32, #tpu.memory_space<vmem>>, vector<16xf32>,
    %swap3A_357 = arith.constant 88 : i32
    %swap3A_358 = arith.index_cast %swap3A_357 : i32 to index
    %swap3A_359 = arith.constant 0 : index
    %swap3A_360 = tpu.vector_load %arg17[%swap3A_358, %swap3A_359] {strides = array<i32>} : memref<96x16xf32, #tpu.memory_space<vmem>>, vector<16xf32>,
    tpu.vector_store %arg17[%swap3A_358, %swap3A_359], %broadcast_in_dim3A_3 {strides = array<i32>} : memref<96x16xf32, #tpu.memory_space<vmem>>, vector<16xf32>,
    %swap3A_361 = arith.constant 89 : i32
    %swap3A_362 = arith.index_cast %swap3A_361 : i32 to index
    %swap3A_363 = arith.constant 0 : index
    %swap3A_364 = tpu.vector_load %arg17[%swap3A_362, %swap3A_363] {strides = array<i32>} : memref<96x16xf32, #tpu.memory_space<vmem>>, vector<16xf32>,
    tpu.vector_store %arg17[%swap3A_362, %swap3A_363], %broadcast_in_dim3A_3 {strides = array<i32>} : memref<96x16xf32, #tpu.memory_space<vmem>>, vector<16xf32>,
    %swap3A_365 = arith.constant 90 : i32
    %swap3A_366 = arith.index_cast %swap3A_365 : i32 to index
    %swap3A_367 = arith.constant 0 : index
    %swap3A_368 = tpu.vector_load %arg17[%swap3A_366, %swap3A_367] {strides = array<i32>} : memref<96x16xf32, #tpu.memory_space<vmem>>, vector<16xf32>,
    tpu.vector_store %arg17[%swap3A_366, %swap3A_367], %broadcast_in_dim3A_3 {strides = array<i32>} : memref<96x16xf32, #tpu.memory_space<vmem>>, vector<16xf32>,
    %swap3A_369 = arith.constant 91 : i32
    %swap3A_370 = arith.index_cast %swap3A_369 : i32 to index
    %swap3A_371 = arith.constant 0 : index
    %swap3A_372 = tpu.vector_load %arg17[%swap3A_370, %swap3A_371] {strides = array<i32>} : memref<96x16xf32, #tpu.memory_space<vmem>>, vector<16xf32>,
    tpu.vector_store %arg17[%swap3A_370, %swap3A_371], %broadcast_in_dim3A_3 {strides = array<i32>} : memref<96x16xf32, #tpu.memory_space<vmem>>, vector<16xf32>,
    %swap3A_373 = arith.constant 92 : i32
    %swap3A_374 = arith.index_cast %swap3A_373 : i32 to index
    %swap3A_375 = arith.constant 0 : index
    %swap3A_376 = tpu.vector_load %arg17[%swap3A_374, %swap3A_375] {strides = array<i32>} : memref<96x16xf32, #tpu.memory_space<vmem>>, vector<16xf32>,
    tpu.vector_store %arg17[%swap3A_374, %swap3A_375], %broadcast_in_dim3A_3 {strides = array<i32>} : memref<96x16xf32, #tpu.memory_space<vmem>>, vector<16xf32>,
    %swap3A_377 = arith.constant 93 : i32
    %swap3A_378 = arith.index_cast %swap3A_377 : i32 to index
    %swap3A_379 = arith.constant 0 : index
    %swap3A_380 = tpu.vector_load %arg17[%swap3A_378, %swap3A_379] {strides = array<i32>} : memref<96x16xf32, #tpu.memory_space<vmem>>, vector<16xf32>,
    tpu.vector_store %arg17[%swap3A_378, %swap3A_379], %broadcast_in_dim3A_3 {strides = array<i32>} : memref<96x16xf32, #tpu.memory_space<vmem>>, vector<16xf32>,
    %swap3A_381 = arith.constant 94 : i32
    %swap3A_382 = arith.index_cast %swap3A_381 : i32 to index
    %swap3A_383 = arith.constant 0 : index
    %swap3A_384 = tpu.vector_load %arg17[%swap3A_382, %swap3A_383] {strides = array<i32>} : memref<96x16xf32, #tpu.memory_space<vmem>>, vector<16xf32>,
    tpu.vector_store %arg17[%swap3A_382, %swap3A_383], %broadcast_in_dim3A_3 {strides = array<i32>} : memref<96x16xf32, #tpu.memory_space<vmem>>, vector<16xf32>,
    %swap3A_385 = arith.constant 95 : i32
    %swap3A_386 = arith.index_cast %swap3A_385 : i32 to index
    %swap3A_387 = arith.constant 0 : index
    %swap3A_388 = tpu.vector_load %arg17[%swap3A_386, %swap3A_387] {strides = array<i32>} : memref<96x16xf32, #tpu.memory_space<vmem>>, vector<16xf32>,
    tpu.vector_store %arg17[%swap3A_386, %swap3A_387], %broadcast_in_dim3A_3 {strides = array<i32>} : memref<96x16xf32, #tpu.memory_space<vmem>>, vector<16xf32>,
    %barrier3A = arith.constant 0 : index
    tpu.barrier barrier_id(%barrier3A)
    %scan3A = arith.constant 0 : i32
    %scan3A_389 = arith.constant 0 : i32
    %scan3A_390 = arith.constant 108 : i32
    %scan3A_391 = arith.addi %scan3A_389, %scan3A_390 : i32
    %scan3A_392 = arith.constant 1 : i32
    %scan3A_393 = scf.for %scan3A_399 = %scan3A_389 to %scan3A_391 step %scan3A_392 iter_args(%scan3A_400 = %scan3A) -> (i32)  : i32 {
      %mul3A_401 = arith.constant 10368 : i32
      %mul3A_402 = arith.muli %add3A, %mul3A_401 : i32
      %mul3A_403 = arith.constant 96 : i32
      %mul3A_404 = arith.muli %scan3A_399, %mul3A_403 : i32
      %add3A_405 = arith.addi %mul3A_402, %mul3A_404 : i32
      "tpu.region"() ({
        %run_scoped3A = tpu.sem_alloc : memref<!tpu.dma_semaphore, #tpu.memory_space<semaphore_mem>>
        %dma_start3A_730 = tpu.memref_slice %arg5[%add3A_405] : memref<331776xi32, #tpu.memory_space<hbm>> -> memref<96xi32, #tpu.memory_space<hbm>>
        %dma_start3A_731 = tpu.memref_slice %arg5[%add3A_405] : memref<331776xi32, #tpu.memory_space<hbm>> -> memref<96xi32, #tpu.memory_space<hbm>>
        tpu.enqueue_dma source(%dma_start3A_731 : memref<96xi32, #tpu.memory_space<hbm>>) target(%arg18 : memref<96xi32, #tpu.memory_space<vmem>>) target_semaphore(%run_scoped3A : memref<!tpu.dma_semaphore, #tpu.memory_space<semaphore_mem>>)
        %dma_wait3A_732 = tpu.memref_slice %arg5[%add3A_405] : memref<331776xi32, #tpu.memory_space<hbm>> -> memref<96xi32, #tpu.memory_space<hbm>>
        %dma_wait3A_733 = tpu.memref_slice %arg5[%add3A_405] : memref<331776xi32, #tpu.memory_space<hbm>> -> memref<96xi32, #tpu.memory_space<hbm>>
        tpu.wait_dma2 semaphore(%run_scoped3A : memref<!tpu.dma_semaphore, #tpu.memory_space<semaphore_mem>>) src(%dma_wait3A_733 : memref<96xi32, #tpu.memory_space<hbm>>) dst(%arg18 : memref<96xi32, #tpu.memory_space<vmem>>)
        tpu.yield
      }) : () -> ()
      "tpu.region"() ({
        %run_scoped3A = tpu.sem_alloc : memref<!tpu.dma_semaphore, #tpu.memory_space<semaphore_mem>>
        %dma_start3A_730 = tpu.memref_slice %arg6[%add3A_405] : memref<331776xi32, #tpu.memory_space<hbm>> -> memref<96xi32, #tpu.memory_space<hbm>>
        %dma_start3A_731 = tpu.memref_slice %arg6[%add3A_405] : memref<331776xi32, #tpu.memory_space<hbm>> -> memref<96xi32, #tpu.memory_space<hbm>>
        tpu.enqueue_dma source(%dma_start3A_731 : memref<96xi32, #tpu.memory_space<hbm>>) target(%arg19 : memref<96xi32, #tpu.memory_space<vmem>>) target_semaphore(%run_scoped3A : memref<!tpu.dma_semaphore, #tpu.memory_space<semaphore_mem>>)
        %dma_wait3A_732 = tpu.memref_slice %arg6[%add3A_405] : memref<331776xi32, #tpu.memory_space<hbm>> -> memref<96xi32, #tpu.memory_space<hbm>>
        %dma_wait3A_733 = tpu.memref_slice %arg6[%add3A_405] : memref<331776xi32, #tpu.memory_space<hbm>> -> memref<96xi32, #tpu.memory_space<hbm>>
        tpu.wait_dma2 semaphore(%run_scoped3A : memref<!tpu.dma_semaphore, #tpu.memory_space<semaphore_mem>>) src(%dma_wait3A_733 : memref<96xi32, #tpu.memory_space<hbm>>) dst(%arg19 : memref<96xi32, #tpu.memory_space<vmem>>)
        tpu.yield
      }) : () -> ()
      "tpu.region"() ({
        %run_scoped3A = tpu.sem_alloc : memref<!tpu.dma_semaphore, #tpu.memory_space<semaphore_mem>>
        %dma_start3A_730 = tpu.memref_slice %arg7[%add3A_405] : memref<331776xi32, #tpu.memory_space<hbm>> -> memref<96xi32, #tpu.memory_space<hbm>>
        %dma_start3A_731 = tpu.memref_slice %arg7[%add3A_405] : memref<331776xi32, #tpu.memory_space<hbm>> -> memref<96xi32, #tpu.memory_space<hbm>>
        tpu.enqueue_dma source(%dma_start3A_731 : memref<96xi32, #tpu.memory_space<hbm>>) target(%arg20 : memref<96xi32, #tpu.memory_space<vmem>>) target_semaphore(%run_scoped3A : memref<!tpu.dma_semaphore, #tpu.memory_space<semaphore_mem>>)
        %dma_wait3A_732 = tpu.memref_slice %arg7[%add3A_405] : memref<331776xi32, #tpu.memory_space<hbm>> -> memref<96xi32, #tpu.memory_space<hbm>>
        %dma_wait3A_733 = tpu.memref_slice %arg7[%add3A_405] : memref<331776xi32, #tpu.memory_space<hbm>> -> memref<96xi32, #tpu.memory_space<hbm>>
        tpu.wait_dma2 semaphore(%run_scoped3A : memref<!tpu.dma_semaphore, #tpu.memory_space<semaphore_mem>>) src(%dma_wait3A_733 : memref<96xi32, #tpu.memory_space<hbm>>) dst(%arg20 : memref<96xi32, #tpu.memory_space<vmem>>)
        tpu.yield
      }) : () -> ()
      %dma_start3A = arith.constant 0 : i32
      %dma_start3A_406 = arith.constant 0 : i32
      %dma_start3A_407 = tpu.memref_slice %arg2[%dma_start3A, %dma_start3A_406] : memref<10240x128xf32, #tpu.memory_space<hbm>> -> memref<10240x128xf32, #tpu.memory_space<hbm>>
      tpu.enqueue_indirect_dma source(%dma_start3A_407 : memref<10240x128xf32, #tpu.memory_space<hbm>>) target(%arg15 : memref<96x128xf32, #tpu.memory_space<vmem>>) offsets(%arg18 : memref<96xi32, #tpu.memory_space<vmem>>) semaphore(%arg23 : memref<!tpu.dma_semaphore, #tpu.memory_space<semaphore_mem>>)
      %dma_start3A_408 = arith.constant 0 : i32
      %dma_start3A_409 = arith.constant 0 : i32
      %dma_start3A_410 = tpu.memref_slice %arg3[%dma_start3A_408, %dma_start3A_409] : memref<10240x128xf32, #tpu.memory_space<hbm>> -> memref<10240x128xf32, #tpu.memory_space<hbm>>
      tpu.enqueue_indirect_dma source(%dma_start3A_410 : memref<10240x128xf32, #tpu.memory_space<hbm>>) target(%arg16 : memref<96x128xf32, #tpu.memory_space<vmem>>) offsets(%arg19 : memref<96xi32, #tpu.memory_space<vmem>>) semaphore(%arg24 : memref<!tpu.dma_semaphore, #tpu.memory_space<semaphore_mem>>)
      %dma_wait3A = arith.constant 0 : i32
      %dma_wait3A_411 = arith.constant 0 : i32
      %dma_wait3A_412 = tpu.memref_slice %arg2[%dma_wait3A, %dma_wait3A_411] : memref<10240x128xf32, #tpu.memory_space<hbm>> -> memref<10240x128xf32, #tpu.memory_space<hbm>>
      tpu.wait_indirect_dma semaphore(%arg23 : memref<!tpu.dma_semaphore, #tpu.memory_space<semaphore_mem>>) src(%dma_wait3A_412 : memref<10240x128xf32, #tpu.memory_space<hbm>>) dst(%arg15 : memref<96x128xf32, #tpu.memory_space<vmem>>)
      %dma_wait3A_413 = arith.constant 0 : i32
      %dma_wait3A_414 = arith.constant 0 : i32
      %dma_wait3A_415 = tpu.memref_slice %arg3[%dma_wait3A_413, %dma_wait3A_414] : memref<10240x128xf32, #tpu.memory_space<hbm>> -> memref<10240x128xf32, #tpu.memory_space<hbm>>
      tpu.wait_indirect_dma semaphore(%arg24 : memref<!tpu.dma_semaphore, #tpu.memory_space<semaphore_mem>>) src(%dma_wait3A_415 : memref<10240x128xf32, #tpu.memory_space<hbm>>) dst(%arg16 : memref<96x128xf32, #tpu.memory_space<vmem>>)
      %add3A_416 = arith.constant 0 : i32
      %add3A_417 = vector.broadcast %add3A_416 : i32 to vector<16xi32>
      %add3A_418 = arith.addi %iota3A, %add3A_417 : vector<16xi32>
      %get3A = arith.constant 0 : index
      %get3A_419 = tpu.vector_load %arg18[%get3A] {strides = array<i32>} : memref<96xi32, #tpu.memory_space<vmem>>, vector<16xi32>,
      %get3A_420 = arith.constant 0 : index
      %get3A_421 = tpu.vector_load %arg19[%get3A_420] {strides = array<i32>} : memref<96xi32, #tpu.memory_space<vmem>>, vector<16xi32>,
      %get3A_422 = arith.constant 0 : index
      %get3A_423 = tpu.vector_load %arg20[%get3A_422] {strides = array<i32>} : memref<96xi32, #tpu.memory_space<vmem>>, vector<16xi32>,
      %shift_right_arithmetic3A = arith.constant 4 : i32
      %shift_right_arithmetic3A_424 = vector.broadcast %shift_right_arithmetic3A : i32 to vector<16xi32>
      %shift_right_arithmetic3A_425 = arith.shrsi %get3A_419, %shift_right_arithmetic3A_424 : vector<16xi32>
      %and3A = arith.constant 15 : i32
      %and3A_426 = vector.broadcast %and3A : i32 to vector<16xi32>
      %and3A_427 = arith.andi %get3A_419, %and3A_426 : vector<16xi32>
      %gather3A = tpu.vector_load_idx %arg14[%shift_right_arithmetic3A_425, %and3A_427] : memref<640x16xi32, #tpu.memory_space<vmem>>[vector<16xi32>, vector<16xi32>], vector<16xi32>,
      %shift_right_arithmetic3A_428 = arith.constant 4 : i32
      %shift_right_arithmetic3A_429 = vector.broadcast %shift_right_arithmetic3A_428 : i32 to vector<16xi32>
      %shift_right_arithmetic3A_430 = arith.shrsi %get3A_421, %shift_right_arithmetic3A_429 : vector<16xi32>
      %and3A_431 = arith.constant 15 : i32
      %and3A_432 = vector.broadcast %and3A_431 : i32 to vector<16xi32>
      %and3A_433 = arith.andi %get3A_421, %and3A_432 : vector<16xi32>
      %gather3A_434 = tpu.vector_load_idx %arg14[%shift_right_arithmetic3A_430, %and3A_433] : memref<640x16xi32, #tpu.memory_space<vmem>>[vector<16xi32>, vector<16xi32>], vector<16xi32>,
      %mul3A_435 = arith.constant 16 : i32
      %mul3A_436 = vector.broadcast %mul3A_435 : i32 to vector<16xi32>
      %mul3A_437 = arith.muli %get3A_423, %mul3A_436 : vector<16xi32>
      %mul3A_438 = arith.constant 4 : i32
      %mul3A_439 = vector.broadcast %mul3A_438 : i32 to vector<16xi32>
      %mul3A_440 = arith.muli %gather3A, %mul3A_439 : vector<16xi32>
      %add3A_441 = arith.addi %mul3A_437, %mul3A_440 : vector<16xi32>
      %add3A_442 = arith.addi %add3A_441, %gather3A_434 : vector<16xi32>
      %swap3A_443 = arith.constant 0 : index
      %swap3A_444 = tpu.vector_load %arg21[%swap3A_443] {strides = array<i32>} : memref<96xi32, #tpu.memory_space<vmem>>, vector<16xi32>,
      tpu.vector_store %arg21[%swap3A_443], %add3A_442 {strides = array<i32>} : memref<96xi32, #tpu.memory_space<vmem>>, vector<16xi32>,
      %scan3A_445 = arith.constant 0 : i32
      %scan3A_446 = arith.constant 32 : i32
      %scan3A_447 = arith.addi %scan3A_445, %scan3A_446 : i32
      %scan3A_448 = arith.constant 1 : i32
      %scan3A_449:4 = scf.for %scan3A_730 = %scan3A_445 to %scan3A_447 step %scan3A_448 iter_args(%scan3A_731 = %broadcast_in_dim3A_3, %scan3A_732 = %broadcast_in_dim3A_3, %scan3A_733 = %broadcast_in_dim3A_3, %scan3A_734 = %broadcast_in_dim3A_3) -> (vector<16xf32>, vector<16xf32>, vector<16xf32>, vector<16xf32>)  : i32 {
        %broadcast_in_dim3A_735 = arith.constant 0 : i32
        %broadcast_in_dim3A_736 = vector.broadcast %broadcast_in_dim3A_735 : i32 to vector<16xi32>
        %add3A_737 = vector.broadcast %scan3A_730 : i32 to vector<16xi32>
        %add3A_738 = arith.addi %broadcast_in_dim3A_736, %add3A_737 : vector<16xi32>
        %gather3A_739 = tpu.vector_load_idx %arg15[%add3A_418, %add3A_738] : memref<96x128xf32, #tpu.memory_space<vmem>>[vector<16xi32>, vector<16xi32>], vector<16xf32>,
        %gather3A_740 = tpu.vector_load_idx %arg16[%add3A_418, %add3A_738] : memref<96x128xf32, #tpu.memory_space<vmem>>[vector<16xi32>, vector<16xi32>], vector<16xf32>,
        %gather3A_741 = tpu.vector_load_idx %arg13[%add3A_442, %add3A_738] : memref<624x128xf32, #tpu.memory_space<vmem>>[vector<16xi32>, vector<16xi32>], vector<16xf32>,
        %add3A_742 = arith.addf %gather3A_740, %gather3A_741 : vector<16xf32>
        %mul3A_743 = arith.mulf %gather3A_739, %add3A_742 : vector<16xf32>
        %add3A_744 = arith.addf %scan3A_731, %mul3A_743 : vector<16xf32>
        %broadcast_in_dim3A_745 = arith.constant 32 : i32
        %broadcast_in_dim3A_746 = vector.broadcast %broadcast_in_dim3A_745 : i32 to vector<16xi32>
        %add3A_747 = vector.broadcast %scan3A_730 : i32 to vector<16xi32>
        %add3A_748 = arith.addi %broadcast_in_dim3A_746, %add3A_747 : vector<16xi32>
        %gather3A_749 = tpu.vector_load_idx %arg15[%add3A_418, %add3A_748] : memref<96x128xf32, #tpu.memory_space<vmem>>[vector<16xi32>, vector<16xi32>], vector<16xf32>,
        %gather3A_750 = tpu.vector_load_idx %arg16[%add3A_418, %add3A_748] : memref<96x128xf32, #tpu.memory_space<vmem>>[vector<16xi32>, vector<16xi32>], vector<16xf32>,
        %gather3A_751 = tpu.vector_load_idx %arg13[%add3A_442, %add3A_748] : memref<624x128xf32, #tpu.memory_space<vmem>>[vector<16xi32>, vector<16xi32>], vector<16xf32>,
        %add3A_752 = arith.addf %gather3A_750, %gather3A_751 : vector<16xf32>
        %mul3A_753 = arith.mulf %gather3A_749, %add3A_752 : vector<16xf32>
        %add3A_754 = arith.addf %scan3A_732, %mul3A_753 : vector<16xf32>
        %broadcast_in_dim3A_755 = arith.constant 64 : i32
        %broadcast_in_dim3A_756 = vector.broadcast %broadcast_in_dim3A_755 : i32 to vector<16xi32>
        %add3A_757 = vector.broadcast %scan3A_730 : i32 to vector<16xi32>
        %add3A_758 = arith.addi %broadcast_in_dim3A_756, %add3A_757 : vector<16xi32>
        %gather3A_759 = tpu.vector_load_idx %arg15[%add3A_418, %add3A_758] : memref<96x128xf32, #tpu.memory_space<vmem>>[vector<16xi32>, vector<16xi32>], vector<16xf32>,
        %gather3A_760 = tpu.vector_load_idx %arg16[%add3A_418, %add3A_758] : memref<96x128xf32, #tpu.memory_space<vmem>>[vector<16xi32>, vector<16xi32>], vector<16xf32>,
        %gather3A_761 = tpu.vector_load_idx %arg13[%add3A_442, %add3A_758] : memref<624x128xf32, #tpu.memory_space<vmem>>[vector<16xi32>, vector<16xi32>], vector<16xf32>,
        %add3A_762 = arith.addf %gather3A_760, %gather3A_761 : vector<16xf32>
        %mul3A_763 = arith.mulf %gather3A_759, %add3A_762 : vector<16xf32>
        %add3A_764 = arith.addf %scan3A_733, %mul3A_763 : vector<16xf32>
        %broadcast_in_dim3A_765 = arith.constant 96 : i32
        %broadcast_in_dim3A_766 = vector.broadcast %broadcast_in_dim3A_765 : i32 to vector<16xi32>
        %add3A_767 = vector.broadcast %scan3A_730 : i32 to vector<16xi32>
        %add3A_768 = arith.addi %broadcast_in_dim3A_766, %add3A_767 : vector<16xi32>
        %gather3A_769 = tpu.vector_load_idx %arg15[%add3A_418, %add3A_768] : memref<96x128xf32, #tpu.memory_space<vmem>>[vector<16xi32>, vector<16xi32>], vector<16xf32>,
        %gather3A_770 = tpu.vector_load_idx %arg16[%add3A_418, %add3A_768] : memref<96x128xf32, #tpu.memory_space<vmem>>[vector<16xi32>, vector<16xi32>], vector<16xf32>,
        %gather3A_771 = tpu.vector_load_idx %arg13[%add3A_442, %add3A_768] : memref<624x128xf32, #tpu.memory_space<vmem>>[vector<16xi32>, vector<16xi32>], vector<16xf32>,
        %add3A_772 = arith.addf %gather3A_770, %gather3A_771 : vector<16xf32>
        %mul3A_773 = arith.mulf %gather3A_769, %add3A_772 : vector<16xf32>
        %add3A_774 = arith.addf %scan3A_734, %mul3A_773 : vector<16xf32>
        scf.yield %add3A_744, %add3A_754, %add3A_764, %add3A_774 : vector<16xf32>, vector<16xf32>, vector<16xf32>, vector<16xf32>
      }
      %scan3A_450 = arith.constant 32 : i32
      %exp3A = math.exp %scan3A_449#0 : vector<16xf32>
      %broadcast_in_dim3A_451 = arith.constant 0 : i32
      %broadcast_in_dim3A_452 = vector.broadcast %broadcast_in_dim3A_451 : i32 to vector<16xi32>
      tpu.vector_store_idx %arg17[%add3A_418, %broadcast_in_dim3A_452], %exp3A : memref<96x16xf32, #tpu.memory_space<vmem>>[vector<16xi32>, vector<16xi32>], vector<16xf32>,
      %exp3A_453 = math.exp %scan3A_449#1 : vector<16xf32>
      %broadcast_in_dim3A_454 = arith.constant 1 : i32
      %broadcast_in_dim3A_455 = vector.broadcast %broadcast_in_dim3A_454 : i32 to vector<16xi32>
      tpu.vector_store_idx %arg17[%add3A_418, %broadcast_in_dim3A_455], %exp3A_453 : memref<96x16xf32, #tpu.memory_space<vmem>>[vector<16xi32>, vector<16xi32>], vector<16xf32>,
      %exp3A_456 = math.exp %scan3A_449#2 : vector<16xf32>
      %broadcast_in_dim3A_457 = arith.constant 2 : i32
      %broadcast_in_dim3A_458 = vector.broadcast %broadcast_in_dim3A_457 : i32 to vector<16xi32>
      tpu.vector_store_idx %arg17[%add3A_418, %broadcast_in_dim3A_458], %exp3A_456 : memref<96x16xf32, #tpu.memory_space<vmem>>[vector<16xi32>, vector<16xi32>], vector<16xf32>,
      %exp3A_459 = math.exp %scan3A_449#3 : vector<16xf32>
      %broadcast_in_dim3A_460 = arith.constant 3 : i32
      %broadcast_in_dim3A_461 = vector.broadcast %broadcast_in_dim3A_460 : i32 to vector<16xi32>
      tpu.vector_store_idx %arg17[%add3A_418, %broadcast_in_dim3A_461], %exp3A_459 : memref<96x16xf32, #tpu.memory_space<vmem>>[vector<16xi32>, vector<16xi32>], vector<16xf32>,
      %broadcast_in_dim3A_462 = arith.constant 4 : i32
      %broadcast_in_dim3A_463 = vector.broadcast %broadcast_in_dim3A_462 : i32 to vector<16xi32>
      tpu.vector_store_idx %arg17[%add3A_418, %broadcast_in_dim3A_463], %broadcast_in_dim3A_1 : memref<96x16xf32, #tpu.memory_space<vmem>>[vector<16xi32>, vector<16xi32>], vector<16xf32>,
      %add3A_464 = arith.constant 16 : i32
      %add3A_465 = vector.broadcast %add3A_464 : i32 to vector<16xi32>
      %add3A_466 = arith.addi %iota3A, %add3A_465 : vector<16xi32>
      %get3A_467 = arith.constant 16 : index
      %get3A_468 = tpu.vector_load %arg18[%get3A_467] {strides = array<i32>} : memref<96xi32, #tpu.memory_space<vmem>>, vector<16xi32>,
      %get3A_469 = arith.constant 16 : index
      %get3A_470 = tpu.vector_load %arg19[%get3A_469] {strides = array<i32>} : memref<96xi32, #tpu.memory_space<vmem>>, vector<16xi32>,
      %get3A_471 = arith.constant 16 : index
      %get3A_472 = tpu.vector_load %arg20[%get3A_471] {strides = array<i32>} : memref<96xi32, #tpu.memory_space<vmem>>, vector<16xi32>,
      %shift_right_arithmetic3A_473 = arith.constant 4 : i32
      %shift_right_arithmetic3A_474 = vector.broadcast %shift_right_arithmetic3A_473 : i32 to vector<16xi32>
      %shift_right_arithmetic3A_475 = arith.shrsi %get3A_468, %shift_right_arithmetic3A_474 : vector<16xi32>
      %and3A_476 = arith.constant 15 : i32
      %and3A_477 = vector.broadcast %and3A_476 : i32 to vector<16xi32>
      %and3A_478 = arith.andi %get3A_468, %and3A_477 : vector<16xi32>
      %gather3A_479 = tpu.vector_load_idx %arg14[%shift_right_arithmetic3A_475, %and3A_478] : memref<640x16xi32, #tpu.memory_space<vmem>>[vector<16xi32>, vector<16xi32>], vector<16xi32>,
      %shift_right_arithmetic3A_480 = arith.constant 4 : i32
      %shift_right_arithmetic3A_481 = vector.broadcast %shift_right_arithmetic3A_480 : i32 to vector<16xi32>
      %shift_right_arithmetic3A_482 = arith.shrsi %get3A_470, %shift_right_arithmetic3A_481 : vector<16xi32>
      %and3A_483 = arith.constant 15 : i32
      %and3A_484 = vector.broadcast %and3A_483 : i32 to vector<16xi32>
      %and3A_485 = arith.andi %get3A_470, %and3A_484 : vector<16xi32>
      %gather3A_486 = tpu.vector_load_idx %arg14[%shift_right_arithmetic3A_482, %and3A_485] : memref<640x16xi32, #tpu.memory_space<vmem>>[vector<16xi32>, vector<16xi32>], vector<16xi32>,
      %mul3A_487 = arith.constant 16 : i32
      %mul3A_488 = vector.broadcast %mul3A_487 : i32 to vector<16xi32>
      %mul3A_489 = arith.muli %get3A_472, %mul3A_488 : vector<16xi32>
      %mul3A_490 = arith.constant 4 : i32
      %mul3A_491 = vector.broadcast %mul3A_490 : i32 to vector<16xi32>
      %mul3A_492 = arith.muli %gather3A_479, %mul3A_491 : vector<16xi32>
      %add3A_493 = arith.addi %mul3A_489, %mul3A_492 : vector<16xi32>
      %add3A_494 = arith.addi %add3A_493, %gather3A_486 : vector<16xi32>
      %swap3A_495 = arith.constant 16 : index
      %swap3A_496 = tpu.vector_load %arg21[%swap3A_495] {strides = array<i32>} : memref<96xi32, #tpu.memory_space<vmem>>, vector<16xi32>,
      tpu.vector_store %arg21[%swap3A_495], %add3A_494 {strides = array<i32>} : memref<96xi32, #tpu.memory_space<vmem>>, vector<16xi32>,
      %scan3A_497 = arith.constant 0 : i32
      %scan3A_498 = arith.constant 32 : i32
      %scan3A_499 = arith.addi %scan3A_497, %scan3A_498 : i32
      %scan3A_500 = arith.constant 1 : i32
      %scan3A_501:4 = scf.for %scan3A_730 = %scan3A_497 to %scan3A_499 step %scan3A_500 iter_args(%scan3A_731 = %broadcast_in_dim3A_3, %scan3A_732 = %broadcast_in_dim3A_3, %scan3A_733 = %broadcast_in_dim3A_3, %scan3A_734 = %broadcast_in_dim3A_3) -> (vector<16xf32>, vector<16xf32>, vector<16xf32>, vector<16xf32>)  : i32 {
        %broadcast_in_dim3A_735 = arith.constant 0 : i32
        %broadcast_in_dim3A_736 = vector.broadcast %broadcast_in_dim3A_735 : i32 to vector<16xi32>
        %add3A_737 = vector.broadcast %scan3A_730 : i32 to vector<16xi32>
        %add3A_738 = arith.addi %broadcast_in_dim3A_736, %add3A_737 : vector<16xi32>
        %gather3A_739 = tpu.vector_load_idx %arg15[%add3A_466, %add3A_738] : memref<96x128xf32, #tpu.memory_space<vmem>>[vector<16xi32>, vector<16xi32>], vector<16xf32>,
        %gather3A_740 = tpu.vector_load_idx %arg16[%add3A_466, %add3A_738] : memref<96x128xf32, #tpu.memory_space<vmem>>[vector<16xi32>, vector<16xi32>], vector<16xf32>,
        %gather3A_741 = tpu.vector_load_idx %arg13[%add3A_494, %add3A_738] : memref<624x128xf32, #tpu.memory_space<vmem>>[vector<16xi32>, vector<16xi32>], vector<16xf32>,
        %add3A_742 = arith.addf %gather3A_740, %gather3A_741 : vector<16xf32>
        %mul3A_743 = arith.mulf %gather3A_739, %add3A_742 : vector<16xf32>
        %add3A_744 = arith.addf %scan3A_731, %mul3A_743 : vector<16xf32>
        %broadcast_in_dim3A_745 = arith.constant 32 : i32
        %broadcast_in_dim3A_746 = vector.broadcast %broadcast_in_dim3A_745 : i32 to vector<16xi32>
        %add3A_747 = vector.broadcast %scan3A_730 : i32 to vector<16xi32>
        %add3A_748 = arith.addi %broadcast_in_dim3A_746, %add3A_747 : vector<16xi32>
        %gather3A_749 = tpu.vector_load_idx %arg15[%add3A_466, %add3A_748] : memref<96x128xf32, #tpu.memory_space<vmem>>[vector<16xi32>, vector<16xi32>], vector<16xf32>,
        %gather3A_750 = tpu.vector_load_idx %arg16[%add3A_466, %add3A_748] : memref<96x128xf32, #tpu.memory_space<vmem>>[vector<16xi32>, vector<16xi32>], vector<16xf32>,
        %gather3A_751 = tpu.vector_load_idx %arg13[%add3A_494, %add3A_748] : memref<624x128xf32, #tpu.memory_space<vmem>>[vector<16xi32>, vector<16xi32>], vector<16xf32>,
        %add3A_752 = arith.addf %gather3A_750, %gather3A_751 : vector<16xf32>
        %mul3A_753 = arith.mulf %gather3A_749, %add3A_752 : vector<16xf32>
        %add3A_754 = arith.addf %scan3A_732, %mul3A_753 : vector<16xf32>
        %broadcast_in_dim3A_755 = arith.constant 64 : i32
        %broadcast_in_dim3A_756 = vector.broadcast %broadcast_in_dim3A_755 : i32 to vector<16xi32>
        %add3A_757 = vector.broadcast %scan3A_730 : i32 to vector<16xi32>
        %add3A_758 = arith.addi %broadcast_in_dim3A_756, %add3A_757 : vector<16xi32>
        %gather3A_759 = tpu.vector_load_idx %arg15[%add3A_466, %add3A_758] : memref<96x128xf32, #tpu.memory_space<vmem>>[vector<16xi32>, vector<16xi32>], vector<16xf32>,
        %gather3A_760 = tpu.vector_load_idx %arg16[%add3A_466, %add3A_758] : memref<96x128xf32, #tpu.memory_space<vmem>>[vector<16xi32>, vector<16xi32>], vector<16xf32>,
        %gather3A_761 = tpu.vector_load_idx %arg13[%add3A_494, %add3A_758] : memref<624x128xf32, #tpu.memory_space<vmem>>[vector<16xi32>, vector<16xi32>], vector<16xf32>,
        %add3A_762 = arith.addf %gather3A_760, %gather3A_761 : vector<16xf32>
        %mul3A_763 = arith.mulf %gather3A_759, %add3A_762 : vector<16xf32>
        %add3A_764 = arith.addf %scan3A_733, %mul3A_763 : vector<16xf32>
        %broadcast_in_dim3A_765 = arith.constant 96 : i32
        %broadcast_in_dim3A_766 = vector.broadcast %broadcast_in_dim3A_765 : i32 to vector<16xi32>
        %add3A_767 = vector.broadcast %scan3A_730 : i32 to vector<16xi32>
        %add3A_768 = arith.addi %broadcast_in_dim3A_766, %add3A_767 : vector<16xi32>
        %gather3A_769 = tpu.vector_load_idx %arg15[%add3A_466, %add3A_768] : memref<96x128xf32, #tpu.memory_space<vmem>>[vector<16xi32>, vector<16xi32>], vector<16xf32>,
        %gather3A_770 = tpu.vector_load_idx %arg16[%add3A_466, %add3A_768] : memref<96x128xf32, #tpu.memory_space<vmem>>[vector<16xi32>, vector<16xi32>], vector<16xf32>,
        %gather3A_771 = tpu.vector_load_idx %arg13[%add3A_494, %add3A_768] : memref<624x128xf32, #tpu.memory_space<vmem>>[vector<16xi32>, vector<16xi32>], vector<16xf32>,
        %add3A_772 = arith.addf %gather3A_770, %gather3A_771 : vector<16xf32>
        %mul3A_773 = arith.mulf %gather3A_769, %add3A_772 : vector<16xf32>
        %add3A_774 = arith.addf %scan3A_734, %mul3A_773 : vector<16xf32>
        scf.yield %add3A_744, %add3A_754, %add3A_764, %add3A_774 : vector<16xf32>, vector<16xf32>, vector<16xf32>, vector<16xf32>
      }
      %scan3A_502 = arith.constant 32 : i32
      %exp3A_503 = math.exp %scan3A_501#0 : vector<16xf32>
      %broadcast_in_dim3A_504 = arith.constant 0 : i32
      %broadcast_in_dim3A_505 = vector.broadcast %broadcast_in_dim3A_504 : i32 to vector<16xi32>
      tpu.vector_store_idx %arg17[%add3A_466, %broadcast_in_dim3A_505], %exp3A_503 : memref<96x16xf32, #tpu.memory_space<vmem>>[vector<16xi32>, vector<16xi32>], vector<16xf32>,
      %exp3A_506 = math.exp %scan3A_501#1 : vector<16xf32>
      %broadcast_in_dim3A_507 = arith.constant 1 : i32
      %broadcast_in_dim3A_508 = vector.broadcast %broadcast_in_dim3A_507 : i32 to vector<16xi32>
      tpu.vector_store_idx %arg17[%add3A_466, %broadcast_in_dim3A_508], %exp3A_506 : memref<96x16xf32, #tpu.memory_space<vmem>>[vector<16xi32>, vector<16xi32>], vector<16xf32>,
      %exp3A_509 = math.exp %scan3A_501#2 : vector<16xf32>
      %broadcast_in_dim3A_510 = arith.constant 2 : i32
      %broadcast_in_dim3A_511 = vector.broadcast %broadcast_in_dim3A_510 : i32 to vector<16xi32>
      tpu.vector_store_idx %arg17[%add3A_466, %broadcast_in_dim3A_511], %exp3A_509 : memref<96x16xf32, #tpu.memory_space<vmem>>[vector<16xi32>, vector<16xi32>], vector<16xf32>,
      %exp3A_512 = math.exp %scan3A_501#3 : vector<16xf32>
      %broadcast_in_dim3A_513 = arith.constant 3 : i32
      %broadcast_in_dim3A_514 = vector.broadcast %broadcast_in_dim3A_513 : i32 to vector<16xi32>
      tpu.vector_store_idx %arg17[%add3A_466, %broadcast_in_dim3A_514], %exp3A_512 : memref<96x16xf32, #tpu.memory_space<vmem>>[vector<16xi32>, vector<16xi32>], vector<16xf32>,
      %broadcast_in_dim3A_515 = arith.constant 4 : i32
      %broadcast_in_dim3A_516 = vector.broadcast %broadcast_in_dim3A_515 : i32 to vector<16xi32>
      tpu.vector_store_idx %arg17[%add3A_466, %broadcast_in_dim3A_516], %broadcast_in_dim3A_1 : memref<96x16xf32, #tpu.memory_space<vmem>>[vector<16xi32>, vector<16xi32>], vector<16xf32>,
      %add3A_517 = arith.constant 32 : i32
      %add3A_518 = vector.broadcast %add3A_517 : i32 to vector<16xi32>
      %add3A_519 = arith.addi %iota3A, %add3A_518 : vector<16xi32>
      %get3A_520 = arith.constant 32 : index
      %get3A_521 = tpu.vector_load %arg18[%get3A_520] {strides = array<i32>} : memref<96xi32, #tpu.memory_space<vmem>>, vector<16xi32>,
      %get3A_522 = arith.constant 32 : index
      %get3A_523 = tpu.vector_load %arg19[%get3A_522] {strides = array<i32>} : memref<96xi32, #tpu.memory_space<vmem>>, vector<16xi32>,
      %get3A_524 = arith.constant 32 : index
      %get3A_525 = tpu.vector_load %arg20[%get3A_524] {strides = array<i32>} : memref<96xi32, #tpu.memory_space<vmem>>, vector<16xi32>,
      %shift_right_arithmetic3A_526 = arith.constant 4 : i32
      %shift_right_arithmetic3A_527 = vector.broadcast %shift_right_arithmetic3A_526 : i32 to vector<16xi32>
      %shift_right_arithmetic3A_528 = arith.shrsi %get3A_521, %shift_right_arithmetic3A_527 : vector<16xi32>
      %and3A_529 = arith.constant 15 : i32
      %and3A_530 = vector.broadcast %and3A_529 : i32 to vector<16xi32>
      %and3A_531 = arith.andi %get3A_521, %and3A_530 : vector<16xi32>
      %gather3A_532 = tpu.vector_load_idx %arg14[%shift_right_arithmetic3A_528, %and3A_531] : memref<640x16xi32, #tpu.memory_space<vmem>>[vector<16xi32>, vector<16xi32>], vector<16xi32>,
      %shift_right_arithmetic3A_533 = arith.constant 4 : i32
      %shift_right_arithmetic3A_534 = vector.broadcast %shift_right_arithmetic3A_533 : i32 to vector<16xi32>
      %shift_right_arithmetic3A_535 = arith.shrsi %get3A_523, %shift_right_arithmetic3A_534 : vector<16xi32>
      %and3A_536 = arith.constant 15 : i32
      %and3A_537 = vector.broadcast %and3A_536 : i32 to vector<16xi32>
      %and3A_538 = arith.andi %get3A_523, %and3A_537 : vector<16xi32>
      %gather3A_539 = tpu.vector_load_idx %arg14[%shift_right_arithmetic3A_535, %and3A_538] : memref<640x16xi32, #tpu.memory_space<vmem>>[vector<16xi32>, vector<16xi32>], vector<16xi32>,
      %mul3A_540 = arith.constant 16 : i32
      %mul3A_541 = vector.broadcast %mul3A_540 : i32 to vector<16xi32>
      %mul3A_542 = arith.muli %get3A_525, %mul3A_541 : vector<16xi32>
      %mul3A_543 = arith.constant 4 : i32
      %mul3A_544 = vector.broadcast %mul3A_543 : i32 to vector<16xi32>
      %mul3A_545 = arith.muli %gather3A_532, %mul3A_544 : vector<16xi32>
      %add3A_546 = arith.addi %mul3A_542, %mul3A_545 : vector<16xi32>
      %add3A_547 = arith.addi %add3A_546, %gather3A_539 : vector<16xi32>
      %swap3A_548 = arith.constant 32 : index
      %swap3A_549 = tpu.vector_load %arg21[%swap3A_548] {strides = array<i32>} : memref<96xi32, #tpu.memory_space<vmem>>, vector<16xi32>,
      tpu.vector_store %arg21[%swap3A_548], %add3A_547 {strides = array<i32>} : memref<96xi32, #tpu.memory_space<vmem>>, vector<16xi32>,
      %scan3A_550 = arith.constant 0 : i32
      %scan3A_551 = arith.constant 32 : i32
      %scan3A_552 = arith.addi %scan3A_550, %scan3A_551 : i32
      %scan3A_553 = arith.constant 1 : i32
      %scan3A_554:4 = scf.for %scan3A_730 = %scan3A_550 to %scan3A_552 step %scan3A_553 iter_args(%scan3A_731 = %broadcast_in_dim3A_3, %scan3A_732 = %broadcast_in_dim3A_3, %scan3A_733 = %broadcast_in_dim3A_3, %scan3A_734 = %broadcast_in_dim3A_3) -> (vector<16xf32>, vector<16xf32>, vector<16xf32>, vector<16xf32>)  : i32 {
        %broadcast_in_dim3A_735 = arith.constant 0 : i32
        %broadcast_in_dim3A_736 = vector.broadcast %broadcast_in_dim3A_735 : i32 to vector<16xi32>
        %add3A_737 = vector.broadcast %scan3A_730 : i32 to vector<16xi32>
        %add3A_738 = arith.addi %broadcast_in_dim3A_736, %add3A_737 : vector<16xi32>
        %gather3A_739 = tpu.vector_load_idx %arg15[%add3A_519, %add3A_738] : memref<96x128xf32, #tpu.memory_space<vmem>>[vector<16xi32>, vector<16xi32>], vector<16xf32>,
        %gather3A_740 = tpu.vector_load_idx %arg16[%add3A_519, %add3A_738] : memref<96x128xf32, #tpu.memory_space<vmem>>[vector<16xi32>, vector<16xi32>], vector<16xf32>,
        %gather3A_741 = tpu.vector_load_idx %arg13[%add3A_547, %add3A_738] : memref<624x128xf32, #tpu.memory_space<vmem>>[vector<16xi32>, vector<16xi32>], vector<16xf32>,
        %add3A_742 = arith.addf %gather3A_740, %gather3A_741 : vector<16xf32>
        %mul3A_743 = arith.mulf %gather3A_739, %add3A_742 : vector<16xf32>
        %add3A_744 = arith.addf %scan3A_731, %mul3A_743 : vector<16xf32>
        %broadcast_in_dim3A_745 = arith.constant 32 : i32
        %broadcast_in_dim3A_746 = vector.broadcast %broadcast_in_dim3A_745 : i32 to vector<16xi32>
        %add3A_747 = vector.broadcast %scan3A_730 : i32 to vector<16xi32>
        %add3A_748 = arith.addi %broadcast_in_dim3A_746, %add3A_747 : vector<16xi32>
        %gather3A_749 = tpu.vector_load_idx %arg15[%add3A_519, %add3A_748] : memref<96x128xf32, #tpu.memory_space<vmem>>[vector<16xi32>, vector<16xi32>], vector<16xf32>,
        %gather3A_750 = tpu.vector_load_idx %arg16[%add3A_519, %add3A_748] : memref<96x128xf32, #tpu.memory_space<vmem>>[vector<16xi32>, vector<16xi32>], vector<16xf32>,
        %gather3A_751 = tpu.vector_load_idx %arg13[%add3A_547, %add3A_748] : memref<624x128xf32, #tpu.memory_space<vmem>>[vector<16xi32>, vector<16xi32>], vector<16xf32>,
        %add3A_752 = arith.addf %gather3A_750, %gather3A_751 : vector<16xf32>
        %mul3A_753 = arith.mulf %gather3A_749, %add3A_752 : vector<16xf32>
        %add3A_754 = arith.addf %scan3A_732, %mul3A_753 : vector<16xf32>
        %broadcast_in_dim3A_755 = arith.constant 64 : i32
        %broadcast_in_dim3A_756 = vector.broadcast %broadcast_in_dim3A_755 : i32 to vector<16xi32>
        %add3A_757 = vector.broadcast %scan3A_730 : i32 to vector<16xi32>
        %add3A_758 = arith.addi %broadcast_in_dim3A_756, %add3A_757 : vector<16xi32>
        %gather3A_759 = tpu.vector_load_idx %arg15[%add3A_519, %add3A_758] : memref<96x128xf32, #tpu.memory_space<vmem>>[vector<16xi32>, vector<16xi32>], vector<16xf32>,
        %gather3A_760 = tpu.vector_load_idx %arg16[%add3A_519, %add3A_758] : memref<96x128xf32, #tpu.memory_space<vmem>>[vector<16xi32>, vector<16xi32>], vector<16xf32>,
        %gather3A_761 = tpu.vector_load_idx %arg13[%add3A_547, %add3A_758] : memref<624x128xf32, #tpu.memory_space<vmem>>[vector<16xi32>, vector<16xi32>], vector<16xf32>,
        %add3A_762 = arith.addf %gather3A_760, %gather3A_761 : vector<16xf32>
        %mul3A_763 = arith.mulf %gather3A_759, %add3A_762 : vector<16xf32>
        %add3A_764 = arith.addf %scan3A_733, %mul3A_763 : vector<16xf32>
        %broadcast_in_dim3A_765 = arith.constant 96 : i32
        %broadcast_in_dim3A_766 = vector.broadcast %broadcast_in_dim3A_765 : i32 to vector<16xi32>
        %add3A_767 = vector.broadcast %scan3A_730 : i32 to vector<16xi32>
        %add3A_768 = arith.addi %broadcast_in_dim3A_766, %add3A_767 : vector<16xi32>
        %gather3A_769 = tpu.vector_load_idx %arg15[%add3A_519, %add3A_768] : memref<96x128xf32, #tpu.memory_space<vmem>>[vector<16xi32>, vector<16xi32>], vector<16xf32>,
        %gather3A_770 = tpu.vector_load_idx %arg16[%add3A_519, %add3A_768] : memref<96x128xf32, #tpu.memory_space<vmem>>[vector<16xi32>, vector<16xi32>], vector<16xf32>,
        %gather3A_771 = tpu.vector_load_idx %arg13[%add3A_547, %add3A_768] : memref<624x128xf32, #tpu.memory_space<vmem>>[vector<16xi32>, vector<16xi32>], vector<16xf32>,
        %add3A_772 = arith.addf %gather3A_770, %gather3A_771 : vector<16xf32>
        %mul3A_773 = arith.mulf %gather3A_769, %add3A_772 : vector<16xf32>
        %add3A_774 = arith.addf %scan3A_734, %mul3A_773 : vector<16xf32>
        scf.yield %add3A_744, %add3A_754, %add3A_764, %add3A_774 : vector<16xf32>, vector<16xf32>, vector<16xf32>, vector<16xf32>
      }
      %scan3A_555 = arith.constant 32 : i32
      %exp3A_556 = math.exp %scan3A_554#0 : vector<16xf32>
      %broadcast_in_dim3A_557 = arith.constant 0 : i32
      %broadcast_in_dim3A_558 = vector.broadcast %broadcast_in_dim3A_557 : i32 to vector<16xi32>
      tpu.vector_store_idx %arg17[%add3A_519, %broadcast_in_dim3A_558], %exp3A_556 : memref<96x16xf32, #tpu.memory_space<vmem>>[vector<16xi32>, vector<16xi32>], vector<16xf32>,
      %exp3A_559 = math.exp %scan3A_554#1 : vector<16xf32>
      %broadcast_in_dim3A_560 = arith.constant 1 : i32
      %broadcast_in_dim3A_561 = vector.broadcast %broadcast_in_dim3A_560 : i32 to vector<16xi32>
      tpu.vector_store_idx %arg17[%add3A_519, %broadcast_in_dim3A_561], %exp3A_559 : memref<96x16xf32, #tpu.memory_space<vmem>>[vector<16xi32>, vector<16xi32>], vector<16xf32>,
      %exp3A_562 = math.exp %scan3A_554#2 : vector<16xf32>
      %broadcast_in_dim3A_563 = arith.constant 2 : i32
      %broadcast_in_dim3A_564 = vector.broadcast %broadcast_in_dim3A_563 : i32 to vector<16xi32>
      tpu.vector_store_idx %arg17[%add3A_519, %broadcast_in_dim3A_564], %exp3A_562 : memref<96x16xf32, #tpu.memory_space<vmem>>[vector<16xi32>, vector<16xi32>], vector<16xf32>,
      %exp3A_565 = math.exp %scan3A_554#3 : vector<16xf32>
      %broadcast_in_dim3A_566 = arith.constant 3 : i32
      %broadcast_in_dim3A_567 = vector.broadcast %broadcast_in_dim3A_566 : i32 to vector<16xi32>
      tpu.vector_store_idx %arg17[%add3A_519, %broadcast_in_dim3A_567], %exp3A_565 : memref<96x16xf32, #tpu.memory_space<vmem>>[vector<16xi32>, vector<16xi32>], vector<16xf32>,
      %broadcast_in_dim3A_568 = arith.constant 4 : i32
      %broadcast_in_dim3A_569 = vector.broadcast %broadcast_in_dim3A_568 : i32 to vector<16xi32>
      tpu.vector_store_idx %arg17[%add3A_519, %broadcast_in_dim3A_569], %broadcast_in_dim3A_1 : memref<96x16xf32, #tpu.memory_space<vmem>>[vector<16xi32>, vector<16xi32>], vector<16xf32>,
      %add3A_570 = arith.constant 48 : i32
      %add3A_571 = vector.broadcast %add3A_570 : i32 to vector<16xi32>
      %add3A_572 = arith.addi %iota3A, %add3A_571 : vector<16xi32>
      %get3A_573 = arith.constant 48 : index
      %get3A_574 = tpu.vector_load %arg18[%get3A_573] {strides = array<i32>} : memref<96xi32, #tpu.memory_space<vmem>>, vector<16xi32>,
      %get3A_575 = arith.constant 48 : index
      %get3A_576 = tpu.vector_load %arg19[%get3A_575] {strides = array<i32>} : memref<96xi32, #tpu.memory_space<vmem>>, vector<16xi32>,
      %get3A_577 = arith.constant 48 : index
      %get3A_578 = tpu.vector_load %arg20[%get3A_577] {strides = array<i32>} : memref<96xi32, #tpu.memory_space<vmem>>, vector<16xi32>,
      %shift_right_arithmetic3A_579 = arith.constant 4 : i32
      %shift_right_arithmetic3A_580 = vector.broadcast %shift_right_arithmetic3A_579 : i32 to vector<16xi32>
      %shift_right_arithmetic3A_581 = arith.shrsi %get3A_574, %shift_right_arithmetic3A_580 : vector<16xi32>
      %and3A_582 = arith.constant 15 : i32
      %and3A_583 = vector.broadcast %and3A_582 : i32 to vector<16xi32>
      %and3A_584 = arith.andi %get3A_574, %and3A_583 : vector<16xi32>
      %gather3A_585 = tpu.vector_load_idx %arg14[%shift_right_arithmetic3A_581, %and3A_584] : memref<640x16xi32, #tpu.memory_space<vmem>>[vector<16xi32>, vector<16xi32>], vector<16xi32>,
      %shift_right_arithmetic3A_586 = arith.constant 4 : i32
      %shift_right_arithmetic3A_587 = vector.broadcast %shift_right_arithmetic3A_586 : i32 to vector<16xi32>
      %shift_right_arithmetic3A_588 = arith.shrsi %get3A_576, %shift_right_arithmetic3A_587 : vector<16xi32>
      %and3A_589 = arith.constant 15 : i32
      %and3A_590 = vector.broadcast %and3A_589 : i32 to vector<16xi32>
      %and3A_591 = arith.andi %get3A_576, %and3A_590 : vector<16xi32>
      %gather3A_592 = tpu.vector_load_idx %arg14[%shift_right_arithmetic3A_588, %and3A_591] : memref<640x16xi32, #tpu.memory_space<vmem>>[vector<16xi32>, vector<16xi32>], vector<16xi32>,
      %mul3A_593 = arith.constant 16 : i32
      %mul3A_594 = vector.broadcast %mul3A_593 : i32 to vector<16xi32>
      %mul3A_595 = arith.muli %get3A_578, %mul3A_594 : vector<16xi32>
      %mul3A_596 = arith.constant 4 : i32
      %mul3A_597 = vector.broadcast %mul3A_596 : i32 to vector<16xi32>
      %mul3A_598 = arith.muli %gather3A_585, %mul3A_597 : vector<16xi32>
      %add3A_599 = arith.addi %mul3A_595, %mul3A_598 : vector<16xi32>
      %add3A_600 = arith.addi %add3A_599, %gather3A_592 : vector<16xi32>
      %swap3A_601 = arith.constant 48 : index
      %swap3A_602 = tpu.vector_load %arg21[%swap3A_601] {strides = array<i32>} : memref<96xi32, #tpu.memory_space<vmem>>, vector<16xi32>,
      tpu.vector_store %arg21[%swap3A_601], %add3A_600 {strides = array<i32>} : memref<96xi32, #tpu.memory_space<vmem>>, vector<16xi32>,
      %scan3A_603 = arith.constant 0 : i32
      %scan3A_604 = arith.constant 32 : i32
      %scan3A_605 = arith.addi %scan3A_603, %scan3A_604 : i32
      %scan3A_606 = arith.constant 1 : i32
      %scan3A_607:4 = scf.for %scan3A_730 = %scan3A_603 to %scan3A_605 step %scan3A_606 iter_args(%scan3A_731 = %broadcast_in_dim3A_3, %scan3A_732 = %broadcast_in_dim3A_3, %scan3A_733 = %broadcast_in_dim3A_3, %scan3A_734 = %broadcast_in_dim3A_3) -> (vector<16xf32>, vector<16xf32>, vector<16xf32>, vector<16xf32>)  : i32 {
        %broadcast_in_dim3A_735 = arith.constant 0 : i32
        %broadcast_in_dim3A_736 = vector.broadcast %broadcast_in_dim3A_735 : i32 to vector<16xi32>
        %add3A_737 = vector.broadcast %scan3A_730 : i32 to vector<16xi32>
        %add3A_738 = arith.addi %broadcast_in_dim3A_736, %add3A_737 : vector<16xi32>
        %gather3A_739 = tpu.vector_load_idx %arg15[%add3A_572, %add3A_738] : memref<96x128xf32, #tpu.memory_space<vmem>>[vector<16xi32>, vector<16xi32>], vector<16xf32>,
        %gather3A_740 = tpu.vector_load_idx %arg16[%add3A_572, %add3A_738] : memref<96x128xf32, #tpu.memory_space<vmem>>[vector<16xi32>, vector<16xi32>], vector<16xf32>,
        %gather3A_741 = tpu.vector_load_idx %arg13[%add3A_600, %add3A_738] : memref<624x128xf32, #tpu.memory_space<vmem>>[vector<16xi32>, vector<16xi32>], vector<16xf32>,
        %add3A_742 = arith.addf %gather3A_740, %gather3A_741 : vector<16xf32>
        %mul3A_743 = arith.mulf %gather3A_739, %add3A_742 : vector<16xf32>
        %add3A_744 = arith.addf %scan3A_731, %mul3A_743 : vector<16xf32>
        %broadcast_in_dim3A_745 = arith.constant 32 : i32
        %broadcast_in_dim3A_746 = vector.broadcast %broadcast_in_dim3A_745 : i32 to vector<16xi32>
        %add3A_747 = vector.broadcast %scan3A_730 : i32 to vector<16xi32>
        %add3A_748 = arith.addi %broadcast_in_dim3A_746, %add3A_747 : vector<16xi32>
        %gather3A_749 = tpu.vector_load_idx %arg15[%add3A_572, %add3A_748] : memref<96x128xf32, #tpu.memory_space<vmem>>[vector<16xi32>, vector<16xi32>], vector<16xf32>,
        %gather3A_750 = tpu.vector_load_idx %arg16[%add3A_572, %add3A_748] : memref<96x128xf32, #tpu.memory_space<vmem>>[vector<16xi32>, vector<16xi32>], vector<16xf32>,
        %gather3A_751 = tpu.vector_load_idx %arg13[%add3A_600, %add3A_748] : memref<624x128xf32, #tpu.memory_space<vmem>>[vector<16xi32>, vector<16xi32>], vector<16xf32>,
        %add3A_752 = arith.addf %gather3A_750, %gather3A_751 : vector<16xf32>
        %mul3A_753 = arith.mulf %gather3A_749, %add3A_752 : vector<16xf32>
        %add3A_754 = arith.addf %scan3A_732, %mul3A_753 : vector<16xf32>
        %broadcast_in_dim3A_755 = arith.constant 64 : i32
        %broadcast_in_dim3A_756 = vector.broadcast %broadcast_in_dim3A_755 : i32 to vector<16xi32>
        %add3A_757 = vector.broadcast %scan3A_730 : i32 to vector<16xi32>
        %add3A_758 = arith.addi %broadcast_in_dim3A_756, %add3A_757 : vector<16xi32>
        %gather3A_759 = tpu.vector_load_idx %arg15[%add3A_572, %add3A_758] : memref<96x128xf32, #tpu.memory_space<vmem>>[vector<16xi32>, vector<16xi32>], vector<16xf32>,
        %gather3A_760 = tpu.vector_load_idx %arg16[%add3A_572, %add3A_758] : memref<96x128xf32, #tpu.memory_space<vmem>>[vector<16xi32>, vector<16xi32>], vector<16xf32>,
        %gather3A_761 = tpu.vector_load_idx %arg13[%add3A_600, %add3A_758] : memref<624x128xf32, #tpu.memory_space<vmem>>[vector<16xi32>, vector<16xi32>], vector<16xf32>,
        %add3A_762 = arith.addf %gather3A_760, %gather3A_761 : vector<16xf32>
        %mul3A_763 = arith.mulf %gather3A_759, %add3A_762 : vector<16xf32>
        %add3A_764 = arith.addf %scan3A_733, %mul3A_763 : vector<16xf32>
        %broadcast_in_dim3A_765 = arith.constant 96 : i32
        %broadcast_in_dim3A_766 = vector.broadcast %broadcast_in_dim3A_765 : i32 to vector<16xi32>
        %add3A_767 = vector.broadcast %scan3A_730 : i32 to vector<16xi32>
        %add3A_768 = arith.addi %broadcast_in_dim3A_766, %add3A_767 : vector<16xi32>
        %gather3A_769 = tpu.vector_load_idx %arg15[%add3A_572, %add3A_768] : memref<96x128xf32, #tpu.memory_space<vmem>>[vector<16xi32>, vector<16xi32>], vector<16xf32>,
        %gather3A_770 = tpu.vector_load_idx %arg16[%add3A_572, %add3A_768] : memref<96x128xf32, #tpu.memory_space<vmem>>[vector<16xi32>, vector<16xi32>], vector<16xf32>,
        %gather3A_771 = tpu.vector_load_idx %arg13[%add3A_600, %add3A_768] : memref<624x128xf32, #tpu.memory_space<vmem>>[vector<16xi32>, vector<16xi32>], vector<16xf32>,
        %add3A_772 = arith.addf %gather3A_770, %gather3A_771 : vector<16xf32>
        %mul3A_773 = arith.mulf %gather3A_769, %add3A_772 : vector<16xf32>
        %add3A_774 = arith.addf %scan3A_734, %mul3A_773 : vector<16xf32>
        scf.yield %add3A_744, %add3A_754, %add3A_764, %add3A_774 : vector<16xf32>, vector<16xf32>, vector<16xf32>, vector<16xf32>
      }
      %scan3A_608 = arith.constant 32 : i32
      %exp3A_609 = math.exp %scan3A_607#0 : vector<16xf32>
      %broadcast_in_dim3A_610 = arith.constant 0 : i32
      %broadcast_in_dim3A_611 = vector.broadcast %broadcast_in_dim3A_610 : i32 to vector<16xi32>
      tpu.vector_store_idx %arg17[%add3A_572, %broadcast_in_dim3A_611], %exp3A_609 : memref<96x16xf32, #tpu.memory_space<vmem>>[vector<16xi32>, vector<16xi32>], vector<16xf32>,
      %exp3A_612 = math.exp %scan3A_607#1 : vector<16xf32>
      %broadcast_in_dim3A_613 = arith.constant 1 : i32
      %broadcast_in_dim3A_614 = vector.broadcast %broadcast_in_dim3A_613 : i32 to vector<16xi32>
      tpu.vector_store_idx %arg17[%add3A_572, %broadcast_in_dim3A_614], %exp3A_612 : memref<96x16xf32, #tpu.memory_space<vmem>>[vector<16xi32>, vector<16xi32>], vector<16xf32>,
      %exp3A_615 = math.exp %scan3A_607#2 : vector<16xf32>
      %broadcast_in_dim3A_616 = arith.constant 2 : i32
      %broadcast_in_dim3A_617 = vector.broadcast %broadcast_in_dim3A_616 : i32 to vector<16xi32>
      tpu.vector_store_idx %arg17[%add3A_572, %broadcast_in_dim3A_617], %exp3A_615 : memref<96x16xf32, #tpu.memory_space<vmem>>[vector<16xi32>, vector<16xi32>], vector<16xf32>,
      %exp3A_618 = math.exp %scan3A_607#3 : vector<16xf32>
      %broadcast_in_dim3A_619 = arith.constant 3 : i32
      %broadcast_in_dim3A_620 = vector.broadcast %broadcast_in_dim3A_619 : i32 to vector<16xi32>
      tpu.vector_store_idx %arg17[%add3A_572, %broadcast_in_dim3A_620], %exp3A_618 : memref<96x16xf32, #tpu.memory_space<vmem>>[vector<16xi32>, vector<16xi32>], vector<16xf32>,
      %broadcast_in_dim3A_621 = arith.constant 4 : i32
      %broadcast_in_dim3A_622 = vector.broadcast %broadcast_in_dim3A_621 : i32 to vector<16xi32>
      tpu.vector_store_idx %arg17[%add3A_572, %broadcast_in_dim3A_622], %broadcast_in_dim3A_1 : memref<96x16xf32, #tpu.memory_space<vmem>>[vector<16xi32>, vector<16xi32>], vector<16xf32>,
      %add3A_623 = arith.constant 64 : i32
      %add3A_624 = vector.broadcast %add3A_623 : i32 to vector<16xi32>
      %add3A_625 = arith.addi %iota3A, %add3A_624 : vector<16xi32>
      %get3A_626 = arith.constant 64 : index
      %get3A_627 = tpu.vector_load %arg18[%get3A_626] {strides = array<i32>} : memref<96xi32, #tpu.memory_space<vmem>>, vector<16xi32>,
      %get3A_628 = arith.constant 64 : index
      %get3A_629 = tpu.vector_load %arg19[%get3A_628] {strides = array<i32>} : memref<96xi32, #tpu.memory_space<vmem>>, vector<16xi32>,
      %get3A_630 = arith.constant 64 : index
      %get3A_631 = tpu.vector_load %arg20[%get3A_630] {strides = array<i32>} : memref<96xi32, #tpu.memory_space<vmem>>, vector<16xi32>,
      %shift_right_arithmetic3A_632 = arith.constant 4 : i32
      %shift_right_arithmetic3A_633 = vector.broadcast %shift_right_arithmetic3A_632 : i32 to vector<16xi32>
      %shift_right_arithmetic3A_634 = arith.shrsi %get3A_627, %shift_right_arithmetic3A_633 : vector<16xi32>
      %and3A_635 = arith.constant 15 : i32
      %and3A_636 = vector.broadcast %and3A_635 : i32 to vector<16xi32>
      %and3A_637 = arith.andi %get3A_627, %and3A_636 : vector<16xi32>
      %gather3A_638 = tpu.vector_load_idx %arg14[%shift_right_arithmetic3A_634, %and3A_637] : memref<640x16xi32, #tpu.memory_space<vmem>>[vector<16xi32>, vector<16xi32>], vector<16xi32>,
      %shift_right_arithmetic3A_639 = arith.constant 4 : i32
      %shift_right_arithmetic3A_640 = vector.broadcast %shift_right_arithmetic3A_639 : i32 to vector<16xi32>
      %shift_right_arithmetic3A_641 = arith.shrsi %get3A_629, %shift_right_arithmetic3A_640 : vector<16xi32>
      %and3A_642 = arith.constant 15 : i32
      %and3A_643 = vector.broadcast %and3A_642 : i32 to vector<16xi32>
      %and3A_644 = arith.andi %get3A_629, %and3A_643 : vector<16xi32>
      %gather3A_645 = tpu.vector_load_idx %arg14[%shift_right_arithmetic3A_641, %and3A_644] : memref<640x16xi32, #tpu.memory_space<vmem>>[vector<16xi32>, vector<16xi32>], vector<16xi32>,
      %mul3A_646 = arith.constant 16 : i32
      %mul3A_647 = vector.broadcast %mul3A_646 : i32 to vector<16xi32>
      %mul3A_648 = arith.muli %get3A_631, %mul3A_647 : vector<16xi32>
      %mul3A_649 = arith.constant 4 : i32
      %mul3A_650 = vector.broadcast %mul3A_649 : i32 to vector<16xi32>
      %mul3A_651 = arith.muli %gather3A_638, %mul3A_650 : vector<16xi32>
      %add3A_652 = arith.addi %mul3A_648, %mul3A_651 : vector<16xi32>
      %add3A_653 = arith.addi %add3A_652, %gather3A_645 : vector<16xi32>
      %swap3A_654 = arith.constant 64 : index
      %swap3A_655 = tpu.vector_load %arg21[%swap3A_654] {strides = array<i32>} : memref<96xi32, #tpu.memory_space<vmem>>, vector<16xi32>,
      tpu.vector_store %arg21[%swap3A_654], %add3A_653 {strides = array<i32>} : memref<96xi32, #tpu.memory_space<vmem>>, vector<16xi32>,
      %scan3A_656 = arith.constant 0 : i32
      %scan3A_657 = arith.constant 32 : i32
      %scan3A_658 = arith.addi %scan3A_656, %scan3A_657 : i32
      %scan3A_659 = arith.constant 1 : i32
      %scan3A_660:4 = scf.for %scan3A_730 = %scan3A_656 to %scan3A_658 step %scan3A_659 iter_args(%scan3A_731 = %broadcast_in_dim3A_3, %scan3A_732 = %broadcast_in_dim3A_3, %scan3A_733 = %broadcast_in_dim3A_3, %scan3A_734 = %broadcast_in_dim3A_3) -> (vector<16xf32>, vector<16xf32>, vector<16xf32>, vector<16xf32>)  : i32 {
        %broadcast_in_dim3A_735 = arith.constant 0 : i32
        %broadcast_in_dim3A_736 = vector.broadcast %broadcast_in_dim3A_735 : i32 to vector<16xi32>
        %add3A_737 = vector.broadcast %scan3A_730 : i32 to vector<16xi32>
        %add3A_738 = arith.addi %broadcast_in_dim3A_736, %add3A_737 : vector<16xi32>
        %gather3A_739 = tpu.vector_load_idx %arg15[%add3A_625, %add3A_738] : memref<96x128xf32, #tpu.memory_space<vmem>>[vector<16xi32>, vector<16xi32>], vector<16xf32>,
        %gather3A_740 = tpu.vector_load_idx %arg16[%add3A_625, %add3A_738] : memref<96x128xf32, #tpu.memory_space<vmem>>[vector<16xi32>, vector<16xi32>], vector<16xf32>,
        %gather3A_741 = tpu.vector_load_idx %arg13[%add3A_653, %add3A_738] : memref<624x128xf32, #tpu.memory_space<vmem>>[vector<16xi32>, vector<16xi32>], vector<16xf32>,
        %add3A_742 = arith.addf %gather3A_740, %gather3A_741 : vector<16xf32>
        %mul3A_743 = arith.mulf %gather3A_739, %add3A_742 : vector<16xf32>
        %add3A_744 = arith.addf %scan3A_731, %mul3A_743 : vector<16xf32>
        %broadcast_in_dim3A_745 = arith.constant 32 : i32
        %broadcast_in_dim3A_746 = vector.broadcast %broadcast_in_dim3A_745 : i32 to vector<16xi32>
        %add3A_747 = vector.broadcast %scan3A_730 : i32 to vector<16xi32>
        %add3A_748 = arith.addi %broadcast_in_dim3A_746, %add3A_747 : vector<16xi32>
        %gather3A_749 = tpu.vector_load_idx %arg15[%add3A_625, %add3A_748] : memref<96x128xf32, #tpu.memory_space<vmem>>[vector<16xi32>, vector<16xi32>], vector<16xf32>,
        %gather3A_750 = tpu.vector_load_idx %arg16[%add3A_625, %add3A_748] : memref<96x128xf32, #tpu.memory_space<vmem>>[vector<16xi32>, vector<16xi32>], vector<16xf32>,
        %gather3A_751 = tpu.vector_load_idx %arg13[%add3A_653, %add3A_748] : memref<624x128xf32, #tpu.memory_space<vmem>>[vector<16xi32>, vector<16xi32>], vector<16xf32>,
        %add3A_752 = arith.addf %gather3A_750, %gather3A_751 : vector<16xf32>
        %mul3A_753 = arith.mulf %gather3A_749, %add3A_752 : vector<16xf32>
        %add3A_754 = arith.addf %scan3A_732, %mul3A_753 : vector<16xf32>
        %broadcast_in_dim3A_755 = arith.constant 64 : i32
        %broadcast_in_dim3A_756 = vector.broadcast %broadcast_in_dim3A_755 : i32 to vector<16xi32>
        %add3A_757 = vector.broadcast %scan3A_730 : i32 to vector<16xi32>
        %add3A_758 = arith.addi %broadcast_in_dim3A_756, %add3A_757 : vector<16xi32>
        %gather3A_759 = tpu.vector_load_idx %arg15[%add3A_625, %add3A_758] : memref<96x128xf32, #tpu.memory_space<vmem>>[vector<16xi32>, vector<16xi32>], vector<16xf32>,
        %gather3A_760 = tpu.vector_load_idx %arg16[%add3A_625, %add3A_758] : memref<96x128xf32, #tpu.memory_space<vmem>>[vector<16xi32>, vector<16xi32>], vector<16xf32>,
        %gather3A_761 = tpu.vector_load_idx %arg13[%add3A_653, %add3A_758] : memref<624x128xf32, #tpu.memory_space<vmem>>[vector<16xi32>, vector<16xi32>], vector<16xf32>,
        %add3A_762 = arith.addf %gather3A_760, %gather3A_761 : vector<16xf32>
        %mul3A_763 = arith.mulf %gather3A_759, %add3A_762 : vector<16xf32>
        %add3A_764 = arith.addf %scan3A_733, %mul3A_763 : vector<16xf32>
        %broadcast_in_dim3A_765 = arith.constant 96 : i32
        %broadcast_in_dim3A_766 = vector.broadcast %broadcast_in_dim3A_765 : i32 to vector<16xi32>
        %add3A_767 = vector.broadcast %scan3A_730 : i32 to vector<16xi32>
        %add3A_768 = arith.addi %broadcast_in_dim3A_766, %add3A_767 : vector<16xi32>
        %gather3A_769 = tpu.vector_load_idx %arg15[%add3A_625, %add3A_768] : memref<96x128xf32, #tpu.memory_space<vmem>>[vector<16xi32>, vector<16xi32>], vector<16xf32>,
        %gather3A_770 = tpu.vector_load_idx %arg16[%add3A_625, %add3A_768] : memref<96x128xf32, #tpu.memory_space<vmem>>[vector<16xi32>, vector<16xi32>], vector<16xf32>,
        %gather3A_771 = tpu.vector_load_idx %arg13[%add3A_653, %add3A_768] : memref<624x128xf32, #tpu.memory_space<vmem>>[vector<16xi32>, vector<16xi32>], vector<16xf32>,
        %add3A_772 = arith.addf %gather3A_770, %gather3A_771 : vector<16xf32>
        %mul3A_773 = arith.mulf %gather3A_769, %add3A_772 : vector<16xf32>
        %add3A_774 = arith.addf %scan3A_734, %mul3A_773 : vector<16xf32>
        scf.yield %add3A_744, %add3A_754, %add3A_764, %add3A_774 : vector<16xf32>, vector<16xf32>, vector<16xf32>, vector<16xf32>
      }
      %scan3A_661 = arith.constant 32 : i32
      %exp3A_662 = math.exp %scan3A_660#0 : vector<16xf32>
      %broadcast_in_dim3A_663 = arith.constant 0 : i32
      %broadcast_in_dim3A_664 = vector.broadcast %broadcast_in_dim3A_663 : i32 to vector<16xi32>
      tpu.vector_store_idx %arg17[%add3A_625, %broadcast_in_dim3A_664], %exp3A_662 : memref<96x16xf32, #tpu.memory_space<vmem>>[vector<16xi32>, vector<16xi32>], vector<16xf32>,
      %exp3A_665 = math.exp %scan3A_660#1 : vector<16xf32>
      %broadcast_in_dim3A_666 = arith.constant 1 : i32
      %broadcast_in_dim3A_667 = vector.broadcast %broadcast_in_dim3A_666 : i32 to vector<16xi32>
      tpu.vector_store_idx %arg17[%add3A_625, %broadcast_in_dim3A_667], %exp3A_665 : memref<96x16xf32, #tpu.memory_space<vmem>>[vector<16xi32>, vector<16xi32>], vector<16xf32>,
      %exp3A_668 = math.exp %scan3A_660#2 : vector<16xf32>
      %broadcast_in_dim3A_669 = arith.constant 2 : i32
      %broadcast_in_dim3A_670 = vector.broadcast %broadcast_in_dim3A_669 : i32 to vector<16xi32>
      tpu.vector_store_idx %arg17[%add3A_625, %broadcast_in_dim3A_670], %exp3A_668 : memref<96x16xf32, #tpu.memory_space<vmem>>[vector<16xi32>, vector<16xi32>], vector<16xf32>,
      %exp3A_671 = math.exp %scan3A_660#3 : vector<16xf32>
      %broadcast_in_dim3A_672 = arith.constant 3 : i32
      %broadcast_in_dim3A_673 = vector.broadcast %broadcast_in_dim3A_672 : i32 to vector<16xi32>
      tpu.vector_store_idx %arg17[%add3A_625, %broadcast_in_dim3A_673], %exp3A_671 : memref<96x16xf32, #tpu.memory_space<vmem>>[vector<16xi32>, vector<16xi32>], vector<16xf32>,
      %broadcast_in_dim3A_674 = arith.constant 4 : i32
      %broadcast_in_dim3A_675 = vector.broadcast %broadcast_in_dim3A_674 : i32 to vector<16xi32>
      tpu.vector_store_idx %arg17[%add3A_625, %broadcast_in_dim3A_675], %broadcast_in_dim3A_1 : memref<96x16xf32, #tpu.memory_space<vmem>>[vector<16xi32>, vector<16xi32>], vector<16xf32>,
      %add3A_676 = arith.constant 80 : i32
      %add3A_677 = vector.broadcast %add3A_676 : i32 to vector<16xi32>
      %add3A_678 = arith.addi %iota3A, %add3A_677 : vector<16xi32>
      %get3A_679 = arith.constant 80 : index
      %get3A_680 = tpu.vector_load %arg18[%get3A_679] {strides = array<i32>} : memref<96xi32, #tpu.memory_space<vmem>>, vector<16xi32>,
      %get3A_681 = arith.constant 80 : index
      %get3A_682 = tpu.vector_load %arg19[%get3A_681] {strides = array<i32>} : memref<96xi32, #tpu.memory_space<vmem>>, vector<16xi32>,
      %get3A_683 = arith.constant 80 : index
      %get3A_684 = tpu.vector_load %arg20[%get3A_683] {strides = array<i32>} : memref<96xi32, #tpu.memory_space<vmem>>, vector<16xi32>,
      %shift_right_arithmetic3A_685 = arith.constant 4 : i32
      %shift_right_arithmetic3A_686 = vector.broadcast %shift_right_arithmetic3A_685 : i32 to vector<16xi32>
      %shift_right_arithmetic3A_687 = arith.shrsi %get3A_680, %shift_right_arithmetic3A_686 : vector<16xi32>
      %and3A_688 = arith.constant 15 : i32
      %and3A_689 = vector.broadcast %and3A_688 : i32 to vector<16xi32>
      %and3A_690 = arith.andi %get3A_680, %and3A_689 : vector<16xi32>
      %gather3A_691 = tpu.vector_load_idx %arg14[%shift_right_arithmetic3A_687, %and3A_690] : memref<640x16xi32, #tpu.memory_space<vmem>>[vector<16xi32>, vector<16xi32>], vector<16xi32>,
      %shift_right_arithmetic3A_692 = arith.constant 4 : i32
      %shift_right_arithmetic3A_693 = vector.broadcast %shift_right_arithmetic3A_692 : i32 to vector<16xi32>
      %shift_right_arithmetic3A_694 = arith.shrsi %get3A_682, %shift_right_arithmetic3A_693 : vector<16xi32>
      %and3A_695 = arith.constant 15 : i32
      %and3A_696 = vector.broadcast %and3A_695 : i32 to vector<16xi32>
      %and3A_697 = arith.andi %get3A_682, %and3A_696 : vector<16xi32>
      %gather3A_698 = tpu.vector_load_idx %arg14[%shift_right_arithmetic3A_694, %and3A_697] : memref<640x16xi32, #tpu.memory_space<vmem>>[vector<16xi32>, vector<16xi32>], vector<16xi32>,
      %mul3A_699 = arith.constant 16 : i32
      %mul3A_700 = vector.broadcast %mul3A_699 : i32 to vector<16xi32>
      %mul3A_701 = arith.muli %get3A_684, %mul3A_700 : vector<16xi32>
      %mul3A_702 = arith.constant 4 : i32
      %mul3A_703 = vector.broadcast %mul3A_702 : i32 to vector<16xi32>
      %mul3A_704 = arith.muli %gather3A_691, %mul3A_703 : vector<16xi32>
      %add3A_705 = arith.addi %mul3A_701, %mul3A_704 : vector<16xi32>
      %add3A_706 = arith.addi %add3A_705, %gather3A_698 : vector<16xi32>
      %swap3A_707 = arith.constant 80 : index
      %swap3A_708 = tpu.vector_load %arg21[%swap3A_707] {strides = array<i32>} : memref<96xi32, #tpu.memory_space<vmem>>, vector<16xi32>,
      tpu.vector_store %arg21[%swap3A_707], %add3A_706 {strides = array<i32>} : memref<96xi32, #tpu.memory_space<vmem>>, vector<16xi32>,
      %scan3A_709 = arith.constant 0 : i32
      %scan3A_710 = arith.constant 32 : i32
      %scan3A_711 = arith.addi %scan3A_709, %scan3A_710 : i32
      %scan3A_712 = arith.constant 1 : i32
      %scan3A_713:4 = scf.for %scan3A_730 = %scan3A_709 to %scan3A_711 step %scan3A_712 iter_args(%scan3A_731 = %broadcast_in_dim3A_3, %scan3A_732 = %broadcast_in_dim3A_3, %scan3A_733 = %broadcast_in_dim3A_3, %scan3A_734 = %broadcast_in_dim3A_3) -> (vector<16xf32>, vector<16xf32>, vector<16xf32>, vector<16xf32>)  : i32 {
        %broadcast_in_dim3A_735 = arith.constant 0 : i32
        %broadcast_in_dim3A_736 = vector.broadcast %broadcast_in_dim3A_735 : i32 to vector<16xi32>
        %add3A_737 = vector.broadcast %scan3A_730 : i32 to vector<16xi32>
        %add3A_738 = arith.addi %broadcast_in_dim3A_736, %add3A_737 : vector<16xi32>
        %gather3A_739 = tpu.vector_load_idx %arg15[%add3A_678, %add3A_738] : memref<96x128xf32, #tpu.memory_space<vmem>>[vector<16xi32>, vector<16xi32>], vector<16xf32>,
        %gather3A_740 = tpu.vector_load_idx %arg16[%add3A_678, %add3A_738] : memref<96x128xf32, #tpu.memory_space<vmem>>[vector<16xi32>, vector<16xi32>], vector<16xf32>,
        %gather3A_741 = tpu.vector_load_idx %arg13[%add3A_706, %add3A_738] : memref<624x128xf32, #tpu.memory_space<vmem>>[vector<16xi32>, vector<16xi32>], vector<16xf32>,
        %add3A_742 = arith.addf %gather3A_740, %gather3A_741 : vector<16xf32>
        %mul3A_743 = arith.mulf %gather3A_739, %add3A_742 : vector<16xf32>
        %add3A_744 = arith.addf %scan3A_731, %mul3A_743 : vector<16xf32>
        %broadcast_in_dim3A_745 = arith.constant 32 : i32
        %broadcast_in_dim3A_746 = vector.broadcast %broadcast_in_dim3A_745 : i32 to vector<16xi32>
        %add3A_747 = vector.broadcast %scan3A_730 : i32 to vector<16xi32>
        %add3A_748 = arith.addi %broadcast_in_dim3A_746, %add3A_747 : vector<16xi32>
        %gather3A_749 = tpu.vector_load_idx %arg15[%add3A_678, %add3A_748] : memref<96x128xf32, #tpu.memory_space<vmem>>[vector<16xi32>, vector<16xi32>], vector<16xf32>,
        %gather3A_750 = tpu.vector_load_idx %arg16[%add3A_678, %add3A_748] : memref<96x128xf32, #tpu.memory_space<vmem>>[vector<16xi32>, vector<16xi32>], vector<16xf32>,
        %gather3A_751 = tpu.vector_load_idx %arg13[%add3A_706, %add3A_748] : memref<624x128xf32, #tpu.memory_space<vmem>>[vector<16xi32>, vector<16xi32>], vector<16xf32>,
        %add3A_752 = arith.addf %gather3A_750, %gather3A_751 : vector<16xf32>
        %mul3A_753 = arith.mulf %gather3A_749, %add3A_752 : vector<16xf32>
        %add3A_754 = arith.addf %scan3A_732, %mul3A_753 : vector<16xf32>
        %broadcast_in_dim3A_755 = arith.constant 64 : i32
        %broadcast_in_dim3A_756 = vector.broadcast %broadcast_in_dim3A_755 : i32 to vector<16xi32>
        %add3A_757 = vector.broadcast %scan3A_730 : i32 to vector<16xi32>
        %add3A_758 = arith.addi %broadcast_in_dim3A_756, %add3A_757 : vector<16xi32>
        %gather3A_759 = tpu.vector_load_idx %arg15[%add3A_678, %add3A_758] : memref<96x128xf32, #tpu.memory_space<vmem>>[vector<16xi32>, vector<16xi32>], vector<16xf32>,
        %gather3A_760 = tpu.vector_load_idx %arg16[%add3A_678, %add3A_758] : memref<96x128xf32, #tpu.memory_space<vmem>>[vector<16xi32>, vector<16xi32>], vector<16xf32>,
        %gather3A_761 = tpu.vector_load_idx %arg13[%add3A_706, %add3A_758] : memref<624x128xf32, #tpu.memory_space<vmem>>[vector<16xi32>, vector<16xi32>], vector<16xf32>,
        %add3A_762 = arith.addf %gather3A_760, %gather3A_761 : vector<16xf32>
        %mul3A_763 = arith.mulf %gather3A_759, %add3A_762 : vector<16xf32>
        %add3A_764 = arith.addf %scan3A_733, %mul3A_763 : vector<16xf32>
        %broadcast_in_dim3A_765 = arith.constant 96 : i32
        %broadcast_in_dim3A_766 = vector.broadcast %broadcast_in_dim3A_765 : i32 to vector<16xi32>
        %add3A_767 = vector.broadcast %scan3A_730 : i32 to vector<16xi32>
        %add3A_768 = arith.addi %broadcast_in_dim3A_766, %add3A_767 : vector<16xi32>
        %gather3A_769 = tpu.vector_load_idx %arg15[%add3A_678, %add3A_768] : memref<96x128xf32, #tpu.memory_space<vmem>>[vector<16xi32>, vector<16xi32>], vector<16xf32>,
        %gather3A_770 = tpu.vector_load_idx %arg16[%add3A_678, %add3A_768] : memref<96x128xf32, #tpu.memory_space<vmem>>[vector<16xi32>, vector<16xi32>], vector<16xf32>,
        %gather3A_771 = tpu.vector_load_idx %arg13[%add3A_706, %add3A_768] : memref<624x128xf32, #tpu.memory_space<vmem>>[vector<16xi32>, vector<16xi32>], vector<16xf32>,
        %add3A_772 = arith.addf %gather3A_770, %gather3A_771 : vector<16xf32>
        %mul3A_773 = arith.mulf %gather3A_769, %add3A_772 : vector<16xf32>
        %add3A_774 = arith.addf %scan3A_734, %mul3A_773 : vector<16xf32>
        scf.yield %add3A_744, %add3A_754, %add3A_764, %add3A_774 : vector<16xf32>, vector<16xf32>, vector<16xf32>, vector<16xf32>
      }
      %scan3A_714 = arith.constant 32 : i32
      %exp3A_715 = math.exp %scan3A_713#0 : vector<16xf32>
      %broadcast_in_dim3A_716 = arith.constant 0 : i32
      %broadcast_in_dim3A_717 = vector.broadcast %broadcast_in_dim3A_716 : i32 to vector<16xi32>
      tpu.vector_store_idx %arg17[%add3A_678, %broadcast_in_dim3A_717], %exp3A_715 : memref<96x16xf32, #tpu.memory_space<vmem>>[vector<16xi32>, vector<16xi32>], vector<16xf32>,
      %exp3A_718 = math.exp %scan3A_713#1 : vector<16xf32>
      %broadcast_in_dim3A_719 = arith.constant 1 : i32
      %broadcast_in_dim3A_720 = vector.broadcast %broadcast_in_dim3A_719 : i32 to vector<16xi32>
      tpu.vector_store_idx %arg17[%add3A_678, %broadcast_in_dim3A_720], %exp3A_718 : memref<96x16xf32, #tpu.memory_space<vmem>>[vector<16xi32>, vector<16xi32>], vector<16xf32>,
      %exp3A_721 = math.exp %scan3A_713#2 : vector<16xf32>
      %broadcast_in_dim3A_722 = arith.constant 2 : i32
      %broadcast_in_dim3A_723 = vector.broadcast %broadcast_in_dim3A_722 : i32 to vector<16xi32>
      tpu.vector_store_idx %arg17[%add3A_678, %broadcast_in_dim3A_723], %exp3A_721 : memref<96x16xf32, #tpu.memory_space<vmem>>[vector<16xi32>, vector<16xi32>], vector<16xf32>,
      %exp3A_724 = math.exp %scan3A_713#3 : vector<16xf32>
      %broadcast_in_dim3A_725 = arith.constant 3 : i32
      %broadcast_in_dim3A_726 = vector.broadcast %broadcast_in_dim3A_725 : i32 to vector<16xi32>
      tpu.vector_store_idx %arg17[%add3A_678, %broadcast_in_dim3A_726], %exp3A_724 : memref<96x16xf32, #tpu.memory_space<vmem>>[vector<16xi32>, vector<16xi32>], vector<16xf32>,
      %broadcast_in_dim3A_727 = arith.constant 4 : i32
      %broadcast_in_dim3A_728 = vector.broadcast %broadcast_in_dim3A_727 : i32 to vector<16xi32>
      tpu.vector_store_idx %arg17[%add3A_678, %broadcast_in_dim3A_728], %broadcast_in_dim3A_1 : memref<96x16xf32, #tpu.memory_space<vmem>>[vector<16xi32>, vector<16xi32>], vector<16xf32>,
      "tpu.region"() ({
        %run_scoped3A = tpu.sem_alloc : memref<!tpu.dma_semaphore, #tpu.memory_space<semaphore_mem>>
        %dma_start3A_730 = arith.constant 0 : i32
        %dma_start3A_731 = tpu.memref_slice %arg10[%add3A_405, %dma_start3A_730] : memref<331776x16xf32, #tpu.memory_space<hbm>> -> memref<96x16xf32, #tpu.memory_space<hbm>>
        %dma_start3A_732 = arith.constant 0 : i32
        %dma_start3A_733 = tpu.memref_slice %arg10[%add3A_405, %dma_start3A_732] : memref<331776x16xf32, #tpu.memory_space<hbm>> -> memref<96x16xf32, #tpu.memory_space<hbm>>
        tpu.enqueue_dma source(%arg17 : memref<96x16xf32, #tpu.memory_space<vmem>>) target(%dma_start3A_733 : memref<96x16xf32, #tpu.memory_space<hbm>>) target_semaphore(%run_scoped3A : memref<!tpu.dma_semaphore, #tpu.memory_space<semaphore_mem>>)
        %dma_wait3A_734 = arith.constant 0 : i32
        %dma_wait3A_735 = tpu.memref_slice %arg10[%add3A_405, %dma_wait3A_734] : memref<331776x16xf32, #tpu.memory_space<hbm>> -> memref<96x16xf32, #tpu.memory_space<hbm>>
        %dma_wait3A_736 = arith.constant 0 : i32
        %dma_wait3A_737 = tpu.memref_slice %arg10[%add3A_405, %dma_wait3A_736] : memref<331776x16xf32, #tpu.memory_space<hbm>> -> memref<96x16xf32, #tpu.memory_space<hbm>>
        tpu.wait_dma2 semaphore(%run_scoped3A : memref<!tpu.dma_semaphore, #tpu.memory_space<semaphore_mem>>) src(%arg17 : memref<96x16xf32, #tpu.memory_space<vmem>>) dst(%dma_wait3A_737 : memref<96x16xf32, #tpu.memory_space<hbm>>)
        tpu.yield
      }) : () -> ()
      "tpu.region"() ({
        %run_scoped3A = tpu.sem_alloc : memref<!tpu.dma_semaphore, #tpu.memory_space<semaphore_mem>>
        %dma_start3A_730 = tpu.memref_slice %arg12[%add3A_405] : memref<331776xi32, #tpu.memory_space<hbm>> -> memref<96xi32, #tpu.memory_space<hbm>>
        %dma_start3A_731 = tpu.memref_slice %arg12[%add3A_405] : memref<331776xi32, #tpu.memory_space<hbm>> -> memref<96xi32, #tpu.memory_space<hbm>>
        tpu.enqueue_dma source(%arg21 : memref<96xi32, #tpu.memory_space<vmem>>) target(%dma_start3A_731 : memref<96xi32, #tpu.memory_space<hbm>>) target_semaphore(%run_scoped3A : memref<!tpu.dma_semaphore, #tpu.memory_space<semaphore_mem>>)
        %dma_wait3A_732 = tpu.memref_slice %arg12[%add3A_405] : memref<331776xi32, #tpu.memory_space<hbm>> -> memref<96xi32, #tpu.memory_space<hbm>>
        %dma_wait3A_733 = tpu.memref_slice %arg12[%add3A_405] : memref<331776xi32, #tpu.memory_space<hbm>> -> memref<96xi32, #tpu.memory_space<hbm>>
        tpu.wait_dma2 semaphore(%run_scoped3A : memref<!tpu.dma_semaphore, #tpu.memory_space<semaphore_mem>>) src(%arg21 : memref<96xi32, #tpu.memory_space<vmem>>) dst(%dma_wait3A_733 : memref<96xi32, #tpu.memory_space<hbm>>)
        tpu.yield
      }) : () -> ()
      "tpu.region"() ({
        %run_scoped3A = tpu.sem_alloc : memref<!tpu.dma_semaphore, #tpu.memory_space<semaphore_mem>>
        %dma_start3A_730 = arith.constant 0 : i32
        %dma_start3A_731 = arith.constant 0 : i32
        %dma_start3A_732 = tpu.memref_slice %arg22[%dma_start3A_730, %dma_start3A_731] : memref<10240x16xf32, #tpu.memory_space<vmem_shared>> -> memref<10240x16xf32, #tpu.memory_space<vmem_shared>>
        tpu.enqueue_indirect_dma source(%arg17 : memref<96x16xf32, #tpu.memory_space<vmem>>) target(%dma_start3A_732 : memref<10240x16xf32, #tpu.memory_space<vmem_shared>>) offsets(%arg18 : memref<96xi32, #tpu.memory_space<vmem>>) semaphore(%run_scoped3A : memref<!tpu.dma_semaphore, #tpu.memory_space<semaphore_mem>>) {add = true}
        %dma_wait3A_733 = arith.constant 0 : i32
        %dma_wait3A_734 = arith.constant 0 : i32
        %dma_wait3A_735 = tpu.memref_slice %arg22[%dma_wait3A_733, %dma_wait3A_734] : memref<10240x16xf32, #tpu.memory_space<vmem_shared>> -> memref<10240x16xf32, #tpu.memory_space<vmem_shared>>
        tpu.wait_indirect_dma semaphore(%run_scoped3A : memref<!tpu.dma_semaphore, #tpu.memory_space<semaphore_mem>>) src(%arg17 : memref<96x16xf32, #tpu.memory_space<vmem>>) dst(%dma_wait3A_735 : memref<10240x16xf32, #tpu.memory_space<vmem_shared>>)
        tpu.yield
      }) : () -> ()
      %scan3A_729 = arith.constant 0 : i32
      scf.yield %scan3A_729 : i32
    }
    %scan3A_394 = arith.constant 108 : i32
    %barrier3A_395 = arith.constant 0 : index
    tpu.barrier barrier_id(%barrier3A_395)
    %mul3A_396 = arith.constant 10240 : i32
    %mul3A_397 = arith.muli %arg0, %mul3A_396 : i32
    %add3A_398 = arith.addi %mul3A_397, %mul3A_5 : i32
    "tpu.region"() ({
      %run_scoped3A = tpu.sem_alloc : memref<!tpu.dma_semaphore, #tpu.memory_space<semaphore_mem>>
      %dma_start3A = arith.constant 0 : i32
      %dma_start3A_399 = tpu.memref_slice %arg11[%add3A_398, %dma_start3A] : memref<20480x16xf32, #tpu.memory_space<hbm>> -> memref<640x16xf32, #tpu.memory_space<hbm>>
      %dma_start3A_400 = arith.constant 0 : i32
      %dma_start3A_401 = tpu.memref_slice %arg22[%mul3A_5, %dma_start3A_400] : memref<10240x16xf32, #tpu.memory_space<vmem_shared>> -> memref<640x16xf32, #tpu.memory_space<vmem_shared>>
      tpu.enqueue_dma source(%dma_start3A_401 : memref<640x16xf32, #tpu.memory_space<vmem_shared>>) target(%dma_start3A_399 : memref<640x16xf32, #tpu.memory_space<hbm>>) target_semaphore(%run_scoped3A : memref<!tpu.dma_semaphore, #tpu.memory_space<semaphore_mem>>)
      %dma_wait3A = arith.constant 0 : i32
      %dma_wait3A_402 = tpu.memref_slice %arg11[%add3A_398, %dma_wait3A] : memref<20480x16xf32, #tpu.memory_space<hbm>> -> memref<640x16xf32, #tpu.memory_space<hbm>>
      %dma_wait3A_403 = arith.constant 0 : i32
      %dma_wait3A_404 = tpu.memref_slice %arg22[%mul3A_5, %dma_wait3A_403] : memref<10240x16xf32, #tpu.memory_space<vmem_shared>> -> memref<640x16xf32, #tpu.memory_space<vmem_shared>>
      tpu.wait_dma2 semaphore(%run_scoped3A : memref<!tpu.dma_semaphore, #tpu.memory_space<semaphore_mem>>) src(%dma_wait3A_404 : memref<640x16xf32, #tpu.memory_space<vmem_shared>>) dst(%dma_wait3A_402 : memref<640x16xf32, #tpu.memory_space<hbm>>)
      tpu.yield
    }) : () -> ()
    return
  }
}

#map = affine_map<(d0, d1) -> (0, 0)>
#map1 = affine_map<(d0, d1) -> (0)>
module attributes {stable_mosaic.version = 14 : i64} {
  func.func @_pass2_body(%arg0: i32, %arg1: i32, %arg2: memref<10240x128xf32, #tpu.memory_space<hbm>>, %arg3: memref<624x128xf32, #tpu.memory_space<hbm>>, %arg4: memref<331776xi32, #tpu.memory_space<hbm>>, %arg5: memref<331776xi32, #tpu.memory_space<hbm>>, %arg6: memref<331776xi32, #tpu.memory_space<hbm>>, %arg7: memref<331776x16xf32, #tpu.memory_space<hbm>>, %arg8: memref<20480x16xf32, #tpu.memory_space<hbm>>, %arg9: memref<10240x128xf32, #tpu.memory_space<hbm>>, %arg10: memref<20480x128xf32, #tpu.memory_space<hbm>>, %arg11: memref<96x128xf32, #tpu.memory_space<vmem>>, %arg12: memref<96x128xf32, #tpu.memory_space<vmem>>, %arg13: memref<96x128xf32, #tpu.memory_space<vmem>>, %arg14: memref<96x16xf32, #tpu.memory_space<vmem>>, %arg15: memref<96x16xf32, #tpu.memory_space<vmem>>, %arg16: memref<96xi32, #tpu.memory_space<vmem>>, %arg17: memref<96x16xf32, #tpu.memory_space<vmem>>, %arg18: memref<96xi32, #tpu.memory_space<vmem>>, %arg19: memref<96xi32, #tpu.memory_space<vmem>>, %arg20: memref<96xi32, #tpu.memory_space<vmem>>, %arg21: memref<10240x128xf32, #tpu.memory_space<vmem_shared>>, %arg22: memref<!tpu.dma_semaphore, #tpu.memory_space<semaphore_mem>>, %arg23: memref<!tpu.dma_semaphore, #tpu.memory_space<semaphore_mem>>) attributes {dimension_semantics = [#tpu.dimension_semantics<core_parallel>, #tpu.dimension_semantics<subcore_parallel>], iteration_bounds = array<i64: 2, 16>, scalar_prefetch = 0 : i64, scratch_operands = 13 : i64, tpu.core_type = #tpu.core_type<sc_vector_subcore>, window_params = [{transform_indices = #map}, {transform_indices = #map}, {transform_indices = #map1}, {transform_indices = #map1}, {transform_indices = #map1}, {transform_indices = #map}, {transform_indices = #map}, {transform_indices = #map}, {transform_indices = #map}]} {
    %mul3A = arith.constant 2 : i32
    %mul3A_0 = arith.muli %arg1, %mul3A : i32
    %add3A = arith.addi %mul3A_0, %arg0 : i32
    %iota3A = tpu.iota {dimensions = array<i32: 0>} : vector<16xi32>
    %mul3A_1 = arith.constant 640 : i32
    %mul3A_2 = arith.muli %arg1, %mul3A_1 : i32
    "tpu.region"() ({
      %run_scoped3A = tpu.sem_alloc : memref<!tpu.dma_semaphore, #tpu.memory_space<semaphore_mem>>
      %dma_start3A = arith.constant 0 : i32
      %dma_start3A_13 = tpu.memref_slice %arg21[%mul3A_2, %dma_start3A] : memref<10240x128xf32, #tpu.memory_space<vmem_shared>> -> memref<640x128xf32, #tpu.memory_space<vmem_shared>>
      %dma_start3A_14 = arith.constant 0 : i32
      %dma_start3A_15 = tpu.memref_slice %arg9[%mul3A_2, %dma_start3A_14] : memref<10240x128xf32, #tpu.memory_space<hbm>> -> memref<640x128xf32, #tpu.memory_space<hbm>>
      tpu.enqueue_dma source(%dma_start3A_15 : memref<640x128xf32, #tpu.memory_space<hbm>>) target(%dma_start3A_13 : memref<640x128xf32, #tpu.memory_space<vmem_shared>>) target_semaphore(%run_scoped3A : memref<!tpu.dma_semaphore, #tpu.memory_space<semaphore_mem>>)
      %dma_wait3A = arith.constant 0 : i32
      %dma_wait3A_16 = tpu.memref_slice %arg21[%mul3A_2, %dma_wait3A] : memref<10240x128xf32, #tpu.memory_space<vmem_shared>> -> memref<640x128xf32, #tpu.memory_space<vmem_shared>>
      %dma_wait3A_17 = arith.constant 0 : i32
      %dma_wait3A_18 = tpu.memref_slice %arg9[%mul3A_2, %dma_wait3A_17] : memref<10240x128xf32, #tpu.memory_space<hbm>> -> memref<640x128xf32, #tpu.memory_space<hbm>>
      tpu.wait_dma2 semaphore(%run_scoped3A : memref<!tpu.dma_semaphore, #tpu.memory_space<semaphore_mem>>) src(%dma_wait3A_18 : memref<640x128xf32, #tpu.memory_space<hbm>>) dst(%dma_wait3A_16 : memref<640x128xf32, #tpu.memory_space<vmem_shared>>)
      tpu.yield
    }) : () -> ()
    %barrier3A = arith.constant 0 : index
    tpu.barrier barrier_id(%barrier3A)
    %scan3A = arith.constant 0 : i32
    %scan3A_3 = arith.constant 0 : i32
    %scan3A_4 = arith.constant 108 : i32
    %scan3A_5 = arith.addi %scan3A_3, %scan3A_4 : i32
    %scan3A_6 = arith.constant 1 : i32
    %scan3A_7 = scf.for %scan3A_13 = %scan3A_3 to %scan3A_5 step %scan3A_6 iter_args(%scan3A_14 = %scan3A) -> (i32)  : i32 {
      %mul3A_15 = arith.constant 10368 : i32
      %mul3A_16 = arith.muli %add3A, %mul3A_15 : i32
      %mul3A_17 = arith.constant 96 : i32
      %mul3A_18 = arith.muli %scan3A_13, %mul3A_17 : i32
      %add3A_19 = arith.addi %mul3A_16, %mul3A_18 : i32
      "tpu.region"() ({
        %run_scoped3A = tpu.sem_alloc : memref<!tpu.dma_semaphore, #tpu.memory_space<semaphore_mem>>
        %dma_start3A_434 = tpu.memref_slice %arg4[%add3A_19] : memref<331776xi32, #tpu.memory_space<hbm>> -> memref<96xi32, #tpu.memory_space<hbm>>
        %dma_start3A_435 = tpu.memref_slice %arg4[%add3A_19] : memref<331776xi32, #tpu.memory_space<hbm>> -> memref<96xi32, #tpu.memory_space<hbm>>
        tpu.enqueue_dma source(%dma_start3A_435 : memref<96xi32, #tpu.memory_space<hbm>>) target(%arg18 : memref<96xi32, #tpu.memory_space<vmem>>) target_semaphore(%run_scoped3A : memref<!tpu.dma_semaphore, #tpu.memory_space<semaphore_mem>>)
        %dma_wait3A_436 = tpu.memref_slice %arg4[%add3A_19] : memref<331776xi32, #tpu.memory_space<hbm>> -> memref<96xi32, #tpu.memory_space<hbm>>
        %dma_wait3A_437 = tpu.memref_slice %arg4[%add3A_19] : memref<331776xi32, #tpu.memory_space<hbm>> -> memref<96xi32, #tpu.memory_space<hbm>>
        tpu.wait_dma2 semaphore(%run_scoped3A : memref<!tpu.dma_semaphore, #tpu.memory_space<semaphore_mem>>) src(%dma_wait3A_437 : memref<96xi32, #tpu.memory_space<hbm>>) dst(%arg18 : memref<96xi32, #tpu.memory_space<vmem>>)
        tpu.yield
      }) : () -> ()
      "tpu.region"() ({
        %run_scoped3A = tpu.sem_alloc : memref<!tpu.dma_semaphore, #tpu.memory_space<semaphore_mem>>
        %dma_start3A_434 = tpu.memref_slice %arg5[%add3A_19] : memref<331776xi32, #tpu.memory_space<hbm>> -> memref<96xi32, #tpu.memory_space<hbm>>
        %dma_start3A_435 = tpu.memref_slice %arg5[%add3A_19] : memref<331776xi32, #tpu.memory_space<hbm>> -> memref<96xi32, #tpu.memory_space<hbm>>
        tpu.enqueue_dma source(%dma_start3A_435 : memref<96xi32, #tpu.memory_space<hbm>>) target(%arg19 : memref<96xi32, #tpu.memory_space<vmem>>) target_semaphore(%run_scoped3A : memref<!tpu.dma_semaphore, #tpu.memory_space<semaphore_mem>>)
        %dma_wait3A_436 = tpu.memref_slice %arg5[%add3A_19] : memref<331776xi32, #tpu.memory_space<hbm>> -> memref<96xi32, #tpu.memory_space<hbm>>
        %dma_wait3A_437 = tpu.memref_slice %arg5[%add3A_19] : memref<331776xi32, #tpu.memory_space<hbm>> -> memref<96xi32, #tpu.memory_space<hbm>>
        tpu.wait_dma2 semaphore(%run_scoped3A : memref<!tpu.dma_semaphore, #tpu.memory_space<semaphore_mem>>) src(%dma_wait3A_437 : memref<96xi32, #tpu.memory_space<hbm>>) dst(%arg19 : memref<96xi32, #tpu.memory_space<vmem>>)
        tpu.yield
      }) : () -> ()
      "tpu.region"() ({
        %run_scoped3A = tpu.sem_alloc : memref<!tpu.dma_semaphore, #tpu.memory_space<semaphore_mem>>
        %dma_start3A_434 = tpu.memref_slice %arg6[%add3A_19] : memref<331776xi32, #tpu.memory_space<hbm>> -> memref<96xi32, #tpu.memory_space<hbm>>
        %dma_start3A_435 = tpu.memref_slice %arg6[%add3A_19] : memref<331776xi32, #tpu.memory_space<hbm>> -> memref<96xi32, #tpu.memory_space<hbm>>
        tpu.enqueue_dma source(%dma_start3A_435 : memref<96xi32, #tpu.memory_space<hbm>>) target(%arg20 : memref<96xi32, #tpu.memory_space<vmem>>) target_semaphore(%run_scoped3A : memref<!tpu.dma_semaphore, #tpu.memory_space<semaphore_mem>>)
        %dma_wait3A_436 = tpu.memref_slice %arg6[%add3A_19] : memref<331776xi32, #tpu.memory_space<hbm>> -> memref<96xi32, #tpu.memory_space<hbm>>
        %dma_wait3A_437 = tpu.memref_slice %arg6[%add3A_19] : memref<331776xi32, #tpu.memory_space<hbm>> -> memref<96xi32, #tpu.memory_space<hbm>>
        tpu.wait_dma2 semaphore(%run_scoped3A : memref<!tpu.dma_semaphore, #tpu.memory_space<semaphore_mem>>) src(%dma_wait3A_437 : memref<96xi32, #tpu.memory_space<hbm>>) dst(%arg20 : memref<96xi32, #tpu.memory_space<vmem>>)
        tpu.yield
      }) : () -> ()
      "tpu.region"() ({
        %run_scoped3A = tpu.sem_alloc : memref<!tpu.dma_semaphore, #tpu.memory_space<semaphore_mem>>
        %dma_start3A_434 = arith.constant 0 : i32
        %dma_start3A_435 = tpu.memref_slice %arg7[%add3A_19, %dma_start3A_434] : memref<331776x16xf32, #tpu.memory_space<hbm>> -> memref<96x16xf32, #tpu.memory_space<hbm>>
        %dma_start3A_436 = arith.constant 0 : i32
        %dma_start3A_437 = tpu.memref_slice %arg7[%add3A_19, %dma_start3A_436] : memref<331776x16xf32, #tpu.memory_space<hbm>> -> memref<96x16xf32, #tpu.memory_space<hbm>>
        tpu.enqueue_dma source(%dma_start3A_437 : memref<96x16xf32, #tpu.memory_space<hbm>>) target(%arg17 : memref<96x16xf32, #tpu.memory_space<vmem>>) target_semaphore(%run_scoped3A : memref<!tpu.dma_semaphore, #tpu.memory_space<semaphore_mem>>)
        %dma_wait3A_438 = arith.constant 0 : i32
        %dma_wait3A_439 = tpu.memref_slice %arg7[%add3A_19, %dma_wait3A_438] : memref<331776x16xf32, #tpu.memory_space<hbm>> -> memref<96x16xf32, #tpu.memory_space<hbm>>
        %dma_wait3A_440 = arith.constant 0 : i32
        %dma_wait3A_441 = tpu.memref_slice %arg7[%add3A_19, %dma_wait3A_440] : memref<331776x16xf32, #tpu.memory_space<hbm>> -> memref<96x16xf32, #tpu.memory_space<hbm>>
        tpu.wait_dma2 semaphore(%run_scoped3A : memref<!tpu.dma_semaphore, #tpu.memory_space<semaphore_mem>>) src(%dma_wait3A_441 : memref<96x16xf32, #tpu.memory_space<hbm>>) dst(%arg17 : memref<96x16xf32, #tpu.memory_space<vmem>>)
        tpu.yield
      }) : () -> ()
      %get3A = arith.constant 0 : index
      %get3A_20 = tpu.vector_load %arg18[%get3A] {strides = array<i32>} : memref<96xi32, #tpu.memory_space<vmem>>, vector<16xi32>,
      %add3A_21 = arith.constant 10240 : i32
      %add3A_22 = vector.broadcast %add3A_21 : i32 to vector<16xi32>
      %add3A_23 = arith.addi %get3A_20, %add3A_22 : vector<16xi32>
      %swap3A = arith.constant 0 : index
      %swap3A_24 = tpu.vector_load %arg16[%swap3A] {strides = array<i32>} : memref<96xi32, #tpu.memory_space<vmem>>, vector<16xi32>,
      tpu.vector_store %arg16[%swap3A], %add3A_23 {strides = array<i32>} : memref<96xi32, #tpu.memory_space<vmem>>, vector<16xi32>,
      %get3A_25 = arith.constant 16 : index
      %get3A_26 = tpu.vector_load %arg18[%get3A_25] {strides = array<i32>} : memref<96xi32, #tpu.memory_space<vmem>>, vector<16xi32>,
      %add3A_27 = arith.constant 10240 : i32
      %add3A_28 = vector.broadcast %add3A_27 : i32 to vector<16xi32>
      %add3A_29 = arith.addi %get3A_26, %add3A_28 : vector<16xi32>
      %swap3A_30 = arith.constant 16 : index
      %swap3A_31 = tpu.vector_load %arg16[%swap3A_30] {strides = array<i32>} : memref<96xi32, #tpu.memory_space<vmem>>, vector<16xi32>,
      tpu.vector_store %arg16[%swap3A_30], %add3A_29 {strides = array<i32>} : memref<96xi32, #tpu.memory_space<vmem>>, vector<16xi32>,
      %get3A_32 = arith.constant 32 : index
      %get3A_33 = tpu.vector_load %arg18[%get3A_32] {strides = array<i32>} : memref<96xi32, #tpu.memory_space<vmem>>, vector<16xi32>,
      %add3A_34 = arith.constant 10240 : i32
      %add3A_35 = vector.broadcast %add3A_34 : i32 to vector<16xi32>
      %add3A_36 = arith.addi %get3A_33, %add3A_35 : vector<16xi32>
      %swap3A_37 = arith.constant 32 : index
      %swap3A_38 = tpu.vector_load %arg16[%swap3A_37] {strides = array<i32>} : memref<96xi32, #tpu.memory_space<vmem>>, vector<16xi32>,
      tpu.vector_store %arg16[%swap3A_37], %add3A_36 {strides = array<i32>} : memref<96xi32, #tpu.memory_space<vmem>>, vector<16xi32>,
      %get3A_39 = arith.constant 48 : index
      %get3A_40 = tpu.vector_load %arg18[%get3A_39] {strides = array<i32>} : memref<96xi32, #tpu.memory_space<vmem>>, vector<16xi32>,
      %add3A_41 = arith.constant 10240 : i32
      %add3A_42 = vector.broadcast %add3A_41 : i32 to vector<16xi32>
      %add3A_43 = arith.addi %get3A_40, %add3A_42 : vector<16xi32>
      %swap3A_44 = arith.constant 48 : index
      %swap3A_45 = tpu.vector_load %arg16[%swap3A_44] {strides = array<i32>} : memref<96xi32, #tpu.memory_space<vmem>>, vector<16xi32>,
      tpu.vector_store %arg16[%swap3A_44], %add3A_43 {strides = array<i32>} : memref<96xi32, #tpu.memory_space<vmem>>, vector<16xi32>,
      %get3A_46 = arith.constant 64 : index
      %get3A_47 = tpu.vector_load %arg18[%get3A_46] {strides = array<i32>} : memref<96xi32, #tpu.memory_space<vmem>>, vector<16xi32>,
      %add3A_48 = arith.constant 10240 : i32
      %add3A_49 = vector.broadcast %add3A_48 : i32 to vector<16xi32>
      %add3A_50 = arith.addi %get3A_47, %add3A_49 : vector<16xi32>
      %swap3A_51 = arith.constant 64 : index
      %swap3A_52 = tpu.vector_load %arg16[%swap3A_51] {strides = array<i32>} : memref<96xi32, #tpu.memory_space<vmem>>, vector<16xi32>,
      tpu.vector_store %arg16[%swap3A_51], %add3A_50 {strides = array<i32>} : memref<96xi32, #tpu.memory_space<vmem>>, vector<16xi32>,
      %get3A_53 = arith.constant 80 : index
      %get3A_54 = tpu.vector_load %arg18[%get3A_53] {strides = array<i32>} : memref<96xi32, #tpu.memory_space<vmem>>, vector<16xi32>,
      %add3A_55 = arith.constant 10240 : i32
      %add3A_56 = vector.broadcast %add3A_55 : i32 to vector<16xi32>
      %add3A_57 = arith.addi %get3A_54, %add3A_56 : vector<16xi32>
      %swap3A_58 = arith.constant 80 : index
      %swap3A_59 = tpu.vector_load %arg16[%swap3A_58] {strides = array<i32>} : memref<96xi32, #tpu.memory_space<vmem>>, vector<16xi32>,
      tpu.vector_store %arg16[%swap3A_58], %add3A_57 {strides = array<i32>} : memref<96xi32, #tpu.memory_space<vmem>>, vector<16xi32>,
      %dma_start3A = arith.constant 0 : i32
      %dma_start3A_60 = arith.constant 0 : i32
      %dma_start3A_61 = tpu.memref_slice %arg2[%dma_start3A, %dma_start3A_60] : memref<10240x128xf32, #tpu.memory_space<hbm>> -> memref<10240x128xf32, #tpu.memory_space<hbm>>
      tpu.enqueue_indirect_dma source(%dma_start3A_61 : memref<10240x128xf32, #tpu.memory_space<hbm>>) target(%arg11 : memref<96x128xf32, #tpu.memory_space<vmem>>) offsets(%arg18 : memref<96xi32, #tpu.memory_space<vmem>>) semaphore(%arg22 : memref<!tpu.dma_semaphore, #tpu.memory_space<semaphore_mem>>)
      %dma_start3A_62 = arith.constant 0 : i32
      %dma_start3A_63 = arith.constant 0 : i32
      %dma_start3A_64 = tpu.memref_slice %arg8[%dma_start3A_62, %dma_start3A_63] : memref<20480x16xf32, #tpu.memory_space<hbm>> -> memref<20480x16xf32, #tpu.memory_space<hbm>>
      tpu.enqueue_indirect_dma source(%dma_start3A_64 : memref<20480x16xf32, #tpu.memory_space<hbm>>) target(%arg14 : memref<96x16xf32, #tpu.memory_space<vmem>>) offsets(%arg18 : memref<96xi32, #tpu.memory_space<vmem>>) semaphore(%arg23 : memref<!tpu.dma_semaphore, #tpu.memory_space<semaphore_mem>>)
      %dma_wait3A = arith.constant 0 : i32
      %dma_wait3A_65 = arith.constant 0 : i32
      %dma_wait3A_66 = tpu.memref_slice %arg2[%dma_wait3A, %dma_wait3A_65] : memref<10240x128xf32, #tpu.memory_space<hbm>> -> memref<10240x128xf32, #tpu.memory_space<hbm>>
      tpu.wait_indirect_dma semaphore(%arg22 : memref<!tpu.dma_semaphore, #tpu.memory_space<semaphore_mem>>) src(%dma_wait3A_66 : memref<10240x128xf32, #tpu.memory_space<hbm>>) dst(%arg11 : memref<96x128xf32, #tpu.memory_space<vmem>>)
      %dma_wait3A_67 = arith.constant 0 : i32
      %dma_wait3A_68 = arith.constant 0 : i32
      %dma_wait3A_69 = tpu.memref_slice %arg8[%dma_wait3A_67, %dma_wait3A_68] : memref<20480x16xf32, #tpu.memory_space<hbm>> -> memref<20480x16xf32, #tpu.memory_space<hbm>>
      tpu.wait_indirect_dma semaphore(%arg23 : memref<!tpu.dma_semaphore, #tpu.memory_space<semaphore_mem>>) src(%dma_wait3A_69 : memref<20480x16xf32, #tpu.memory_space<hbm>>) dst(%arg14 : memref<96x16xf32, #tpu.memory_space<vmem>>)
      %dma_start3A_70 = arith.constant 0 : i32
      %dma_start3A_71 = arith.constant 0 : i32
      %dma_start3A_72 = tpu.memref_slice %arg3[%dma_start3A_70, %dma_start3A_71] : memref<624x128xf32, #tpu.memory_space<hbm>> -> memref<624x128xf32, #tpu.memory_space<hbm>>
      tpu.enqueue_indirect_dma source(%dma_start3A_72 : memref<624x128xf32, #tpu.memory_space<hbm>>) target(%arg12 : memref<96x128xf32, #tpu.memory_space<vmem>>) offsets(%arg20 : memref<96xi32, #tpu.memory_space<vmem>>) semaphore(%arg22 : memref<!tpu.dma_semaphore, #tpu.memory_space<semaphore_mem>>)
      %dma_start3A_73 = arith.constant 0 : i32
      %dma_start3A_74 = arith.constant 0 : i32
      %dma_start3A_75 = tpu.memref_slice %arg8[%dma_start3A_73, %dma_start3A_74] : memref<20480x16xf32, #tpu.memory_space<hbm>> -> memref<20480x16xf32, #tpu.memory_space<hbm>>
      tpu.enqueue_indirect_dma source(%dma_start3A_75 : memref<20480x16xf32, #tpu.memory_space<hbm>>) target(%arg15 : memref<96x16xf32, #tpu.memory_space<vmem>>) offsets(%arg16 : memref<96xi32, #tpu.memory_space<vmem>>) semaphore(%arg23 : memref<!tpu.dma_semaphore, #tpu.memory_space<semaphore_mem>>)
      %dma_wait3A_76 = arith.constant 0 : i32
      %dma_wait3A_77 = arith.constant 0 : i32
      %dma_wait3A_78 = tpu.memref_slice %arg3[%dma_wait3A_76, %dma_wait3A_77] : memref<624x128xf32, #tpu.memory_space<hbm>> -> memref<624x128xf32, #tpu.memory_space<hbm>>
      tpu.wait_indirect_dma semaphore(%arg22 : memref<!tpu.dma_semaphore, #tpu.memory_space<semaphore_mem>>) src(%dma_wait3A_78 : memref<624x128xf32, #tpu.memory_space<hbm>>) dst(%arg12 : memref<96x128xf32, #tpu.memory_space<vmem>>)
      %dma_wait3A_79 = arith.constant 0 : i32
      %dma_wait3A_80 = arith.constant 0 : i32
      %dma_wait3A_81 = tpu.memref_slice %arg8[%dma_wait3A_79, %dma_wait3A_80] : memref<20480x16xf32, #tpu.memory_space<hbm>> -> memref<20480x16xf32, #tpu.memory_space<hbm>>
      tpu.wait_indirect_dma semaphore(%arg23 : memref<!tpu.dma_semaphore, #tpu.memory_space<semaphore_mem>>) src(%dma_wait3A_81 : memref<20480x16xf32, #tpu.memory_space<hbm>>) dst(%arg15 : memref<96x16xf32, #tpu.memory_space<vmem>>)
      %add3A_82 = arith.constant 0 : i32
      %add3A_83 = vector.broadcast %add3A_82 : i32 to vector<16xi32>
      %add3A_84 = arith.addi %iota3A, %add3A_83 : vector<16xi32>
      %broadcast_in_dim3A = arith.constant 4 : i32
      %broadcast_in_dim3A_85 = vector.broadcast %broadcast_in_dim3A : i32 to vector<16xi32>
      %gather3A = tpu.vector_load_idx %arg14[%add3A_84, %broadcast_in_dim3A_85] : memref<96x16xf32, #tpu.memory_space<vmem>>[vector<16xi32>, vector<16xi32>], vector<16xf32>,
      %gather3A_86 = tpu.vector_load_idx %arg15[%add3A_84, %broadcast_in_dim3A_85] : memref<96x16xf32, #tpu.memory_space<vmem>>[vector<16xi32>, vector<16xi32>], vector<16xf32>,
      %add3A_87 = arith.addf %gather3A, %gather3A_86 : vector<16xf32>
      %broadcast_in_dim3A_88 = arith.constant 0 : i32
      %broadcast_in_dim3A_89 = vector.broadcast %broadcast_in_dim3A_88 : i32 to vector<16xi32>
      %gather3A_90 = tpu.vector_load_idx %arg14[%add3A_84, %broadcast_in_dim3A_89] : memref<96x16xf32, #tpu.memory_space<vmem>>[vector<16xi32>, vector<16xi32>], vector<16xf32>,
      %gather3A_91 = tpu.vector_load_idx %arg15[%add3A_84, %broadcast_in_dim3A_89] : memref<96x16xf32, #tpu.memory_space<vmem>>[vector<16xi32>, vector<16xi32>], vector<16xf32>,
      %add3A_92 = arith.addf %gather3A_90, %gather3A_91 : vector<16xf32>
      %gather3A_93 = tpu.vector_load_idx %arg17[%add3A_84, %broadcast_in_dim3A_89] : memref<96x16xf32, #tpu.memory_space<vmem>>[vector<16xi32>, vector<16xi32>], vector<16xf32>,
      %mul3A_94 = arith.mulf %gather3A_93, %add3A_87 : vector<16xf32>
      %add3A_95 = arith.constant 1.000000e-16 : f32
      %add3A_96 = vector.broadcast %add3A_95 : f32 to vector<16xf32>
      %add3A_97 = arith.addf %add3A_92, %add3A_96 : vector<16xf32>
      %div3A = arith.divf %mul3A_94, %add3A_97 : vector<16xf32>
      %broadcast_in_dim3A_98 = arith.constant 1 : i32
      %broadcast_in_dim3A_99 = vector.broadcast %broadcast_in_dim3A_98 : i32 to vector<16xi32>
      %gather3A_100 = tpu.vector_load_idx %arg14[%add3A_84, %broadcast_in_dim3A_99] : memref<96x16xf32, #tpu.memory_space<vmem>>[vector<16xi32>, vector<16xi32>], vector<16xf32>,
      %gather3A_101 = tpu.vector_load_idx %arg15[%add3A_84, %broadcast_in_dim3A_99] : memref<96x16xf32, #tpu.memory_space<vmem>>[vector<16xi32>, vector<16xi32>], vector<16xf32>,
      %add3A_102 = arith.addf %gather3A_100, %gather3A_101 : vector<16xf32>
      %gather3A_103 = tpu.vector_load_idx %arg17[%add3A_84, %broadcast_in_dim3A_99] : memref<96x16xf32, #tpu.memory_space<vmem>>[vector<16xi32>, vector<16xi32>], vector<16xf32>,
      %mul3A_104 = arith.mulf %gather3A_103, %add3A_87 : vector<16xf32>
      %add3A_105 = arith.constant 1.000000e-16 : f32
      %add3A_106 = vector.broadcast %add3A_105 : f32 to vector<16xf32>
      %add3A_107 = arith.addf %add3A_102, %add3A_106 : vector<16xf32>
      %div3A_108 = arith.divf %mul3A_104, %add3A_107 : vector<16xf32>
      %broadcast_in_dim3A_109 = arith.constant 2 : i32
      %broadcast_in_dim3A_110 = vector.broadcast %broadcast_in_dim3A_109 : i32 to vector<16xi32>
      %gather3A_111 = tpu.vector_load_idx %arg14[%add3A_84, %broadcast_in_dim3A_110] : memref<96x16xf32, #tpu.memory_space<vmem>>[vector<16xi32>, vector<16xi32>], vector<16xf32>,
      %gather3A_112 = tpu.vector_load_idx %arg15[%add3A_84, %broadcast_in_dim3A_110] : memref<96x16xf32, #tpu.memory_space<vmem>>[vector<16xi32>, vector<16xi32>], vector<16xf32>,
      %add3A_113 = arith.addf %gather3A_111, %gather3A_112 : vector<16xf32>
      %gather3A_114 = tpu.vector_load_idx %arg17[%add3A_84, %broadcast_in_dim3A_110] : memref<96x16xf32, #tpu.memory_space<vmem>>[vector<16xi32>, vector<16xi32>], vector<16xf32>,
      %mul3A_115 = arith.mulf %gather3A_114, %add3A_87 : vector<16xf32>
      %add3A_116 = arith.constant 1.000000e-16 : f32
      %add3A_117 = vector.broadcast %add3A_116 : f32 to vector<16xf32>
      %add3A_118 = arith.addf %add3A_113, %add3A_117 : vector<16xf32>
      %div3A_119 = arith.divf %mul3A_115, %add3A_118 : vector<16xf32>
      %broadcast_in_dim3A_120 = arith.constant 3 : i32
      %broadcast_in_dim3A_121 = vector.broadcast %broadcast_in_dim3A_120 : i32 to vector<16xi32>
      %gather3A_122 = tpu.vector_load_idx %arg14[%add3A_84, %broadcast_in_dim3A_121] : memref<96x16xf32, #tpu.memory_space<vmem>>[vector<16xi32>, vector<16xi32>], vector<16xf32>,
      %gather3A_123 = tpu.vector_load_idx %arg15[%add3A_84, %broadcast_in_dim3A_121] : memref<96x16xf32, #tpu.memory_space<vmem>>[vector<16xi32>, vector<16xi32>], vector<16xf32>,
      %add3A_124 = arith.addf %gather3A_122, %gather3A_123 : vector<16xf32>
      %gather3A_125 = tpu.vector_load_idx %arg17[%add3A_84, %broadcast_in_dim3A_121] : memref<96x16xf32, #tpu.memory_space<vmem>>[vector<16xi32>, vector<16xi32>], vector<16xf32>,
      %mul3A_126 = arith.mulf %gather3A_125, %add3A_87 : vector<16xf32>
      %add3A_127 = arith.constant 1.000000e-16 : f32
      %add3A_128 = vector.broadcast %add3A_127 : f32 to vector<16xf32>
      %add3A_129 = arith.addf %add3A_124, %add3A_128 : vector<16xf32>
      %div3A_130 = arith.divf %mul3A_126, %add3A_129 : vector<16xf32>
      %scan3A_131 = arith.constant 0 : i32
      %scan3A_132 = arith.constant 0 : i32
      %scan3A_133 = arith.constant 32 : i32
      %scan3A_134 = arith.addi %scan3A_132, %scan3A_133 : i32
      %scan3A_135 = arith.constant 1 : i32
      %scan3A_136 = scf.for %scan3A_434 = %scan3A_132 to %scan3A_134 step %scan3A_135 iter_args(%scan3A_435 = %scan3A_131) -> (i32)  : i32 {
        %broadcast_in_dim3A_436 = arith.constant 0 : i32
        %broadcast_in_dim3A_437 = vector.broadcast %broadcast_in_dim3A_436 : i32 to vector<16xi32>
        %add3A_438 = vector.broadcast %scan3A_434 : i32 to vector<16xi32>
        %add3A_439 = arith.addi %broadcast_in_dim3A_437, %add3A_438 : vector<16xi32>
        %gather3A_440 = tpu.vector_load_idx %arg11[%add3A_84, %add3A_439] : memref<96x128xf32, #tpu.memory_space<vmem>>[vector<16xi32>, vector<16xi32>], vector<16xf32>,
        %gather3A_441 = tpu.vector_load_idx %arg12[%add3A_84, %add3A_439] : memref<96x128xf32, #tpu.memory_space<vmem>>[vector<16xi32>, vector<16xi32>], vector<16xf32>,
        %add3A_442 = arith.addf %gather3A_440, %gather3A_441 : vector<16xf32>
        %mul3A_443 = arith.mulf %add3A_442, %div3A : vector<16xf32>
        tpu.vector_store_idx %arg13[%add3A_84, %add3A_439], %mul3A_443 : memref<96x128xf32, #tpu.memory_space<vmem>>[vector<16xi32>, vector<16xi32>], vector<16xf32>,
        %broadcast_in_dim3A_444 = arith.constant 32 : i32
        %broadcast_in_dim3A_445 = vector.broadcast %broadcast_in_dim3A_444 : i32 to vector<16xi32>
        %add3A_446 = vector.broadcast %scan3A_434 : i32 to vector<16xi32>
        %add3A_447 = arith.addi %broadcast_in_dim3A_445, %add3A_446 : vector<16xi32>
        %gather3A_448 = tpu.vector_load_idx %arg11[%add3A_84, %add3A_447] : memref<96x128xf32, #tpu.memory_space<vmem>>[vector<16xi32>, vector<16xi32>], vector<16xf32>,
        %gather3A_449 = tpu.vector_load_idx %arg12[%add3A_84, %add3A_447] : memref<96x128xf32, #tpu.memory_space<vmem>>[vector<16xi32>, vector<16xi32>], vector<16xf32>,
        %add3A_450 = arith.addf %gather3A_448, %gather3A_449 : vector<16xf32>
        %mul3A_451 = arith.mulf %add3A_450, %div3A_108 : vector<16xf32>
        tpu.vector_store_idx %arg13[%add3A_84, %add3A_447], %mul3A_451 : memref<96x128xf32, #tpu.memory_space<vmem>>[vector<16xi32>, vector<16xi32>], vector<16xf32>,
        %broadcast_in_dim3A_452 = arith.constant 64 : i32
        %broadcast_in_dim3A_453 = vector.broadcast %broadcast_in_dim3A_452 : i32 to vector<16xi32>
        %add3A_454 = vector.broadcast %scan3A_434 : i32 to vector<16xi32>
        %add3A_455 = arith.addi %broadcast_in_dim3A_453, %add3A_454 : vector<16xi32>
        %gather3A_456 = tpu.vector_load_idx %arg11[%add3A_84, %add3A_455] : memref<96x128xf32, #tpu.memory_space<vmem>>[vector<16xi32>, vector<16xi32>], vector<16xf32>,
        %gather3A_457 = tpu.vector_load_idx %arg12[%add3A_84, %add3A_455] : memref<96x128xf32, #tpu.memory_space<vmem>>[vector<16xi32>, vector<16xi32>], vector<16xf32>,
        %add3A_458 = arith.addf %gather3A_456, %gather3A_457 : vector<16xf32>
        %mul3A_459 = arith.mulf %add3A_458, %div3A_119 : vector<16xf32>
        tpu.vector_store_idx %arg13[%add3A_84, %add3A_455], %mul3A_459 : memref<96x128xf32, #tpu.memory_space<vmem>>[vector<16xi32>, vector<16xi32>], vector<16xf32>,
        %broadcast_in_dim3A_460 = arith.constant 96 : i32
        %broadcast_in_dim3A_461 = vector.broadcast %broadcast_in_dim3A_460 : i32 to vector<16xi32>
        %add3A_462 = vector.broadcast %scan3A_434 : i32 to vector<16xi32>
        %add3A_463 = arith.addi %broadcast_in_dim3A_461, %add3A_462 : vector<16xi32>
        %gather3A_464 = tpu.vector_load_idx %arg11[%add3A_84, %add3A_463] : memref<96x128xf32, #tpu.memory_space<vmem>>[vector<16xi32>, vector<16xi32>], vector<16xf32>,
        %gather3A_465 = tpu.vector_load_idx %arg12[%add3A_84, %add3A_463] : memref<96x128xf32, #tpu.memory_space<vmem>>[vector<16xi32>, vector<16xi32>], vector<16xf32>,
        %add3A_466 = arith.addf %gather3A_464, %gather3A_465 : vector<16xf32>
        %mul3A_467 = arith.mulf %add3A_466, %div3A_130 : vector<16xf32>
        tpu.vector_store_idx %arg13[%add3A_84, %add3A_463], %mul3A_467 : memref<96x128xf32, #tpu.memory_space<vmem>>[vector<16xi32>, vector<16xi32>], vector<16xf32>,
        %scan3A_468 = arith.constant 0 : i32
        scf.yield %scan3A_468 : i32
      }
      %scan3A_137 = arith.constant 32 : i32
      %add3A_138 = arith.constant 16 : i32
      %add3A_139 = vector.broadcast %add3A_138 : i32 to vector<16xi32>
      %add3A_140 = arith.addi %iota3A, %add3A_139 : vector<16xi32>
      %broadcast_in_dim3A_141 = arith.constant 4 : i32
      %broadcast_in_dim3A_142 = vector.broadcast %broadcast_in_dim3A_141 : i32 to vector<16xi32>
      %gather3A_143 = tpu.vector_load_idx %arg14[%add3A_140, %broadcast_in_dim3A_142] : memref<96x16xf32, #tpu.memory_space<vmem>>[vector<16xi32>, vector<16xi32>], vector<16xf32>,
      %gather3A_144 = tpu.vector_load_idx %arg15[%add3A_140, %broadcast_in_dim3A_142] : memref<96x16xf32, #tpu.memory_space<vmem>>[vector<16xi32>, vector<16xi32>], vector<16xf32>,
      %add3A_145 = arith.addf %gather3A_143, %gather3A_144 : vector<16xf32>
      %broadcast_in_dim3A_146 = arith.constant 0 : i32
      %broadcast_in_dim3A_147 = vector.broadcast %broadcast_in_dim3A_146 : i32 to vector<16xi32>
      %gather3A_148 = tpu.vector_load_idx %arg14[%add3A_140, %broadcast_in_dim3A_147] : memref<96x16xf32, #tpu.memory_space<vmem>>[vector<16xi32>, vector<16xi32>], vector<16xf32>,
      %gather3A_149 = tpu.vector_load_idx %arg15[%add3A_140, %broadcast_in_dim3A_147] : memref<96x16xf32, #tpu.memory_space<vmem>>[vector<16xi32>, vector<16xi32>], vector<16xf32>,
      %add3A_150 = arith.addf %gather3A_148, %gather3A_149 : vector<16xf32>
      %gather3A_151 = tpu.vector_load_idx %arg17[%add3A_140, %broadcast_in_dim3A_147] : memref<96x16xf32, #tpu.memory_space<vmem>>[vector<16xi32>, vector<16xi32>], vector<16xf32>,
      %mul3A_152 = arith.mulf %gather3A_151, %add3A_145 : vector<16xf32>
      %add3A_153 = arith.constant 1.000000e-16 : f32
      %add3A_154 = vector.broadcast %add3A_153 : f32 to vector<16xf32>
      %add3A_155 = arith.addf %add3A_150, %add3A_154 : vector<16xf32>
      %div3A_156 = arith.divf %mul3A_152, %add3A_155 : vector<16xf32>
      %broadcast_in_dim3A_157 = arith.constant 1 : i32
      %broadcast_in_dim3A_158 = vector.broadcast %broadcast_in_dim3A_157 : i32 to vector<16xi32>
      %gather3A_159 = tpu.vector_load_idx %arg14[%add3A_140, %broadcast_in_dim3A_158] : memref<96x16xf32, #tpu.memory_space<vmem>>[vector<16xi32>, vector<16xi32>], vector<16xf32>,
      %gather3A_160 = tpu.vector_load_idx %arg15[%add3A_140, %broadcast_in_dim3A_158] : memref<96x16xf32, #tpu.memory_space<vmem>>[vector<16xi32>, vector<16xi32>], vector<16xf32>,
      %add3A_161 = arith.addf %gather3A_159, %gather3A_160 : vector<16xf32>
      %gather3A_162 = tpu.vector_load_idx %arg17[%add3A_140, %broadcast_in_dim3A_158] : memref<96x16xf32, #tpu.memory_space<vmem>>[vector<16xi32>, vector<16xi32>], vector<16xf32>,
      %mul3A_163 = arith.mulf %gather3A_162, %add3A_145 : vector<16xf32>
      %add3A_164 = arith.constant 1.000000e-16 : f32
      %add3A_165 = vector.broadcast %add3A_164 : f32 to vector<16xf32>
      %add3A_166 = arith.addf %add3A_161, %add3A_165 : vector<16xf32>
      %div3A_167 = arith.divf %mul3A_163, %add3A_166 : vector<16xf32>
      %broadcast_in_dim3A_168 = arith.constant 2 : i32
      %broadcast_in_dim3A_169 = vector.broadcast %broadcast_in_dim3A_168 : i32 to vector<16xi32>
      %gather3A_170 = tpu.vector_load_idx %arg14[%add3A_140, %broadcast_in_dim3A_169] : memref<96x16xf32, #tpu.memory_space<vmem>>[vector<16xi32>, vector<16xi32>], vector<16xf32>,
      %gather3A_171 = tpu.vector_load_idx %arg15[%add3A_140, %broadcast_in_dim3A_169] : memref<96x16xf32, #tpu.memory_space<vmem>>[vector<16xi32>, vector<16xi32>], vector<16xf32>,
      %add3A_172 = arith.addf %gather3A_170, %gather3A_171 : vector<16xf32>
      %gather3A_173 = tpu.vector_load_idx %arg17[%add3A_140, %broadcast_in_dim3A_169] : memref<96x16xf32, #tpu.memory_space<vmem>>[vector<16xi32>, vector<16xi32>], vector<16xf32>,
      %mul3A_174 = arith.mulf %gather3A_173, %add3A_145 : vector<16xf32>
      %add3A_175 = arith.constant 1.000000e-16 : f32
      %add3A_176 = vector.broadcast %add3A_175 : f32 to vector<16xf32>
      %add3A_177 = arith.addf %add3A_172, %add3A_176 : vector<16xf32>
      %div3A_178 = arith.divf %mul3A_174, %add3A_177 : vector<16xf32>
      %broadcast_in_dim3A_179 = arith.constant 3 : i32
      %broadcast_in_dim3A_180 = vector.broadcast %broadcast_in_dim3A_179 : i32 to vector<16xi32>
      %gather3A_181 = tpu.vector_load_idx %arg14[%add3A_140, %broadcast_in_dim3A_180] : memref<96x16xf32, #tpu.memory_space<vmem>>[vector<16xi32>, vector<16xi32>], vector<16xf32>,
      %gather3A_182 = tpu.vector_load_idx %arg15[%add3A_140, %broadcast_in_dim3A_180] : memref<96x16xf32, #tpu.memory_space<vmem>>[vector<16xi32>, vector<16xi32>], vector<16xf32>,
      %add3A_183 = arith.addf %gather3A_181, %gather3A_182 : vector<16xf32>
      %gather3A_184 = tpu.vector_load_idx %arg17[%add3A_140, %broadcast_in_dim3A_180] : memref<96x16xf32, #tpu.memory_space<vmem>>[vector<16xi32>, vector<16xi32>], vector<16xf32>,
      %mul3A_185 = arith.mulf %gather3A_184, %add3A_145 : vector<16xf32>
      %add3A_186 = arith.constant 1.000000e-16 : f32
      %add3A_187 = vector.broadcast %add3A_186 : f32 to vector<16xf32>
      %add3A_188 = arith.addf %add3A_183, %add3A_187 : vector<16xf32>
      %div3A_189 = arith.divf %mul3A_185, %add3A_188 : vector<16xf32>
      %scan3A_190 = arith.constant 0 : i32
      %scan3A_191 = arith.constant 0 : i32
      %scan3A_192 = arith.constant 32 : i32
      %scan3A_193 = arith.addi %scan3A_191, %scan3A_192 : i32
      %scan3A_194 = arith.constant 1 : i32
      %scan3A_195 = scf.for %scan3A_434 = %scan3A_191 to %scan3A_193 step %scan3A_194 iter_args(%scan3A_435 = %scan3A_190) -> (i32)  : i32 {
        %broadcast_in_dim3A_436 = arith.constant 0 : i32
        %broadcast_in_dim3A_437 = vector.broadcast %broadcast_in_dim3A_436 : i32 to vector<16xi32>
        %add3A_438 = vector.broadcast %scan3A_434 : i32 to vector<16xi32>
        %add3A_439 = arith.addi %broadcast_in_dim3A_437, %add3A_438 : vector<16xi32>
        %gather3A_440 = tpu.vector_load_idx %arg11[%add3A_140, %add3A_439] : memref<96x128xf32, #tpu.memory_space<vmem>>[vector<16xi32>, vector<16xi32>], vector<16xf32>,
        %gather3A_441 = tpu.vector_load_idx %arg12[%add3A_140, %add3A_439] : memref<96x128xf32, #tpu.memory_space<vmem>>[vector<16xi32>, vector<16xi32>], vector<16xf32>,
        %add3A_442 = arith.addf %gather3A_440, %gather3A_441 : vector<16xf32>
        %mul3A_443 = arith.mulf %add3A_442, %div3A_156 : vector<16xf32>
        tpu.vector_store_idx %arg13[%add3A_140, %add3A_439], %mul3A_443 : memref<96x128xf32, #tpu.memory_space<vmem>>[vector<16xi32>, vector<16xi32>], vector<16xf32>,
        %broadcast_in_dim3A_444 = arith.constant 32 : i32
        %broadcast_in_dim3A_445 = vector.broadcast %broadcast_in_dim3A_444 : i32 to vector<16xi32>
        %add3A_446 = vector.broadcast %scan3A_434 : i32 to vector<16xi32>
        %add3A_447 = arith.addi %broadcast_in_dim3A_445, %add3A_446 : vector<16xi32>
        %gather3A_448 = tpu.vector_load_idx %arg11[%add3A_140, %add3A_447] : memref<96x128xf32, #tpu.memory_space<vmem>>[vector<16xi32>, vector<16xi32>], vector<16xf32>,
        %gather3A_449 = tpu.vector_load_idx %arg12[%add3A_140, %add3A_447] : memref<96x128xf32, #tpu.memory_space<vmem>>[vector<16xi32>, vector<16xi32>], vector<16xf32>,
        %add3A_450 = arith.addf %gather3A_448, %gather3A_449 : vector<16xf32>
        %mul3A_451 = arith.mulf %add3A_450, %div3A_167 : vector<16xf32>
        tpu.vector_store_idx %arg13[%add3A_140, %add3A_447], %mul3A_451 : memref<96x128xf32, #tpu.memory_space<vmem>>[vector<16xi32>, vector<16xi32>], vector<16xf32>,
        %broadcast_in_dim3A_452 = arith.constant 64 : i32
        %broadcast_in_dim3A_453 = vector.broadcast %broadcast_in_dim3A_452 : i32 to vector<16xi32>
        %add3A_454 = vector.broadcast %scan3A_434 : i32 to vector<16xi32>
        %add3A_455 = arith.addi %broadcast_in_dim3A_453, %add3A_454 : vector<16xi32>
        %gather3A_456 = tpu.vector_load_idx %arg11[%add3A_140, %add3A_455] : memref<96x128xf32, #tpu.memory_space<vmem>>[vector<16xi32>, vector<16xi32>], vector<16xf32>,
        %gather3A_457 = tpu.vector_load_idx %arg12[%add3A_140, %add3A_455] : memref<96x128xf32, #tpu.memory_space<vmem>>[vector<16xi32>, vector<16xi32>], vector<16xf32>,
        %add3A_458 = arith.addf %gather3A_456, %gather3A_457 : vector<16xf32>
        %mul3A_459 = arith.mulf %add3A_458, %div3A_178 : vector<16xf32>
        tpu.vector_store_idx %arg13[%add3A_140, %add3A_455], %mul3A_459 : memref<96x128xf32, #tpu.memory_space<vmem>>[vector<16xi32>, vector<16xi32>], vector<16xf32>,
        %broadcast_in_dim3A_460 = arith.constant 96 : i32
        %broadcast_in_dim3A_461 = vector.broadcast %broadcast_in_dim3A_460 : i32 to vector<16xi32>
        %add3A_462 = vector.broadcast %scan3A_434 : i32 to vector<16xi32>
        %add3A_463 = arith.addi %broadcast_in_dim3A_461, %add3A_462 : vector<16xi32>
        %gather3A_464 = tpu.vector_load_idx %arg11[%add3A_140, %add3A_463] : memref<96x128xf32, #tpu.memory_space<vmem>>[vector<16xi32>, vector<16xi32>], vector<16xf32>,
        %gather3A_465 = tpu.vector_load_idx %arg12[%add3A_140, %add3A_463] : memref<96x128xf32, #tpu.memory_space<vmem>>[vector<16xi32>, vector<16xi32>], vector<16xf32>,
        %add3A_466 = arith.addf %gather3A_464, %gather3A_465 : vector<16xf32>
        %mul3A_467 = arith.mulf %add3A_466, %div3A_189 : vector<16xf32>
        tpu.vector_store_idx %arg13[%add3A_140, %add3A_463], %mul3A_467 : memref<96x128xf32, #tpu.memory_space<vmem>>[vector<16xi32>, vector<16xi32>], vector<16xf32>,
        %scan3A_468 = arith.constant 0 : i32
        scf.yield %scan3A_468 : i32
      }
      %scan3A_196 = arith.constant 32 : i32
      %add3A_197 = arith.constant 32 : i32
      %add3A_198 = vector.broadcast %add3A_197 : i32 to vector<16xi32>
      %add3A_199 = arith.addi %iota3A, %add3A_198 : vector<16xi32>
      %broadcast_in_dim3A_200 = arith.constant 4 : i32
      %broadcast_in_dim3A_201 = vector.broadcast %broadcast_in_dim3A_200 : i32 to vector<16xi32>
      %gather3A_202 = tpu.vector_load_idx %arg14[%add3A_199, %broadcast_in_dim3A_201] : memref<96x16xf32, #tpu.memory_space<vmem>>[vector<16xi32>, vector<16xi32>], vector<16xf32>,
      %gather3A_203 = tpu.vector_load_idx %arg15[%add3A_199, %broadcast_in_dim3A_201] : memref<96x16xf32, #tpu.memory_space<vmem>>[vector<16xi32>, vector<16xi32>], vector<16xf32>,
      %add3A_204 = arith.addf %gather3A_202, %gather3A_203 : vector<16xf32>
      %broadcast_in_dim3A_205 = arith.constant 0 : i32
      %broadcast_in_dim3A_206 = vector.broadcast %broadcast_in_dim3A_205 : i32 to vector<16xi32>
      %gather3A_207 = tpu.vector_load_idx %arg14[%add3A_199, %broadcast_in_dim3A_206] : memref<96x16xf32, #tpu.memory_space<vmem>>[vector<16xi32>, vector<16xi32>], vector<16xf32>,
      %gather3A_208 = tpu.vector_load_idx %arg15[%add3A_199, %broadcast_in_dim3A_206] : memref<96x16xf32, #tpu.memory_space<vmem>>[vector<16xi32>, vector<16xi32>], vector<16xf32>,
      %add3A_209 = arith.addf %gather3A_207, %gather3A_208 : vector<16xf32>
      %gather3A_210 = tpu.vector_load_idx %arg17[%add3A_199, %broadcast_in_dim3A_206] : memref<96x16xf32, #tpu.memory_space<vmem>>[vector<16xi32>, vector<16xi32>], vector<16xf32>,
      %mul3A_211 = arith.mulf %gather3A_210, %add3A_204 : vector<16xf32>
      %add3A_212 = arith.constant 1.000000e-16 : f32
      %add3A_213 = vector.broadcast %add3A_212 : f32 to vector<16xf32>
      %add3A_214 = arith.addf %add3A_209, %add3A_213 : vector<16xf32>
      %div3A_215 = arith.divf %mul3A_211, %add3A_214 : vector<16xf32>
      %broadcast_in_dim3A_216 = arith.constant 1 : i32
      %broadcast_in_dim3A_217 = vector.broadcast %broadcast_in_dim3A_216 : i32 to vector<16xi32>
      %gather3A_218 = tpu.vector_load_idx %arg14[%add3A_199, %broadcast_in_dim3A_217] : memref<96x16xf32, #tpu.memory_space<vmem>>[vector<16xi32>, vector<16xi32>], vector<16xf32>,
      %gather3A_219 = tpu.vector_load_idx %arg15[%add3A_199, %broadcast_in_dim3A_217] : memref<96x16xf32, #tpu.memory_space<vmem>>[vector<16xi32>, vector<16xi32>], vector<16xf32>,
      %add3A_220 = arith.addf %gather3A_218, %gather3A_219 : vector<16xf32>
      %gather3A_221 = tpu.vector_load_idx %arg17[%add3A_199, %broadcast_in_dim3A_217] : memref<96x16xf32, #tpu.memory_space<vmem>>[vector<16xi32>, vector<16xi32>], vector<16xf32>,
      %mul3A_222 = arith.mulf %gather3A_221, %add3A_204 : vector<16xf32>
      %add3A_223 = arith.constant 1.000000e-16 : f32
      %add3A_224 = vector.broadcast %add3A_223 : f32 to vector<16xf32>
      %add3A_225 = arith.addf %add3A_220, %add3A_224 : vector<16xf32>
      %div3A_226 = arith.divf %mul3A_222, %add3A_225 : vector<16xf32>
      %broadcast_in_dim3A_227 = arith.constant 2 : i32
      %broadcast_in_dim3A_228 = vector.broadcast %broadcast_in_dim3A_227 : i32 to vector<16xi32>
      %gather3A_229 = tpu.vector_load_idx %arg14[%add3A_199, %broadcast_in_dim3A_228] : memref<96x16xf32, #tpu.memory_space<vmem>>[vector<16xi32>, vector<16xi32>], vector<16xf32>,
      %gather3A_230 = tpu.vector_load_idx %arg15[%add3A_199, %broadcast_in_dim3A_228] : memref<96x16xf32, #tpu.memory_space<vmem>>[vector<16xi32>, vector<16xi32>], vector<16xf32>,
      %add3A_231 = arith.addf %gather3A_229, %gather3A_230 : vector<16xf32>
      %gather3A_232 = tpu.vector_load_idx %arg17[%add3A_199, %broadcast_in_dim3A_228] : memref<96x16xf32, #tpu.memory_space<vmem>>[vector<16xi32>, vector<16xi32>], vector<16xf32>,
      %mul3A_233 = arith.mulf %gather3A_232, %add3A_204 : vector<16xf32>
      %add3A_234 = arith.constant 1.000000e-16 : f32
      %add3A_235 = vector.broadcast %add3A_234 : f32 to vector<16xf32>
      %add3A_236 = arith.addf %add3A_231, %add3A_235 : vector<16xf32>
      %div3A_237 = arith.divf %mul3A_233, %add3A_236 : vector<16xf32>
      %broadcast_in_dim3A_238 = arith.constant 3 : i32
      %broadcast_in_dim3A_239 = vector.broadcast %broadcast_in_dim3A_238 : i32 to vector<16xi32>
      %gather3A_240 = tpu.vector_load_idx %arg14[%add3A_199, %broadcast_in_dim3A_239] : memref<96x16xf32, #tpu.memory_space<vmem>>[vector<16xi32>, vector<16xi32>], vector<16xf32>,
      %gather3A_241 = tpu.vector_load_idx %arg15[%add3A_199, %broadcast_in_dim3A_239] : memref<96x16xf32, #tpu.memory_space<vmem>>[vector<16xi32>, vector<16xi32>], vector<16xf32>,
      %add3A_242 = arith.addf %gather3A_240, %gather3A_241 : vector<16xf32>
      %gather3A_243 = tpu.vector_load_idx %arg17[%add3A_199, %broadcast_in_dim3A_239] : memref<96x16xf32, #tpu.memory_space<vmem>>[vector<16xi32>, vector<16xi32>], vector<16xf32>,
      %mul3A_244 = arith.mulf %gather3A_243, %add3A_204 : vector<16xf32>
      %add3A_245 = arith.constant 1.000000e-16 : f32
      %add3A_246 = vector.broadcast %add3A_245 : f32 to vector<16xf32>
      %add3A_247 = arith.addf %add3A_242, %add3A_246 : vector<16xf32>
      %div3A_248 = arith.divf %mul3A_244, %add3A_247 : vector<16xf32>
      %scan3A_249 = arith.constant 0 : i32
      %scan3A_250 = arith.constant 0 : i32
      %scan3A_251 = arith.constant 32 : i32
      %scan3A_252 = arith.addi %scan3A_250, %scan3A_251 : i32
      %scan3A_253 = arith.constant 1 : i32
      %scan3A_254 = scf.for %scan3A_434 = %scan3A_250 to %scan3A_252 step %scan3A_253 iter_args(%scan3A_435 = %scan3A_249) -> (i32)  : i32 {
        %broadcast_in_dim3A_436 = arith.constant 0 : i32
        %broadcast_in_dim3A_437 = vector.broadcast %broadcast_in_dim3A_436 : i32 to vector<16xi32>
        %add3A_438 = vector.broadcast %scan3A_434 : i32 to vector<16xi32>
        %add3A_439 = arith.addi %broadcast_in_dim3A_437, %add3A_438 : vector<16xi32>
        %gather3A_440 = tpu.vector_load_idx %arg11[%add3A_199, %add3A_439] : memref<96x128xf32, #tpu.memory_space<vmem>>[vector<16xi32>, vector<16xi32>], vector<16xf32>,
        %gather3A_441 = tpu.vector_load_idx %arg12[%add3A_199, %add3A_439] : memref<96x128xf32, #tpu.memory_space<vmem>>[vector<16xi32>, vector<16xi32>], vector<16xf32>,
        %add3A_442 = arith.addf %gather3A_440, %gather3A_441 : vector<16xf32>
        %mul3A_443 = arith.mulf %add3A_442, %div3A_215 : vector<16xf32>
        tpu.vector_store_idx %arg13[%add3A_199, %add3A_439], %mul3A_443 : memref<96x128xf32, #tpu.memory_space<vmem>>[vector<16xi32>, vector<16xi32>], vector<16xf32>,
        %broadcast_in_dim3A_444 = arith.constant 32 : i32
        %broadcast_in_dim3A_445 = vector.broadcast %broadcast_in_dim3A_444 : i32 to vector<16xi32>
        %add3A_446 = vector.broadcast %scan3A_434 : i32 to vector<16xi32>
        %add3A_447 = arith.addi %broadcast_in_dim3A_445, %add3A_446 : vector<16xi32>
        %gather3A_448 = tpu.vector_load_idx %arg11[%add3A_199, %add3A_447] : memref<96x128xf32, #tpu.memory_space<vmem>>[vector<16xi32>, vector<16xi32>], vector<16xf32>,
        %gather3A_449 = tpu.vector_load_idx %arg12[%add3A_199, %add3A_447] : memref<96x128xf32, #tpu.memory_space<vmem>>[vector<16xi32>, vector<16xi32>], vector<16xf32>,
        %add3A_450 = arith.addf %gather3A_448, %gather3A_449 : vector<16xf32>
        %mul3A_451 = arith.mulf %add3A_450, %div3A_226 : vector<16xf32>
        tpu.vector_store_idx %arg13[%add3A_199, %add3A_447], %mul3A_451 : memref<96x128xf32, #tpu.memory_space<vmem>>[vector<16xi32>, vector<16xi32>], vector<16xf32>,
        %broadcast_in_dim3A_452 = arith.constant 64 : i32
        %broadcast_in_dim3A_453 = vector.broadcast %broadcast_in_dim3A_452 : i32 to vector<16xi32>
        %add3A_454 = vector.broadcast %scan3A_434 : i32 to vector<16xi32>
        %add3A_455 = arith.addi %broadcast_in_dim3A_453, %add3A_454 : vector<16xi32>
        %gather3A_456 = tpu.vector_load_idx %arg11[%add3A_199, %add3A_455] : memref<96x128xf32, #tpu.memory_space<vmem>>[vector<16xi32>, vector<16xi32>], vector<16xf32>,
        %gather3A_457 = tpu.vector_load_idx %arg12[%add3A_199, %add3A_455] : memref<96x128xf32, #tpu.memory_space<vmem>>[vector<16xi32>, vector<16xi32>], vector<16xf32>,
        %add3A_458 = arith.addf %gather3A_456, %gather3A_457 : vector<16xf32>
        %mul3A_459 = arith.mulf %add3A_458, %div3A_237 : vector<16xf32>
        tpu.vector_store_idx %arg13[%add3A_199, %add3A_455], %mul3A_459 : memref<96x128xf32, #tpu.memory_space<vmem>>[vector<16xi32>, vector<16xi32>], vector<16xf32>,
        %broadcast_in_dim3A_460 = arith.constant 96 : i32
        %broadcast_in_dim3A_461 = vector.broadcast %broadcast_in_dim3A_460 : i32 to vector<16xi32>
        %add3A_462 = vector.broadcast %scan3A_434 : i32 to vector<16xi32>
        %add3A_463 = arith.addi %broadcast_in_dim3A_461, %add3A_462 : vector<16xi32>
        %gather3A_464 = tpu.vector_load_idx %arg11[%add3A_199, %add3A_463] : memref<96x128xf32, #tpu.memory_space<vmem>>[vector<16xi32>, vector<16xi32>], vector<16xf32>,
        %gather3A_465 = tpu.vector_load_idx %arg12[%add3A_199, %add3A_463] : memref<96x128xf32, #tpu.memory_space<vmem>>[vector<16xi32>, vector<16xi32>], vector<16xf32>,
        %add3A_466 = arith.addf %gather3A_464, %gather3A_465 : vector<16xf32>
        %mul3A_467 = arith.mulf %add3A_466, %div3A_248 : vector<16xf32>
        tpu.vector_store_idx %arg13[%add3A_199, %add3A_463], %mul3A_467 : memref<96x128xf32, #tpu.memory_space<vmem>>[vector<16xi32>, vector<16xi32>], vector<16xf32>,
        %scan3A_468 = arith.constant 0 : i32
        scf.yield %scan3A_468 : i32
      }
      %scan3A_255 = arith.constant 32 : i32
      %add3A_256 = arith.constant 48 : i32
      %add3A_257 = vector.broadcast %add3A_256 : i32 to vector<16xi32>
      %add3A_258 = arith.addi %iota3A, %add3A_257 : vector<16xi32>
      %broadcast_in_dim3A_259 = arith.constant 4 : i32
      %broadcast_in_dim3A_260 = vector.broadcast %broadcast_in_dim3A_259 : i32 to vector<16xi32>
      %gather3A_261 = tpu.vector_load_idx %arg14[%add3A_258, %broadcast_in_dim3A_260] : memref<96x16xf32, #tpu.memory_space<vmem>>[vector<16xi32>, vector<16xi32>], vector<16xf32>,
      %gather3A_262 = tpu.vector_load_idx %arg15[%add3A_258, %broadcast_in_dim3A_260] : memref<96x16xf32, #tpu.memory_space<vmem>>[vector<16xi32>, vector<16xi32>], vector<16xf32>,
      %add3A_263 = arith.addf %gather3A_261, %gather3A_262 : vector<16xf32>
      %broadcast_in_dim3A_264 = arith.constant 0 : i32
      %broadcast_in_dim3A_265 = vector.broadcast %broadcast_in_dim3A_264 : i32 to vector<16xi32>
      %gather3A_266 = tpu.vector_load_idx %arg14[%add3A_258, %broadcast_in_dim3A_265] : memref<96x16xf32, #tpu.memory_space<vmem>>[vector<16xi32>, vector<16xi32>], vector<16xf32>,
      %gather3A_267 = tpu.vector_load_idx %arg15[%add3A_258, %broadcast_in_dim3A_265] : memref<96x16xf32, #tpu.memory_space<vmem>>[vector<16xi32>, vector<16xi32>], vector<16xf32>,
      %add3A_268 = arith.addf %gather3A_266, %gather3A_267 : vector<16xf32>
      %gather3A_269 = tpu.vector_load_idx %arg17[%add3A_258, %broadcast_in_dim3A_265] : memref<96x16xf32, #tpu.memory_space<vmem>>[vector<16xi32>, vector<16xi32>], vector<16xf32>,
      %mul3A_270 = arith.mulf %gather3A_269, %add3A_263 : vector<16xf32>
      %add3A_271 = arith.constant 1.000000e-16 : f32
      %add3A_272 = vector.broadcast %add3A_271 : f32 to vector<16xf32>
      %add3A_273 = arith.addf %add3A_268, %add3A_272 : vector<16xf32>
      %div3A_274 = arith.divf %mul3A_270, %add3A_273 : vector<16xf32>
      %broadcast_in_dim3A_275 = arith.constant 1 : i32
      %broadcast_in_dim3A_276 = vector.broadcast %broadcast_in_dim3A_275 : i32 to vector<16xi32>
      %gather3A_277 = tpu.vector_load_idx %arg14[%add3A_258, %broadcast_in_dim3A_276] : memref<96x16xf32, #tpu.memory_space<vmem>>[vector<16xi32>, vector<16xi32>], vector<16xf32>,
      %gather3A_278 = tpu.vector_load_idx %arg15[%add3A_258, %broadcast_in_dim3A_276] : memref<96x16xf32, #tpu.memory_space<vmem>>[vector<16xi32>, vector<16xi32>], vector<16xf32>,
      %add3A_279 = arith.addf %gather3A_277, %gather3A_278 : vector<16xf32>
      %gather3A_280 = tpu.vector_load_idx %arg17[%add3A_258, %broadcast_in_dim3A_276] : memref<96x16xf32, #tpu.memory_space<vmem>>[vector<16xi32>, vector<16xi32>], vector<16xf32>,
      %mul3A_281 = arith.mulf %gather3A_280, %add3A_263 : vector<16xf32>
      %add3A_282 = arith.constant 1.000000e-16 : f32
      %add3A_283 = vector.broadcast %add3A_282 : f32 to vector<16xf32>
      %add3A_284 = arith.addf %add3A_279, %add3A_283 : vector<16xf32>
      %div3A_285 = arith.divf %mul3A_281, %add3A_284 : vector<16xf32>
      %broadcast_in_dim3A_286 = arith.constant 2 : i32
      %broadcast_in_dim3A_287 = vector.broadcast %broadcast_in_dim3A_286 : i32 to vector<16xi32>
      %gather3A_288 = tpu.vector_load_idx %arg14[%add3A_258, %broadcast_in_dim3A_287] : memref<96x16xf32, #tpu.memory_space<vmem>>[vector<16xi32>, vector<16xi32>], vector<16xf32>,
      %gather3A_289 = tpu.vector_load_idx %arg15[%add3A_258, %broadcast_in_dim3A_287] : memref<96x16xf32, #tpu.memory_space<vmem>>[vector<16xi32>, vector<16xi32>], vector<16xf32>,
      %add3A_290 = arith.addf %gather3A_288, %gather3A_289 : vector<16xf32>
      %gather3A_291 = tpu.vector_load_idx %arg17[%add3A_258, %broadcast_in_dim3A_287] : memref<96x16xf32, #tpu.memory_space<vmem>>[vector<16xi32>, vector<16xi32>], vector<16xf32>,
      %mul3A_292 = arith.mulf %gather3A_291, %add3A_263 : vector<16xf32>
      %add3A_293 = arith.constant 1.000000e-16 : f32
      %add3A_294 = vector.broadcast %add3A_293 : f32 to vector<16xf32>
      %add3A_295 = arith.addf %add3A_290, %add3A_294 : vector<16xf32>
      %div3A_296 = arith.divf %mul3A_292, %add3A_295 : vector<16xf32>
      %broadcast_in_dim3A_297 = arith.constant 3 : i32
      %broadcast_in_dim3A_298 = vector.broadcast %broadcast_in_dim3A_297 : i32 to vector<16xi32>
      %gather3A_299 = tpu.vector_load_idx %arg14[%add3A_258, %broadcast_in_dim3A_298] : memref<96x16xf32, #tpu.memory_space<vmem>>[vector<16xi32>, vector<16xi32>], vector<16xf32>,
      %gather3A_300 = tpu.vector_load_idx %arg15[%add3A_258, %broadcast_in_dim3A_298] : memref<96x16xf32, #tpu.memory_space<vmem>>[vector<16xi32>, vector<16xi32>], vector<16xf32>,
      %add3A_301 = arith.addf %gather3A_299, %gather3A_300 : vector<16xf32>
      %gather3A_302 = tpu.vector_load_idx %arg17[%add3A_258, %broadcast_in_dim3A_298] : memref<96x16xf32, #tpu.memory_space<vmem>>[vector<16xi32>, vector<16xi32>], vector<16xf32>,
      %mul3A_303 = arith.mulf %gather3A_302, %add3A_263 : vector<16xf32>
      %add3A_304 = arith.constant 1.000000e-16 : f32
      %add3A_305 = vector.broadcast %add3A_304 : f32 to vector<16xf32>
      %add3A_306 = arith.addf %add3A_301, %add3A_305 : vector<16xf32>
      %div3A_307 = arith.divf %mul3A_303, %add3A_306 : vector<16xf32>
      %scan3A_308 = arith.constant 0 : i32
      %scan3A_309 = arith.constant 0 : i32
      %scan3A_310 = arith.constant 32 : i32
      %scan3A_311 = arith.addi %scan3A_309, %scan3A_310 : i32
      %scan3A_312 = arith.constant 1 : i32
      %scan3A_313 = scf.for %scan3A_434 = %scan3A_309 to %scan3A_311 step %scan3A_312 iter_args(%scan3A_435 = %scan3A_308) -> (i32)  : i32 {
        %broadcast_in_dim3A_436 = arith.constant 0 : i32
        %broadcast_in_dim3A_437 = vector.broadcast %broadcast_in_dim3A_436 : i32 to vector<16xi32>
        %add3A_438 = vector.broadcast %scan3A_434 : i32 to vector<16xi32>
        %add3A_439 = arith.addi %broadcast_in_dim3A_437, %add3A_438 : vector<16xi32>
        %gather3A_440 = tpu.vector_load_idx %arg11[%add3A_258, %add3A_439] : memref<96x128xf32, #tpu.memory_space<vmem>>[vector<16xi32>, vector<16xi32>], vector<16xf32>,
        %gather3A_441 = tpu.vector_load_idx %arg12[%add3A_258, %add3A_439] : memref<96x128xf32, #tpu.memory_space<vmem>>[vector<16xi32>, vector<16xi32>], vector<16xf32>,
        %add3A_442 = arith.addf %gather3A_440, %gather3A_441 : vector<16xf32>
        %mul3A_443 = arith.mulf %add3A_442, %div3A_274 : vector<16xf32>
        tpu.vector_store_idx %arg13[%add3A_258, %add3A_439], %mul3A_443 : memref<96x128xf32, #tpu.memory_space<vmem>>[vector<16xi32>, vector<16xi32>], vector<16xf32>,
        %broadcast_in_dim3A_444 = arith.constant 32 : i32
        %broadcast_in_dim3A_445 = vector.broadcast %broadcast_in_dim3A_444 : i32 to vector<16xi32>
        %add3A_446 = vector.broadcast %scan3A_434 : i32 to vector<16xi32>
        %add3A_447 = arith.addi %broadcast_in_dim3A_445, %add3A_446 : vector<16xi32>
        %gather3A_448 = tpu.vector_load_idx %arg11[%add3A_258, %add3A_447] : memref<96x128xf32, #tpu.memory_space<vmem>>[vector<16xi32>, vector<16xi32>], vector<16xf32>,
        %gather3A_449 = tpu.vector_load_idx %arg12[%add3A_258, %add3A_447] : memref<96x128xf32, #tpu.memory_space<vmem>>[vector<16xi32>, vector<16xi32>], vector<16xf32>,
        %add3A_450 = arith.addf %gather3A_448, %gather3A_449 : vector<16xf32>
        %mul3A_451 = arith.mulf %add3A_450, %div3A_285 : vector<16xf32>
        tpu.vector_store_idx %arg13[%add3A_258, %add3A_447], %mul3A_451 : memref<96x128xf32, #tpu.memory_space<vmem>>[vector<16xi32>, vector<16xi32>], vector<16xf32>,
        %broadcast_in_dim3A_452 = arith.constant 64 : i32
        %broadcast_in_dim3A_453 = vector.broadcast %broadcast_in_dim3A_452 : i32 to vector<16xi32>
        %add3A_454 = vector.broadcast %scan3A_434 : i32 to vector<16xi32>
        %add3A_455 = arith.addi %broadcast_in_dim3A_453, %add3A_454 : vector<16xi32>
        %gather3A_456 = tpu.vector_load_idx %arg11[%add3A_258, %add3A_455] : memref<96x128xf32, #tpu.memory_space<vmem>>[vector<16xi32>, vector<16xi32>], vector<16xf32>,
        %gather3A_457 = tpu.vector_load_idx %arg12[%add3A_258, %add3A_455] : memref<96x128xf32, #tpu.memory_space<vmem>>[vector<16xi32>, vector<16xi32>], vector<16xf32>,
        %add3A_458 = arith.addf %gather3A_456, %gather3A_457 : vector<16xf32>
        %mul3A_459 = arith.mulf %add3A_458, %div3A_296 : vector<16xf32>
        tpu.vector_store_idx %arg13[%add3A_258, %add3A_455], %mul3A_459 : memref<96x128xf32, #tpu.memory_space<vmem>>[vector<16xi32>, vector<16xi32>], vector<16xf32>,
        %broadcast_in_dim3A_460 = arith.constant 96 : i32
        %broadcast_in_dim3A_461 = vector.broadcast %broadcast_in_dim3A_460 : i32 to vector<16xi32>
        %add3A_462 = vector.broadcast %scan3A_434 : i32 to vector<16xi32>
        %add3A_463 = arith.addi %broadcast_in_dim3A_461, %add3A_462 : vector<16xi32>
        %gather3A_464 = tpu.vector_load_idx %arg11[%add3A_258, %add3A_463] : memref<96x128xf32, #tpu.memory_space<vmem>>[vector<16xi32>, vector<16xi32>], vector<16xf32>,
        %gather3A_465 = tpu.vector_load_idx %arg12[%add3A_258, %add3A_463] : memref<96x128xf32, #tpu.memory_space<vmem>>[vector<16xi32>, vector<16xi32>], vector<16xf32>,
        %add3A_466 = arith.addf %gather3A_464, %gather3A_465 : vector<16xf32>
        %mul3A_467 = arith.mulf %add3A_466, %div3A_307 : vector<16xf32>
        tpu.vector_store_idx %arg13[%add3A_258, %add3A_463], %mul3A_467 : memref<96x128xf32, #tpu.memory_space<vmem>>[vector<16xi32>, vector<16xi32>], vector<16xf32>,
        %scan3A_468 = arith.constant 0 : i32
        scf.yield %scan3A_468 : i32
      }
      %scan3A_314 = arith.constant 32 : i32
      %add3A_315 = arith.constant 64 : i32
      %add3A_316 = vector.broadcast %add3A_315 : i32 to vector<16xi32>
      %add3A_317 = arith.addi %iota3A, %add3A_316 : vector<16xi32>
      %broadcast_in_dim3A_318 = arith.constant 4 : i32
      %broadcast_in_dim3A_319 = vector.broadcast %broadcast_in_dim3A_318 : i32 to vector<16xi32>
      %gather3A_320 = tpu.vector_load_idx %arg14[%add3A_317, %broadcast_in_dim3A_319] : memref<96x16xf32, #tpu.memory_space<vmem>>[vector<16xi32>, vector<16xi32>], vector<16xf32>,
      %gather3A_321 = tpu.vector_load_idx %arg15[%add3A_317, %broadcast_in_dim3A_319] : memref<96x16xf32, #tpu.memory_space<vmem>>[vector<16xi32>, vector<16xi32>], vector<16xf32>,
      %add3A_322 = arith.addf %gather3A_320, %gather3A_321 : vector<16xf32>
      %broadcast_in_dim3A_323 = arith.constant 0 : i32
      %broadcast_in_dim3A_324 = vector.broadcast %broadcast_in_dim3A_323 : i32 to vector<16xi32>
      %gather3A_325 = tpu.vector_load_idx %arg14[%add3A_317, %broadcast_in_dim3A_324] : memref<96x16xf32, #tpu.memory_space<vmem>>[vector<16xi32>, vector<16xi32>], vector<16xf32>,
      %gather3A_326 = tpu.vector_load_idx %arg15[%add3A_317, %broadcast_in_dim3A_324] : memref<96x16xf32, #tpu.memory_space<vmem>>[vector<16xi32>, vector<16xi32>], vector<16xf32>,
      %add3A_327 = arith.addf %gather3A_325, %gather3A_326 : vector<16xf32>
      %gather3A_328 = tpu.vector_load_idx %arg17[%add3A_317, %broadcast_in_dim3A_324] : memref<96x16xf32, #tpu.memory_space<vmem>>[vector<16xi32>, vector<16xi32>], vector<16xf32>,
      %mul3A_329 = arith.mulf %gather3A_328, %add3A_322 : vector<16xf32>
      %add3A_330 = arith.constant 1.000000e-16 : f32
      %add3A_331 = vector.broadcast %add3A_330 : f32 to vector<16xf32>
      %add3A_332 = arith.addf %add3A_327, %add3A_331 : vector<16xf32>
      %div3A_333 = arith.divf %mul3A_329, %add3A_332 : vector<16xf32>
      %broadcast_in_dim3A_334 = arith.constant 1 : i32
      %broadcast_in_dim3A_335 = vector.broadcast %broadcast_in_dim3A_334 : i32 to vector<16xi32>
      %gather3A_336 = tpu.vector_load_idx %arg14[%add3A_317, %broadcast_in_dim3A_335] : memref<96x16xf32, #tpu.memory_space<vmem>>[vector<16xi32>, vector<16xi32>], vector<16xf32>,
      %gather3A_337 = tpu.vector_load_idx %arg15[%add3A_317, %broadcast_in_dim3A_335] : memref<96x16xf32, #tpu.memory_space<vmem>>[vector<16xi32>, vector<16xi32>], vector<16xf32>,
      %add3A_338 = arith.addf %gather3A_336, %gather3A_337 : vector<16xf32>
      %gather3A_339 = tpu.vector_load_idx %arg17[%add3A_317, %broadcast_in_dim3A_335] : memref<96x16xf32, #tpu.memory_space<vmem>>[vector<16xi32>, vector<16xi32>], vector<16xf32>,
      %mul3A_340 = arith.mulf %gather3A_339, %add3A_322 : vector<16xf32>
      %add3A_341 = arith.constant 1.000000e-16 : f32
      %add3A_342 = vector.broadcast %add3A_341 : f32 to vector<16xf32>
      %add3A_343 = arith.addf %add3A_338, %add3A_342 : vector<16xf32>
      %div3A_344 = arith.divf %mul3A_340, %add3A_343 : vector<16xf32>
      %broadcast_in_dim3A_345 = arith.constant 2 : i32
      %broadcast_in_dim3A_346 = vector.broadcast %broadcast_in_dim3A_345 : i32 to vector<16xi32>
      %gather3A_347 = tpu.vector_load_idx %arg14[%add3A_317, %broadcast_in_dim3A_346] : memref<96x16xf32, #tpu.memory_space<vmem>>[vector<16xi32>, vector<16xi32>], vector<16xf32>,
      %gather3A_348 = tpu.vector_load_idx %arg15[%add3A_317, %broadcast_in_dim3A_346] : memref<96x16xf32, #tpu.memory_space<vmem>>[vector<16xi32>, vector<16xi32>], vector<16xf32>,
      %add3A_349 = arith.addf %gather3A_347, %gather3A_348 : vector<16xf32>
      %gather3A_350 = tpu.vector_load_idx %arg17[%add3A_317, %broadcast_in_dim3A_346] : memref<96x16xf32, #tpu.memory_space<vmem>>[vector<16xi32>, vector<16xi32>], vector<16xf32>,
      %mul3A_351 = arith.mulf %gather3A_350, %add3A_322 : vector<16xf32>
      %add3A_352 = arith.constant 1.000000e-16 : f32
      %add3A_353 = vector.broadcast %add3A_352 : f32 to vector<16xf32>
      %add3A_354 = arith.addf %add3A_349, %add3A_353 : vector<16xf32>
      %div3A_355 = arith.divf %mul3A_351, %add3A_354 : vector<16xf32>
      %broadcast_in_dim3A_356 = arith.constant 3 : i32
      %broadcast_in_dim3A_357 = vector.broadcast %broadcast_in_dim3A_356 : i32 to vector<16xi32>
      %gather3A_358 = tpu.vector_load_idx %arg14[%add3A_317, %broadcast_in_dim3A_357] : memref<96x16xf32, #tpu.memory_space<vmem>>[vector<16xi32>, vector<16xi32>], vector<16xf32>,
      %gather3A_359 = tpu.vector_load_idx %arg15[%add3A_317, %broadcast_in_dim3A_357] : memref<96x16xf32, #tpu.memory_space<vmem>>[vector<16xi32>, vector<16xi32>], vector<16xf32>,
      %add3A_360 = arith.addf %gather3A_358, %gather3A_359 : vector<16xf32>
      %gather3A_361 = tpu.vector_load_idx %arg17[%add3A_317, %broadcast_in_dim3A_357] : memref<96x16xf32, #tpu.memory_space<vmem>>[vector<16xi32>, vector<16xi32>], vector<16xf32>,
      %mul3A_362 = arith.mulf %gather3A_361, %add3A_322 : vector<16xf32>
      %add3A_363 = arith.constant 1.000000e-16 : f32
      %add3A_364 = vector.broadcast %add3A_363 : f32 to vector<16xf32>
      %add3A_365 = arith.addf %add3A_360, %add3A_364 : vector<16xf32>
      %div3A_366 = arith.divf %mul3A_362, %add3A_365 : vector<16xf32>
      %scan3A_367 = arith.constant 0 : i32
      %scan3A_368 = arith.constant 0 : i32
      %scan3A_369 = arith.constant 32 : i32
      %scan3A_370 = arith.addi %scan3A_368, %scan3A_369 : i32
      %scan3A_371 = arith.constant 1 : i32
      %scan3A_372 = scf.for %scan3A_434 = %scan3A_368 to %scan3A_370 step %scan3A_371 iter_args(%scan3A_435 = %scan3A_367) -> (i32)  : i32 {
        %broadcast_in_dim3A_436 = arith.constant 0 : i32
        %broadcast_in_dim3A_437 = vector.broadcast %broadcast_in_dim3A_436 : i32 to vector<16xi32>
        %add3A_438 = vector.broadcast %scan3A_434 : i32 to vector<16xi32>
        %add3A_439 = arith.addi %broadcast_in_dim3A_437, %add3A_438 : vector<16xi32>
        %gather3A_440 = tpu.vector_load_idx %arg11[%add3A_317, %add3A_439] : memref<96x128xf32, #tpu.memory_space<vmem>>[vector<16xi32>, vector<16xi32>], vector<16xf32>,
        %gather3A_441 = tpu.vector_load_idx %arg12[%add3A_317, %add3A_439] : memref<96x128xf32, #tpu.memory_space<vmem>>[vector<16xi32>, vector<16xi32>], vector<16xf32>,
        %add3A_442 = arith.addf %gather3A_440, %gather3A_441 : vector<16xf32>
        %mul3A_443 = arith.mulf %add3A_442, %div3A_333 : vector<16xf32>
        tpu.vector_store_idx %arg13[%add3A_317, %add3A_439], %mul3A_443 : memref<96x128xf32, #tpu.memory_space<vmem>>[vector<16xi32>, vector<16xi32>], vector<16xf32>,
        %broadcast_in_dim3A_444 = arith.constant 32 : i32
        %broadcast_in_dim3A_445 = vector.broadcast %broadcast_in_dim3A_444 : i32 to vector<16xi32>
        %add3A_446 = vector.broadcast %scan3A_434 : i32 to vector<16xi32>
        %add3A_447 = arith.addi %broadcast_in_dim3A_445, %add3A_446 : vector<16xi32>
        %gather3A_448 = tpu.vector_load_idx %arg11[%add3A_317, %add3A_447] : memref<96x128xf32, #tpu.memory_space<vmem>>[vector<16xi32>, vector<16xi32>], vector<16xf32>,
        %gather3A_449 = tpu.vector_load_idx %arg12[%add3A_317, %add3A_447] : memref<96x128xf32, #tpu.memory_space<vmem>>[vector<16xi32>, vector<16xi32>], vector<16xf32>,
        %add3A_450 = arith.addf %gather3A_448, %gather3A_449 : vector<16xf32>
        %mul3A_451 = arith.mulf %add3A_450, %div3A_344 : vector<16xf32>
        tpu.vector_store_idx %arg13[%add3A_317, %add3A_447], %mul3A_451 : memref<96x128xf32, #tpu.memory_space<vmem>>[vector<16xi32>, vector<16xi32>], vector<16xf32>,
        %broadcast_in_dim3A_452 = arith.constant 64 : i32
        %broadcast_in_dim3A_453 = vector.broadcast %broadcast_in_dim3A_452 : i32 to vector<16xi32>
        %add3A_454 = vector.broadcast %scan3A_434 : i32 to vector<16xi32>
        %add3A_455 = arith.addi %broadcast_in_dim3A_453, %add3A_454 : vector<16xi32>
        %gather3A_456 = tpu.vector_load_idx %arg11[%add3A_317, %add3A_455] : memref<96x128xf32, #tpu.memory_space<vmem>>[vector<16xi32>, vector<16xi32>], vector<16xf32>,
        %gather3A_457 = tpu.vector_load_idx %arg12[%add3A_317, %add3A_455] : memref<96x128xf32, #tpu.memory_space<vmem>>[vector<16xi32>, vector<16xi32>], vector<16xf32>,
        %add3A_458 = arith.addf %gather3A_456, %gather3A_457 : vector<16xf32>
        %mul3A_459 = arith.mulf %add3A_458, %div3A_355 : vector<16xf32>
        tpu.vector_store_idx %arg13[%add3A_317, %add3A_455], %mul3A_459 : memref<96x128xf32, #tpu.memory_space<vmem>>[vector<16xi32>, vector<16xi32>], vector<16xf32>,
        %broadcast_in_dim3A_460 = arith.constant 96 : i32
        %broadcast_in_dim3A_461 = vector.broadcast %broadcast_in_dim3A_460 : i32 to vector<16xi32>
        %add3A_462 = vector.broadcast %scan3A_434 : i32 to vector<16xi32>
        %add3A_463 = arith.addi %broadcast_in_dim3A_461, %add3A_462 : vector<16xi32>
        %gather3A_464 = tpu.vector_load_idx %arg11[%add3A_317, %add3A_463] : memref<96x128xf32, #tpu.memory_space<vmem>>[vector<16xi32>, vector<16xi32>], vector<16xf32>,
        %gather3A_465 = tpu.vector_load_idx %arg12[%add3A_317, %add3A_463] : memref<96x128xf32, #tpu.memory_space<vmem>>[vector<16xi32>, vector<16xi32>], vector<16xf32>,
        %add3A_466 = arith.addf %gather3A_464, %gather3A_465 : vector<16xf32>
        %mul3A_467 = arith.mulf %add3A_466, %div3A_366 : vector<16xf32>
        tpu.vector_store_idx %arg13[%add3A_317, %add3A_463], %mul3A_467 : memref<96x128xf32, #tpu.memory_space<vmem>>[vector<16xi32>, vector<16xi32>], vector<16xf32>,
        %scan3A_468 = arith.constant 0 : i32
        scf.yield %scan3A_468 : i32
      }
      %scan3A_373 = arith.constant 32 : i32
      %add3A_374 = arith.constant 80 : i32
      %add3A_375 = vector.broadcast %add3A_374 : i32 to vector<16xi32>
      %add3A_376 = arith.addi %iota3A, %add3A_375 : vector<16xi32>
      %broadcast_in_dim3A_377 = arith.constant 4 : i32
      %broadcast_in_dim3A_378 = vector.broadcast %broadcast_in_dim3A_377 : i32 to vector<16xi32>
      %gather3A_379 = tpu.vector_load_idx %arg14[%add3A_376, %broadcast_in_dim3A_378] : memref<96x16xf32, #tpu.memory_space<vmem>>[vector<16xi32>, vector<16xi32>], vector<16xf32>,
      %gather3A_380 = tpu.vector_load_idx %arg15[%add3A_376, %broadcast_in_dim3A_378] : memref<96x16xf32, #tpu.memory_space<vmem>>[vector<16xi32>, vector<16xi32>], vector<16xf32>,
      %add3A_381 = arith.addf %gather3A_379, %gather3A_380 : vector<16xf32>
      %broadcast_in_dim3A_382 = arith.constant 0 : i32
      %broadcast_in_dim3A_383 = vector.broadcast %broadcast_in_dim3A_382 : i32 to vector<16xi32>
      %gather3A_384 = tpu.vector_load_idx %arg14[%add3A_376, %broadcast_in_dim3A_383] : memref<96x16xf32, #tpu.memory_space<vmem>>[vector<16xi32>, vector<16xi32>], vector<16xf32>,
      %gather3A_385 = tpu.vector_load_idx %arg15[%add3A_376, %broadcast_in_dim3A_383] : memref<96x16xf32, #tpu.memory_space<vmem>>[vector<16xi32>, vector<16xi32>], vector<16xf32>,
      %add3A_386 = arith.addf %gather3A_384, %gather3A_385 : vector<16xf32>
      %gather3A_387 = tpu.vector_load_idx %arg17[%add3A_376, %broadcast_in_dim3A_383] : memref<96x16xf32, #tpu.memory_space<vmem>>[vector<16xi32>, vector<16xi32>], vector<16xf32>,
      %mul3A_388 = arith.mulf %gather3A_387, %add3A_381 : vector<16xf32>
      %add3A_389 = arith.constant 1.000000e-16 : f32
      %add3A_390 = vector.broadcast %add3A_389 : f32 to vector<16xf32>
      %add3A_391 = arith.addf %add3A_386, %add3A_390 : vector<16xf32>
      %div3A_392 = arith.divf %mul3A_388, %add3A_391 : vector<16xf32>
      %broadcast_in_dim3A_393 = arith.constant 1 : i32
      %broadcast_in_dim3A_394 = vector.broadcast %broadcast_in_dim3A_393 : i32 to vector<16xi32>
      %gather3A_395 = tpu.vector_load_idx %arg14[%add3A_376, %broadcast_in_dim3A_394] : memref<96x16xf32, #tpu.memory_space<vmem>>[vector<16xi32>, vector<16xi32>], vector<16xf32>,
      %gather3A_396 = tpu.vector_load_idx %arg15[%add3A_376, %broadcast_in_dim3A_394] : memref<96x16xf32, #tpu.memory_space<vmem>>[vector<16xi32>, vector<16xi32>], vector<16xf32>,
      %add3A_397 = arith.addf %gather3A_395, %gather3A_396 : vector<16xf32>
      %gather3A_398 = tpu.vector_load_idx %arg17[%add3A_376, %broadcast_in_dim3A_394] : memref<96x16xf32, #tpu.memory_space<vmem>>[vector<16xi32>, vector<16xi32>], vector<16xf32>,
      %mul3A_399 = arith.mulf %gather3A_398, %add3A_381 : vector<16xf32>
      %add3A_400 = arith.constant 1.000000e-16 : f32
      %add3A_401 = vector.broadcast %add3A_400 : f32 to vector<16xf32>
      %add3A_402 = arith.addf %add3A_397, %add3A_401 : vector<16xf32>
      %div3A_403 = arith.divf %mul3A_399, %add3A_402 : vector<16xf32>
      %broadcast_in_dim3A_404 = arith.constant 2 : i32
      %broadcast_in_dim3A_405 = vector.broadcast %broadcast_in_dim3A_404 : i32 to vector<16xi32>
      %gather3A_406 = tpu.vector_load_idx %arg14[%add3A_376, %broadcast_in_dim3A_405] : memref<96x16xf32, #tpu.memory_space<vmem>>[vector<16xi32>, vector<16xi32>], vector<16xf32>,
      %gather3A_407 = tpu.vector_load_idx %arg15[%add3A_376, %broadcast_in_dim3A_405] : memref<96x16xf32, #tpu.memory_space<vmem>>[vector<16xi32>, vector<16xi32>], vector<16xf32>,
      %add3A_408 = arith.addf %gather3A_406, %gather3A_407 : vector<16xf32>
      %gather3A_409 = tpu.vector_load_idx %arg17[%add3A_376, %broadcast_in_dim3A_405] : memref<96x16xf32, #tpu.memory_space<vmem>>[vector<16xi32>, vector<16xi32>], vector<16xf32>,
      %mul3A_410 = arith.mulf %gather3A_409, %add3A_381 : vector<16xf32>
      %add3A_411 = arith.constant 1.000000e-16 : f32
      %add3A_412 = vector.broadcast %add3A_411 : f32 to vector<16xf32>
      %add3A_413 = arith.addf %add3A_408, %add3A_412 : vector<16xf32>
      %div3A_414 = arith.divf %mul3A_410, %add3A_413 : vector<16xf32>
      %broadcast_in_dim3A_415 = arith.constant 3 : i32
      %broadcast_in_dim3A_416 = vector.broadcast %broadcast_in_dim3A_415 : i32 to vector<16xi32>
      %gather3A_417 = tpu.vector_load_idx %arg14[%add3A_376, %broadcast_in_dim3A_416] : memref<96x16xf32, #tpu.memory_space<vmem>>[vector<16xi32>, vector<16xi32>], vector<16xf32>,
      %gather3A_418 = tpu.vector_load_idx %arg15[%add3A_376, %broadcast_in_dim3A_416] : memref<96x16xf32, #tpu.memory_space<vmem>>[vector<16xi32>, vector<16xi32>], vector<16xf32>,
      %add3A_419 = arith.addf %gather3A_417, %gather3A_418 : vector<16xf32>
      %gather3A_420 = tpu.vector_load_idx %arg17[%add3A_376, %broadcast_in_dim3A_416] : memref<96x16xf32, #tpu.memory_space<vmem>>[vector<16xi32>, vector<16xi32>], vector<16xf32>,
      %mul3A_421 = arith.mulf %gather3A_420, %add3A_381 : vector<16xf32>
      %add3A_422 = arith.constant 1.000000e-16 : f32
      %add3A_423 = vector.broadcast %add3A_422 : f32 to vector<16xf32>
      %add3A_424 = arith.addf %add3A_419, %add3A_423 : vector<16xf32>
      %div3A_425 = arith.divf %mul3A_421, %add3A_424 : vector<16xf32>
      %scan3A_426 = arith.constant 0 : i32
      %scan3A_427 = arith.constant 0 : i32
      %scan3A_428 = arith.constant 32 : i32
      %scan3A_429 = arith.addi %scan3A_427, %scan3A_428 : i32
      %scan3A_430 = arith.constant 1 : i32
      %scan3A_431 = scf.for %scan3A_434 = %scan3A_427 to %scan3A_429 step %scan3A_430 iter_args(%scan3A_435 = %scan3A_426) -> (i32)  : i32 {
        %broadcast_in_dim3A_436 = arith.constant 0 : i32
        %broadcast_in_dim3A_437 = vector.broadcast %broadcast_in_dim3A_436 : i32 to vector<16xi32>
        %add3A_438 = vector.broadcast %scan3A_434 : i32 to vector<16xi32>
        %add3A_439 = arith.addi %broadcast_in_dim3A_437, %add3A_438 : vector<16xi32>
        %gather3A_440 = tpu.vector_load_idx %arg11[%add3A_376, %add3A_439] : memref<96x128xf32, #tpu.memory_space<vmem>>[vector<16xi32>, vector<16xi32>], vector<16xf32>,
        %gather3A_441 = tpu.vector_load_idx %arg12[%add3A_376, %add3A_439] : memref<96x128xf32, #tpu.memory_space<vmem>>[vector<16xi32>, vector<16xi32>], vector<16xf32>,
        %add3A_442 = arith.addf %gather3A_440, %gather3A_441 : vector<16xf32>
        %mul3A_443 = arith.mulf %add3A_442, %div3A_392 : vector<16xf32>
        tpu.vector_store_idx %arg13[%add3A_376, %add3A_439], %mul3A_443 : memref<96x128xf32, #tpu.memory_space<vmem>>[vector<16xi32>, vector<16xi32>], vector<16xf32>,
        %broadcast_in_dim3A_444 = arith.constant 32 : i32
        %broadcast_in_dim3A_445 = vector.broadcast %broadcast_in_dim3A_444 : i32 to vector<16xi32>
        %add3A_446 = vector.broadcast %scan3A_434 : i32 to vector<16xi32>
        %add3A_447 = arith.addi %broadcast_in_dim3A_445, %add3A_446 : vector<16xi32>
        %gather3A_448 = tpu.vector_load_idx %arg11[%add3A_376, %add3A_447] : memref<96x128xf32, #tpu.memory_space<vmem>>[vector<16xi32>, vector<16xi32>], vector<16xf32>,
        %gather3A_449 = tpu.vector_load_idx %arg12[%add3A_376, %add3A_447] : memref<96x128xf32, #tpu.memory_space<vmem>>[vector<16xi32>, vector<16xi32>], vector<16xf32>,
        %add3A_450 = arith.addf %gather3A_448, %gather3A_449 : vector<16xf32>
        %mul3A_451 = arith.mulf %add3A_450, %div3A_403 : vector<16xf32>
        tpu.vector_store_idx %arg13[%add3A_376, %add3A_447], %mul3A_451 : memref<96x128xf32, #tpu.memory_space<vmem>>[vector<16xi32>, vector<16xi32>], vector<16xf32>,
        %broadcast_in_dim3A_452 = arith.constant 64 : i32
        %broadcast_in_dim3A_453 = vector.broadcast %broadcast_in_dim3A_452 : i32 to vector<16xi32>
        %add3A_454 = vector.broadcast %scan3A_434 : i32 to vector<16xi32>
        %add3A_455 = arith.addi %broadcast_in_dim3A_453, %add3A_454 : vector<16xi32>
        %gather3A_456 = tpu.vector_load_idx %arg11[%add3A_376, %add3A_455] : memref<96x128xf32, #tpu.memory_space<vmem>>[vector<16xi32>, vector<16xi32>], vector<16xf32>,
        %gather3A_457 = tpu.vector_load_idx %arg12[%add3A_376, %add3A_455] : memref<96x128xf32, #tpu.memory_space<vmem>>[vector<16xi32>, vector<16xi32>], vector<16xf32>,
        %add3A_458 = arith.addf %gather3A_456, %gather3A_457 : vector<16xf32>
        %mul3A_459 = arith.mulf %add3A_458, %div3A_414 : vector<16xf32>
        tpu.vector_store_idx %arg13[%add3A_376, %add3A_455], %mul3A_459 : memref<96x128xf32, #tpu.memory_space<vmem>>[vector<16xi32>, vector<16xi32>], vector<16xf32>,
        %broadcast_in_dim3A_460 = arith.constant 96 : i32
        %broadcast_in_dim3A_461 = vector.broadcast %broadcast_in_dim3A_460 : i32 to vector<16xi32>
        %add3A_462 = vector.broadcast %scan3A_434 : i32 to vector<16xi32>
        %add3A_463 = arith.addi %broadcast_in_dim3A_461, %add3A_462 : vector<16xi32>
        %gather3A_464 = tpu.vector_load_idx %arg11[%add3A_376, %add3A_463] : memref<96x128xf32, #tpu.memory_space<vmem>>[vector<16xi32>, vector<16xi32>], vector<16xf32>,
        %gather3A_465 = tpu.vector_load_idx %arg12[%add3A_376, %add3A_463] : memref<96x128xf32, #tpu.memory_space<vmem>>[vector<16xi32>, vector<16xi32>], vector<16xf32>,
        %add3A_466 = arith.addf %gather3A_464, %gather3A_465 : vector<16xf32>
        %mul3A_467 = arith.mulf %add3A_466, %div3A_425 : vector<16xf32>
        tpu.vector_store_idx %arg13[%add3A_376, %add3A_463], %mul3A_467 : memref<96x128xf32, #tpu.memory_space<vmem>>[vector<16xi32>, vector<16xi32>], vector<16xf32>,
        %scan3A_468 = arith.constant 0 : i32
        scf.yield %scan3A_468 : i32
      }
      %scan3A_432 = arith.constant 32 : i32
      "tpu.region"() ({
        %run_scoped3A = tpu.sem_alloc : memref<!tpu.dma_semaphore, #tpu.memory_space<semaphore_mem>>
        %dma_start3A_434 = arith.constant 0 : i32
        %dma_start3A_435 = arith.constant 0 : i32
        %dma_start3A_436 = tpu.memref_slice %arg21[%dma_start3A_434, %dma_start3A_435] : memref<10240x128xf32, #tpu.memory_space<vmem_shared>> -> memref<10240x128xf32, #tpu.memory_space<vmem_shared>>
        tpu.enqueue_indirect_dma source(%arg13 : memref<96x128xf32, #tpu.memory_space<vmem>>) target(%dma_start3A_436 : memref<10240x128xf32, #tpu.memory_space<vmem_shared>>) offsets(%arg19 : memref<96xi32, #tpu.memory_space<vmem>>) semaphore(%run_scoped3A : memref<!tpu.dma_semaphore, #tpu.memory_space<semaphore_mem>>) {add = true}
        %dma_wait3A_437 = arith.constant 0 : i32
        %dma_wait3A_438 = arith.constant 0 : i32
        %dma_wait3A_439 = tpu.memref_slice %arg21[%dma_wait3A_437, %dma_wait3A_438] : memref<10240x128xf32, #tpu.memory_space<vmem_shared>> -> memref<10240x128xf32, #tpu.memory_space<vmem_shared>>
        tpu.wait_indirect_dma semaphore(%run_scoped3A : memref<!tpu.dma_semaphore, #tpu.memory_space<semaphore_mem>>) src(%arg13 : memref<96x128xf32, #tpu.memory_space<vmem>>) dst(%dma_wait3A_439 : memref<10240x128xf32, #tpu.memory_space<vmem_shared>>)
        tpu.yield
      }) : () -> ()
      %scan3A_433 = arith.constant 0 : i32
      scf.yield %scan3A_433 : i32
    }
    %scan3A_8 = arith.constant 108 : i32
    %barrier3A_9 = arith.constant 0 : index
    tpu.barrier barrier_id(%barrier3A_9)
    %mul3A_10 = arith.constant 10240 : i32
    %mul3A_11 = arith.muli %arg0, %mul3A_10 : i32
    %add3A_12 = arith.addi %mul3A_11, %mul3A_2 : i32
    "tpu.region"() ({
      %run_scoped3A = tpu.sem_alloc : memref<!tpu.dma_semaphore, #tpu.memory_space<semaphore_mem>>
      %dma_start3A = arith.constant 0 : i32
      %dma_start3A_13 = tpu.memref_slice %arg10[%add3A_12, %dma_start3A] : memref<20480x128xf32, #tpu.memory_space<hbm>> -> memref<640x128xf32, #tpu.memory_space<hbm>>
      %dma_start3A_14 = arith.constant 0 : i32
      %dma_start3A_15 = tpu.memref_slice %arg21[%mul3A_2, %dma_start3A_14] : memref<10240x128xf32, #tpu.memory_space<vmem_shared>> -> memref<640x128xf32, #tpu.memory_space<vmem_shared>>
      tpu.enqueue_dma source(%dma_start3A_15 : memref<640x128xf32, #tpu.memory_space<vmem_shared>>) target(%dma_start3A_13 : memref<640x128xf32, #tpu.memory_space<hbm>>) target_semaphore(%run_scoped3A : memref<!tpu.dma_semaphore, #tpu.memory_space<semaphore_mem>>)
      %dma_wait3A = arith.constant 0 : i32
      %dma_wait3A_16 = tpu.memref_slice %arg10[%add3A_12, %dma_wait3A] : memref<20480x128xf32, #tpu.memory_space<hbm>> -> memref<640x128xf32, #tpu.memory_space<hbm>>
      %dma_wait3A_17 = arith.constant 0 : i32
      %dma_wait3A_18 = tpu.memref_slice %arg21[%mul3A_2, %dma_wait3A_17] : memref<10240x128xf32, #tpu.memory_space<vmem_shared>> -> memref<640x128xf32, #tpu.memory_space<vmem_shared>>
      tpu.wait_dma2 semaphore(%run_scoped3A : memref<!tpu.dma_semaphore, #tpu.memory_space<semaphore_mem>>) src(%dma_wait3A_18 : memref<640x128xf32, #tpu.memory_space<vmem_shared>>) dst(%dma_wait3A_16 : memref<640x128xf32, #tpu.memory_space<hbm>>)
      tpu.yield
    }) : () -> ()
    return
  }
}

module attributes {stable_mosaic.version = 14 : i64} {
  func.func @_dense_body(%arg0: memref<10000x256xf32, #tpu.memory_space<vmem>>, %arg1: memref<624x48xf32, #tpu.memory_space<vmem>>, %arg2: memref<48x128xf32, #tpu.memory_space<vmem>>, %arg3: memref<1x128xf32, #tpu.memory_space<vmem>>, %arg4: memref<128x128xf32, #tpu.memory_space<vmem>>, %arg5: memref<1x128xf32, #tpu.memory_space<vmem>>, %arg6: memref<256x128xf32, #tpu.memory_space<vmem>>, %arg7: memref<128x128xf32, #tpu.memory_space<vmem>>, %arg8: memref<1x128xf32, #tpu.memory_space<vmem>>, %arg9: memref<256x128xf32, #tpu.memory_space<vmem>>, %arg10: memref<128x128xf32, #tpu.memory_space<vmem>>, %arg11: memref<1x128xf32, #tpu.memory_space<vmem>>, %arg12: memref<256x128xf32, #tpu.memory_space<vmem>>, %arg13: memref<1x128xf32, #tpu.memory_space<vmem>>, %arg14: memref<10000x128xf32, #tpu.memory_space<vmem>>, %arg15: memref<10000x128xf32, #tpu.memory_space<vmem>>, %arg16: memref<10000x128xf32, #tpu.memory_space<vmem>>, %arg17: memref<624x128xf32, #tpu.memory_space<vmem>>, %arg18: memref<624x128xf32, #tpu.memory_space<vmem>>) attributes {dimension_semantics = [], scalar_prefetch = 0 : i64, scratch_operands = 0 : i64, tpu.core_type = #tpu.core_type<tc>} {
    %get3A = arith.constant 0 : index
    %get3A_0 = arith.constant 0 : index
    %get3A_1 = vector.load %arg1[%get3A, %get3A_0] : memref<624x48xf32, #tpu.memory_space<vmem>>, vector<624x48xf32>
    %get3A_2 = arith.constant 0 : index
    %get3A_3 = arith.constant 0 : index
    %get3A_4 = vector.load %arg2[%get3A_2, %get3A_3] : memref<48x128xf32, #tpu.memory_space<vmem>>, vector<48x128xf32>
    %dot_general3A = arith.constant dense<0.000000e+00> : vector<624x128xf32>
    %dot_general3A_5 = tpu.matmul %get3A_1, %get3A_4, %dot_general3A {dimension_numbers = #tpu.dot_dimension_numbers<[1], [0], [0], [1], [0, 0, 1, 1], [], []>, transpose_lhs_hint = false} : vector<624x48xf32>, vector<48x128xf32>, vector<624x128xf32> -> vector<624x128xf32>
    %get3A_6 = arith.constant 0 : index
    %get3A_7 = arith.constant 0 : index
    %get3A_8 = vector.load %arg3[%get3A_6, %get3A_7] : memref<1x128xf32, #tpu.memory_space<vmem>>, vector<1x128xf32>
    %add3A = vector.broadcast %get3A_8 : vector<1x128xf32> to vector<624x128xf32>
    %add3A_9 = arith.addf %dot_general3A_5, %add3A : vector<624x128xf32>
    %max3A = arith.constant 0.000000e+00 : f32
    %max3A_10 = vector.broadcast %max3A : f32 to vector<624x128xf32>
    %max3A_11 = arith.maximumf %add3A_9, %max3A_10 : vector<624x128xf32>
    %get3A_12 = arith.constant 0 : index
    %get3A_13 = arith.constant 0 : index
    %get3A_14 = vector.load %arg4[%get3A_12, %get3A_13] : memref<128x128xf32, #tpu.memory_space<vmem>>, vector<128x128xf32>
    %dot_general3A_15 = arith.constant dense<0.000000e+00> : vector<624x128xf32>
    %dot_general3A_16 = tpu.matmul %max3A_11, %get3A_14, %dot_general3A_15 {dimension_numbers = #tpu.dot_dimension_numbers<[1], [0], [0], [1], [0, 0, 1, 1], [], []>, transpose_lhs_hint = false} : vector<624x128xf32>, vector<128x128xf32>, vector<624x128xf32> -> vector<624x128xf32>
    %get3A_17 = arith.constant 0 : index
    %get3A_18 = arith.constant 0 : index
    %get3A_19 = vector.load %arg5[%get3A_17, %get3A_18] : memref<1x128xf32, #tpu.memory_space<vmem>>, vector<1x128xf32>
    %add3A_20 = vector.broadcast %get3A_19 : vector<1x128xf32> to vector<624x128xf32>
    %add3A_21 = arith.addf %dot_general3A_16, %add3A_20 : vector<624x128xf32>
    %get3A_22 = arith.constant 0 : index
    %get3A_23 = arith.constant 0 : index
    %get3A_24 = vector.load %arg7[%get3A_22, %get3A_23] : memref<128x128xf32, #tpu.memory_space<vmem>>, vector<128x128xf32>
    %dot_general3A_25 = arith.constant dense<0.000000e+00> : vector<624x128xf32>
    %dot_general3A_26 = tpu.matmul %add3A_21, %get3A_24, %dot_general3A_25 {dimension_numbers = #tpu.dot_dimension_numbers<[1], [0], [0], [1], [0, 0, 1, 1], [], []>, transpose_lhs_hint = false} : vector<624x128xf32>, vector<128x128xf32>, vector<624x128xf32> -> vector<624x128xf32>
    %get3A_27 = arith.constant 0 : index
    %get3A_28 = arith.constant 0 : index
    %get3A_29 = vector.load %arg8[%get3A_27, %get3A_28] : memref<1x128xf32, #tpu.memory_space<vmem>>, vector<1x128xf32>
    %add3A_30 = vector.broadcast %get3A_29 : vector<1x128xf32> to vector<624x128xf32>
    %add3A_31 = arith.addf %dot_general3A_26, %add3A_30 : vector<624x128xf32>
    %swap3A = arith.constant 0 : index
    %swap3A_32 = arith.constant 0 : index
    %swap3A_33 = vector.load %arg17[%swap3A, %swap3A_32] : memref<624x128xf32, #tpu.memory_space<vmem>>, vector<624x128xf32>
    tpu.vector_store %arg17[%swap3A, %swap3A_32], %add3A_31 {strides = array<i32>} : memref<624x128xf32, #tpu.memory_space<vmem>>, vector<624x128xf32>,
    %get3A_34 = arith.constant 0 : index
    %get3A_35 = arith.constant 0 : index
    %get3A_36 = vector.load %arg10[%get3A_34, %get3A_35] : memref<128x128xf32, #tpu.memory_space<vmem>>, vector<128x128xf32>
    %dot_general3A_37 = arith.constant dense<0.000000e+00> : vector<624x128xf32>
    %dot_general3A_38 = tpu.matmul %add3A_21, %get3A_36, %dot_general3A_37 {dimension_numbers = #tpu.dot_dimension_numbers<[1], [0], [0], [1], [0, 0, 1, 1], [], []>, transpose_lhs_hint = false} : vector<624x128xf32>, vector<128x128xf32>, vector<624x128xf32> -> vector<624x128xf32>
    %get3A_39 = arith.constant 0 : index
    %get3A_40 = arith.constant 0 : index
    %get3A_41 = vector.load %arg11[%get3A_39, %get3A_40] : memref<1x128xf32, #tpu.memory_space<vmem>>, vector<1x128xf32>
    %add3A_42 = vector.broadcast %get3A_41 : vector<1x128xf32> to vector<624x128xf32>
    %add3A_43 = arith.addf %dot_general3A_38, %add3A_42 : vector<624x128xf32>
    %swap3A_44 = arith.constant 0 : index
    %swap3A_45 = arith.constant 0 : index
    %swap3A_46 = vector.load %arg18[%swap3A_44, %swap3A_45] : memref<624x128xf32, #tpu.memory_space<vmem>>, vector<624x128xf32>
    tpu.vector_store %arg18[%swap3A_44, %swap3A_45], %add3A_43 {strides = array<i32>} : memref<624x128xf32, #tpu.memory_space<vmem>>, vector<624x128xf32>,
    %get3A_47 = arith.constant 0 : index
    %get3A_48 = arith.constant 0 : index
    %get3A_49 = vector.load %arg0[%get3A_47, %get3A_48] : memref<10000x256xf32, #tpu.memory_space<vmem>>, vector<10000x256xf32>
    %get3A_50 = arith.constant 0 : index
    %get3A_51 = arith.constant 0 : index
    %get3A_52 = vector.load %arg12[%get3A_50, %get3A_51] : memref<256x128xf32, #tpu.memory_space<vmem>>, vector<256x128xf32>
    %dot_general3A_53 = arith.constant dense<0.000000e+00> : vector<10000x128xf32>
    %dot_general3A_54 = tpu.matmul %get3A_49, %get3A_52, %dot_general3A_53 {dimension_numbers = #tpu.dot_dimension_numbers<[1], [0], [0], [1], [0, 0, 1, 1], [], []>, transpose_lhs_hint = false} : vector<10000x256xf32>, vector<256x128xf32>, vector<10000x128xf32> -> vector<10000x128xf32>
    %get3A_55 = arith.constant 0 : index
    %get3A_56 = arith.constant 0 : index
    %get3A_57 = vector.load %arg13[%get3A_55, %get3A_56] : memref<1x128xf32, #tpu.memory_space<vmem>>, vector<1x128xf32>
    %add3A_58 = vector.broadcast %get3A_57 : vector<1x128xf32> to vector<10000x128xf32>
    %add3A_59 = arith.addf %dot_general3A_54, %add3A_58 : vector<10000x128xf32>
    %mul3A = arith.constant 0.176776692 : f32
    %mul3A_60 = vector.broadcast %mul3A : f32 to vector<10000x128xf32>
    %mul3A_61 = arith.mulf %add3A_59, %mul3A_60 : vector<10000x128xf32>
    %swap3A_62 = arith.constant 0 : index
    %swap3A_63 = arith.constant 0 : index
    %swap3A_64 = vector.load %arg14[%swap3A_62, %swap3A_63] : memref<10000x128xf32, #tpu.memory_space<vmem>>, vector<10000x128xf32>
    tpu.vector_store %arg14[%swap3A_62, %swap3A_63], %mul3A_61 {strides = array<i32>} : memref<10000x128xf32, #tpu.memory_space<vmem>>, vector<10000x128xf32>,
    %get3A_65 = arith.constant 0 : index
    %get3A_66 = arith.constant 0 : index
    %get3A_67 = vector.load %arg6[%get3A_65, %get3A_66] : memref<256x128xf32, #tpu.memory_space<vmem>>, vector<256x128xf32>
    %dot_general3A_68 = arith.constant dense<0.000000e+00> : vector<10000x128xf32>
    %dot_general3A_69 = tpu.matmul %get3A_49, %get3A_67, %dot_general3A_68 {dimension_numbers = #tpu.dot_dimension_numbers<[1], [0], [0], [1], [0, 0, 1, 1], [], []>, transpose_lhs_hint = false} : vector<10000x256xf32>, vector<256x128xf32>, vector<10000x128xf32> -> vector<10000x128xf32>
    %swap3A_70 = arith.constant 0 : index
    %swap3A_71 = arith.constant 0 : index
    %swap3A_72 = vector.load %arg15[%swap3A_70, %swap3A_71] : memref<10000x128xf32, #tpu.memory_space<vmem>>, vector<10000x128xf32>
    tpu.vector_store %arg15[%swap3A_70, %swap3A_71], %dot_general3A_69 {strides = array<i32>} : memref<10000x128xf32, #tpu.memory_space<vmem>>, vector<10000x128xf32>,
    %get3A_73 = arith.constant 0 : index
    %get3A_74 = arith.constant 0 : index
    %get3A_75 = vector.load %arg9[%get3A_73, %get3A_74] : memref<256x128xf32, #tpu.memory_space<vmem>>, vector<256x128xf32>
    %dot_general3A_76 = arith.constant dense<0.000000e+00> : vector<10000x128xf32>
    %dot_general3A_77 = tpu.matmul %get3A_49, %get3A_75, %dot_general3A_76 {dimension_numbers = #tpu.dot_dimension_numbers<[1], [0], [0], [1], [0, 0, 1, 1], [], []>, transpose_lhs_hint = false} : vector<10000x256xf32>, vector<256x128xf32>, vector<10000x128xf32> -> vector<10000x128xf32>
    %swap3A_78 = arith.constant 0 : index
    %swap3A_79 = arith.constant 0 : index
    %swap3A_80 = vector.load %arg16[%swap3A_78, %swap3A_79] : memref<10000x128xf32, #tpu.memory_space<vmem>>, vector<10000x128xf32>
    tpu.vector_store %arg16[%swap3A_78, %swap3A_79], %dot_general3A_77 {strides = array<i32>} : memref<10000x128xf32, #tpu.memory_space<vmem>>, vector<10000x128xf32>,
    return
  }
}

module attributes {stable_mosaic.version = 14 : i64} {
  func.func @_mlp_body(%arg0: memref<20480x128xf32, #tpu.memory_space<vmem>>, %arg1: memref<128x128xf32, #tpu.memory_space<vmem>>, %arg2: memref<1x128xf32, #tpu.memory_space<vmem>>, %arg3: memref<1x128xf32, #tpu.memory_space<vmem>>, %arg4: memref<1x128xf32, #tpu.memory_space<vmem>>, %arg5: memref<128x128xf32, #tpu.memory_space<vmem>>, %arg6: memref<1x128xf32, #tpu.memory_space<vmem>>, %arg7: memref<10000x128xf32, #tpu.memory_space<vmem>>) attributes {dimension_semantics = [], scalar_prefetch = 0 : i64, scratch_operands = 0 : i64, tpu.core_type = #tpu.core_type<tc>} {
    %get3A = arith.constant 0 : index
    %get3A_0 = arith.constant 0 : index
    %get3A_1 = vector.load %arg0[%get3A, %get3A_0] : memref<20480x128xf32, #tpu.memory_space<vmem>>, vector<10000x128xf32>
    %get3A_2 = arith.constant 10240 : index
    %get3A_3 = arith.constant 0 : index
    %get3A_4 = vector.load %arg0[%get3A_2, %get3A_3] : memref<20480x128xf32, #tpu.memory_space<vmem>>, vector<10000x128xf32>
    %add3A = arith.addf %get3A_1, %get3A_4 : vector<10000x128xf32>
    %get3A_5 = arith.constant 0 : index
    %get3A_6 = arith.constant 0 : index
    %get3A_7 = vector.load %arg1[%get3A_5, %get3A_6] : memref<128x128xf32, #tpu.memory_space<vmem>>, vector<128x128xf32>
    %dot_general3A = arith.constant dense<0.000000e+00> : vector<10000x128xf32>
    %dot_general3A_8 = tpu.matmul %add3A, %get3A_7, %dot_general3A {dimension_numbers = #tpu.dot_dimension_numbers<[1], [0], [0], [1], [0, 0, 1, 1], [], []>, transpose_lhs_hint = false} : vector<10000x128xf32>, vector<128x128xf32>, vector<10000x128xf32> -> vector<10000x128xf32>
    %get3A_9 = arith.constant 0 : index
    %get3A_10 = arith.constant 0 : index
    %get3A_11 = vector.load %arg2[%get3A_9, %get3A_10] : memref<1x128xf32, #tpu.memory_space<vmem>>, vector<1x128xf32>
    %add3A_12 = vector.broadcast %get3A_11 : vector<1x128xf32> to vector<10000x128xf32>
    %add3A_13 = arith.addf %dot_general3A_8, %add3A_12 : vector<10000x128xf32>
    %reduce_sum3A = arith.constant dense<0.000000e+00> : vector<128xf32>
    %reduce_sum3A_14 = vector.multi_reduction <add>, %add3A_13, %reduce_sum3A [0] : vector<10000x128xf32> to vector<128xf32>
    %broadcast_in_dim3A = vector.shape_cast %reduce_sum3A_14 : vector<128xf32> to vector<1x128xf32>
    %div3A = arith.constant 1.000000e+04 : f32
    %div3A_15 = vector.broadcast %div3A : f32 to vector<1x128xf32>
    %div3A_16 = arith.divf %broadcast_in_dim3A, %div3A_15 : vector<1x128xf32>
    %sub3A = vector.broadcast %div3A_16 : vector<1x128xf32> to vector<10000x128xf32>
    %sub3A_17 = arith.subf %add3A_13, %sub3A : vector<10000x128xf32>
    %mul3A = arith.mulf %sub3A_17, %sub3A_17 : vector<10000x128xf32>
    %reduce_sum3A_18 = arith.constant dense<0.000000e+00> : vector<128xf32>
    %reduce_sum3A_19 = vector.multi_reduction <add>, %mul3A, %reduce_sum3A_18 [0] : vector<10000x128xf32> to vector<128xf32>
    %broadcast_in_dim3A_20 = vector.shape_cast %reduce_sum3A_19 : vector<128xf32> to vector<1x128xf32>
    %div3A_21 = arith.constant 1.000000e+04 : f32
    %div3A_22 = vector.broadcast %div3A_21 : f32 to vector<1x128xf32>
    %div3A_23 = arith.divf %broadcast_in_dim3A_20, %div3A_22 : vector<1x128xf32>
    %add3A_24 = arith.constant 9.99999974E-6 : f32
    %add3A_25 = vector.broadcast %add3A_24 : f32 to vector<1x128xf32>
    %add3A_26 = arith.addf %div3A_23, %add3A_25 : vector<1x128xf32>
    %rsqrt3A = math.rsqrt %add3A_26 : vector<1x128xf32>
    %mul3A_27 = vector.broadcast %rsqrt3A : vector<1x128xf32> to vector<10000x128xf32>
    %mul3A_28 = arith.mulf %sub3A_17, %mul3A_27 : vector<10000x128xf32>
    %get3A_29 = arith.constant 0 : index
    %get3A_30 = arith.constant 0 : index
    %get3A_31 = vector.load %arg3[%get3A_29, %get3A_30] : memref<1x128xf32, #tpu.memory_space<vmem>>, vector<1x128xf32>
    %mul3A_32 = vector.broadcast %get3A_31 : vector<1x128xf32> to vector<10000x128xf32>
    %mul3A_33 = arith.mulf %mul3A_28, %mul3A_32 : vector<10000x128xf32>
    %get3A_34 = arith.constant 0 : index
    %get3A_35 = arith.constant 0 : index
    %get3A_36 = vector.load %arg4[%get3A_34, %get3A_35] : memref<1x128xf32, #tpu.memory_space<vmem>>, vector<1x128xf32>
    %add3A_37 = vector.broadcast %get3A_36 : vector<1x128xf32> to vector<10000x128xf32>
    %add3A_38 = arith.addf %mul3A_33, %add3A_37 : vector<10000x128xf32>
    %max3A = arith.constant 0.000000e+00 : f32
    %max3A_39 = vector.broadcast %max3A : f32 to vector<10000x128xf32>
    %max3A_40 = arith.maximumf %add3A_38, %max3A_39 : vector<10000x128xf32>
    %get3A_41 = arith.constant 0 : index
    %get3A_42 = arith.constant 0 : index
    %get3A_43 = vector.load %arg5[%get3A_41, %get3A_42] : memref<128x128xf32, #tpu.memory_space<vmem>>, vector<128x128xf32>
    %dot_general3A_44 = arith.constant dense<0.000000e+00> : vector<10000x128xf32>
    %dot_general3A_45 = tpu.matmul %max3A_40, %get3A_43, %dot_general3A_44 {dimension_numbers = #tpu.dot_dimension_numbers<[1], [0], [0], [1], [0, 0, 1, 1], [], []>, transpose_lhs_hint = false} : vector<10000x128xf32>, vector<128x128xf32>, vector<10000x128xf32> -> vector<10000x128xf32>
    %get3A_46 = arith.constant 0 : index
    %get3A_47 = arith.constant 0 : index
    %get3A_48 = vector.load %arg6[%get3A_46, %get3A_47] : memref<1x128xf32, #tpu.memory_space<vmem>>, vector<1x128xf32>
    %add3A_49 = vector.broadcast %get3A_48 : vector<1x128xf32> to vector<10000x128xf32>
    %add3A_50 = arith.addf %dot_general3A_45, %add3A_49 : vector<10000x128xf32>
    %swap3A = arith.constant 0 : index
    %swap3A_51 = arith.constant 0 : index
    %swap3A_52 = vector.load %arg7[%swap3A, %swap3A_51] : memref<10000x128xf32, #tpu.memory_space<vmem>>, vector<10000x128xf32>
    tpu.vector_store %arg7[%swap3A, %swap3A_51], %add3A_50 {strides = array<i32>} : memref<10000x128xf32, #tpu.memory_space<vmem>>, vector<10000x128xf32>,
    return
  }
}

</mosaic_0001>

<sc_bundles>
// kernel: kernel.6.cloned.1.call-start
scs
__scs_entry_jumppad:
0x0: {  	(pc) =	sbr.rel $0x88, $3  }
0x1: {  	(tag) =	ssettag $0x0;
	lr =	simm.s32 $0x1  }
0x2: {  	[smem:$0x3F8C] =	sst lr;
	_ =	strace $0xD0000000  }
0x3: {  	_ = 	snop  }
0x4: {  	_ = 	snop  }
0x5: {  	_ = 	snop  }
0x6: {  	_ = 	snop  }
0x7: {  	_ = 	snop  }
__scs_overlays_trampoline_lowered:
0x8: {  	[smem:$0x3F9B] =	sst s0  }
0x9: {  	[smem:$0x3F9C] =	sst s1  }
0xa: {  	[smem:$0x3F9D] =	sst s2  }
0xb: {  	[smem:$0x3F9E] =	sst s3  }
0xc: {  	[smem:$0x3F9F] =	sst s4  }
0xd: {  	[smem:$0x3FA0] =	sst s5  }
0xe: {  	[smem:$0x3FA1] =	sst s6  }
0xf: {  	[smem:$0x3FA2] =	sst s7  }
0x10: {  	[smem:$0x3FA3] =	sst s8  }
0x11: {  	[smem:$0x3FA4] =	sst s9;
	s0 =	simm.s32 @!p0 $0x0  }
0x12: {  	s1 =	sld [smem:$0x3F8A];
	s0 =	simm.s32 @p0 $0x1  }
0x13: {  	[smem:$0x3FA5] =	sst s0;
	s0 =	simm.s32 @!p1 $0x0  }
0x14: {  	s2 =	sld [smem:$0x3F89];
	s0 =	simm.s32 @p1 $0x1  }
0x15: {  	[smem:$0x3FA6] =	sst s0;
	s0 =	simm.s32 @!p2 $0x0  }
0x16: {  	s3 =	sld [smem:$0x3FDB];
	s0 =	simm.s32 @p2 $0x1  }
0x17: {  	s4 =	simm.s32 $0x1BF5;
	[smem:$0x3FA8] =	sst s0  }
0x18: {  	s0 =	sld [smem:$0x3F8B];
	_ =	swait.ge [sflag:s4], $0x0  }
0x19: {  	s7 =	sld [smem:$0x3F8C]  }
0x1a: {  	s8 =	sadd.s32 $0xFFFFE003, lr  }
0x1b: {  	s9 =	sadd.s32 $0xFFFFFEF7, lr;
	s5 =	simm.s32 $0xFFFFFFFF;
	p2 =	slt.u32 s8, $0xFFFFF086  }
0x1c: {  	p1 =	slt.u32 s9, $0xF7A;
	s5 =	simm.s32 @!p2 $0x0  }
0x1d: {  	s5 =	simm.s32 @p1 $0x1;
	p0 =	seq.s32 s7, s2  }
0x1e: {  	s7 =	smul.u32 @!p0 $0xF7A, s2;
	p2 =	seq.s32 @!p0 s5, $0x0  }
0x1f: {  	s9 =	smul.u32 $0xF7A, s1;
	s8 =	simm.s32 @!p0 $0x1BF5;
	p2 =	por !p2, p0  }
0x20: {  	[sflag:s8] =	ssyncset.s32 @!p0 $0xFFFFF086;
	s6 =	sadd.s32 @!p0 s3, s7;
	s7 =	simm.s32 @!p0 $0x108  }
0x21: {  	s3 =	sadd.s32 s3, s9;
	s6 =	sadd.s32 @!p0 $0x88, s6;
	s7 =	simm.s32 @p2 $0x1082  }
0x22: {  	[simem:s7], [sflag:s8] =	dma.local @!p0 [hbm:s6], $0xF7A  }
0x23: {  	s9 =	sor.u32 $0xD0000000, s2;
	s6 =	simm.s32 $0x108;
	_ =	swait.ge @!p0 [sflag:s8], $0x0  }
0x24: {  	s3 =	sadd.s32 $0x88, s3;
	s6 =	simm.s32 @!p1 $0x1082;
	[sflag:s4] =	ssyncset.s32 $0xFFFFF086  }
0x25: {  	[simem:s6], [sflag:s4] =	dma.local [hbm:s3], $0xF7A  }
0x26: {  	[smem:$0x3F8C] =	sst s1;
	(tag) =	ssettag s2;
	_ =	strace s9  }
0x27: {  	s1 =	sld [smem:$0x3F9C]  }
0x28: {  	s2 =	sld [smem:$0x3F9D]  }
0x29: {  	s4 =	sld [smem:$0x3F9F]  }
0x2a: {  	p0 =	seq.s32 s5, $0x0;
	s5 =	sld [smem:$0x3FA0]  }
0x2b: {  	s6 =	sld [smem:$0x3FA1]  }
0x2c: {  	s7 =	sld [smem:$0x3FA2]  }
0x2d: {  	s3 =	simm.s32 $0x108;
	s8 =	sld [smem:$0x3FA3]  }
0x2e: {  	s3 =	simm.s32 @!p0 $0x1082;
	s9 =	sld [smem:$0x3FA4]  }
0x2f: {  	lr =	sadd.s32 s0, s3;
	s0 =	sld [smem:$0x3F9B]  }
0x30: {  	s3 =	sld [smem:$0x3F9E]  }
0x31: {  	[smem:$0x3FA7] =	sst s10  }
0x32: {  	s10 =	sld [smem:$0x3FA5];
	_ =	sdelay $0x3  }
0x33: {  	p0 =	seq.s32 s10, $0x1;
	s10 =	sld [smem:$0x3FA7];
	_ =	sdelay $0x3  }
0x34: {  	[smem:$0x3FA7] =	sst s10  }
0x35: {  	s10 =	sld [smem:$0x3FA6];
	_ =	sdelay $0x3  }
0x36: {  	p1 =	seq.s32 s10, $0x1;
	s10 =	sld [smem:$0x3FA7];
	_ =	sdelay $0x3  }
0x37: {  	[smem:$0x3FA7] =	sst s10  }
0x38: {  	s10 =	sld [smem:$0x3FA8]  }
0x39: {  	_ = 	snop;
	(pc) =	sbr.ind lr, $3  }
0x3a: {  	_ = 	snop  }
0x3b: {  	_ = 	snop  }
0x3c: {  	p2 =	seq.s32 s10, $0x1;
	s10 =	sld [smem:$0x3FA7]  }
0x3d: {  	_ =	shalt  }
0x3e: {  	_ =	shalt  }
0x3f: {  	_ =	shalt  }
0x40: {  	_ =	shalt  }
0x41: {  	_ =	shalt  }
0x42: {  	_ =	shalt  }
0x43: {  	_ =	shalt  }
0x44: {  	_ =	shalt  }
0x45: {  	_ =	shalt  }
0x46: {  	_ =	shalt  }
0x47: {  	_ =	shalt  }
0x48: {  	_ =	shalt  }
0x49: {  	_ =	shalt  }
0x4a: {  	_ =	shalt  }
0x4b: {  	_ =	shalt  }
0x4c: {  	_ =	shalt  }
0x4d: {  	_ =	shalt  }
0x4e: {  	_ =	shalt  }
0x4f: {  	_ =	shalt  }
0x50: {  	_ =	shalt  }
0x51: {  	_ =	shalt  }
0x52: {  	_ =	shalt  }
0x53: {  	_ =	shalt  }
0x54: {  	_ =	shalt  }
0x55: {  	_ =	shalt  }
0x56: {  	_ =	shalt  }
0x57: {  	_ =	shalt  }
0x58: {  	_ =	shalt  }
0x59: {  	_ =	shalt  }
0x5a: {  	_ =	shalt  }
0x5b: {  	_ =	shalt  }
0x5c: {  	_ =	shalt  }
0x5d: {  	_ =	shalt  }
0x5e: {  	_ =	shalt  }
0x5f: {  	_ =	shalt  }
0x60: {  	_ =	shalt  }
0x61: {  	_ =	shalt  }
0x62: {  	_ =	shalt  }
0x63: {  	_ =	shalt  }
0x64: {  	_ =	shalt  }
0x65: {  	_ =	shalt  }
0x66: {  	_ =	shalt  }
0x67: {  	_ =	shalt  }
0x68: {  	_ =	shalt  }
0x69: {  	_ =	shalt  }
0x6a: {  	_ =	shalt  }
0x6b: {  	_ =	shalt  }
0x6c: {  	_ =	shalt  }
0x6d: {  	_ =	shalt  }
0x6e: {  	_ =	shalt  }
0x6f: {  	_ =	shalt  }
0x70: {  	_ =	shalt  }
0x71: {  	_ =	shalt  }
0x72: {  	_ =	shalt  }
0x73: {  	_ =	shalt  }
0x74: {  	_ =	shalt  }
0x75: {  	_ =	shalt  }
0x76: {  	_ =	shalt  }
0x77: {  	_ =	shalt  }
0x78: {  	_ =	shalt  }
0x79: {  	_ =	shalt  }
0x7a: {  	_ =	shalt  }
0x7b: {  	_ =	shalt  }
0x7c: {  	_ =	shalt  }
0x7d: {  	_ =	shalt  }
0x7e: {  	_ =	shalt  }
0x7f: {  	_ =	shalt  }
0x80: {  	_ =	shalt  }
0x81: {  	_ =	shalt  }
0x82: {  	_ =	shalt  }
0x83: {  	_ =	shalt  }
0x84: {  	_ =	shalt  }
0x85: {  	_ =	shalt  }
0x86: {  	_ =	shalt  }
0x87: {  	_ =	shalt  }
.Lfunc_end0:
.L_simem_size_0:
called_computation_lowered:
.L_overlay_start_0:
0x88: {  	s2 =	sld [smem:$0x3FD9]  }
0x89: {  	s3 =	sld [smem:$0x3FFE];
	_ =	sdelay $0x1  }
0x8a: {  	s1 =	srdreg.scid  }
0x8b: {  	s0 =	sand.u32 $0x1, s1  }
0x8c: {  	s17 =	sshll.u32 s0, $0xA;
	s2 =	sadd.s32 s3, s2  }
0x8d: {  	s2 =	sadd.s32 s2, s17  }
0x8e: {  	[smem:$0x3FB3] =	sst s2  }
0x8f: {  	_ = 	snop  }
0x90: {  	s2 =	sld [smem:$0x3FD0];
	(tm) =	ssettm $0x1  }
0x91: {  	s18 =	sld [smem:$0x3FFB];
	_ =	sdelay $0x3  }
0x92: {  	_ =	strace s18  }
0x93: {  	s3 =	sld [smem:$0x3FFC];
	_ =	sdelay $0x3  }
0x94: {  	_ =	strace s3  }
0x95: {  	s3 =	sld [smem:$0x3FFD];
	_ =	sdelay $0x3  }
0x96: {  	_ =	strace s3  }
0x97: {  	_ =	strace $0x8FFFFFFF  }
0x98: {  	s19 =	sld [smem:$0x3FDB];
	_ =	sdelay $0x1  }
0x99: {  	s4 =	simm.s32 $_scs_section_size  }
0x9a: {  	s5 =	simm.s32 $_size__tile_overlayer_lowered;
	s6 =	simm.s32 $_tile_overlayer_lowered  }
0x9b: {  	s22 =	simm.s32 $0x1BFF;
	s21 =	sshll.u32 s6, $0x1;
	s3 =	sadd.s32 s4, s19  }
0x9c: {  	s7 =	simm.s32 $0x0;
	s20 =	sshll.u32 s5, $0x1;
	s5 =	sadd.s32 s21, s3  }
0x9d: {  	[timem:s7], [sflag:s22] =	dma.local [hbm:s5], s20  }
0x9e: {  	_ =	swait.ge [sflag:s22], s20  }
0x9f: {  	s4 =	ssub.s32 $0x0, s20;
	[sflag:s22] =	ssyncset.done $0x0  }
0xa0: {  	[sflag:s22] =	ssyncadd.s32 s4;
	_ =	sdelay $0x1  }
0xa1: {  	s23 =	simm.s32 $0x1B8B  }
0xa2: {  	_ =	swait.ge [sflag:s23], $0x1  }
0xa3: {  	[sflag:s23] =	ssyncset.done $0x0  }
0xa4: {  	s25 =	simm.s32 $0x1B8E;
	s24 =	sld [smem:$0x3FFE];
	[sflag:s23] =	ssyncadd.s32 $0xFFFFFFFF  }
0xa5: {  	s26 =	simm.s32 $execute0_lowered;
	[smem:$0x3FD2] =	sst s25  }
0xa6: {  	s5 =	sshll.u32 s26, $0x1;
	_ =	strace $0x80000046;
	[dreg:$0x1] =	wrdreg $0xFFFFFFFF  }
0xa7: {  	s28 =	simm.s32 $_size_execute0_lowered;
	s3 =	sadd.s32 s3, s5;
	[dreg:$0x0] =	wrdreg $0x0  }
0xa8: {  	s5 =	sshll.u32 s28, $0x1;
	[dreg:$0x2] =	wrdreg s3  }
0xa9: {  	[dreg:$0x3] =	wrdreg s5  }
0xaa: {  	[dreg:$0x4] =	wrdreg $0xC0  }
0xab: {  	_ =	task [dreg:s7], $0x5FFFF  }
0xac: {  	[dreg:$0x1] =	wrdreg $0xFFFFFFFF  }
0xad: {  	[dreg:$0x0] =	wrdreg $0x60  }
0xae: {  	[dreg:$0x2] =	wrdreg s24  }
0xaf: {  	[dreg:$0x3] =	wrdreg s2  }
0xb0: {  	[dreg:$0x4] =	wrdreg $0x1C7800  }
0xb1: {  	[dreg:$0x5] =	wrdreg $0x9  }
0xb2: {  	_ =	task.clear_ibuf [dreg:s7], $0x6FFFF;
	_ =	strace $0x90000046  }
0xb3: {  	s29 =	simm.s32 $0x9;
	_ =	strace $0x80000048  }
0xb4: {  	_ =	swait.ge [sflag:s29], $0x1  }
0xb5: {  	[sflag:s29] =	ssyncadd.s32 $0xFFFFFFFF  }
0xb6: {  	_ =	strace $0x90000048  }
0xb7: {  	_ =	sfence  }
0xb8: {  	s30 =	sld [smem:$0x0];
	_ =	sdelay $0x2  }
0xb9: {  	s31 =	sshll.u32 s1, $0xD;
	s1 =	sshrl.u32 s1, $0x2  }
0xba: {  	s3 =	sand.u32 $0x4000, s31;
	s1 =	sadd.s32 s1, s30  }
0xbb: {  	s0 =	sor.u32 s3, s0;
	s1 =	sshll.u32 s1, $0x11  }
0xbc: {  	s0 =	sor.u32 s1, s0  }
0xbd: {  	s0 =	sadd.s32 $0x8F2B, s0  }
0xbe: {  	[sflag:s0] =	ssyncadd.remote.s32 $0x1  }
0xbf: {  	_ =	sfence.sel $0xFFFF  }
0xc0: {  	[dreg:$0x0] =	wrdreg $0xFFFFFFFF;
	(pc) =	sbr.abs _section_cstart, $3  }
0xc1: {  	[dreg:$0x1] =	wrdreg $0xFFFFFFFF  }
0xc2: {  	_ =	task.clear_ibuf [dreg:s7], $0x2FFFF;
	_ =	strace $0x9FFFFFFF  }
0xc3: {  	(tm) =	ssettm $0x7FFFFFFF  }
tec
execute0_lowered:
.L_overlay_start_1:
0x0: {  	(tag) =	ssettag $0x1  }
0x1: {  	s0 =	rddreg [dreg:$0x0]  }
0x2: {  	s1 =	rddreg [dreg:$0x1];
	v1 =	vlaneseq.u32  }
0x3: {  	s2 =	rddreg [dreg:$0x2];
	s3 =	simm.s32 $0x0;
	v0 =	vmul.u32 $0x80, v1;
	v1 =	vmul.u32 $0x10, v1  }
0x4: {  	s17 =	stileid.u32;
	s7 =	srdreg.scid;
	s18 =	simm.s32 $0x13800  }
0x5: {  	s21 =	simm.s32 $0x1C600;
	s22 =	simm.s32 $0x1C660;
	[smem:$0x7FF] =	sst s3;
	v6 =	vor.u32 $0x1, v1  }
0x6: {  	s28 =	simm.s32 $0x1;
	s29 =	simm.s32 $0x2;
	_ =	strace $0x80000047;
	[tilespmem:$0x1FF10] =	vst v6;
	v6 =	vor.u32 $0x2, v1  }
0x7: {  	s30 =	simm.s32 $0x1C000;
	s31 =	simm.s32 $0x1C720;
	s5 =	sadd.s32 $0x30000, s0;
	[tilespmem:$0x1FF20] =	vst v6;
	v6 =	vor.u32 $0x3, v1  }
0x8: {  	v2 =	vimm.f32 $0.0e+00;
	s6 =	sadd.s32 $0x8000, s0;
	s4 =	smul.u32 $0x2800, s17;
	s8 =	sadd.s32 $0x3000, s0;
	[tilespmem:$0x1FF30] =	vst v6;
	v6 =	vor.u32 $0x4, v1  }
0x9: {  	s7 =	sand.u32 $0x1, s7;
	s10 =	smul.u32 $0x500, s17;
	s9 =	sadd.s32 $0x62800, s0;
	v3 =	vor.u32 $0x20, v0;
	v4 =	vor.u32 $0x40, v0;
	[tilespmem:$0x1FF40] =	vst v6;
	v6 =	vor.u32 $0x100, v1  }
0xa: {  	s13 =	sadd.s32 $0x62200, s0;
	s16 =	sshll.u32 s17, $0x1;
	s26 =	sshll.u32 s17, $0x6;
	v5 =	vor.u32 $0x60, v0;
	v11 =	vor.u32 $0x800, v0;
	[tilespmem:$0x1FF50] =	vst v6;
	v6 =	vor.u32 $0x101, v1  }
0xb: {  	s17 =	simm.s32 $0x3;
	[dreg:$0x4] =	wrdreg s8;
	s8 =	sadd.s32 $0x58000, s0;
	v12 =	vor.u32 $0x820, v0;
	v13 =	vor.u32 $0x840, v0;
	[tilespmem:$0x1FF60] =	vst v6;
	v6 =	vor.u32 $0x102, v1  }
0xc: {  	s12 =	smul.u32 $0x5000, s7;
	[dreg:$0x5] =	wrdreg s13;
	s14 =	ssub.s32 $0x2, s7;
	v14 =	vor.u32 $0x860, v0;
	v20 =	vor.u32 $0x1000, v0;
	[tilespmem:$0x1FF70] =	vst v6;
	v6 =	vor.u32 $0x103, v1  }
0xd: {  	s7 =	sor.u32 s7, s16;
	s19 =	sor.u32 $0x1C03, s26;
	s26 =	simm.s32 $0x19000;
	v21 =	vor.u32 $0x1020, v0;
	v22 =	vor.u32 $0x1040, v0;
	[tilespmem:$0x1FF80] =	vst v6;
	v6 =	vor.u32 $0x104, v1  }
0xe: {  	s11 =	sshrl.u32 s4, $0x3;
	s15 =	sshrl.u32 s14, $0x1;
	s4 =	sadd.s32 s4, s2;
	v23 =	vor.u32 $0x1060, v0;
	v29 =	vor.u32 $0x1800, v0;
	[tilespmem:$0x1FF90] =	vst v6;
	v6 =	vor.u32 $0x200, v1  }
0xf: {  	v30 =	vor.u32 $0x1820, v0;
	v31 =	vor.u32 $0x1840, v0;
	s23 =	sadd.s32 s11, s0;
	s11 =	sadd.s32 $0x71A00, s0;
	s10 =	sadd.s32 s10, s12;
	[tilespmem:$0x1FFA0] =	vst v6;
	v6 =	vor.u32 $0x201, v1  }
0x10: {  	v10 =	vimm.f32 $1.000000000e+00;
	v32 =	vor.u32 $0x1860, v0;
	s12 =	sadd.s32 $0x11DA00, s0;
	s24 =	ssub.s32 s14, s15;
	s14 =	smul.u32 $0x2880, s7;
	[tilespmem:$0x1FFB0] =	vst v6;
	v6 =	vor.u32 $0x202, v1  }
0x11: {  	v34 =	vor.u32 $0x301, v1;
	v35 =	vor.u32 $0x302, v1;
	s20 =	sshrl.u32 s4, $0x3;
	s15 =	simm.s32 $0x0;
	s10 =	sadd.s32 s10, s0;
	[tilespmem:$0x1FFC0] =	vst v6;
	v6 =	vor.u32 $0x203, v1  }
0x12: {  	v36 =	vor.u32 $0x303, v1;
	v37 =	vor.u32 $0x304, v1;
	s13 =	sadd.s32 $0x6CA00, s23;
	s16 =	smax.u32 s24, $0x1;
	s23 =	simm.s32 $0x1C6C0;
	[tilespmem:$0x1FFD0] =	vst v6;
	v6 =	vor.u32 $0x204, v1  }
0x13: {  	v38 =	vor.u32 $0x2000, v0;
	v39 =	vor.u32 $0x2020, v0;
	s24 =	simm.s32 $0x60;
	[dreg:$0x6] =	wrdreg s13;
	s25 =	sadd.s32 $0x113A00, s10;
	[tilespmem:$0x1FFE0] =	vst v6;
	v6 =	vor.u32 $0x300, v1  }
0x14: {  	v40 =	vor.u32 $0x2040, v0;
	v41 =	vor.u32 $0x2060, v0;
	v42 =	vor.u32 $0x400, v1;
	s0 =	simm.s32 $0x0;
	[dreg:$0x7] =	wrdreg s25;
	s25 =	simm.s32 $0x16000;
	[tilespmem:$0x1FFF0] =	vst v6  }
.LBB2_1:
0x15: {  	s4 =	rddreg [dreg:$0x4]  }
0x16: {  	[tilespmem:s3], [sflag:$0x3] =	stream.linear.gather [hbm4b:s4+s3], $0x13800, $0x38;
	[tilespmem:$0x1EF80] =	vst v63  }
0x17: {  	_ =	swait.ge [sflag:s17], $0x13800  }
0x18: {  	[sflag:s17] =	ssyncset.done $0x0  }
0x19: {  	s10 =	rddreg [dreg:$0x5];
	[sflag:s17] =	ssyncadd.s32 $0xFFFEC800  }
0x1a: {  	[tilespmem:s18], [sflag:$0x3] =	stream.linear.gather [hbm4b:s10+s3], $0x2800, $0x38;
	[tilespmem:$0x1EF80] =	vst v63  }
0x1b: {  	_ =	swait.ge [sflag:s17], $0x2800  }
0x1c: {  	[sflag:s17] =	ssyncset.done $0x0  }
0x1d: {  	s13 =	rddreg [dreg:$0x6];
	[sflag:s17] =	ssyncadd.s32 $0xFFFFD800  }
0x1e: {  	[spmem:s20], [sflag:s19] =	dma.local [hbm:s13], $0x500  }
0x1f: {  	_ =	swait.ge [sflag:s17], $0x500  }
0x20: {  	[sflag:s17] =	ssyncset.done $0x0  }
0x21: {  	[sflag:s17] =	ssyncadd.s32 $0xFFFFFB00  }
0x22: {  	[tilespmem:$0x1C000] =	vst v2  }
0x23: {  	[tilespmem:$0x1C010] =	vst v2  }
0x24: {  	[tilespmem:$0x1C020] =	vst v2  }
0x25: {  	[tilespmem:$0x1C030] =	vst v2  }
0x26: {  	[tilespmem:$0x1C040] =	vst v2  }
0x27: {  	[tilespmem:$0x1C050] =	vst v2  }
0x28: {  	[tilespmem:$0x1C060] =	vst v2  }
0x29: {  	[tilespmem:$0x1C070] =	vst v2  }
0x2a: {  	[tilespmem:$0x1C080] =	vst v2  }
0x2b: {  	[tilespmem:$0x1C090] =	vst v2  }
0x2c: {  	[tilespmem:$0x1C0A0] =	vst v2  }
0x2d: {  	[tilespmem:$0x1C0B0] =	vst v2  }
0x2e: {  	[tilespmem:$0x1C0C0] =	vst v2  }
0x2f: {  	[tilespmem:$0x1C0D0] =	vst v2  }
0x30: {  	[tilespmem:$0x1C0E0] =	vst v2  }
0x31: {  	[tilespmem:$0x1C0F0] =	vst v2  }
0x32: {  	[tilespmem:$0x1C100] =	vst v2  }
0x33: {  	[tilespmem:$0x1C110] =	vst v2  }
0x34: {  	[tilespmem:$0x1C120] =	vst v2  }
0x35: {  	[tilespmem:$0x1C130] =	vst v2  }
0x36: {  	[tilespmem:$0x1C140] =	vst v2  }
0x37: {  	[tilespmem:$0x1C150] =	vst v2  }
0x38: {  	[tilespmem:$0x1C160] =	vst v2  }
0x39: {  	[tilespmem:$0x1C170] =	vst v2  }
0x3a: {  	[tilespmem:$0x1C180] =	vst v2  }
0x3b: {  	[tilespmem:$0x1C190] =	vst v2  }
0x3c: {  	[tilespmem:$0x1C1A0] =	vst v2  }
0x3d: {  	[tilespmem:$0x1C1B0] =	vst v2  }
0x3e: {  	[tilespmem:$0x1C1C0] =	vst v2  }
0x3f: {  	[tilespmem:$0x1C1D0] =	vst v2  }
0x40: {  	[tilespmem:$0x1C1E0] =	vst v2  }
0x41: {  	[tilespmem:$0x1C1F0] =	vst v2  }
0x42: {  	[tilespmem:$0x1C200] =	vst v2  }
0x43: {  	[tilespmem:$0x1C210] =	vst v2  }
0x44: {  	[tilespmem:$0x1C220] =	vst v2  }
0x45: {  	[tilespmem:$0x1C230] =	vst v2  }
0x46: {  	[tilespmem:$0x1C240] =	vst v2  }
0x47: {  	[tilespmem:$0x1C250] =	vst v2  }
0x48: {  	[tilespmem:$0x1C260] =	vst v2  }
0x49: {  	[tilespmem:$0x1C270] =	vst v2  }
0x4a: {  	[tilespmem:$0x1C280] =	vst v2  }
0x4b: {  	[tilespmem:$0x1C290] =	vst v2  }
0x4c: {  	[tilespmem:$0x1C2A0] =	vst v2  }
0x4d: {  	[tilespmem:$0x1C2B0] =	vst v2  }
0x4e: {  	[tilespmem:$0x1C2C0] =	vst v2  }
0x4f: {  	[tilespmem:$0x1C2D0] =	vst v2  }
0x50: {  	[tilespmem:$0x1C2E0] =	vst v2  }
0x51: {  	[tilespmem:$0x1C2F0] =	vst v2  }
0x52: {  	[tilespmem:$0x1C300] =	vst v2  }
0x53: {  	[tilespmem:$0x1C310] =	vst v2  }
0x54: {  	[tilespmem:$0x1C320] =	vst v2  }
0x55: {  	[tilespmem:$0x1C330] =	vst v2  }
0x56: {  	[tilespmem:$0x1C340] =	vst v2  }
0x57: {  	[tilespmem:$0x1C350] =	vst v2  }
0x58: {  	[tilespmem:$0x1C360] =	vst v2  }
0x59: {  	[tilespmem:$0x1C370] =	vst v2  }
0x5a: {  	[tilespmem:$0x1C380] =	vst v2  }
0x5b: {  	[tilespmem:$0x1C390] =	vst v2  }
0x5c: {  	[tilespmem:$0x1C3A0] =	vst v2  }
0x5d: {  	[tilespmem:$0x1C3B0] =	vst v2  }
0x5e: {  	[tilespmem:$0x1C3C0] =	vst v2  }
0x5f: {  	[tilespmem:$0x1C3D0] =	vst v2  }
0x60: {  	[tilespmem:$0x1C3E0] =	vst v2  }
0x61: {  	[tilespmem:$0x1C3F0] =	vst v2  }
0x62: {  	[tilespmem:$0x1C400] =	vst v2  }
0x63: {  	[tilespmem:$0x1C410] =	vst v2  }
0x64: {  	[tilespmem:$0x1C420] =	vst v2  }
0x65: {  	[tilespmem:$0x1C430] =	vst v2  }
0x66: {  	[tilespmem:$0x1C440] =	vst v2  }
0x67: {  	[tilespmem:$0x1C450] =	vst v2  }
0x68: {  	[tilespmem:$0x1C460] =	vst v2  }
0x69: {  	[tilespmem:$0x1C470] =	vst v2  }
0x6a: {  	[tilespmem:$0x1C480] =	vst v2  }
0x6b: {  	[tilespmem:$0x1C490] =	vst v2  }
0x6c: {  	[tilespmem:$0x1C4A0] =	vst v2  }
0x6d: {  	[tilespmem:$0x1C4B0] =	vst v2  }
0x6e: {  	[tilespmem:$0x1C4C0] =	vst v2  }
0x6f: {  	[tilespmem:$0x1C4D0] =	vst v2  }
0x70: {  	[tilespmem:$0x1C4E0] =	vst v2  }
0x71: {  	[tilespmem:$0x1C4F0] =	vst v2  }
0x72: {  	[tilespmem:$0x1C500] =	vst v2  }
0x73: {  	[tilespmem:$0x1C510] =	vst v2  }
0x74: {  	[tilespmem:$0x1C520] =	vst v2  }
0x75: {  	[tilespmem:$0x1C530] =	vst v2  }
0x76: {  	[tilespmem:$0x1C540] =	vst v2  }
0x77: {  	[tilespmem:$0x1C550] =	vst v2  }
0x78: {  	[tilespmem:$0x1C560] =	vst v2  }
0x79: {  	[tilespmem:$0x1C570] =	vst v2  }
0x7a: {  	[tilespmem:$0x1C580] =	vst v2  }
0x7b: {  	[tilespmem:$0x1C590] =	vst v2  }
0x7c: {  	[tilespmem:$0x1C5A0] =	vst v2  }
0x7d: {  	[tilespmem:$0x1C5B0] =	vst v2  }
0x7e: {  	[tilespmem:$0x1C5C0] =	vst v2  }
0x7f: {  	[tilespmem:$0x1C5D0] =	vst v2  }
0x80: {  	[tilespmem:$0x1C5E0] =	vst v2  }
0x81: {  	[tilespmem:$0x1C5F0] =	vst v2  }
0x82: {  	s4 =	simm.s32 $0x0;
	[bflag:$0x0] =	sbarrier.arrive $0xFFFF  }
.LBB2_2:
0x83: {  	s7 =	smul.u32 $0x60, s4;
	_ =	sdelay $0x1  }
0x84: {  	s10 =	sadd.s32 s14, s7  }
0x85: {  	s7 =	sshrl.u32 s10, $0x3  }
0x86: {  	s13 =	sadd.s32 s1, s7  }
0x87: {  	[tilespmem:s21], [sflag:$0x3] =	stream.linear.gather [hbm4b:s13+s15], $0x60, $0x38;
	[tilespmem:$0x1EF80] =	vst v63  }
0x88: {  	_ =	swait.ge [sflag:s17], $0x60  }
0x89: {  	[sflag:s17] =	ssyncset.done $0x0  }
0x8a: {  	s13 =	sadd.s32 s8, s7;
	[sflag:s17] =	ssyncadd.s32 $0xFFFFFFA0  }
0x8b: {  	[tilespmem:s22], [sflag:$0x3] =	stream.linear.gather [hbm4b:s13+s15], $0x60, $0x38;
	[tilespmem:$0x1EF80] =	vst v63  }
0x8c: {  	_ =	swait.ge [sflag:s17], $0x60  }
0x8d: {  	[sflag:s17] =	ssyncset.done $0x0  }
0x8e: {  	s13 =	sadd.s32 s9, s7;
	[sflag:s17] =	ssyncadd.s32 $0xFFFFFFA0  }
0x8f: {  	[tilespmem:s23], [sflag:$0x3] =	stream.linear.gather [hbm4b:s13+s15], $0x60, $0x38;
	[tilespmem:$0x1EF80] =	vst v63  }
0x90: {  	_ =	swait.ge [sflag:s17], $0x60  }
0x91: {  	[sflag:s17] =	ssyncset.done $0x0  }
0x92: {  	[sflag:s17] =	ssyncadd.s32 $0xFFFFFFA0  }
0x93: {  	[tilespmem:s25], [sflag:$0x1] =	stream.indirect.gather [hbm4b:s5+s24], $0x80, s21, s24, $0xb8;
	[tilespmem:$0x1EF80] =	vst v63  }
0x94: {  	_ = 	snop  }
0x95: {  	[tilespmem:s26], [sflag:$0x2] =	stream.indirect.gather [hbm4b:s6+s24], $0x80, s22, s24, $0xb8;
	[tilespmem:$0x1EF80] =	vst v63  }
0x96: {  	_ =	swait.ge [sflag:s28], $0x3000  }
0x97: {  	[sflag:s28] =	ssyncset.done $0x0  }
0x98: {  	[sflag:s28] =	ssyncadd.s32 $0xFFFFD000  }
0x99: {  	_ =	swait.ge [sflag:s29], $0x3000  }
0x9a: {  	[sflag:s29] =	ssyncset.done $0x0  }
0x9b: {  	[sflag:s29] =	ssyncadd.s32 $0xFFFFD000  }
0x9c: {  	v6 =	vld [tilespmem:$0x1C600];
	_ =	sdelay $0x1  }
0x9d: {  	v7 =	vld [tilespmem:$0x1C660];
	_ =	sdelay $0x4  }
0x9e: {  	v8 =	vld [tilespmem:$0x1C6C0]  }
0x9f: {  	v6 =	vld.idx.msk [tilespmem:v6+s18+$0x0], $0xffff;
	_ =	sdelay $0x1  }
0xa0: {  	v7 =	vld.idx.msk [tilespmem:v7+s18+$0x0], $0xffff  }
0xa1: {  	s13 =	simm.s32 $0x1  }
0xa2: {  	v9 =	vmov s15;
	v51 =	vmov s13  }
0xa3: {  	v51 =	vand.u32 $0x1F, v51;
	v8 =	vshll.u32 v8, $0x4;
	v6 =	vshll.u32 v6, $0x2  }
0xa4: {  	v56 =	vbroadcast v51, $0x0;
	v6 =	vadd.s32 v8, v6;
	v8 =	vand.u32 $0x1F, v9  }
0xa5: {  	v6 =	vadd.s32 v7, v6;
	v7 =	vbroadcast v8, $0x0  }
0xa6: {  	v62 =	vor.u32 v5, v56  }
0xa7: {  	v8 =	vor.u32 v5, v7  }
0xa8: {  	v15 =	vor.u32 v0, v7  }
0xa9: {  	v43 =	vshll.u32 v6, $0x7  }
0xaa: {  	[tilespmem:$0x1C720] =	vst v6;
	v6 =	vor.u32 v43, v7  }
0xab: {  	v47 =	vor.u32 $0x60, v43;
	v16 =	vor.u32 v3, v7;
	v54 =	vld.idx.msk [tilespmem:v62+s26+$0x0], $0xffff  }
0xac: {  	v9 =	vor.u32 v47, v7;
	v44 =	vld.idx.msk [tilespmem:v8+s26+$0x0], $0xffff  }
0xad: {  	v45 =	vor.u32 $0x20, v43;
	v49 =	vor.u32 v4, v7;
	v50 =	vld.idx.msk [tilespmem:v15+s26+$0x0], $0xffff  }
0xae: {  	v46 =	vor.u32 $0x40, v43;
	v48 =	vor.u32 v45, v7;
	v8 =	vld.idx.msk [tilespmem:v8+s25+$0x0], $0xffff  }
0xaf: {  	v7 =	vor.u32 v46, v7;
	v6 =	vld.idx.msk [tilespmem:v6+s3+$0x0], $0xffff  }
0xb0: {  	v57 =	vld.idx.msk [tilespmem:v16+s26+$0x0], $0xffff  }
0xb1: {  	v9 =	vld.idx.msk [tilespmem:v9+s3+$0x0], $0xffff  }
0xb2: {  	v63 =	vld.idx.msk [tilespmem:v49+s26+$0x0], $0xffff  }
0xb3: {  	v51 =	vor.u32 v0, v56;
	v61 =	vld.idx.msk [tilespmem:v48+s3+$0x0], $0xffff  }
0xb4: {  	v58 =	vor.u32 v47, v56;
	v7 =	vld.idx.msk [tilespmem:v7+s3+$0x0], $0xffff  }
0xb5: {  	v15 =	vld.idx.msk [tilespmem:v15+s25+$0x0], $0xffff  }
0xb6: {  	v52 =	vor.u32 v3, v56;
	v17 =	vor.u32 v43, v56;
	v16 =	vld.idx.msk [tilespmem:v16+s25+$0x0], $0xffff;
	v9 =	vadd.f32 v9, v44  }
0xb7: {  	v53 =	vor.u32 v4, v56;
	v60 =	vor.u32 v45, v56;
	v59 =	vor.u32 v46, v56;
	v55 =	vld.idx.msk [tilespmem:v49+s25+$0x0], $0xffff  }
0xb8: {  	v56 =	vld.idx.msk [tilespmem:v51+s26+$0x0], $0xffff;
	v49 =	vimm.f32 $0.0e+00;
	v6 =	vadd.f32 v6, v50;
	v8 =	vmul.f32 v9, v8  }
0xb9: {  	s13 =	simm.s32 $0x2;
	v48 =	vimm.f32 $0.0e+00;
	v58 =	vld.idx.msk [tilespmem:v58+s3+$0x0], $0xffff;
	v7 =	vadd.f32 v7, v63;
	v9 =	vadd.f32 v61, v57  }
0xba: {  	v61 =	vmov s13;
	v57 =	vld.idx.msk [tilespmem:v62+s25+$0x0], $0xffff;
	v44 =	vadd.f32 v8, v48;
	v8 =	vmul.f32 v6, v15  }
0xbb: {  	v50 =	vimm.f32 $0.0e+00;
	s13 =	simm.s32 $0x3;
	v15 =	vand.u32 $0x1F, v61;
	v6 =	vld.idx.msk [tilespmem:v17+s3+$0x0], $0xffff;
	v9 =	vmul.f32 v9, v16  }
.LBB2_3:
0xbc: {  	p0 =	sne.s32 s13, $0x1F;
	v15 =	vbroadcast v15, $0x0;
	v16 =	vld.idx.msk [tilespmem:v52+s26+$0x0], $0xffff;
	v48 =	vadd.f32 v8, v48;
	v7 =	vmul.f32 v7, v55  }
0xbd: {  	v8 =	vld.idx.msk [tilespmem:v60+s3+$0x0], $0xffff;
	v50 =	vadd.f32 v9, v50  }
0xbe: {  	v54 =	vadd.f32 v58, v54;
	v9 =	vor.u32 v0, v15;
	v17 =	vor.u32 v5, v15;
	v61 =	vld.idx.msk [tilespmem:v53+s26+$0x0], $0xffff  }
0xbf: {  	v62 =	vor.u32 v43, v15;
	v58 =	vor.u32 v3, v15;
	v63 =	vor.u32 v47, v15;
	v18 =	vld.idx.msk [tilespmem:v59+s3+$0x0], $0xffff  }
0xc0: {  	v60 =	vor.u32 v45, v15;
	v19 =	vor.u32 v4, v15;
	v26 =	vmul.f32 v54, v57;
	v24 =	vld.idx.msk [tilespmem:v51+s25+$0x0], $0xffff  }
0xc1: {  	v49 =	vadd.f32 v7, v49;
	v59 =	vor.u32 v46, v15;
	v6 =	vadd.f32 v6, v56;
	v25 =	vld.idx.msk [tilespmem:v52+s25+$0x0], $0xffff  }
0xc2: {  	v51 =	vmovc v9;
	v44 =	vadd.f32 v26, v44;
	v52 =	vmov v58;
	v55 =	vld.idx.msk [tilespmem:v53+s25+$0x0], $0xffff;
	v53 =	vmov v19  }
.Ltmp0:
0xc3: {  	v16 =	vadd.f32 v8, v16;
	v54 =	vld.idx.msk [tilespmem:v17+s26+$0x0], $0xffff;
	(pc) =	sbr.rel @p0 .LBB2_3-.Ltmp0, $4  }
0xc4: {  	v58 =	vld.idx.msk [tilespmem:v63+s3+$0x0], $0xffff  }
0xc5: {  	v7 =	vadd.f32 v18, v61;
	v56 =	vld.idx.msk [tilespmem:v9+s26+$0x0], $0xffff  }
0xc6: {  	v9 =	vmov s13;
	v8 =	vmul.f32 v6, v24;
	v57 =	vld.idx.msk [tilespmem:v17+s25+$0x0], $0xffff  }
0xc7: {  	s13 =	sadd.s32 $0x1, s13;
	v15 =	vand.u32 $0x1F, v9;
	v9 =	vmul.f32 v16, v25;
	v6 =	vld.idx.msk [tilespmem:v62+s3+$0x0], $0xffff  }
0xc8: {  	_ =	sdelay $0x3  }
0xc9: {  	v15 =	vbroadcast v15, $0x0;
	v16 =	vld.idx.msk [tilespmem:v52+s26+$0x0], $0xffff  }
0xca: {  	v17 =	vld.idx.msk [tilespmem:v60+s3+$0x0], $0xffff  }
0xcb: {  	v19 =	vld.idx.msk [tilespmem:v53+s26+$0x0], $0xffff;
	v24 =	vor.u32 v47, v15;
	v47 =	vor.u32 v0, v15  }
0xcc: {  	v25 =	vld.idx.msk [tilespmem:v59+s3+$0x0], $0xffff;
	v43 =	vor.u32 v43, v15  }
0xcd: {  	v51 =	vld.idx.msk [tilespmem:v51+s25+$0x0], $0xffff;
	v59 =	vor.u32 v3, v15  }
0xce: {  	v52 =	vld.idx.msk [tilespmem:v52+s25+$0x0], $0xffff;
	v45 =	vor.u32 v45, v15  }
0xcf: {  	v53 =	vld.idx.msk [tilespmem:v53+s25+$0x0], $0xffff  }
0xd0: {  	v33 =	vld.idx.msk [tilespmem:v47+s26+$0x0], $0xffff  }
0xd1: {  	v61 =	vor.u32 v4, v15;
	v43 =	vld.idx.msk [tilespmem:v43+s3+$0x0], $0xffff  }
0xd2: {  	v62 =	vld.idx.msk [tilespmem:v59+s26+$0x0], $0xffff  }
0xd3: {  	v18 =	vor.u32 v5, v15;
	v45 =	vld.idx.msk [tilespmem:v45+s3+$0x0], $0xffff  }
0xd4: {  	v15 =	vor.u32 v46, v15;
	v6 =	vadd.f32 v6, v56;
	v47 =	vld.idx.msk [tilespmem:v47+s25+$0x0], $0xffff  }
0xd5: {  	v59 =	vld.idx.msk [tilespmem:v59+s25+$0x0], $0xffff  }
0xd6: {  	v8 =	vadd.f32 v8, v48;
	v16 =	vadd.f32 v17, v16;
	v6 =	vmul.f32 v6, v51;
	v63 =	vld.idx.msk [tilespmem:v61+s26+$0x0], $0xffff  }
0xd7: {  	v9 =	vadd.f32 v9, v50;
	v17 =	vld.idx.msk [tilespmem:v61+s25+$0x0], $0xffff;
	v61 =	vadd.f32 v43, v33  }
0xd8: {  	v60 =	vld.idx.msk [tilespmem:v18+s26+$0x0], $0xffff;
	v16 =	vmul.f32 v16, v52;
	v6 =	vadd.f32 v6, v8;
	v8 =	vadd.f32 v45, v62  }
0xd9: {  	v19 =	vadd.f32 v25, v19;
	v15 =	vld.idx.msk [tilespmem:v15+s3+$0x0], $0xffff;
	v25 =	vmul.f32 v61, v47  }
0xda: {  	v24 =	vld.idx.msk [tilespmem:v24+s3+$0x0], $0xffff;
	v9 =	vadd.f32 v16, v9;
	v8 =	vmul.f32 v8, v59  }
0xdb: {  	v7 =	vmul.f32 v7, v55;
	v6 =	vadd.f32 v25, v6  }
0xdc: {  	v18 =	vld.idx.msk [tilespmem:v18+s25+$0x0], $0xffff;
	v8 =	vadd.f32 v8, v9  }
0xdd: {  	v58 =	vadd.f32 v58, v54;
	v7 =	vadd.f32 v7, v49;
	v6 =	vmul.f32 $1.442695020e+00, v6  }
0xde: {  	v19 =	vmul.f32 v19, v53;
	v15 =	vadd.f32 v15, v63;
	v8 =	vmul.f32 $1.442695020e+00, v8  }
0xdf: {  	v48 =	vmul.f32 v58, v57;
	v16 =	vadd.f32 v24, v60;
	(erf) = vpow2.f32 v6  }
0xe0: {  	v7 =	vadd.f32 v19, v7;
	v15 =	vmul.f32 v15, v17;
	(erf) = vpow2.f32 v8  }
0xe1: {  	v17 =	vadd.f32 v48, v44;
	v16 =	vmul.f32 v16, v18  }
0xe2: {  	v7 =	vadd.f32 v15, v7;
	v8 =	vld [tilespmem:$0x1FF10]  }
0xe3: {  	v9 =	vadd.f32 v16, v17  }
0xe4: {  	v6 =	vmul.f32 $1.442695020e+00, v7  }
0xe5: {  	v7 =	vmul.f32 $1.442695020e+00, v9;
	_ =	sdelay $0x2  }
0xe6: {  	(erf) = vpow2.f32 v6;
	v6 =	vpop (erf)  }
0xe7: {  	(erf) = vpow2.f32 v7;
	v7 =	vpop (erf);
	[tilespmem:v1+s30+$0x0] =	vst.idx.msk $0xffff, v6  }
0xe8: {  	[tilespmem:v8+s30+$0x0] =	vst.idx.msk $0xffff, v7;
	v7 =	vld [tilespmem:$0x1FF20];
	_ =	sdelay $0x6  }
0xe9: {  	v6 =	vpop (erf)  }
0xea: {  	[tilespmem:v7+s30+$0x0] =	vst.idx.msk $0xffff, v6;
	v7 =	vld [tilespmem:$0x1FF30];
	_ =	sdelay $0x6  }
0xeb: {  	v6 =	vpop (erf)  }
0xec: {  	[tilespmem:v7+s30+$0x0] =	vst.idx.msk $0xffff, v6;
	v6 =	vld [tilespmem:$0x1FF40];
	_ =	sdelay $0x7  }
0xed: {  	[tilespmem:v6+s30+$0x0] =	vst.idx.msk $0xffff, v10  }
0xee: {  	v6 =	vld [tilespmem:$0x1C610];
	_ =	sdelay $0x1  }
0xef: {  	v7 =	vld [tilespmem:$0x1C670];
	_ =	sdelay $0x4  }
0xf0: {  	v8 =	vld [tilespmem:$0x1C6D0]  }
0xf1: {  	v6 =	vld.idx.msk [tilespmem:v6+s18+$0x0], $0xffff  }
0xf2: {  	s13 =	simm.s32 $0x0  }
0xf3: {  	v9 =	vmov s13;
	s13 =	simm.s32 $0x1;
	v7 =	vld.idx.msk [tilespmem:v7+s18+$0x0], $0xffff  }
0xf4: {  	v63 =	vmov s13  }
0xf5: {  	v25 =	vand.u32 $0x1F, v63  }
0xf6: {  	v25 =	vbroadcast v25, $0x0;
	v8 =	vshll.u32 v8, $0x4;
	v6 =	vshll.u32 v6, $0x2  }
0xf7: {  	v6 =	vadd.s32 v8, v6;
	v8 =	vand.u32 $0x1F, v9  }
0xf8: {  	v50 =	vor.u32 v14, v25;
	v6 =	vadd.s32 v7, v6;
	v7 =	vbroadcast v8, $0x0;
	_ =	sdelay $0x1  }
0xf9: {  	v8 =	vor.u32 v14, v7  }
0xfa: {  	v15 =	vor.u32 v11, v7  }
0xfb: {  	v43 =	vshll.u32 v6, $0x7;
	[tilespmem:$0x1C730] =	vst v6  }
0xfc: {  	v6 =	vor.u32 v43, v7;
	v54 =	vld.idx.msk [tilespmem:v50+s26+$0x0], $0xffff  }
0xfd: {  	v47 =	vor.u32 $0x60, v43;
	v16 =	vor.u32 v12, v7;
	v57 =	vld.idx.msk [tilespmem:v50+s25+$0x0], $0xffff  }
0xfe: {  	v9 =	vor.u32 v47, v7;
	v17 =	vld.idx.msk [tilespmem:v8+s26+$0x0], $0xffff  }
0xff: {  	v45 =	vor.u32 $0x20, v43;
	v19 =	vor.u32 v13, v7;
	v24 =	vld.idx.msk [tilespmem:v15+s26+$0x0], $0xffff  }
0x100: {  	v46 =	vor.u32 $0x40, v43;
	v18 =	vor.u32 v45, v7;
	v8 =	vld.idx.msk [tilespmem:v8+s25+$0x0], $0xffff  }
0x101: {  	v7 =	vor.u32 v46, v7;
	v6 =	vld.idx.msk [tilespmem:v6+s3+$0x0], $0xffff  }
0x102: {  	v49 =	vld.idx.msk [tilespmem:v16+s26+$0x0], $0xffff  }
0x103: {  	v9 =	vld.idx.msk [tilespmem:v9+s3+$0x0], $0xffff  }
0x104: {  	v26 =	vld.idx.msk [tilespmem:v19+s26+$0x0], $0xffff  }
0x105: {  	v18 =	vld.idx.msk [tilespmem:v18+s3+$0x0], $0xffff  }
0x106: {  	v33 =	vor.u32 v47, v25;
	v7 =	vld.idx.msk [tilespmem:v7+s3+$0x0], $0xffff  }
0x107: {  	v51 =	vor.u32 v11, v25;
	v15 =	vld.idx.msk [tilespmem:v15+s25+$0x0], $0xffff  }
0x108: {  	v48 =	vimm.f32 $0.0e+00;
	v16 =	vld.idx.msk [tilespmem:v16+s25+$0x0], $0xffff;
	v9 =	vadd.f32 v9, v17;
	v17 =	vor.u32 v43, v25  }
0x109: {  	v52 =	vor.u32 v12, v25;
	v53 =	vor.u32 v13, v25;
	v50 =	vimm.f32 $0.0e+00;
	v55 =	vld.idx.msk [tilespmem:v19+s25+$0x0], $0xffff  }
0x10a: {  	v60 =	vor.u32 v45, v25;
	v6 =	vadd.f32 v6, v24;
	v8 =	vmul.f32 v9, v8  }
0x10b: {  	s13 =	simm.s32 $0x2;
	v59 =	vor.u32 v46, v25;
	v58 =	vld.idx.msk [tilespmem:v33+s3+$0x0], $0xffff;
	v7 =	vadd.f32 v7, v26;
	v9 =	vadd.f32 v18, v49  }
0x10c: {  	v56 =	vld.idx.msk [tilespmem:v51+s26+$0x0], $0xffff;
	v18 =	vmov s13;
	v44 =	vadd.f32 v8, v48;
	v8 =	vmul.f32 v6, v15  }
0x10d: {  	s13 =	simm.s32 $0x3;
	v49 =	vimm.f32 $0.0e+00;
	v15 =	vand.u32 $0x1F, v18;
	v9 =	vmul.f32 v9, v16;
	v6 =	vld.idx.msk [tilespmem:v17+s3+$0x0], $0xffff  }
.LBB2_5:
0x10e: {  	p0 =	sne.s32 s13, $0x1F;
	v15 =	vbroadcast v15, $0x0;
	v16 =	vld.idx.msk [tilespmem:v52+s26+$0x0], $0xffff;
	v48 =	vadd.f32 v8, v48;
	v7 =	vmul.f32 v7, v55  }
0x10f: {  	v8 =	vld.idx.msk [tilespmem:v60+s3+$0x0], $0xffff;
	v50 =	vadd.f32 v9, v50  }
0x110: {  	v19 =	vadd.f32 v58, v54;
	v9 =	vor.u32 v11, v15;
	v17 =	vor.u32 v14, v15;
	v18 =	vld.idx.msk [tilespmem:v53+s26+$0x0], $0xffff  }
0x111: {  	v24 =	vor.u32 v43, v15;
	v25 =	vor.u32 v12, v15;
	v58 =	vor.u32 v47, v15;
	v61 =	vld.idx.msk [tilespmem:v59+s3+$0x0], $0xffff  }
0x112: {  	v60 =	vor.u32 v45, v15;
	v54 =	vor.u32 v13, v15;
	v19 =	vmul.f32 v19, v57;
	v62 =	vld.idx.msk [tilespmem:v51+s25+$0x0], $0xffff  }
0x113: {  	v49 =	vadd.f32 v7, v49;
	v59 =	vor.u32 v46, v15;
	v6 =	vadd.f32 v6, v56;
	v63 =	vld.idx.msk [tilespmem:v52+s25+$0x0], $0xffff  }
0x114: {  	v51 =	vmovc v9;
	v44 =	vadd.f32 v19, v44;
	v52 =	vmov v25;
	v55 =	vld.idx.msk [tilespmem:v53+s25+$0x0], $0xffff;
	v53 =	vmov v54  }
.Ltmp1:
0x115: {  	v16 =	vadd.f32 v8, v16;
	v54 =	vld.idx.msk [tilespmem:v17+s26+$0x0], $0xffff;
	(pc) =	sbr.rel @p0 .LBB2_5-.Ltmp1, $4  }
0x116: {  	v58 =	vld.idx.msk [tilespmem:v58+s3+$0x0], $0xffff  }
0x117: {  	v7 =	vadd.f32 v61, v18;
	v56 =	vld.idx.msk [tilespmem:v9+s26+$0x0], $0xffff  }
0x118: {  	v9 =	vmov s13;
	v8 =	vmul.f32 v6, v62;
	v57 =	vld.idx.msk [tilespmem:v17+s25+$0x0], $0xffff  }
0x119: {  	s13 =	sadd.s32 $0x1, s13;
	v15 =	vand.u32 $0x1F, v9;
	v9 =	vmul.f32 v16, v63;
	v6 =	vld.idx.msk [tilespmem:v24+s3+$0x0], $0xffff  }
0x11a: {  	_ =	sdelay $0x2  }
0x11b: {  	v15 =	vbroadcast v15, $0x0  }
0x11c: {  	v16 =	vld.idx.msk [tilespmem:v52+s26+$0x0], $0xffff  }
0x11d: {  	v17 =	vld.idx.msk [tilespmem:v60+s3+$0x0], $0xffff;
	v24 =	vor.u32 v47, v15;
	v47 =	vor.u32 v11, v15  }
0x11e: {  	v19 =	vld.idx.msk [tilespmem:v53+s26+$0x0], $0xffff;
	v43 =	vor.u32 v43, v15  }
0x11f: {  	v25 =	vld.idx.msk [tilespmem:v59+s3+$0x0], $0xffff;
	v59 =	vor.u32 v12, v15  }
0x120: {  	v51 =	vld.idx.msk [tilespmem:v51+s25+$0x0], $0xffff;
	v45 =	vor.u32 v45, v15  }
0x121: {  	v52 =	vld.idx.msk [tilespmem:v52+s25+$0x0], $0xffff  }
0x122: {  	v61 =	vor.u32 v13, v15;
	v33 =	vld.idx.msk [tilespmem:v47+s26+$0x0], $0xffff  }
0x123: {  	v43 =	vld.idx.msk [tilespmem:v43+s3+$0x0], $0xffff  }
0x124: {  	v62 =	vld.idx.msk [tilespmem:v59+s26+$0x0], $0xffff  }
0x125: {  	v45 =	vld.idx.msk [tilespmem:v45+s3+$0x0], $0xffff  }
0x126: {  	v18 =	vor.u32 v14, v15;
	v15 =	vor.u32 v46, v15;
	v47 =	vld.idx.msk [tilespmem:v47+s25+$0x0], $0xffff  }
0x127: {  	v6 =	vadd.f32 v6, v56;
	v63 =	vld.idx.msk [tilespmem:v61+s26+$0x0], $0xffff  }
0x128: {  	v16 =	vadd.f32 v17, v16;
	v59 =	vld.idx.msk [tilespmem:v59+s25+$0x0], $0xffff  }
0x129: {  	v8 =	vadd.f32 v8, v48;
	v6 =	vmul.f32 v6, v51;
	v17 =	vld.idx.msk [tilespmem:v61+s25+$0x0], $0xffff;
	v61 =	vadd.f32 v43, v33  }
0x12a: {  	v53 =	vld.idx.msk [tilespmem:v53+s25+$0x0], $0xffff;
	v9 =	vadd.f32 v9, v50;
	v19 =	vadd.f32 v25, v19;
	v16 =	vmul.f32 v16, v52  }
0x12b: {  	v15 =	vld.idx.msk [tilespmem:v15+s3+$0x0], $0xffff;
	v6 =	vadd.f32 v6, v8;
	v8 =	vadd.f32 v45, v62;
	v25 =	vmul.f32 v61, v47;
	_ =	sdelay $0x1  }
0x12c: {  	v9 =	vadd.f32 v16, v9;
	v8 =	vmul.f32 v8, v59;
	v6 =	vadd.f32 v25, v6  }
0x12d: {  	v7 =	vmul.f32 v7, v55  }
0x12e: {  	v8 =	vadd.f32 v8, v9;
	v6 =	vmul.f32 $1.442695020e+00, v6  }
0x12f: {  	v7 =	vadd.f32 v7, v49;
	v19 =	vmul.f32 v19, v53;
	v15 =	vadd.f32 v15, v63  }
0x130: {  	v60 =	vld.idx.msk [tilespmem:v18+s26+$0x0], $0xffff;
	v8 =	vmul.f32 $1.442695020e+00, v8;
	(erf) = vpow2.f32 v6  }
0x131: {  	v24 =	vld.idx.msk [tilespmem:v24+s3+$0x0], $0xffff;
	v7 =	vadd.f32 v19, v7;
	v15 =	vmul.f32 v15, v17  }
0x132: {  	(erf) = vpow2.f32 v8;
	v8 =	vld [tilespmem:$0x1FF50]  }
0x133: {  	v7 =	vadd.f32 v15, v7  }
0x134: {  	v18 =	vld.idx.msk [tilespmem:v18+s25+$0x0], $0xffff  }
0x135: {  	v58 =	vadd.f32 v58, v54;
	v6 =	vmul.f32 $1.442695020e+00, v7;
	_ =	sdelay $0x1  }
0x136: {  	v48 =	vmul.f32 v58, v57;
	v16 =	vadd.f32 v24, v60;
	_ =	sdelay $0x1  }
0x137: {  	v17 =	vadd.f32 v48, v44;
	v16 =	vmul.f32 v16, v18;
	(erf) = vpow2.f32 v6;
	v6 =	vpop (erf)  }
0x138: {  	[tilespmem:v8+s30+$0x0] =	vst.idx.msk $0xffff, v6;
	v8 =	vld [tilespmem:$0x1FF60]  }
0x139: {  	v9 =	vadd.f32 v16, v17;
	_ =	sdelay $0x1  }
0x13a: {  	v7 =	vmul.f32 $1.442695020e+00, v9;
	_ =	sdelay $0x3  }
0x13b: {  	(erf) = vpow2.f32 v7;
	v7 =	vpop (erf)  }
0x13c: {  	[tilespmem:v8+s30+$0x0] =	vst.idx.msk $0xffff, v7;
	v7 =	vld [tilespmem:$0x1FF70];
	_ =	sdelay $0x6  }
0x13d: {  	v6 =	vpop (erf)  }
0x13e: {  	[tilespmem:v7+s30+$0x0] =	vst.idx.msk $0xffff, v6;
	v7 =	vld [tilespmem:$0x1FF80];
	_ =	sdelay $0x6  }
0x13f: {  	v6 =	vpop (erf)  }
0x140: {  	[tilespmem:v7+s30+$0x0] =	vst.idx.msk $0xffff, v6;
	v6 =	vld [tilespmem:$0x1FF90];
	_ =	sdelay $0x7  }
0x141: {  	[tilespmem:v6+s30+$0x0] =	vst.idx.msk $0xffff, v10  }
0x142: {  	v6 =	vld [tilespmem:$0x1C620];
	_ =	sdelay $0x1  }
0x143: {  	v7 =	vld [tilespmem:$0x1C680];
	_ =	sdelay $0x4  }
0x144: {  	v8 =	vld [tilespmem:$0x1C6E0]  }
0x145: {  	v6 =	vld.idx.msk [tilespmem:v6+s18+$0x0], $0xffff  }
0x146: {  	s13 =	simm.s32 $0x0  }
0x147: {  	v9 =	vmov s13;
	s13 =	simm.s32 $0x1;
	v7 =	vld.idx.msk [tilespmem:v7+s18+$0x0], $0xffff  }
0x148: {  	v63 =	vmov s13  }
0x149: {  	v25 =	vand.u32 $0x1F, v63  }
0x14a: {  	v25 =	vbroadcast v25, $0x0;
	v8 =	vshll.u32 v8, $0x4;
	v6 =	vshll.u32 v6, $0x2  }
0x14b: {  	v6 =	vadd.s32 v8, v6;
	v8 =	vand.u32 $0x1F, v9  }
0x14c: {  	v50 =	vor.u32 v23, v25;
	v6 =	vadd.s32 v7, v6;
	v7 =	vbroadcast v8, $0x0;
	_ =	sdelay $0x1  }
0x14d: {  	v8 =	vor.u32 v23, v7  }
0x14e: {  	v15 =	vor.u32 v20, v7  }
0x14f: {  	v43 =	vshll.u32 v6, $0x7;
	[tilespmem:$0x1C740] =	vst v6  }
0x150: {  	v6 =	vor.u32 v43, v7;
	v54 =	vld.idx.msk [tilespmem:v50+s26+$0x0], $0xffff  }
0x151: {  	v47 =	vor.u32 $0x60, v43;
	v16 =	vor.u32 v21, v7;
	v57 =	vld.idx.msk [tilespmem:v50+s25+$0x0], $0xffff  }
0x152: {  	v9 =	vor.u32 v47, v7;
	v17 =	vld.idx.msk [tilespmem:v8+s26+$0x0], $0xffff  }
0x153: {  	v45 =	vor.u32 $0x20, v43;
	v19 =	vor.u32 v22, v7;
	v24 =	vld.idx.msk [tilespmem:v15+s26+$0x0], $0xffff  }
0x154: {  	v46 =	vor.u32 $0x40, v43;
	v18 =	vor.u32 v45, v7;
	v8 =	vld.idx.msk [tilespmem:v8+s25+$0x0], $0xffff  }
0x155: {  	v7 =	vor.u32 v46, v7;
	v6 =	vld.idx.msk [tilespmem:v6+s3+$0x0], $0xffff  }
0x156: {  	v49 =	vld.idx.msk [tilespmem:v16+s26+$0x0], $0xffff  }
0x157: {  	v9 =	vld.idx.msk [tilespmem:v9+s3+$0x0], $0xffff  }
0x158: {  	v26 =	vld.idx.msk [tilespmem:v19+s26+$0x0], $0xffff  }
0x159: {  	v18 =	vld.idx.msk [tilespmem:v18+s3+$0x0], $0xffff  }
0x15a: {  	v33 =	vor.u32 v47, v25;
	v7 =	vld.idx.msk [tilespmem:v7+s3+$0x0], $0xffff  }
0x15b: {  	v51 =	vor.u32 v20, v25;
	v15 =	vld.idx.msk [tilespmem:v15+s25+$0x0], $0xffff  }
0x15c: {  	v48 =	vimm.f32 $0.0e+00;
	v16 =	vld.idx.msk [tilespmem:v16+s25+$0x0], $0xffff;
	v9 =	vadd.f32 v9, v17;
	v17 =	vor.u32 v43, v25  }
0x15d: {  	v52 =	vor.u32 v21, v25;
	v53 =	vor.u32 v22, v25;
	v50 =	vimm.f32 $0.0e+00;
	v55 =	vld.idx.msk [tilespmem:v19+s25+$0x0], $0xffff  }
0x15e: {  	v60 =	vor.u32 v45, v25;
	v6 =	vadd.f32 v6, v24;
	v8 =	vmul.f32 v9, v8  }
0x15f: {  	s13 =	simm.s32 $0x2;
	v59 =	vor.u32 v46, v25;
	v58 =	vld.idx.msk [tilespmem:v33+s3+$0x0], $0xffff;
	v7 =	vadd.f32 v7, v26;
	v9 =	vadd.f32 v18, v49  }
0x160: {  	v56 =	vld.idx.msk [tilespmem:v51+s26+$0x0], $0xffff;
	v18 =	vmov s13;
	v44 =	vadd.f32 v8, v48;
	v8 =	vmul.f32 v6, v15  }
0x161: {  	s13 =	simm.s32 $0x3;
	v49 =	vimm.f32 $0.0e+00;
	v15 =	vand.u32 $0x1F, v18;
	v9 =	vmul.f32 v9, v16;
	v6 =	vld.idx.msk [tilespmem:v17+s3+$0x0], $0xffff  }
.LBB2_7:
0x162: {  	p0 =	sne.s32 s13, $0x1F;
	v15 =	vbroadcast v15, $0x0;
	v16 =	vld.idx.msk [tilespmem:v52+s26+$0x0], $0xffff;
	v48 =	vadd.f32 v8, v48;
	v7 =	vmul.f32 v7, v55  }
0x163: {  	v8 =	vld.idx.msk [tilespmem:v60+s3+$0x0], $0xffff;
	v50 =	vadd.f32 v9, v50  }
0x164: {  	v19 =	vadd.f32 v58, v54;
	v9 =	vor.u32 v20, v15;
	v17 =	vor.u32 v23, v15;
	v18 =	vld.idx.msk [tilespmem:v53+s26+$0x0], $0xffff  }
0x165: {  	v24 =	vor.u32 v43, v15;
	v25 =	vor.u32 v21, v15;
	v58 =	vor.u32 v47, v15;
	v61 =	vld.idx.msk [tilespmem:v59+s3+$0x0], $0xffff  }
0x166: {  	v60 =	vor.u32 v45, v15;
	v54 =	vor.u32 v22, v15;
	v19 =	vmul.f32 v19, v57;
	v62 =	vld.idx.msk [tilespmem:v51+s25+$0x0], $0xffff  }
0x167: {  	v49 =	vadd.f32 v7, v49;
	v59 =	vor.u32 v46, v15;
	v6 =	vadd.f32 v6, v56;
	v63 =	vld.idx.msk [tilespmem:v52+s25+$0x0], $0xffff  }
0x168: {  	v51 =	vmovc v9;
	v44 =	vadd.f32 v19, v44;
	v52 =	vmov v25;
	v55 =	vld.idx.msk [tilespmem:v53+s25+$0x0], $0xffff;
	v53 =	vmov v54  }
.Ltmp2:
0x169: {  	v16 =	vadd.f32 v8, v16;
	v54 =	vld.idx.msk [tilespmem:v17+s26+$0x0], $0xffff;
	(pc) =	sbr.rel @p0 .LBB2_7-.Ltmp2, $4  }
0x16a: {  	v58 =	vld.idx.msk [tilespmem:v58+s3+$0x0], $0xffff  }
0x16b: {  	v7 =	vadd.f32 v61, v18;
	v56 =	vld.idx.msk [tilespmem:v9+s26+$0x0], $0xffff  }
0x16c: {  	v9 =	vmov s13;
	v8 =	vmul.f32 v6, v62;
	v57 =	vld.idx.msk [tilespmem:v17+s25+$0x0], $0xffff  }
0x16d: {  	s13 =	sadd.s32 $0x1, s13;
	v15 =	vand.u32 $0x1F, v9;
	v9 =	vmul.f32 v16, v63;
	v6 =	vld.idx.msk [tilespmem:v24+s3+$0x0], $0xffff  }
0x16e: {  	_ =	sdelay $0x2  }
0x16f: {  	v15 =	vbroadcast v15, $0x0  }
0x170: {  	v16 =	vld.idx.msk [tilespmem:v52+s26+$0x0], $0xffff  }
0x171: {  	v17 =	vld.idx.msk [tilespmem:v60+s3+$0x0], $0xffff;
	v24 =	vor.u32 v47, v15;
	v47 =	vor.u32 v20, v15  }
0x172: {  	v19 =	vld.idx.msk [tilespmem:v53+s26+$0x0], $0xffff;
	v43 =	vor.u32 v43, v15  }
0x173: {  	v25 =	vld.idx.msk [tilespmem:v59+s3+$0x0], $0xffff;
	v59 =	vor.u32 v21, v15  }
0x174: {  	v51 =	vld.idx.msk [tilespmem:v51+s25+$0x0], $0xffff;
	v45 =	vor.u32 v45, v15  }
0x175: {  	v52 =	vld.idx.msk [tilespmem:v52+s25+$0x0], $0xffff  }
0x176: {  	v61 =	vor.u32 v22, v15;
	v33 =	vld.idx.msk [tilespmem:v47+s26+$0x0], $0xffff  }
0x177: {  	v43 =	vld.idx.msk [tilespmem:v43+s3+$0x0], $0xffff  }
0x178: {  	v62 =	vld.idx.msk [tilespmem:v59+s26+$0x0], $0xffff  }
0x179: {  	v45 =	vld.idx.msk [tilespmem:v45+s3+$0x0], $0xffff  }
0x17a: {  	v18 =	vor.u32 v23, v15;
	v15 =	vor.u32 v46, v15;
	v47 =	vld.idx.msk [tilespmem:v47+s25+$0x0], $0xffff  }
0x17b: {  	v6 =	vadd.f32 v6, v56;
	v63 =	vld.idx.msk [tilespmem:v61+s26+$0x0], $0xffff  }
0x17c: {  	v16 =	vadd.f32 v17, v16;
	v59 =	vld.idx.msk [tilespmem:v59+s25+$0x0], $0xffff  }
0x17d: {  	v8 =	vadd.f32 v8, v48;
	v6 =	vmul.f32 v6, v51;
	v17 =	vld.idx.msk [tilespmem:v61+s25+$0x0], $0xffff;
	v61 =	vadd.f32 v43, v33  }
0x17e: {  	v53 =	vld.idx.msk [tilespmem:v53+s25+$0x0], $0xffff;
	v9 =	vadd.f32 v9, v50;
	v19 =	vadd.f32 v25, v19;
	v16 =	vmul.f32 v16, v52  }
0x17f: {  	v15 =	vld.idx.msk [tilespmem:v15+s3+$0x0], $0xffff;
	v6 =	vadd.f32 v6, v8;
	v8 =	vadd.f32 v45, v62;
	v25 =	vmul.f32 v61, v47;
	_ =	sdelay $0x1  }
0x180: {  	v9 =	vadd.f32 v16, v9;
	v8 =	vmul.f32 v8, v59;
	v6 =	vadd.f32 v25, v6  }
0x181: {  	v7 =	vmul.f32 v7, v55  }
0x182: {  	v8 =	vadd.f32 v8, v9;
	v6 =	vmul.f32 $1.442695020e+00, v6  }
0x183: {  	v7 =	vadd.f32 v7, v49;
	v19 =	vmul.f32 v19, v53;
	v15 =	vadd.f32 v15, v63  }
0x184: {  	v60 =	vld.idx.msk [tilespmem:v18+s26+$0x0], $0xffff;
	v8 =	vmul.f32 $1.442695020e+00, v8;
	(erf) = vpow2.f32 v6  }
0x185: {  	v24 =	vld.idx.msk [tilespmem:v24+s3+$0x0], $0xffff;
	v7 =	vadd.f32 v19, v7;
	v15 =	vmul.f32 v15, v17  }
0x186: {  	(erf) = vpow2.f32 v8;
	v8 =	vld [tilespmem:$0x1FFA0]  }
0x187: {  	v7 =	vadd.f32 v15, v7  }
0x188: {  	v18 =	vld.idx.msk [tilespmem:v18+s25+$0x0], $0xffff  }
0x189: {  	v58 =	vadd.f32 v58, v54;
	v6 =	vmul.f32 $1.442695020e+00, v7;
	_ =	sdelay $0x1  }
0x18a: {  	v48 =	vmul.f32 v58, v57;
	v16 =	vadd.f32 v24, v60;
	_ =	sdelay $0x1  }
0x18b: {  	v17 =	vadd.f32 v48, v44;
	v16 =	vmul.f32 v16, v18;
	(erf) = vpow2.f32 v6;
	v6 =	vpop (erf)  }
0x18c: {  	[tilespmem:v8+s30+$0x0] =	vst.idx.msk $0xffff, v6;
	v8 =	vld [tilespmem:$0x1FFB0]  }
0x18d: {  	v9 =	vadd.f32 v16, v17;
	_ =	sdelay $0x1  }
0x18e: {  	v7 =	vmul.f32 $1.442695020e+00, v9;
	_ =	sdelay $0x3  }
0x18f: {  	(erf) = vpow2.f32 v7;
	v7 =	vpop (erf)  }
0x190: {  	[tilespmem:v8+s30+$0x0] =	vst.idx.msk $0xffff, v7;
	v7 =	vld [tilespmem:$0x1FFC0];
	_ =	sdelay $0x6  }
0x191: {  	v6 =	vpop (erf)  }
0x192: {  	[tilespmem:v7+s30+$0x0] =	vst.idx.msk $0xffff, v6;
	v7 =	vld [tilespmem:$0x1FFD0];
	_ =	sdelay $0x6  }
0x193: {  	v6 =	vpop (erf)  }
0x194: {  	[tilespmem:v7+s30+$0x0] =	vst.idx.msk $0xffff, v6;
	v6 =	vld [tilespmem:$0x1FFE0];
	_ =	sdelay $0x7  }
0x195: {  	[tilespmem:v6+s30+$0x0] =	vst.idx.msk $0xffff, v10  }
0x196: {  	v6 =	vld [tilespmem:$0x1C630];
	_ =	sdelay $0x1  }
0x197: {  	v7 =	vld [tilespmem:$0x1C690];
	_ =	sdelay $0x4  }
0x198: {  	v8 =	vld [tilespmem:$0x1C6F0]  }
0x199: {  	v6 =	vld.idx.msk [tilespmem:v6+s18+$0x0], $0xffff  }
0x19a: {  	s13 =	simm.s32 $0x0  }
0x19b: {  	v9 =	vmov s13;
	s13 =	simm.s32 $0x1;
	v7 =	vld.idx.msk [tilespmem:v7+s18+$0x0], $0xffff  }
0x19c: {  	v63 =	vmov s13  }
0x19d: {  	v25 =	vand.u32 $0x1F, v63  }
0x19e: {  	v25 =	vbroadcast v25, $0x0;
	v8 =	vshll.u32 v8, $0x4;
	v6 =	vshll.u32 v6, $0x2  }
0x19f: {  	v6 =	vadd.s32 v8, v6;
	v8 =	vand.u32 $0x1F, v9  }
0x1a0: {  	v50 =	vor.u32 v32, v25;
	v6 =	vadd.s32 v7, v6;
	v7 =	vbroadcast v8, $0x0;
	_ =	sdelay $0x1  }
0x1a1: {  	v8 =	vor.u32 v32, v7  }
0x1a2: {  	v15 =	vor.u32 v29, v7  }
0x1a3: {  	v43 =	vshll.u32 v6, $0x7;
	[tilespmem:$0x1C750] =	vst v6  }
0x1a4: {  	v6 =	vor.u32 v43, v7;
	v54 =	vld.idx.msk [tilespmem:v50+s26+$0x0], $0xffff  }
0x1a5: {  	v47 =	vor.u32 $0x60, v43;
	v16 =	vor.u32 v30, v7;
	v57 =	vld.idx.msk [tilespmem:v50+s25+$0x0], $0xffff  }
0x1a6: {  	v9 =	vor.u32 v47, v7;
	v17 =	vld.idx.msk [tilespmem:v8+s26+$0x0], $0xffff  }
0x1a7: {  	v45 =	vor.u32 $0x20, v43;
	v19 =	vor.u32 v31, v7;
	v24 =	vld.idx.msk [tilespmem:v15+s26+$0x0], $0xffff  }
0x1a8: {  	v46 =	vor.u32 $0x40, v43;
	v18 =	vor.u32 v45, v7;
	v8 =	vld.idx.msk [tilespmem:v8+s25+$0x0], $0xffff  }
0x1a9: {  	v7 =	vor.u32 v46, v7;
	v6 =	vld.idx.msk [tilespmem:v6+s3+$0x0], $0xffff  }
0x1aa: {  	v49 =	vld.idx.msk [tilespmem:v16+s26+$0x0], $0xffff  }
0x1ab: {  	v9 =	vld.idx.msk [tilespmem:v9+s3+$0x0], $0xffff  }
0x1ac: {  	v26 =	vld.idx.msk [tilespmem:v19+s26+$0x0], $0xffff  }
0x1ad: {  	v18 =	vld.idx.msk [tilespmem:v18+s3+$0x0], $0xffff  }
0x1ae: {  	v33 =	vor.u32 v47, v25;
	v7 =	vld.idx.msk [tilespmem:v7+s3+$0x0], $0xffff  }
0x1af: {  	v51 =	vor.u32 v29, v25;
	v15 =	vld.idx.msk [tilespmem:v15+s25+$0x0], $0xffff  }
0x1b0: {  	v48 =	vimm.f32 $0.0e+00;
	v16 =	vld.idx.msk [tilespmem:v16+s25+$0x0], $0xffff;
	v9 =	vadd.f32 v9, v17;
	v17 =	vor.u32 v43, v25  }
0x1b1: {  	v52 =	vor.u32 v30, v25;
	v53 =	vor.u32 v31, v25;
	v50 =	vimm.f32 $0.0e+00;
	v55 =	vld.idx.msk [tilespmem:v19+s25+$0x0], $0xffff  }
0x1b2: {  	v60 =	vor.u32 v45, v25;
	v6 =	vadd.f32 v6, v24;
	v8 =	vmul.f32 v9, v8  }
0x1b3: {  	s13 =	simm.s32 $0x2;
	v59 =	vor.u32 v46, v25;
	v58 =	vld.idx.msk [tilespmem:v33+s3+$0x0], $0xffff;
	v7 =	vadd.f32 v7, v26;
	v9 =	vadd.f32 v18, v49  }
0x1b4: {  	v56 =	vld.idx.msk [tilespmem:v51+s26+$0x0], $0xffff;
	v18 =	vmov s13;
	v44 =	vadd.f32 v8, v48;
	v8 =	vmul.f32 v6, v15  }
0x1b5: {  	s13 =	simm.s32 $0x3;
	v49 =	vimm.f32 $0.0e+00;
	v15 =	vand.u32 $0x1F, v18;
	v9 =	vmul.f32 v9, v16;
	v6 =	vld.idx.msk [tilespmem:v17+s3+$0x0], $0xffff  }
.LBB2_9:
0x1b6: {  	p0 =	sne.s32 s13, $0x1F;
	v15 =	vbroadcast v15, $0x0;
	v16 =	vld.idx.msk [tilespmem:v52+s26+$0x0], $0xffff;
	v48 =	vadd.f32 v8, v48;
	v7 =	vmul.f32 v7, v55  }
0x1b7: {  	v8 =	vld.idx.msk [tilespmem:v60+s3+$0x0], $0xffff;
	v50 =	vadd.f32 v9, v50  }
0x1b8: {  	v19 =	vadd.f32 v58, v54;
	v9 =	vor.u32 v29, v15;
	v17 =	vor.u32 v32, v15;
	v18 =	vld.idx.msk [tilespmem:v53+s26+$0x0], $0xffff  }
0x1b9: {  	v24 =	vor.u32 v43, v15;
	v25 =	vor.u32 v30, v15;
	v58 =	vor.u32 v47, v15;
	v61 =	vld.idx.msk [tilespmem:v59+s3+$0x0], $0xffff  }
0x1ba: {  	v60 =	vor.u32 v45, v15;
	v54 =	vor.u32 v31, v15;
	v19 =	vmul.f32 v19, v57;
	v62 =	vld.idx.msk [tilespmem:v51+s25+$0x0], $0xffff  }
0x1bb: {  	v49 =	vadd.f32 v7, v49;
	v59 =	vor.u32 v46, v15;
	v6 =	vadd.f32 v6, v56;
	v63 =	vld.idx.msk [tilespmem:v52+s25+$0x0], $0xffff  }
0x1bc: {  	v51 =	vmovc v9;
	v44 =	vadd.f32 v19, v44;
	v52 =	vmov v25;
	v55 =	vld.idx.msk [tilespmem:v53+s25+$0x0], $0xffff;
	v53 =	vmov v54  }
.Ltmp3:
0x1bd: {  	v16 =	vadd.f32 v8, v16;
	v54 =	vld.idx.msk [tilespmem:v17+s26+$0x0], $0xffff;
	(pc) =	sbr.rel @p0 .LBB2_9-.Ltmp3, $4  }
0x1be: {  	v58 =	vld.idx.msk [tilespmem:v58+s3+$0x0], $0xffff  }
0x1bf: {  	v7 =	vadd.f32 v61, v18;
	v56 =	vld.idx.msk [tilespmem:v9+s26+$0x0], $0xffff  }
0x1c0: {  	v9 =	vmov s13;
	v8 =	vmul.f32 v6, v62;
	v57 =	vld.idx.msk [tilespmem:v17+s25+$0x0], $0xffff  }
0x1c1: {  	s13 =	sadd.s32 $0x1, s13;
	v15 =	vand.u32 $0x1F, v9;
	v9 =	vmul.f32 v16, v63;
	v6 =	vld.idx.msk [tilespmem:v24+s3+$0x0], $0xffff  }
0x1c2: {  	_ =	sdelay $0x3  }
0x1c3: {  	v15 =	vbroadcast v15, $0x0;
	v16 =	vld.idx.msk [tilespmem:v52+s26+$0x0], $0xffff  }
0x1c4: {  	v17 =	vld.idx.msk [tilespmem:v60+s3+$0x0], $0xffff  }
0x1c5: {  	v19 =	vld.idx.msk [tilespmem:v53+s26+$0x0], $0xffff;
	v18 =	vor.u32 v32, v15  }
0x1c6: {  	v25 =	vld.idx.msk [tilespmem:v59+s3+$0x0], $0xffff;
	v24 =	vor.u32 v47, v15  }
0x1c7: {  	v51 =	vld.idx.msk [tilespmem:v51+s25+$0x0], $0xffff;
	v47 =	vor.u32 v29, v15  }
0x1c8: {  	v52 =	vld.idx.msk [tilespmem:v52+s25+$0x0], $0xffff;
	v43 =	vor.u32 v43, v15  }
0x1c9: {  	v53 =	vld.idx.msk [tilespmem:v53+s25+$0x0], $0xffff;
	v59 =	vor.u32 v30, v15  }
0x1ca: {  	v45 =	vor.u32 v45, v15;
	v60 =	vld.idx.msk [tilespmem:v18+s26+$0x0], $0xffff  }
0x1cb: {  	v61 =	vor.u32 v31, v15;
	v24 =	vld.idx.msk [tilespmem:v24+s3+$0x0], $0xffff  }
0x1cc: {  	v15 =	vor.u32 v46, v15;
	v33 =	vld.idx.msk [tilespmem:v47+s26+$0x0], $0xffff  }
0x1cd: {  	v43 =	vld.idx.msk [tilespmem:v43+s3+$0x0], $0xffff  }
0x1ce: {  	v62 =	vld.idx.msk [tilespmem:v59+s26+$0x0], $0xffff  }
0x1cf: {  	v45 =	vld.idx.msk [tilespmem:v45+s3+$0x0], $0xffff  }
0x1d0: {  	v63 =	vld.idx.msk [tilespmem:v61+s26+$0x0], $0xffff  }
0x1d1: {  	v15 =	vld.idx.msk [tilespmem:v15+s3+$0x0], $0xffff  }
0x1d2: {  	v8 =	vadd.f32 v8, v48;
	v7 =	vmul.f32 v7, v55;
	v6 =	vadd.f32 v6, v56;
	v47 =	vld.idx.msk [tilespmem:v47+s25+$0x0], $0xffff  }
0x1d3: {  	v9 =	vadd.f32 v9, v50;
	v58 =	vadd.f32 v58, v54;
	v59 =	vld.idx.msk [tilespmem:v59+s25+$0x0], $0xffff  }
0x1d4: {  	v7 =	vadd.f32 v7, v49;
	v16 =	vadd.f32 v17, v16;
	v6 =	vmul.f32 v6, v51;
	v17 =	vld.idx.msk [tilespmem:v61+s25+$0x0], $0xffff  }
0x1d5: {  	v48 =	vmul.f32 v58, v57;
	v19 =	vadd.f32 v25, v19;
	v18 =	vld.idx.msk [tilespmem:v18+s25+$0x0], $0xffff;
	v61 =	vadd.f32 v43, v33  }
0x1d6: {  	v16 =	vmul.f32 v16, v52;
	v6 =	vadd.f32 v6, v8;
	v8 =	vadd.f32 v45, v62  }
0x1d7: {  	v19 =	vmul.f32 v19, v53;
	v15 =	vadd.f32 v15, v63;
	v25 =	vmul.f32 v61, v47  }
0x1d8: {  	v9 =	vadd.f32 v16, v9;
	v16 =	vadd.f32 v24, v60;
	v8 =	vmul.f32 v8, v59  }
0x1d9: {  	v7 =	vadd.f32 v19, v7;
	v15 =	vmul.f32 v15, v17;
	v6 =	vadd.f32 v25, v6  }
0x1da: {  	v17 =	vadd.f32 v48, v44;
	v16 =	vmul.f32 v16, v18;
	v8 =	vadd.f32 v8, v9  }
0x1db: {  	v7 =	vadd.f32 v15, v7;
	v6 =	vmul.f32 $1.442695020e+00, v6  }
0x1dc: {  	v9 =	vadd.f32 v16, v17;
	v8 =	vmul.f32 $1.442695020e+00, v8  }
0x1dd: {  	(erf) = vpow2.f32 v6;
	v6 =	vmul.f32 $1.442695020e+00, v7  }
0x1de: {  	v7 =	vmul.f32 $1.442695020e+00, v9;
	(erf) = vpow2.f32 v8  }
0x1df: {  	v8 =	vld [tilespmem:$0x1FFF0];
	(erf) = vpow2.f32 v6  }
0x1e0: {  	(erf) = vpow2.f32 v7;
	_ =	sdelay $0x5  }
0x1e1: {  	v6 =	vpop (erf)  }
0x1e2: {  	v7 =	vpop (erf);
	[tilespmem:v8+s30+$0x0] =	vst.idx.msk $0xffff, v6  }
0x1e3: {  	v6 =	vpop (erf);
	[tilespmem:v34+s30+$0x0] =	vst.idx.msk $0xffff, v7  }
0x1e4: {  	[tilespmem:v35+s30+$0x0] =	vst.idx.msk $0xffff, v6;
	v6 =	vpop (erf)  }
0x1e5: {  	[tilespmem:v36+s30+$0x0] =	vst.idx.msk $0xffff, v6  }
0x1e6: {  	[tilespmem:v37+s30+$0x0] =	vst.idx.msk $0xffff, v10  }
0x1e7: {  	v6 =	vld [tilespmem:$0x1C640];
	_ =	sdelay $0x1  }
0x1e8: {  	v7 =	vld [tilespmem:$0x1C6A0];
	_ =	sdelay $0x4  }
0x1e9: {  	v8 =	vld [tilespmem:$0x1C700]  }
0x1ea: {  	v6 =	vld.idx.msk [tilespmem:v6+s18+$0x0], $0xffff  }
0x1eb: {  	s13 =	simm.s32 $0x0  }
0x1ec: {  	v9 =	vmov s13;
	s13 =	simm.s32 $0x1;
	v7 =	vld.idx.msk [tilespmem:v7+s18+$0x0], $0xffff  }
0x1ed: {  	v63 =	vmov s13  }
0x1ee: {  	v25 =	vand.u32 $0x1F, v63  }
0x1ef: {  	v25 =	vbroadcast v25, $0x0;
	v8 =	vshll.u32 v8, $0x4;
	v6 =	vshll.u32 v6, $0x2  }
0x1f0: {  	v6 =	vadd.s32 v8, v6;
	v8 =	vand.u32 $0x1F, v9  }
0x1f1: {  	v50 =	vor.u32 v41, v25;
	v6 =	vadd.s32 v7, v6;
	v7 =	vbroadcast v8, $0x0;
	_ =	sdelay $0x1  }
0x1f2: {  	v8 =	vor.u32 v41, v7  }
0x1f3: {  	v15 =	vor.u32 v38, v7  }
0x1f4: {  	v43 =	vshll.u32 v6, $0x7;
	[tilespmem:$0x1C760] =	vst v6  }
0x1f5: {  	v6 =	vor.u32 v43, v7;
	v54 =	vld.idx.msk [tilespmem:v50+s26+$0x0], $0xffff  }
0x1f6: {  	v47 =	vor.u32 $0x60, v43;
	v16 =	vor.u32 v39, v7;
	v57 =	vld.idx.msk [tilespmem:v50+s25+$0x0], $0xffff  }
0x1f7: {  	v9 =	vor.u32 v47, v7;
	v17 =	vld.idx.msk [tilespmem:v8+s26+$0x0], $0xffff  }
0x1f8: {  	v45 =	vor.u32 $0x20, v43;
	v19 =	vor.u32 v40, v7;
	v24 =	vld.idx.msk [tilespmem:v15+s26+$0x0], $0xffff  }
0x1f9: {  	v46 =	vor.u32 $0x40, v43;
	v18 =	vor.u32 v45, v7;
	v8 =	vld.idx.msk [tilespmem:v8+s25+$0x0], $0xffff  }
0x1fa: {  	v7 =	vor.u32 v46, v7;
	v6 =	vld.idx.msk [tilespmem:v6+s3+$0x0], $0xffff  }
0x1fb: {  	v49 =	vld.idx.msk [tilespmem:v16+s26+$0x0], $0xffff  }
0x1fc: {  	v9 =	vld.idx.msk [tilespmem:v9+s3+$0x0], $0xffff  }
0x1fd: {  	v26 =	vld.idx.msk [tilespmem:v19+s26+$0x0], $0xffff  }
0x1fe: {  	v18 =	vld.idx.msk [tilespmem:v18+s3+$0x0], $0xffff  }
0x1ff: {  	v33 =	vor.u32 v47, v25;
	v7 =	vld.idx.msk [tilespmem:v7+s3+$0x0], $0xffff  }
0x200: {  	v51 =	vor.u32 v38, v25;
	v15 =	vld.idx.msk [tilespmem:v15+s25+$0x0], $0xffff  }
0x201: {  	v48 =	vimm.f32 $0.0e+00;
	v16 =	vld.idx.msk [tilespmem:v16+s25+$0x0], $0xffff;
	v9 =	vadd.f32 v9, v17;
	v17 =	vor.u32 v43, v25  }
0x202: {  	v52 =	vor.u32 v39, v25;
	v53 =	vor.u32 v40, v25;
	v50 =	vimm.f32 $0.0e+00;
	v55 =	vld.idx.msk [tilespmem:v19+s25+$0x0], $0xffff  }
0x203: {  	v60 =	vor.u32 v45, v25;
	v6 =	vadd.f32 v6, v24;
	v8 =	vmul.f32 v9, v8  }
0x204: {  	s13 =	simm.s32 $0x2;
	v59 =	vor.u32 v46, v25;
	v58 =	vld.idx.msk [tilespmem:v33+s3+$0x0], $0xffff;
	v7 =	vadd.f32 v7, v26;
	v9 =	vadd.f32 v18, v49  }
0x205: {  	v56 =	vld.idx.msk [tilespmem:v51+s26+$0x0], $0xffff;
	v18 =	vmov s13;
	v44 =	vadd.f32 v8, v48;
	v8 =	vmul.f32 v6, v15  }
0x206: {  	s13 =	simm.s32 $0x3;
	v49 =	vimm.f32 $0.0e+00;
	v15 =	vand.u32 $0x1F, v18;
	v9 =	vmul.f32 v9, v16;
	v6 =	vld.idx.msk [tilespmem:v17+s3+$0x0], $0xffff  }
.LBB2_11:
0x207: {  	p0 =	sne.s32 s13, $0x1F;
	v15 =	vbroadcast v15, $0x0;
	v16 =	vld.idx.msk [tilespmem:v52+s26+$0x0], $0xffff;
	v48 =	vadd.f32 v8, v48;
	v7 =	vmul.f32 v7, v55  }
0x208: {  	v8 =	vld.idx.msk [tilespmem:v60+s3+$0x0], $0xffff;
	v50 =	vadd.f32 v9, v50  }
0x209: {  	v19 =	vadd.f32 v58, v54;
	v9 =	vor.u32 v38, v15;
	v17 =	vor.u32 v41, v15;
	v18 =	vld.idx.msk [tilespmem:v53+s26+$0x0], $0xffff  }
0x20a: {  	v24 =	vor.u32 v43, v15;
	v25 =	vor.u32 v39, v15;
	v58 =	vor.u32 v47, v15;
	v61 =	vld.idx.msk [tilespmem:v59+s3+$0x0], $0xffff  }
0x20b: {  	v60 =	vor.u32 v45, v15;
	v54 =	vor.u32 v40, v15;
	v19 =	vmul.f32 v19, v57;
	v62 =	vld.idx.msk [tilespmem:v51+s25+$0x0], $0xffff  }
0x20c: {  	v49 =	vadd.f32 v7, v49;
	v59 =	vor.u32 v46, v15;
	v6 =	vadd.f32 v6, v56;
	v63 =	vld.idx.msk [tilespmem:v52+s25+$0x0], $0xffff  }
0x20d: {  	v51 =	vmovc v9;
	v44 =	vadd.f32 v19, v44;
	v52 =	vmov v25;
	v55 =	vld.idx.msk [tilespmem:v53+s25+$0x0], $0xffff;
	v53 =	vmov v54  }
.Ltmp4:
0x20e: {  	v16 =	vadd.f32 v8, v16;
	v54 =	vld.idx.msk [tilespmem:v17+s26+$0x0], $0xffff;
	(pc) =	sbr.rel @p0 .LBB2_11-.Ltmp4, $4  }
0x20f: {  	v58 =	vld.idx.msk [tilespmem:v58+s3+$0x0], $0xffff  }
0x210: {  	v7 =	vadd.f32 v61, v18;
	v56 =	vld.idx.msk [tilespmem:v9+s26+$0x0], $0xffff  }
0x211: {  	v9 =	vmov s13;
	v8 =	vmul.f32 v6, v62;
	v57 =	vld.idx.msk [tilespmem:v17+s25+$0x0], $0xffff  }
0x212: {  	s13 =	sadd.s32 $0x1, s13;
	v15 =	vand.u32 $0x1F, v9;
	v9 =	vmul.f32 v16, v63;
	v6 =	vld.idx.msk [tilespmem:v24+s3+$0x0], $0xffff  }
0x213: {  	_ =	sdelay $0x3  }
0x214: {  	v15 =	vbroadcast v15, $0x0;
	v16 =	vld.idx.msk [tilespmem:v52+s26+$0x0], $0xffff  }
0x215: {  	v17 =	vld.idx.msk [tilespmem:v60+s3+$0x0], $0xffff  }
0x216: {  	v19 =	vld.idx.msk [tilespmem:v53+s26+$0x0], $0xffff;
	v18 =	vor.u32 v41, v15  }
0x217: {  	v25 =	vld.idx.msk [tilespmem:v59+s3+$0x0], $0xffff;
	v24 =	vor.u32 v47, v15  }
0x218: {  	v51 =	vld.idx.msk [tilespmem:v51+s25+$0x0], $0xffff;
	v47 =	vor.u32 v38, v15  }
0x219: {  	v52 =	vld.idx.msk [tilespmem:v52+s25+$0x0], $0xffff;
	v43 =	vor.u32 v43, v15  }
0x21a: {  	v53 =	vld.idx.msk [tilespmem:v53+s25+$0x0], $0xffff;
	v59 =	vor.u32 v39, v15  }
0x21b: {  	v45 =	vor.u32 v45, v15;
	v60 =	vld.idx.msk [tilespmem:v18+s26+$0x0], $0xffff  }
0x21c: {  	v61 =	vor.u32 v40, v15;
	v24 =	vld.idx.msk [tilespmem:v24+s3+$0x0], $0xffff  }
0x21d: {  	v15 =	vor.u32 v46, v15;
	v33 =	vld.idx.msk [tilespmem:v47+s26+$0x0], $0xffff  }
0x21e: {  	v43 =	vld.idx.msk [tilespmem:v43+s3+$0x0], $0xffff  }
0x21f: {  	v62 =	vld.idx.msk [tilespmem:v59+s26+$0x0], $0xffff  }
0x220: {  	v45 =	vld.idx.msk [tilespmem:v45+s3+$0x0], $0xffff  }
0x221: {  	v63 =	vld.idx.msk [tilespmem:v61+s26+$0x0], $0xffff  }
0x222: {  	v15 =	vld.idx.msk [tilespmem:v15+s3+$0x0], $0xffff  }
0x223: {  	v8 =	vadd.f32 v8, v48;
	v7 =	vmul.f32 v7, v55;
	v6 =	vadd.f32 v6, v56;
	v47 =	vld.idx.msk [tilespmem:v47+s25+$0x0], $0xffff  }
0x224: {  	v9 =	vadd.f32 v9, v50;
	v58 =	vadd.f32 v58, v54;
	v59 =	vld.idx.msk [tilespmem:v59+s25+$0x0], $0xffff  }
0x225: {  	v7 =	vadd.f32 v7, v49;
	v16 =	vadd.f32 v17, v16;
	v6 =	vmul.f32 v6, v51;
	v17 =	vld.idx.msk [tilespmem:v61+s25+$0x0], $0xffff  }
0x226: {  	v48 =	vmul.f32 v58, v57;
	v19 =	vadd.f32 v25, v19;
	v18 =	vld.idx.msk [tilespmem:v18+s25+$0x0], $0xffff;
	v61 =	vadd.f32 v43, v33  }
0x227: {  	v16 =	vmul.f32 v16, v52;
	v6 =	vadd.f32 v6, v8;
	v8 =	vadd.f32 v45, v62  }
0x228: {  	v19 =	vmul.f32 v19, v53;
	v15 =	vadd.f32 v15, v63;
	v25 =	vmul.f32 v61, v47  }
0x229: {  	v9 =	vadd.f32 v16, v9;
	v16 =	vadd.f32 v24, v60;
	v8 =	vmul.f32 v8, v59  }
0x22a: {  	v7 =	vadd.f32 v19, v7;
	v15 =	vmul.f32 v15, v17;
	v6 =	vadd.f32 v25, v6  }
0x22b: {  	v17 =	vadd.f32 v48, v44;
	v16 =	vmul.f32 v16, v18;
	v8 =	vadd.f32 v8, v9  }
0x22c: {  	v7 =	vadd.f32 v15, v7;
	v6 =	vmul.f32 $1.442695020e+00, v6  }
0x22d: {  	v9 =	vadd.f32 v16, v17;
	v8 =	vmul.f32 $1.442695020e+00, v8  }
0x22e: {  	(erf) = vpow2.f32 v6;
	v6 =	vmul.f32 $1.442695020e+00, v7  }
0x22f: {  	v7 =	vmul.f32 $1.442695020e+00, v9;
	(erf) = vpow2.f32 v8  }
0x230: {  	(erf) = vpow2.f32 v6  }
0x231: {  	(erf) = vpow2.f32 v7;
	_ =	sdelay $0x2  }
0x232: {  	v6 =	vor.u32 $0x401, v1  }
0x233: {  	v7 =	vor.u32 $0x402, v1  }
0x234: {  	v8 =	vor.u32 $0x403, v1  }
0x235: {  	v15 =	vor.u32 $0x404, v1;
	v9 =	vpop (erf)  }
0x236: {  	v16 =	vpop (erf);
	[tilespmem:v42+s30+$0x0] =	vst.idx.msk $0xffff, v9  }
0x237: {  	v9 =	vpop (erf);
	[tilespmem:v6+s30+$0x0] =	vst.idx.msk $0xffff, v16  }
0x238: {  	[tilespmem:v7+s30+$0x0] =	vst.idx.msk $0xffff, v9;
	v6 =	vpop (erf)  }
0x239: {  	[tilespmem:v8+s30+$0x0] =	vst.idx.msk $0xffff, v6  }
0x23a: {  	[tilespmem:v15+s30+$0x0] =	vst.idx.msk $0xffff, v10  }
0x23b: {  	v6 =	vld [tilespmem:$0x1C650];
	_ =	sdelay $0x1  }
0x23c: {  	v7 =	vld [tilespmem:$0x1C6B0];
	_ =	sdelay $0x4  }
0x23d: {  	v8 =	vld [tilespmem:$0x1C710]  }
0x23e: {  	v6 =	vld.idx.msk [tilespmem:v6+s18+$0x0], $0xffff;
	_ =	sdelay $0x1  }
0x23f: {  	s13 =	simm.s32 $0x0;
	v7 =	vld.idx.msk [tilespmem:v7+s18+$0x0], $0xffff  }
0x240: {  	v9 =	vmov s13;
	s13 =	simm.s32 $0x1  }
0x241: {  	v63 =	vmov s13  }
0x242: {  	v25 =	vand.u32 $0x1F, v63;
	v8 =	vshll.u32 v8, $0x4;
	v6 =	vshll.u32 v6, $0x2  }
0x243: {  	v25 =	vbroadcast v25, $0x0;
	v6 =	vadd.s32 v8, v6;
	v8 =	vand.u32 $0x1F, v9  }
0x244: {  	v50 =	vor.u32 $0x2860, v0;
	v6 =	vadd.s32 v7, v6;
	v7 =	vbroadcast v8, $0x0  }
0x245: {  	v54 =	vor.u32 v50, v25  }
0x246: {  	v46 =	vor.u32 $0x2800, v0;
	v8 =	vor.u32 v50, v7  }
0x247: {  	v15 =	vor.u32 v46, v7  }
0x248: {  	v43 =	vshll.u32 v6, $0x7  }
0x249: {  	v47 =	vor.u32 $0x2820, v0;
	[tilespmem:$0x1C770] =	vst v6;
	v6 =	vor.u32 v43, v7  }
0x24a: {  	v45 =	vor.u32 $0x60, v43;
	v16 =	vor.u32 v47, v7;
	v58 =	vld.idx.msk [tilespmem:v54+s26+$0x0], $0xffff  }
0x24b: {  	v49 =	vor.u32 $0x2840, v0;
	v9 =	vor.u32 v45, v7;
	v17 =	vld.idx.msk [tilespmem:v8+s26+$0x0], $0xffff  }
0x24c: {  	v19 =	vor.u32 v49, v7;
	v24 =	vld.idx.msk [tilespmem:v15+s26+$0x0], $0xffff  }
0x24d: {  	v44 =	vor.u32 $0x20, v43;
	v8 =	vld.idx.msk [tilespmem:v8+s25+$0x0], $0xffff  }
0x24e: {  	v51 =	vor.u32 $0x40, v43;
	v18 =	vor.u32 v44, v7;
	v48 =	vld.idx.msk [tilespmem:v6+s3+$0x0], $0xffff  }
0x24f: {  	v7 =	vor.u32 v51, v7;
	v53 =	vld.idx.msk [tilespmem:v16+s26+$0x0], $0xffff  }
0x250: {  	v9 =	vld.idx.msk [tilespmem:v9+s3+$0x0], $0xffff  }
0x251: {  	v61 =	vld.idx.msk [tilespmem:v19+s26+$0x0], $0xffff  }
0x252: {  	v55 =	vor.u32 v46, v25;
	v15 =	vld.idx.msk [tilespmem:v15+s25+$0x0], $0xffff  }
0x253: {  	v33 =	vor.u32 v45, v25;
	v18 =	vld.idx.msk [tilespmem:v18+s3+$0x0], $0xffff  }
0x254: {  	v7 =	vld.idx.msk [tilespmem:v7+s3+$0x0], $0xffff  }
0x255: {  	v52 =	vimm.f32 $0.0e+00;
	v26 =	vor.u32 v43, v25;
	v9 =	vadd.f32 v9, v17;
	v17 =	vld.idx.msk [tilespmem:v16+s25+$0x0], $0xffff  }
0x256: {  	v56 =	vor.u32 v47, v25;
	v57 =	vor.u32 v49, v25;
	v63 =	vor.u32 v51, v25;
	v59 =	vld.idx.msk [tilespmem:v19+s25+$0x0], $0xffff  }
0x257: {  	s13 =	simm.s32 $0x2;
	v60 =	vld.idx.msk [tilespmem:v55+s26+$0x0], $0xffff;
	v6 =	vor.u32 v44, v25;
	v8 =	vmul.f32 v9, v8;
	v9 =	vadd.f32 v48, v24  }
0x258: {  	v62 =	vld.idx.msk [tilespmem:v33+s3+$0x0], $0xffff;
	v18 =	vadd.f32 v18, v53;
	v16 =	vmov s13;
	v53 =	vimm.f32 $0.0e+00  }
0x259: {  	v48 =	vadd.f32 v8, v52;
	v8 =	vadd.f32 v7, v61;
	v61 =	vld.idx.msk [tilespmem:v54+s25+$0x0], $0xffff;
	v9 =	vmul.f32 v9, v15  }
0x25a: {  	s13 =	simm.s32 $0x3;
	v16 =	vand.u32 $0x1F, v16;
	v7 =	vld.idx.msk [tilespmem:v26+s3+$0x0], $0xffff;
	v54 =	vimm.f32 $0.0e+00;
	v15 =	vmul.f32 v18, v17  }
.LBB2_13:
0x25b: {  	p0 =	sne.s32 s13, $0x1F;
	v16 =	vbroadcast v16, $0x0;
	v17 =	vld.idx.msk [tilespmem:v56+s26+$0x0], $0xffff;
	v52 =	vadd.f32 v9, v52;
	v8 =	vmul.f32 v8, v59  }
0x25c: {  	v9 =	vld.idx.msk [tilespmem:v6+s3+$0x0], $0xffff;
	v54 =	vadd.f32 v15, v54  }
0x25d: {  	v24 =	vadd.f32 v62, v58;
	v15 =	vor.u32 v46, v16;
	v18 =	vor.u32 v50, v16;
	v19 =	vld.idx.msk [tilespmem:v57+s26+$0x0], $0xffff  }
0x25e: {  	v25 =	vor.u32 v43, v16;
	v26 =	vor.u32 v47, v16;
	v62 =	vor.u32 v45, v16;
	v27 =	vld.idx.msk [tilespmem:v63+s3+$0x0], $0xffff  }
0x25f: {  	v6 =	vor.u32 v44, v16;
	v58 =	vor.u32 v49, v16;
	v24 =	vmul.f32 v24, v61;
	v28 =	vld.idx.msk [tilespmem:v55+s25+$0x0], $0xffff  }
0x260: {  	v53 =	vadd.f32 v8, v53;
	v63 =	vor.u32 v51, v16;
	v7 =	vadd.f32 v7, v60;
	v33 =	vld.idx.msk [tilespmem:v56+s25+$0x0], $0xffff  }
0x261: {  	v55 =	vmovc v15;
	v48 =	vadd.f32 v24, v48;
	v56 =	vmov v26;
	v59 =	vld.idx.msk [tilespmem:v57+s25+$0x0], $0xffff;
	v57 =	vmov v58  }
.Ltmp5:
0x262: {  	v17 =	vadd.f32 v9, v17;
	v58 =	vld.idx.msk [tilespmem:v18+s26+$0x0], $0xffff;
	(pc) =	sbr.rel @p0 .LBB2_13-.Ltmp5, $4  }
0x263: {  	v62 =	vld.idx.msk [tilespmem:v62+s3+$0x0], $0xffff  }
0x264: {  	v8 =	vadd.f32 v27, v19;
	v60 =	vld.idx.msk [tilespmem:v15+s26+$0x0], $0xffff  }
0x265: {  	v15 =	vmov s13;
	v9 =	vmul.f32 v7, v28;
	v61 =	vld.idx.msk [tilespmem:v18+s25+$0x0], $0xffff  }
0x266: {  	s13 =	sadd.s32 $0x1, s13;
	v16 =	vand.u32 $0x1F, v15;
	v15 =	vmul.f32 v17, v33;
	v7 =	vld.idx.msk [tilespmem:v25+s3+$0x0], $0xffff  }
0x267: {  	_ =	sdelay $0x3  }
0x268: {  	v16 =	vbroadcast v16, $0x0;
	v17 =	vld.idx.msk [tilespmem:v56+s26+$0x0], $0xffff  }
0x269: {  	v6 =	vld.idx.msk [tilespmem:v6+s3+$0x0], $0xffff  }
0x26a: {  	v19 =	vld.idx.msk [tilespmem:v57+s26+$0x0], $0xffff;
	v18 =	vor.u32 v50, v16  }
0x26b: {  	v25 =	vld.idx.msk [tilespmem:v63+s3+$0x0], $0xffff;
	v24 =	vor.u32 v45, v16  }
0x26c: {  	v27 =	vld.idx.msk [tilespmem:v55+s25+$0x0], $0xffff;
	v26 =	vor.u32 v46, v16  }
0x26d: {  	v33 =	vld.idx.msk [tilespmem:v56+s25+$0x0], $0xffff;
	v28 =	vor.u32 v43, v16  }
0x26e: {  	v43 =	vor.u32 v47, v16;
	v45 =	vld.idx.msk [tilespmem:v57+s25+$0x0], $0xffff  }
0x26f: {  	v44 =	vor.u32 v44, v16;
	v46 =	vld.idx.msk [tilespmem:v18+s26+$0x0], $0xffff  }
0x270: {  	v47 =	vor.u32 v49, v16;
	v24 =	vld.idx.msk [tilespmem:v24+s3+$0x0], $0xffff  }
0x271: {  	v16 =	vor.u32 v51, v16;
	v63 =	vld.idx.msk [tilespmem:v26+s26+$0x0], $0xffff  }
0x272: {  	v28 =	vld.idx.msk [tilespmem:v28+s3+$0x0], $0xffff  }
0x273: {  	v56 =	vld.idx.msk [tilespmem:v43+s26+$0x0], $0xffff  }
0x274: {  	v44 =	vld.idx.msk [tilespmem:v44+s3+$0x0], $0xffff  }
0x275: {  	v57 =	vld.idx.msk [tilespmem:v47+s26+$0x0], $0xffff  }
0x276: {  	v16 =	vld.idx.msk [tilespmem:v16+s3+$0x0], $0xffff  }
0x277: {  	v9 =	vadd.f32 v9, v52;
	v8 =	vmul.f32 v8, v59;
	v7 =	vadd.f32 v7, v60;
	v26 =	vld.idx.msk [tilespmem:v26+s25+$0x0], $0xffff  }
0x278: {  	v15 =	vadd.f32 v15, v54;
	v58 =	vadd.f32 v62, v58;
	v43 =	vld.idx.msk [tilespmem:v43+s25+$0x0], $0xffff  }
0x279: {  	v8 =	vadd.f32 v8, v53;
	v6 =	vadd.f32 v6, v17;
	v7 =	vmul.f32 v7, v27;
	v59 =	vld.idx.msk [tilespmem:v47+s25+$0x0], $0xffff  }
0x27a: {  	v19 =	vadd.f32 v25, v19;
	v27 =	vmul.f32 v58, v61;
	v18 =	vld.idx.msk [tilespmem:v18+s25+$0x0], $0xffff;
	v60 =	vadd.f32 v28, v63  }
0x27b: {  	v6 =	vmul.f32 v6, v33;
	v7 =	vadd.f32 v7, v9;
	v9 =	vadd.f32 v44, v56  }
0x27c: {  	v19 =	vmul.f32 v19, v45;
	v16 =	vadd.f32 v16, v57;
	v25 =	vmul.f32 v60, v26  }
0x27d: {  	v6 =	vadd.f32 v6, v15;
	v15 =	vadd.f32 v24, v46;
	v9 =	vmul.f32 v9, v43  }
0x27e: {  	v8 =	vadd.f32 v19, v8;
	v16 =	vmul.f32 v16, v59;
	v7 =	vadd.f32 v25, v7  }
0x27f: {  	v61 =	vadd.f32 v27, v48;
	v15 =	vmul.f32 v15, v18;
	v6 =	vadd.f32 v9, v6  }
0x280: {  	v8 =	vadd.f32 v16, v8;
	v7 =	vmul.f32 $1.442695020e+00, v7  }
0x281: {  	v9 =	vadd.f32 v15, v61;
	v6 =	vmul.f32 $1.442695020e+00, v6  }
0x282: {  	(erf) = vpow2.f32 v7;
	v7 =	vmul.f32 $1.442695020e+00, v8  }
0x283: {  	(erf) = vpow2.f32 v6;
	v6 =	vmul.f32 $1.442695020e+00, v9  }
0x284: {  	(erf) = vpow2.f32 v7  }
0x285: {  	(erf) = vpow2.f32 v6;
	_ =	sdelay $0x1  }
0x286: {  	v6 =	vor.u32 $0x500, v1  }
0x287: {  	v7 =	vor.u32 $0x501, v1  }
0x288: {  	v8 =	vor.u32 $0x502, v1  }
0x289: {  	v9 =	vor.u32 $0x503, v1  }
0x28a: {  	v62 =	vor.u32 $0x504, v1;
	v15 =	vpop (erf)  }
0x28b: {  	v63 =	vpop (erf);
	[tilespmem:v6+s30+$0x0] =	vst.idx.msk $0xffff, v15  }
0x28c: {  	v6 =	vpop (erf);
	[tilespmem:v7+s30+$0x0] =	vst.idx.msk $0xffff, v63  }
0x28d: {  	[tilespmem:v8+s30+$0x0] =	vst.idx.msk $0xffff, v6;
	v6 =	vpop (erf)  }
0x28e: {  	s10 =	sshll.u32 s10, $0x1;
	[tilespmem:v9+s30+$0x0] =	vst.idx.msk $0xffff, v6  }
0x28f: {  	s10 =	sadd.s32 s11, s10;
	[tilespmem:v62+s30+$0x0] =	vst.idx.msk $0xffff, v10  }
0x290: {  	[hbm4b:s10+s3] =	stream.linear.scatter [tilespmem:s30], [sflag:$0x3], $0x600, $0x38;
	[tilespmem:$0x1EF80] =	vst v63  }
0x291: {  	_ =	swait.ge [sflag:s17], $0x600  }
0x292: {  	[sflag:s17] =	ssyncset.done $0x0  }
0x293: {  	s7 =	sadd.s32 s12, s7;
	[sflag:s17] =	ssyncadd.s32 $0xFFFFFA00  }
0x294: {  	[hbm4b:s7+s3] =	stream.linear.scatter [tilespmem:s31], [sflag:$0x3], $0x60, $0x38;
	[tilespmem:$0x1EF80] =	vst v63  }
0x295: {  	s4 =	sadd.s32 $0x1, s4;
	_ =	swait.ge [sflag:s17], $0x60  }
0x296: {  	p0 =	sne.s32 s4, $0x6C;
	[sflag:s17] =	ssyncset.done $0x0  }
.Ltmp6:
0x297: {  	[sflag:s17] =	ssyncadd.s32 $0xFFFFFFA0;
	(pc) =	sbr.rel @p0 .LBB2_2-.Ltmp6, $4  }
0x298: {  	[spmem:s2] =	stream.indirect.scatter.add.f32 [tilespmem:s30], [sflag:$0x3], $0x10, s21, s24, $0xb8;
	[tilespmem:$0x1EF80] =	vst v63  }
0x299: {  	_ =	swait.ge [sflag:s17], $0x600  }
0x29a: {  	[sflag:s17] =	ssyncset.done $0x0  }
0x29b: {  	[sflag:s17] =	ssyncadd.s32 $0xFFFFFA00  }
0x29c: {  	s0 =	sadd.s32 $0x1, s0  }
0x29d: {  	[bflag:$0x0] =	sbarrier.arrive $0xFFFF;
	p0 =	sne.s32 s0, s16  }
.Ltmp7:
0x29e: {  	s4 =	rddreg [dreg:$0x7];
	(pc) =	sbr.rel @p0 .LBB2_1-.Ltmp7, $4  }
0x29f: {  	[hbm:s4], [sflag:s19] =	dma.local [spmem:s20], $0x500  }
0x2a0: {  	_ =	swait.ge [sflag:s17], $0x500  }
0x2a1: {  	[sflag:s17] =	ssyncset.done $0x0  }
0x2a2: {  	[sflag:s17] =	ssyncadd.s32 $0xFFFFFB00  }
0x2a3: {  	_ =	sfence.sel $0x180000  }
0x2a4: {  	[bflag:$0x0] =	sbarrier.arrive $0xFFFF  }
0x2a5: {  	_ =	strace $0x90000047  }
0x2a6: {  	s0 =	stileid.u32;
	[bflag:$0x2] =	sbarrier.arrive $0xFFFF  }
0x2a7: {  	p0 =	sne.s32 s0, $0x0;
	s0 =	rddreg [dreg:$0x3]  }
0x2a8: {  	s0 =	sadd.s32 @!p0 $0x100000, s0  }
0x2a9: {  	[sflag:s0] =	ssyncadd.tile.s32 @!p0 $0x1;
	_ =	shalt  }
.Lfunc_end2:
_tile_overlayer_lowered:
.L_overlay_start_2:
0x2aa: {  	(tag) =	ssettag $0x2  }
0x2ab: {  	s0 =	rddreg [dreg:$0x0];
	s2 =	stileid.u32  }
0x2ac: {  	s1 =	rddreg [dreg:$0x1];
	p0 =	sne.s32 s2, $0x0  }
0x2ad: {  	s3 =	rddreg [dreg:$0x2];
	[bflag:$0x3] =	sbarrier.arrive $0xFFFF;
	s2 =	simm.s32 @!p0 $0x1C03  }
0x2ae: {  	[timem:s3], [sflag:s2] =	dma.local @!p0 [hbm:s0], s1  }
0x2af: {  	s0 =	simm.s32 @!p0 $0x3  }
0x2b0: {  	_ =	swait.ge @!p0 [sflag:s0], s1  }
0x2b1: {  	s1 =	ssub.s32 @!p0 $0x0, s1;
	[sflag:s0] =	ssyncset.done @!p0 $0x0  }
0x2b2: {  	[sflag:s0] =	ssyncadd.s32 @!p0 s1  }
0x2b3: {  	[bflag:$0x3] =	sbarrier.arrive $0xFFFF  }
0x2b4: {  	_ =	shalt  }

// kernel: kernel.9.cloned.1.call-start
scs
__scs_entry_jumppad:
0x0: {  	(pc) =	sbr.rel $0x88, $3  }
0x1: {  	(tag) =	ssettag $0x0;
	lr =	simm.s32 $0x1  }
0x2: {  	[smem:$0x3F8C] =	sst lr;
	_ =	strace $0xD0000000  }
0x3: {  	_ = 	snop  }
0x4: {  	_ = 	snop  }
0x5: {  	_ = 	snop  }
0x6: {  	_ = 	snop  }
0x7: {  	_ = 	snop  }
__scs_overlays_trampoline_lowered:
0x8: {  	[smem:$0x3F9B] =	sst s0  }
0x9: {  	[smem:$0x3F9C] =	sst s1  }
0xa: {  	[smem:$0x3F9D] =	sst s2  }
0xb: {  	[smem:$0x3F9E] =	sst s3  }
0xc: {  	[smem:$0x3F9F] =	sst s4  }
0xd: {  	[smem:$0x3FA0] =	sst s5  }
0xe: {  	[smem:$0x3FA1] =	sst s6  }
0xf: {  	[smem:$0x3FA2] =	sst s7  }
0x10: {  	[smem:$0x3FA3] =	sst s8  }
0x11: {  	[smem:$0x3FA4] =	sst s9;
	s0 =	simm.s32 @!p0 $0x0  }
0x12: {  	s1 =	sld [smem:$0x3F8A];
	s0 =	simm.s32 @p0 $0x1  }
0x13: {  	[smem:$0x3FA5] =	sst s0;
	s0 =	simm.s32 @!p1 $0x0  }
0x14: {  	s2 =	sld [smem:$0x3F89];
	s0 =	simm.s32 @p1 $0x1  }
0x15: {  	[smem:$0x3FA6] =	sst s0;
	s0 =	simm.s32 @!p2 $0x0  }
0x16: {  	s3 =	sld [smem:$0x3FDB];
	s0 =	simm.s32 @p2 $0x1  }
0x17: {  	s4 =	simm.s32 $0x1BF5;
	[smem:$0x3FA8] =	sst s0  }
0x18: {  	s0 =	sld [smem:$0x3F8B];
	_ =	swait.ge [sflag:s4], $0x0  }
0x19: {  	s7 =	sld [smem:$0x3F8C]  }
0x1a: {  	s8 =	sadd.s32 $0xFFFFE003, lr  }
0x1b: {  	s9 =	sadd.s32 $0xFFFFFEF7, lr;
	s5 =	simm.s32 $0xFFFFFFFF;
	p2 =	slt.u32 s8, $0xFFFFF086  }
0x1c: {  	p1 =	slt.u32 s9, $0xF7A;
	s5 =	simm.s32 @!p2 $0x0  }
0x1d: {  	s5 =	simm.s32 @p1 $0x1;
	p0 =	seq.s32 s7, s2  }
0x1e: {  	s7 =	smul.u32 @!p0 $0xF7A, s2;
	p2 =	seq.s32 @!p0 s5, $0x0  }
0x1f: {  	s9 =	smul.u32 $0xF7A, s1;
	s8 =	simm.s32 @!p0 $0x1BF5;
	p2 =	por !p2, p0  }
0x20: {  	[sflag:s8] =	ssyncset.s32 @!p0 $0xFFFFF086;
	s6 =	sadd.s32 @!p0 s3, s7;
	s7 =	simm.s32 @!p0 $0x108  }
0x21: {  	s3 =	sadd.s32 s3, s9;
	s6 =	sadd.s32 @!p0 $0x88, s6;
	s7 =	simm.s32 @p2 $0x1082  }
0x22: {  	[simem:s7], [sflag:s8] =	dma.local @!p0 [hbm:s6], $0xF7A  }
0x23: {  	s9 =	sor.u32 $0xD0000000, s2;
	s6 =	simm.s32 $0x108;
	_ =	swait.ge @!p0 [sflag:s8], $0x0  }
0x24: {  	s3 =	sadd.s32 $0x88, s3;
	s6 =	simm.s32 @!p1 $0x1082;
	[sflag:s4] =	ssyncset.s32 $0xFFFFF086  }
0x25: {  	[simem:s6], [sflag:s4] =	dma.local [hbm:s3], $0xF7A  }
0x26: {  	[smem:$0x3F8C] =	sst s1;
	(tag) =	ssettag s2;
	_ =	strace s9  }
0x27: {  	s1 =	sld [smem:$0x3F9C]  }
0x28: {  	s2 =	sld [smem:$0x3F9D]  }
0x29: {  	s4 =	sld [smem:$0x3F9F]  }
0x2a: {  	p0 =	seq.s32 s5, $0x0;
	s5 =	sld [smem:$0x3FA0]  }
0x2b: {  	s6 =	sld [smem:$0x3FA1]  }
0x2c: {  	s7 =	sld [smem:$0x3FA2]  }
0x2d: {  	s3 =	simm.s32 $0x108;
	s8 =	sld [smem:$0x3FA3]  }
0x2e: {  	s3 =	simm.s32 @!p0 $0x1082;
	s9 =	sld [smem:$0x3FA4]  }
0x2f: {  	lr =	sadd.s32 s0, s3;
	s0 =	sld [smem:$0x3F9B]  }
0x30: {  	s3 =	sld [smem:$0x3F9E]  }
0x31: {  	[smem:$0x3FA7] =	sst s10  }
0x32: {  	s10 =	sld [smem:$0x3FA5];
	_ =	sdelay $0x3  }
0x33: {  	p0 =	seq.s32 s10, $0x1;
	s10 =	sld [smem:$0x3FA7];
	_ =	sdelay $0x3  }
0x34: {  	[smem:$0x3FA7] =	sst s10  }
0x35: {  	s10 =	sld [smem:$0x3FA6];
	_ =	sdelay $0x3  }
0x36: {  	p1 =	seq.s32 s10, $0x1;
	s10 =	sld [smem:$0x3FA7];
	_ =	sdelay $0x3  }
0x37: {  	[smem:$0x3FA7] =	sst s10  }
0x38: {  	s10 =	sld [smem:$0x3FA8]  }
0x39: {  	_ = 	snop;
	(pc) =	sbr.ind lr, $3  }
0x3a: {  	_ = 	snop  }
0x3b: {  	_ = 	snop  }
0x3c: {  	p2 =	seq.s32 s10, $0x1;
	s10 =	sld [smem:$0x3FA7]  }
0x3d: {  	_ =	shalt  }
0x3e: {  	_ =	shalt  }
0x3f: {  	_ =	shalt  }
0x40: {  	_ =	shalt  }
0x41: {  	_ =	shalt  }
0x42: {  	_ =	shalt  }
0x43: {  	_ =	shalt  }
0x44: {  	_ =	shalt  }
0x45: {  	_ =	shalt  }
0x46: {  	_ =	shalt  }
0x47: {  	_ =	shalt  }
0x48: {  	_ =	shalt  }
0x49: {  	_ =	shalt  }
0x4a: {  	_ =	shalt  }
0x4b: {  	_ =	shalt  }
0x4c: {  	_ =	shalt  }
0x4d: {  	_ =	shalt  }
0x4e: {  	_ =	shalt  }
0x4f: {  	_ =	shalt  }
0x50: {  	_ =	shalt  }
0x51: {  	_ =	shalt  }
0x52: {  	_ =	shalt  }
0x53: {  	_ =	shalt  }
0x54: {  	_ =	shalt  }
0x55: {  	_ =	shalt  }
0x56: {  	_ =	shalt  }
0x57: {  	_ =	shalt  }
0x58: {  	_ =	shalt  }
0x59: {  	_ =	shalt  }
0x5a: {  	_ =	shalt  }
0x5b: {  	_ =	shalt  }
0x5c: {  	_ =	shalt  }
0x5d: {  	_ =	shalt  }
0x5e: {  	_ =	shalt  }
0x5f: {  	_ =	shalt  }
0x60: {  	_ =	shalt  }
0x61: {  	_ =	shalt  }
0x62: {  	_ =	shalt  }
0x63: {  	_ =	shalt  }
0x64: {  	_ =	shalt  }
0x65: {  	_ =	shalt  }
0x66: {  	_ =	shalt  }
0x67: {  	_ =	shalt  }
0x68: {  	_ =	shalt  }
0x69: {  	_ =	shalt  }
0x6a: {  	_ =	shalt  }
0x6b: {  	_ =	shalt  }
0x6c: {  	_ =	shalt  }
0x6d: {  	_ =	shalt  }
0x6e: {  	_ =	shalt  }
0x6f: {  	_ =	shalt  }
0x70: {  	_ =	shalt  }
0x71: {  	_ =	shalt  }
0x72: {  	_ =	shalt  }
0x73: {  	_ =	shalt  }
0x74: {  	_ =	shalt  }
0x75: {  	_ =	shalt  }
0x76: {  	_ =	shalt  }
0x77: {  	_ =	shalt  }
0x78: {  	_ =	shalt  }
0x79: {  	_ =	shalt  }
0x7a: {  	_ =	shalt  }
0x7b: {  	_ =	shalt  }
0x7c: {  	_ =	shalt  }
0x7d: {  	_ =	shalt  }
0x7e: {  	_ =	shalt  }
0x7f: {  	_ =	shalt  }
0x80: {  	_ =	shalt  }
0x81: {  	_ =	shalt  }
0x82: {  	_ =	shalt  }
0x83: {  	_ =	shalt  }
0x84: {  	_ =	shalt  }
0x85: {  	_ =	shalt  }
0x86: {  	_ =	shalt  }
0x87: {  	_ =	shalt  }
.Lfunc_end0:
.L_simem_size_0:
called_computation.1_lowered:
.L_overlay_start_0:
0x88: {  	s2 =	sld [smem:$0x3FD9]  }
0x89: {  	s3 =	sld [smem:$0x3FFE];
	_ =	sdelay $0x1  }
0x8a: {  	s1 =	srdreg.scid  }
0x8b: {  	s0 =	sand.u32 $0x1, s1  }
0x8c: {  	s17 =	sshll.u32 s0, $0xA;
	s2 =	sadd.s32 s3, s2  }
0x8d: {  	s2 =	sadd.s32 s2, s17  }
0x8e: {  	[smem:$0x3FB3] =	sst s2  }
0x8f: {  	_ = 	snop  }
0x90: {  	s2 =	sld [smem:$0x3FD0];
	(tm) =	ssettm $0x1  }
0x91: {  	s18 =	sld [smem:$0x3FFB];
	_ =	sdelay $0x3  }
0x92: {  	_ =	strace s18  }
0x93: {  	s3 =	sld [smem:$0x3FFC];
	_ =	sdelay $0x3  }
0x94: {  	_ =	strace s3  }
0x95: {  	s3 =	sld [smem:$0x3FFD];
	_ =	sdelay $0x3  }
0x96: {  	_ =	strace s3  }
0x97: {  	_ =	strace $0x8FFFFFFF  }
0x98: {  	s19 =	sld [smem:$0x3FDB];
	_ =	sdelay $0x1  }
0x99: {  	s4 =	simm.s32 $_scs_section_size  }
0x9a: {  	s5 =	simm.s32 $_size__tile_overlayer_lowered;
	s6 =	simm.s32 $_tile_overlayer_lowered  }
0x9b: {  	s22 =	simm.s32 $0x1BFF;
	s21 =	sshll.u32 s6, $0x1;
	s3 =	sadd.s32 s4, s19  }
0x9c: {  	s7 =	simm.s32 $0x0;
	s20 =	sshll.u32 s5, $0x1;
	s5 =	sadd.s32 s21, s3  }
0x9d: {  	[timem:s7], [sflag:s22] =	dma.local [hbm:s5], s20  }
0x9e: {  	_ =	swait.ge [sflag:s22], s20  }
0x9f: {  	s4 =	ssub.s32 $0x0, s20;
	[sflag:s22] =	ssyncset.done $0x0  }
0xa0: {  	[sflag:s22] =	ssyncadd.s32 s4;
	_ =	sdelay $0x1  }
0xa1: {  	s23 =	simm.s32 $0x1B8B  }
0xa2: {  	_ =	swait.ge [sflag:s23], $0x1  }
0xa3: {  	[sflag:s23] =	ssyncset.done $0x0  }
0xa4: {  	s25 =	simm.s32 $0x1B8E;
	s24 =	sld [smem:$0x3FFE];
	[sflag:s23] =	ssyncadd.s32 $0xFFFFFFFF  }
0xa5: {  	s26 =	simm.s32 $execute0_lowered;
	[smem:$0x3FD2] =	sst s25  }
0xa6: {  	s5 =	sshll.u32 s26, $0x1;
	_ =	strace $0x80000049;
	[dreg:$0x1] =	wrdreg $0xFFFFFFFF  }
0xa7: {  	s28 =	simm.s32 $_size_execute0_lowered;
	s3 =	sadd.s32 s3, s5;
	[dreg:$0x0] =	wrdreg $0x0  }
0xa8: {  	s5 =	sshll.u32 s28, $0x1;
	[dreg:$0x2] =	wrdreg s3  }
0xa9: {  	[dreg:$0x3] =	wrdreg s5  }
0xaa: {  	[dreg:$0x4] =	wrdreg $0xC0  }
0xab: {  	_ =	task [dreg:s7], $0x5FFFF  }
0xac: {  	[dreg:$0x1] =	wrdreg $0xFFFFFFFF  }
0xad: {  	[dreg:$0x0] =	wrdreg $0x60  }
0xae: {  	[dreg:$0x2] =	wrdreg s24  }
0xaf: {  	[dreg:$0x3] =	wrdreg s2  }
0xb0: {  	[dreg:$0x4] =	wrdreg $0xA3800  }
0xb1: {  	[dreg:$0x5] =	wrdreg $0x9  }
0xb2: {  	_ =	task.clear_ibuf [dreg:s7], $0x6FFFF;
	_ =	strace $0x90000049  }
0xb3: {  	s29 =	simm.s32 $0x9;
	_ =	strace $0x8000004B  }
0xb4: {  	_ =	swait.ge [sflag:s29], $0x1  }
0xb5: {  	[sflag:s29] =	ssyncadd.s32 $0xFFFFFFFF  }
0xb6: {  	_ =	strace $0x9000004B  }
0xb7: {  	_ =	sfence  }
0xb8: {  	s30 =	sld [smem:$0x0];
	_ =	sdelay $0x2  }
0xb9: {  	s31 =	sshll.u32 s1, $0xD;
	s1 =	sshrl.u32 s1, $0x2  }
0xba: {  	s3 =	sand.u32 $0x4000, s31;
	s1 =	sadd.s32 s1, s30  }
0xbb: {  	s0 =	sor.u32 s3, s0;
	s1 =	sshll.u32 s1, $0x11  }
0xbc: {  	s0 =	sor.u32 s1, s0  }
0xbd: {  	s0 =	sadd.s32 $0x8F2B, s0  }
0xbe: {  	[sflag:s0] =	ssyncadd.remote.s32 $0x1  }
0xbf: {  	_ =	sfence.sel $0xFFFF  }
0xc0: {  	[dreg:$0x0] =	wrdreg $0xFFFFFFFF;
	(pc) =	sbr.abs _section_cstart, $3  }
0xc1: {  	[dreg:$0x1] =	wrdreg $0xFFFFFFFF  }
0xc2: {  	_ =	task.clear_ibuf [dreg:s7], $0x2FFFF;
	_ =	strace $0x9FFFFFFF  }
0xc3: {  	(tm) =	ssettm $0x7FFFFFFF  }
tec
execute0_lowered:
.L_overlay_start_1:
0x0: {  	(tag) =	ssettag $0x1  }
0x1: {  	v1 =	vlaneseq.u32  }
0x2: {  	s0 =	rddreg [dreg:$0x0];
	v0 =	vmul.u32 $0x10, v1  }
0x3: {  	s1 =	rddreg [dreg:$0x1];
	v1 =	vmul.u32 $0x80, v1  }
0x4: {  	s2 =	rddreg [dreg:$0x2];
	s3 =	simm.s32 $0x0;
	v2 =	vor.u32 $0x4, v0;
	v3 =	vor.u32 $0x1, v0;
	v4 =	vor.u32 $0x2, v0  }
0x5: {  	s17 =	stileid.u32;
	s8 =	srdreg.scid;
	s18 =	simm.s32 $0xA260;
	v5 =	vor.u32 $0x3, v0;
	v6 =	vor.u32 $0x20, v1;
	v7 =	vor.u32 $0x40, v1  }
0x6: {  	s19 =	simm.s32 $0xA2C0;
	s20 =	simm.s32 $0xA320;
	s21 =	simm.s32 $0x9C60;
	v8 =	vor.u32 $0x60, v1;
	v10 =	vor.u32 $0x100, v0;
	v11 =	vor.u32 $0x101, v0  }
0x7: {  	s28 =	simm.s32 $0x9C00;
	s29 =	simm.s32 $0x9600;
	s30 =	simm.s32 $0x6000;
	v12 =	vor.u32 $0x102, v0;
	v13 =	vor.u32 $0x103, v0;
	v14 =	vor.u32 $0x800, v1  }
0x8: {  	s31 =	simm.s32 $0x0;
	[smem:$0x7FF] =	sst s3;
	s5 =	sadd.s32 $0x127C00, s0;
	v15 =	vor.u32 $0x820, v1;
	v16 =	vor.u32 $0x840, v1;
	v17 =	vor.u32 $0x860, v1  }
0x9: {  	s6 =	sadd.s32 $0x5800, s0;
	s4 =	smul.u32 $0x14000, s17;
	s7 =	sadd.s32 $0x58000, s0;
	v18 =	vor.u32 $0x204, v0;
	v19 =	vor.u32 $0x200, v0;
	v20 =	vor.u32 $0x201, v0  }
0xa: {  	s11 =	sand.u32 $0x1, s8;
	s12 =	smul.u32 $0x2800, s17;
	s8 =	sadd.s32 $0x11DA00, s0;
	v21 =	vor.u32 $0x202, v0;
	v22 =	vor.u32 $0x203, v0;
	v23 =	vor.u32 $0x1000, v1  }
0xb: {  	s9 =	sadd.s32 $0x71A00, s0;
	s10 =	sadd.s32 $0x113A00, s0;
	s15 =	sshll.u32 s17, $0x1;
	v24 =	vor.u32 $0x1020, v1;
	v25 =	vor.u32 $0x1040, v1;
	v26 =	vor.u32 $0x1060, v1  }
0xc: {  	s24 =	sshll.u32 s17, $0x6;
	s17 =	simm.s32 $0x3;
	s13 =	smul.u32 $0x28000, s11;
	v27 =	vor.u32 $0x304, v0;
	v28 =	vor.u32 $0x300, v0;
	v29 =	vor.u32 $0x301, v0  }
0xd: {  	s22 =	ssub.s32 $0x2, s11;
	s11 =	sor.u32 s11, s15;
	s14 =	sshrl.u32 s4, $0x3;
	v30 =	vor.u32 $0x302, v0;
	v31 =	vor.u32 $0x303, v0;
	v32 =	vor.u32 $0x1800, v1  }
0xe: {  	s23 =	sshrl.u32 s22, $0x1;
	s4 =	sadd.s32 s4, s2;
	v33 =	vor.u32 $0x1820, v1;
	v34 =	vor.u32 $0x1840, v1;
	v35 =	vor.u32 $0x1860, v1;
	s14 =	sadd.s32 s14, s0  }
0xf: {  	v36 =	vor.u32 $0x404, v0;
	v37 =	vor.u32 $0x400, v0;
	v38 =	vor.u32 $0x401, v0;
	[tilespmem:$0x1FFE0] =	vst v2;
	s12 =	sadd.s32 s12, s13;
	s16 =	ssub.s32 s22, s23;
	s13 =	smul.u32 $0x2880, s11  }
0x10: {  	v39 =	vor.u32 $0x402, v0;
	v40 =	vor.u32 $0x403, v0;
	v41 =	vor.u32 $0x2000, v1;
	s22 =	simm.s32 $0x60;
	s23 =	simm.s32 $0x9000;
	_ =	strace $0x8000004A  }
0x11: {  	v42 =	vor.u32 $0x2020, v1;
	v43 =	vor.u32 $0x2040, v1;
	v44 =	vor.u32 $0x2060, v1;
	s0 =	sadd.s32 s12, s0;
	s25 =	sadd.s32 $0x8000, s14;
	s12 =	sor.u32 $0x1C03, s24  }
0x12: {  	v45 =	vor.u32 $0x504, v0;
	v46 =	vor.u32 $0x500, v0;
	v47 =	vor.u32 $0x501, v0;
	s26 =	smax.u32 s16, $0x1;
	s16 =	sshrl.u32 s4, $0x3;
	[dreg:$0x4] =	wrdreg s25  }
0x13: {  	v48 =	vor.u32 $0x502, v0;
	v49 =	vor.u32 $0x503, v0;
	v2 =	vor.u32 $0x104, v0;
	s24 =	simm.s32 $0x1;
	s0 =	sadd.s32 $0x14FC00, s0;
	[dreg:$0x6] =	wrdreg s26  }
0x14: {  	v50 =	vor.u32 $0x2800, v1;
	v51 =	vor.u32 $0x2820, v1;
	v52 =	vor.u32 $0x2840, v1;
	[tilespmem:$0x1FFF0] =	vst v2;
	s25 =	simm.s32 $0x2;
	s26 =	simm.s32 $0x3000;
	[dreg:$0x5] =	wrdreg s0  }
.LBB2_1:
0x15: {  	s0 =	rddreg [dreg:$0x4]  }
0x16: {  	[spmem:s16], [sflag:s12] =	dma.local [hbm:s0], $0x2800  }
0x17: {  	_ =	swait.ge [sflag:s17], $0x2800  }
0x18: {  	[sflag:s17] =	ssyncset.done $0x0  }
0x19: {  	[sflag:s17] =	ssyncadd.s32 $0xFFFFD800  }
0x1a: {  	s0 =	simm.s32 $0x0;
	[bflag:$0x0] =	sbarrier.arrive $0xFFFF  }
.LBB2_2:
0x1b: {  	s4 =	smul.u32 $0x60, s0;
	_ =	sdelay $0x1  }
0x1c: {  	s11 =	sadd.s32 s13, s4  }
0x1d: {  	s14 =	sshrl.u32 s11, $0x3  }
0x1e: {  	s4 =	simm.s32 $0x0;
	s15 =	sadd.s32 s1, s14  }
0x1f: {  	[tilespmem:s18], [sflag:$0x3] =	stream.linear.gather [hbm4b:s15+s4], $0x60, $0x38;
	[tilespmem:$0x1E380] =	vst v63  }
0x20: {  	_ =	swait.ge [sflag:s17], $0x60  }
0x21: {  	[sflag:s17] =	ssyncset.done $0x0  }
0x22: {  	s15 =	sadd.s32 s7, s14;
	[sflag:s17] =	ssyncadd.s32 $0xFFFFFFA0  }
0x23: {  	[tilespmem:s19], [sflag:$0x3] =	stream.linear.gather [hbm4b:s15+s4], $0x60, $0x38;
	[tilespmem:$0x1E380] =	vst v63  }
0x24: {  	_ =	swait.ge [sflag:s17], $0x60  }
0x25: {  	[sflag:s17] =	ssyncset.done $0x0  }
0x26: {  	s14 =	sadd.s32 s8, s14;
	[sflag:s17] =	ssyncadd.s32 $0xFFFFFFA0  }
0x27: {  	[tilespmem:s20], [sflag:$0x3] =	stream.linear.gather [hbm4b:s14+s4], $0x60, $0x38;
	[tilespmem:$0x1E380] =	vst v63  }
0x28: {  	_ =	swait.ge [sflag:s17], $0x60  }
0x29: {  	s11 =	sshll.u32 s11, $0x1;
	[sflag:s17] =	ssyncset.done $0x0  }
0x2a: {  	s11 =	sadd.s32 s9, s11;
	[sflag:s17] =	ssyncadd.s32 $0xFFFFFFA0  }
0x2b: {  	[tilespmem:s21], [sflag:$0x3] =	stream.linear.gather [hbm4b:s11+s4], $0x600, $0x38;
	[tilespmem:$0x1E380] =	vst v63  }
0x2c: {  	_ =	swait.ge [sflag:s17], $0x600  }
0x2d: {  	[sflag:s17] =	ssyncset.done $0x0  }
0x2e: {  	[sflag:s17] =	ssyncadd.s32 $0xFFFFFA00  }
0x2f: {  	v53 =	vld [tilespmem:$0xA260]  }
0x30: {  	v54 =	vld [tilespmem:$0xA270]  }
0x31: {  	v55 =	vld [tilespmem:$0xA280]  }
0x32: {  	v56 =	vld [tilespmem:$0xA290]  }
0x33: {  	v57 =	vld [tilespmem:$0xA2A0]  }
0x34: {  	v58 =	vld [tilespmem:$0xA2B0];
	v53 =	vadd.s32 $0x2800, v53  }
0x35: {  	v62 =	vadd.s32 $0x2800, v54;
	[tilespmem:$0x9C00] =	vst v53  }
0x36: {  	v63 =	vadd.s32 $0x2800, v55;
	[tilespmem:$0x9C10] =	vst v62  }
0x37: {  	v56 =	vadd.s32 $0x2800, v56;
	[tilespmem:$0x9C20] =	vst v63  }
0x38: {  	v59 =	vadd.s32 $0x2800, v57;
	[tilespmem:$0x9C30] =	vst v56  }
0x39: {  	v60 =	vadd.s32 $0x2800, v58;
	[tilespmem:$0x9C40] =	vst v59  }
0x3a: {  	[tilespmem:$0x9C50] =	vst v60  }
0x3b: {  	[tilespmem:s4], [sflag:$0x1] =	stream.indirect.gather [hbm4b:s5+s22], $0x80, s18, s22, $0xb8;
	[tilespmem:$0x1E380] =	vst v63  }
0x3c: {  	_ = 	snop  }
0x3d: {  	[tilespmem:s23], [sflag:$0x2] =	stream.indirect.gather [hbm4b:s10+s22], $0x10, s18, s22, $0xb8;
	[tilespmem:$0x1E380] =	vst v63  }
0x3e: {  	_ =	swait.ge [sflag:s24], $0x3000  }
0x3f: {  	[sflag:s24] =	ssyncset.done $0x0  }
0x40: {  	[sflag:s24] =	ssyncadd.s32 $0xFFFFD000  }
0x41: {  	_ =	swait.ge [sflag:s25], $0x600  }
0x42: {  	[sflag:s25] =	ssyncset.done $0x0  }
0x43: {  	[sflag:s25] =	ssyncadd.s32 $0xFFFFFA00  }
0x44: {  	[tilespmem:s26], [sflag:$0x1] =	stream.indirect.gather [hbm4b:s6+s22], $0x80, s20, s22, $0xb8;
	[tilespmem:$0x1E380] =	vst v63  }
0x45: {  	_ = 	snop  }
0x46: {  	[tilespmem:s29], [sflag:$0x2] =	stream.indirect.gather [hbm4b:s10+s22], $0x10, s28, s22, $0xb8;
	[tilespmem:$0x1E380] =	vst v63  }
0x47: {  	_ =	swait.ge [sflag:s24], $0x3000  }
0x48: {  	[sflag:s24] =	ssyncset.done $0x0  }
0x49: {  	[sflag:s24] =	ssyncadd.s32 $0xFFFFD000  }
0x4a: {  	_ =	swait.ge [sflag:s25], $0x600  }
0x4b: {  	[sflag:s25] =	ssyncset.done $0x0  }
0x4c: {  	[sflag:s25] =	ssyncadd.s32 $0xFFFFFA00  }
0x4d: {  	v61 =	vld.idx.msk [tilespmem:v0+s23+$0x0], $0xffff  }
0x4e: {  	v62 =	vld.idx.msk [tilespmem:v0+s29+$0x0], $0xffff  }
0x4f: {  	v2 =	vld [tilespmem:$0x1FFE0];
	_ =	sdelay $0x3  }
0x50: {  	v53 =	vadd.f32 v62, v61;
	_ =	sdelay $0x1  }
0x51: {  	v53 =	vadd.f32 $1.000000020e-16, v53  }
0x52: {  	v55 =	vor.u32 s4, v1;
	v57 =	vld.idx.msk [tilespmem:v3+s29+$0x0], $0xffff  }
0x53: {  	v54 =	vld.idx.msk [tilespmem:v2+s23+$0x0], $0xffff;
	(erf) = vrcp.f32 v53  }
0x54: {  	v56 =	vld.idx.msk [tilespmem:v2+s29+$0x0], $0xffff  }
0x55: {  	v53 =	vld.idx.msk [tilespmem:v3+s23+$0x0], $0xffff  }
0x56: {  	v58 =	vld.idx.msk [tilespmem:v0+s21+$0x0], $0xffff  }
0x57: {  	v59 =	vld.idx.msk [tilespmem:v55+s3+$0x0], $0xffff  }
0x58: {  	v60 =	vld.idx.msk [tilespmem:v55+s26+$0x0], $0xffff  }
0x59: {  	v56 =	vadd.f32 v56, v54  }
0x5a: {  	v53 =	vadd.f32 v57, v53  }
0x5b: {  	v63 =	vld.idx.msk [tilespmem:v4+s29+$0x0], $0xffff;
	v57 =	vmul.f32 v58, v56  }
0x5c: {  	v2 =	vld.idx.msk [tilespmem:v5+s21+$0x0], $0xffff;
	v62 =	vadd.f32 $1.000000020e-16, v53;
	v61 =	vpop (erf)  }
0x5d: {  	v59 =	vadd.f32 v60, v59;
	v60 =	vor.u32 s4, v6;
	v54 =	vld.idx.msk [tilespmem:v3+s21+$0x0], $0xffff;
	v53 =	vmul.f32 v61, v57  }
0x5e: {  	v58 =	vld.idx.msk [tilespmem:v4+s23+$0x0], $0xffff;
	(erf) = vrcp.f32 v62  }
0x5f: {  	v62 =	vld.idx.msk [tilespmem:v5+s29+$0x0], $0xffff;
	v59 =	vmul.f32 v59, v53  }
0x60: {  	v57 =	vld.idx.msk [tilespmem:v4+s21+$0x0], $0xffff  }
0x61: {  	v61 =	vld.idx.msk [tilespmem:v5+s23+$0x0], $0xffff;
	[tilespmem:v55+s30+$0x0] =	vst.idx.msk $0xffff, v59  }
0x62: {  	v55 =	vld.idx.msk [tilespmem:v60+s3+$0x0], $0xffff  }
0x63: {  	v59 =	vld.idx.msk [tilespmem:v60+s26+$0x0], $0xffff;
	_ =	sdelay $0x1  }
0x64: {  	v58 =	vadd.f32 v63, v58  }
0x65: {  	v54 =	vmul.f32 v54, v56  }
0x66: {  	v58 =	vadd.f32 $1.000000020e-16, v58;
	v63 =	vpop (erf)  }
0x67: {  	v54 =	vmul.f32 v63, v54;
	v55 =	vadd.f32 v59, v55;
	v59 =	vor.u32 s4, v7  }
0x68: {  	(erf) = vrcp.f32 v58  }
0x69: {  	v55 =	vmul.f32 v55, v54  }
0x6a: {  	v63 =	vadd.f32 v62, v61  }
0x6b: {  	[tilespmem:v60+s30+$0x0] =	vst.idx.msk $0xffff, v55  }
0x6c: {  	v55 =	vadd.f32 $1.000000020e-16, v63;
	v58 =	vld.idx.msk [tilespmem:v59+s3+$0x0], $0xffff  }
0x6d: {  	v60 =	vld.idx.msk [tilespmem:v59+s26+$0x0], $0xffff  }
0x6e: {  	(erf) = vrcp.f32 v55;
	_ =	sdelay $0x1  }
0x6f: {  	v61 =	vmul.f32 v57, v56  }
0x70: {  	v62 =	vpop (erf)  }
0x71: {  	v57 =	vor.u32 s4, v8;
	v55 =	vmul.f32 v62, v61;
	v58 =	vadd.f32 v60, v58;
	_ =	sdelay $0x1  }
0x72: {  	v58 =	vmul.f32 v58, v55;
	_ =	sdelay $0x1  }
0x73: {  	v2 =	vmul.f32 v2, v56;
	[tilespmem:v59+s30+$0x0] =	vst.idx.msk $0xffff, v58  }
0x74: {  	v63 =	vpop (erf);
	v58 =	vld.idx.msk [tilespmem:v57+s3+$0x0], $0xffff  }
0x75: {  	s11 =	simm.s32 $0x2;
	s4 =	simm.s32 $0x1;
	v59 =	vld.idx.msk [tilespmem:v57+s26+$0x0], $0xffff;
	v56 =	vmul.f32 v63, v2  }
.LBB2_3:
0x76: {  	_ =	sdelay $0x3  }
0x77: {  	p0 =	sne.s32 s11, $0x1F;
	v2 =	vor.u32 s4, v1;
	s14 =	smov.u32 s11;
	s11 =	sadd.s32 $0x1, s11;
	v58 =	vadd.f32 v59, v58  }
0x78: {  	_ = 	snop  }
0x79: {  	v58 =	vmul.f32 v58, v56;
	_ =	sdelay $0x1  }
0x7a: {  	[tilespmem:v57+s30+$0x0] =	vst.idx.msk $0xffff, v58  }
0x7b: {  	v57 =	vld.idx.msk [tilespmem:v2+s3+$0x0], $0xffff  }
0x7c: {  	v58 =	vld.idx.msk [tilespmem:v2+s26+$0x0], $0xffff;
	_ =	sdelay $0x5  }
0x7d: {  	v57 =	vadd.f32 v58, v57;
	v58 =	vor.u32 s4, v6;
	_ =	sdelay $0x1  }
0x7e: {  	v57 =	vmul.f32 v57, v53;
	_ =	sdelay $0x1  }
0x7f: {  	[tilespmem:v2+s30+$0x0] =	vst.idx.msk $0xffff, v57  }
0x80: {  	v2 =	vld.idx.msk [tilespmem:v58+s3+$0x0], $0xffff  }
0x81: {  	v57 =	vld.idx.msk [tilespmem:v58+s26+$0x0], $0xffff;
	_ =	sdelay $0x5  }
0x82: {  	v59 =	vor.u32 s4, v7;
	v2 =	vadd.f32 v57, v2;
	_ =	sdelay $0x1  }
0x83: {  	v2 =	vmul.f32 v2, v54;
	_ =	sdelay $0x1  }
0x84: {  	[tilespmem:v58+s30+$0x0] =	vst.idx.msk $0xffff, v2  }
0x85: {  	v2 =	vld.idx.msk [tilespmem:v59+s3+$0x0], $0xffff  }
0x86: {  	v57 =	vld.idx.msk [tilespmem:v59+s26+$0x0], $0xffff;
	_ =	sdelay $0x5  }
0x87: {  	v2 =	vadd.f32 v57, v2;
	v57 =	vor.u32 s4, v8;
	s4 =	smov.u32 s14;
	_ =	sdelay $0x1  }
.Ltmp0:
0x88: {  	v2 =	vmul.f32 v2, v55;
	(pc) =	sbr.rel @p0 .LBB2_3-.Ltmp0, $4  }
0x89: {  	_ = 	snop  }
0x8a: {  	[tilespmem:v59+s30+$0x0] =	vst.idx.msk $0xffff, v2  }
0x8b: {  	v58 =	vld.idx.msk [tilespmem:v57+s3+$0x0], $0xffff  }
0x8c: {  	v59 =	vld.idx.msk [tilespmem:v57+s26+$0x0], $0xffff  }
0x8d: {  	_ =	sdelay $0x3  }
0x8e: {  	v2 =	vor.u32 s4, v1;
	v58 =	vadd.f32 v59, v58;
	_ =	sdelay $0x1  }
0x8f: {  	v58 =	vmul.f32 v58, v56;
	_ =	sdelay $0x1  }
0x90: {  	[tilespmem:v57+s30+$0x0] =	vst.idx.msk $0xffff, v58  }
0x91: {  	v57 =	vld.idx.msk [tilespmem:v2+s3+$0x0], $0xffff  }
0x92: {  	v58 =	vld.idx.msk [tilespmem:v2+s26+$0x0], $0xffff;
	_ =	sdelay $0x4  }
0x93: {  	v63 =	vor.u32 s4, v6;
	v57 =	vadd.f32 v58, v57;
	_ =	sdelay $0x1  }
0x94: {  	v53 =	vmul.f32 v57, v53;
	_ =	sdelay $0x1  }
0x95: {  	[tilespmem:v2+s30+$0x0] =	vst.idx.msk $0xffff, v53  }
0x96: {  	v2 =	vld.idx.msk [tilespmem:v63+s3+$0x0], $0xffff  }
0x97: {  	v53 =	vld.idx.msk [tilespmem:v63+s26+$0x0], $0xffff;
	_ =	sdelay $0x4  }
0x98: {  	v59 =	vor.u32 s4, v7;
	v2 =	vadd.f32 v53, v2;
	_ =	sdelay $0x1  }
0x99: {  	v2 =	vmul.f32 v2, v54;
	_ =	sdelay $0x1  }
0x9a: {  	[tilespmem:v63+s30+$0x0] =	vst.idx.msk $0xffff, v2  }
0x9b: {  	v2 =	vld.idx.msk [tilespmem:v59+s3+$0x0], $0xffff  }
0x9c: {  	v60 =	vld.idx.msk [tilespmem:v59+s26+$0x0], $0xffff;
	_ =	sdelay $0x4  }
0x9d: {  	v61 =	vor.u32 s4, v8;
	v2 =	vadd.f32 v60, v2;
	_ =	sdelay $0x1  }
0x9e: {  	v2 =	vmul.f32 v2, v55;
	_ =	sdelay $0x1  }
0x9f: {  	[tilespmem:v59+s30+$0x0] =	vst.idx.msk $0xffff, v2  }
0xa0: {  	v2 =	vld.idx.msk [tilespmem:v61+s3+$0x0], $0xffff  }
0xa1: {  	v53 =	vld.idx.msk [tilespmem:v61+s26+$0x0], $0xffff;
	_ =	sdelay $0x4  }
0xa2: {  	v2 =	vadd.f32 v53, v2;
	_ =	sdelay $0x1  }
0xa3: {  	v2 =	vmul.f32 v2, v56;
	_ =	sdelay $0x1  }
0xa4: {  	v9 =	vld [tilespmem:$0x1FFF0];
	[tilespmem:v61+s30+$0x0] =	vst.idx.msk $0xffff, v2  }
0xa5: {  	v2 =	vld.idx.msk [tilespmem:v10+s23+$0x0], $0xffff  }
0xa6: {  	v62 =	vld.idx.msk [tilespmem:v10+s29+$0x0], $0xffff;
	_ =	sdelay $0x4  }
0xa7: {  	v2 =	vadd.f32 v62, v2;
	_ =	sdelay $0x1  }
0xa8: {  	s15 =	simm.s32 $0x0;
	v2 =	vadd.f32 $1.000000020e-16, v2  }
0xa9: {  	v54 =	vor.u32 s15, v14;
	v63 =	vld.idx.msk [tilespmem:v9+s23+$0x0], $0xffff  }
0xaa: {  	v60 =	vld.idx.msk [tilespmem:v9+s29+$0x0], $0xffff;
	(erf) = vrcp.f32 v2  }
0xab: {  	v56 =	vld.idx.msk [tilespmem:v11+s29+$0x0], $0xffff  }
0xac: {  	v2 =	vld.idx.msk [tilespmem:v11+s23+$0x0], $0xffff  }
0xad: {  	v57 =	vld.idx.msk [tilespmem:v10+s21+$0x0], $0xffff  }
0xae: {  	v58 =	vld.idx.msk [tilespmem:v54+s3+$0x0], $0xffff  }
0xaf: {  	v59 =	vld.idx.msk [tilespmem:v54+s26+$0x0], $0xffff  }
0xb0: {  	v60 =	vadd.f32 v60, v63  }
0xb1: {  	v2 =	vadd.f32 v56, v2  }
0xb2: {  	v55 =	vld.idx.msk [tilespmem:v11+s21+$0x0], $0xffff;
	v53 =	vmul.f32 v57, v60  }
0xb3: {  	v61 =	vld.idx.msk [tilespmem:v12+s29+$0x0], $0xffff;
	v2 =	vadd.f32 $1.000000020e-16, v2;
	v57 =	vpop (erf)  }
0xb4: {  	v58 =	vadd.f32 v59, v58;
	v59 =	vor.u32 s15, v15;
	v62 =	vld.idx.msk [tilespmem:v13+s29+$0x0], $0xffff;
	v53 =	vmul.f32 v57, v53  }
0xb5: {  	v63 =	vld.idx.msk [tilespmem:v13+s21+$0x0], $0xffff;
	(erf) = vrcp.f32 v2  }
0xb6: {  	v56 =	vld.idx.msk [tilespmem:v12+s23+$0x0], $0xffff;
	v58 =	vmul.f32 v58, v53  }
0xb7: {  	v2 =	vld.idx.msk [tilespmem:v13+s23+$0x0], $0xffff  }
0xb8: {  	v57 =	vld.idx.msk [tilespmem:v12+s21+$0x0], $0xffff;
	[tilespmem:v54+s30+$0x0] =	vst.idx.msk $0xffff, v58  }
0xb9: {  	v58 =	vld.idx.msk [tilespmem:v59+s3+$0x0], $0xffff  }
0xba: {  	v9 =	vld.idx.msk [tilespmem:v59+s26+$0x0], $0xffff;
	_ =	sdelay $0x1  }
0xbb: {  	v61 =	vadd.f32 v61, v56  }
0xbc: {  	v55 =	vmul.f32 v55, v60  }
0xbd: {  	v61 =	vadd.f32 $1.000000020e-16, v61;
	v56 =	vpop (erf)  }
0xbe: {  	v54 =	vmul.f32 v56, v55;
	v56 =	vor.u32 s15, v16;
	v9 =	vadd.f32 v9, v58  }
0xbf: {  	(erf) = vrcp.f32 v61  }
0xc0: {  	v9 =	vmul.f32 v9, v54;
	_ =	sdelay $0x1  }
0xc1: {  	v2 =	vadd.f32 v62, v2;
	[tilespmem:v59+s30+$0x0] =	vst.idx.msk $0xffff, v9  }
0xc2: {  	v9 =	vld.idx.msk [tilespmem:v56+s3+$0x0], $0xffff  }
0xc3: {  	v2 =	vadd.f32 $1.000000020e-16, v2;
	v61 =	vld.idx.msk [tilespmem:v56+s26+$0x0], $0xffff;
	_ =	sdelay $0x1  }
0xc4: {  	(erf) = vrcp.f32 v2  }
0xc5: {  	v2 =	vmul.f32 v57, v60  }
0xc6: {  	v62 =	vpop (erf)  }
0xc7: {  	v55 =	vmul.f32 v62, v2;
	v2 =	vadd.f32 v61, v9  }
0xc8: {  	v57 =	vor.u32 s15, v17  }
0xc9: {  	v2 =	vmul.f32 v2, v55;
	_ =	sdelay $0x2  }
0xca: {  	v9 =	vmul.f32 v63, v60;
	[tilespmem:v56+s30+$0x0] =	vst.idx.msk $0xffff, v2  }
0xcb: {  	v58 =	vld.idx.msk [tilespmem:v57+s3+$0x0], $0xffff;
	v2 =	vpop (erf)  }
0xcc: {  	s11 =	simm.s32 $0x2;
	s4 =	simm.s32 $0x1;
	v59 =	vld.idx.msk [tilespmem:v57+s26+$0x0], $0xffff;
	v56 =	vmul.f32 v2, v9  }
.LBB2_5:
0xcd: {  	_ =	sdelay $0x3  }
0xce: {  	p0 =	sne.s32 s11, $0x1F;
	v2 =	vor.u32 s4, v14;
	s14 =	smov.u32 s11;
	s11 =	sadd.s32 $0x1, s11;
	v9 =	vadd.f32 v59, v58  }
0xcf: {  	_ = 	snop  }
0xd0: {  	v9 =	vmul.f32 v9, v56;
	_ =	sdelay $0x1  }
0xd1: {  	[tilespmem:v57+s30+$0x0] =	vst.idx.msk $0xffff, v9  }
0xd2: {  	v9 =	vld.idx.msk [tilespmem:v2+s3+$0x0], $0xffff  }
0xd3: {  	v57 =	vld.idx.msk [tilespmem:v2+s26+$0x0], $0xffff;
	_ =	sdelay $0x5  }
0xd4: {  	v9 =	vadd.f32 v57, v9;
	v57 =	vor.u32 s4, v15;
	_ =	sdelay $0x1  }
0xd5: {  	v9 =	vmul.f32 v9, v53;
	_ =	sdelay $0x1  }
0xd6: {  	[tilespmem:v2+s30+$0x0] =	vst.idx.msk $0xffff, v9  }
0xd7: {  	v2 =	vld.idx.msk [tilespmem:v57+s3+$0x0], $0xffff  }
0xd8: {  	v9 =	vld.idx.msk [tilespmem:v57+s26+$0x0], $0xffff;
	_ =	sdelay $0x5  }
0xd9: {  	v2 =	vadd.f32 v9, v2;
	v9 =	vor.u32 s4, v16;
	_ =	sdelay $0x1  }
0xda: {  	v2 =	vmul.f32 v2, v54;
	_ =	sdelay $0x1  }
0xdb: {  	[tilespmem:v57+s30+$0x0] =	vst.idx.msk $0xffff, v2  }
0xdc: {  	v2 =	vld.idx.msk [tilespmem:v9+s3+$0x0], $0xffff  }
0xdd: {  	v57 =	vld.idx.msk [tilespmem:v9+s26+$0x0], $0xffff;
	_ =	sdelay $0x5  }
0xde: {  	v2 =	vadd.f32 v57, v2;
	v57 =	vor.u32 s4, v17;
	s4 =	smov.u32 s14;
	_ =	sdelay $0x1  }
.Ltmp1:
0xdf: {  	v2 =	vmul.f32 v2, v55;
	(pc) =	sbr.rel @p0 .LBB2_5-.Ltmp1, $4  }
0xe0: {  	_ = 	snop  }
0xe1: {  	[tilespmem:v9+s30+$0x0] =	vst.idx.msk $0xffff, v2  }
0xe2: {  	v58 =	vld.idx.msk [tilespmem:v57+s3+$0x0], $0xffff  }
0xe3: {  	v59 =	vld.idx.msk [tilespmem:v57+s26+$0x0], $0xffff  }
0xe4: {  	_ =	sdelay $0x3  }
0xe5: {  	v2 =	vor.u32 s4, v14;
	v9 =	vadd.f32 v59, v58;
	_ =	sdelay $0x1  }
0xe6: {  	v9 =	vmul.f32 v9, v56;
	_ =	sdelay $0x1  }
0xe7: {  	[tilespmem:v57+s30+$0x0] =	vst.idx.msk $0xffff, v9  }
0xe8: {  	v9 =	vld.idx.msk [tilespmem:v2+s3+$0x0], $0xffff  }
0xe9: {  	v57 =	vld.idx.msk [tilespmem:v2+s26+$0x0], $0xffff;
	_ =	sdelay $0x4  }
0xea: {  	v63 =	vor.u32 s4, v15;
	v9 =	vadd.f32 v57, v9;
	_ =	sdelay $0x1  }
0xeb: {  	v9 =	vmul.f32 v9, v53;
	_ =	sdelay $0x1  }
0xec: {  	[tilespmem:v2+s30+$0x0] =	vst.idx.msk $0xffff, v9  }
0xed: {  	v2 =	vld.idx.msk [tilespmem:v63+s3+$0x0], $0xffff  }
0xee: {  	v9 =	vld.idx.msk [tilespmem:v63+s26+$0x0], $0xffff;
	_ =	sdelay $0x4  }
0xef: {  	v2 =	vadd.f32 v9, v2;
	v9 =	vor.u32 s4, v16;
	_ =	sdelay $0x1  }
0xf0: {  	v2 =	vmul.f32 v2, v54;
	_ =	sdelay $0x1  }
0xf1: {  	[tilespmem:v63+s30+$0x0] =	vst.idx.msk $0xffff, v2  }
0xf2: {  	v2 =	vld.idx.msk [tilespmem:v9+s3+$0x0], $0xffff  }
0xf3: {  	v60 =	vld.idx.msk [tilespmem:v9+s26+$0x0], $0xffff;
	_ =	sdelay $0x4  }
0xf4: {  	v61 =	vor.u32 s4, v17;
	v2 =	vadd.f32 v60, v2;
	_ =	sdelay $0x1  }
0xf5: {  	v2 =	vmul.f32 v2, v55;
	_ =	sdelay $0x1  }
0xf6: {  	[tilespmem:v9+s30+$0x0] =	vst.idx.msk $0xffff, v2  }
0xf7: {  	v2 =	vld.idx.msk [tilespmem:v61+s3+$0x0], $0xffff  }
0xf8: {  	v9 =	vld.idx.msk [tilespmem:v61+s26+$0x0], $0xffff;
	_ =	sdelay $0x4  }
0xf9: {  	v2 =	vadd.f32 v9, v2;
	_ =	sdelay $0x1  }
0xfa: {  	v2 =	vmul.f32 v2, v56;
	_ =	sdelay $0x1  }
0xfb: {  	[tilespmem:v61+s30+$0x0] =	vst.idx.msk $0xffff, v2  }
0xfc: {  	v2 =	vld.idx.msk [tilespmem:v19+s23+$0x0], $0xffff  }
0xfd: {  	v9 =	vld.idx.msk [tilespmem:v19+s29+$0x0], $0xffff;
	_ =	sdelay $0x4  }
0xfe: {  	v2 =	vadd.f32 v9, v2;
	_ =	sdelay $0x1  }
0xff: {  	s15 =	simm.s32 $0x0;
	v2 =	vadd.f32 $1.000000020e-16, v2  }
0x100: {  	v54 =	vor.u32 s15, v23;
	v53 =	vld.idx.msk [tilespmem:v18+s29+$0x0], $0xffff  }
0x101: {  	v62 =	vld.idx.msk [tilespmem:v20+s29+$0x0], $0xffff;
	(erf) = vrcp.f32 v2  }
0x102: {  	v9 =	vld.idx.msk [tilespmem:v18+s23+$0x0], $0xffff  }
0x103: {  	v2 =	vld.idx.msk [tilespmem:v20+s23+$0x0], $0xffff  }
0x104: {  	v63 =	vld.idx.msk [tilespmem:v19+s21+$0x0], $0xffff  }
0x105: {  	v57 =	vld.idx.msk [tilespmem:v54+s3+$0x0], $0xffff  }
0x106: {  	v58 =	vld.idx.msk [tilespmem:v54+s26+$0x0], $0xffff  }
0x107: {  	v9 =	vadd.f32 v53, v9  }
0x108: {  	v2 =	vadd.f32 v62, v2  }
0x109: {  	v55 =	vld.idx.msk [tilespmem:v20+s21+$0x0], $0xffff;
	v53 =	vmul.f32 v63, v9  }
0x10a: {  	v56 =	vld.idx.msk [tilespmem:v21+s23+$0x0], $0xffff;
	v2 =	vadd.f32 $1.000000020e-16, v2;
	v59 =	vpop (erf)  }
0x10b: {  	v60 =	vld.idx.msk [tilespmem:v21+s29+$0x0], $0xffff;
	v57 =	vadd.f32 v58, v57;
	v58 =	vor.u32 s15, v24;
	v53 =	vmul.f32 v59, v53  }
0x10c: {  	v61 =	vld.idx.msk [tilespmem:v22+s29+$0x0], $0xffff;
	(erf) = vrcp.f32 v2  }
0x10d: {  	v62 =	vld.idx.msk [tilespmem:v22+s21+$0x0], $0xffff;
	v57 =	vmul.f32 v57, v53  }
0x10e: {  	v2 =	vld.idx.msk [tilespmem:v22+s23+$0x0], $0xffff  }
0x10f: {  	v59 =	vld.idx.msk [tilespmem:v21+s21+$0x0], $0xffff;
	[tilespmem:v54+s30+$0x0] =	vst.idx.msk $0xffff, v57  }
0x110: {  	v57 =	vld.idx.msk [tilespmem:v58+s3+$0x0], $0xffff  }
0x111: {  	v63 =	vld.idx.msk [tilespmem:v58+s26+$0x0], $0xffff;
	_ =	sdelay $0x1  }
0x112: {  	v60 =	vadd.f32 v60, v56  }
0x113: {  	v55 =	vmul.f32 v55, v9  }
0x114: {  	v60 =	vadd.f32 $1.000000020e-16, v60;
	v56 =	vpop (erf)  }
0x115: {  	v54 =	vmul.f32 v56, v55;
	v56 =	vor.u32 s15, v25;
	v63 =	vadd.f32 v63, v57  }
0x116: {  	(erf) = vrcp.f32 v60  }
0x117: {  	v55 =	vmul.f32 v63, v54;
	_ =	sdelay $0x1  }
0x118: {  	v2 =	vadd.f32 v61, v2;
	[tilespmem:v58+s30+$0x0] =	vst.idx.msk $0xffff, v55  }
0x119: {  	v61 =	vld.idx.msk [tilespmem:v56+s3+$0x0], $0xffff  }
0x11a: {  	v2 =	vadd.f32 $1.000000020e-16, v2;
	v58 =	vld.idx.msk [tilespmem:v56+s26+$0x0], $0xffff;
	_ =	sdelay $0x1  }
0x11b: {  	(erf) = vrcp.f32 v2  }
0x11c: {  	v2 =	vmul.f32 v59, v9  }
0x11d: {  	v63 =	vpop (erf)  }
0x11e: {  	v55 =	vmul.f32 v63, v2;
	v2 =	vadd.f32 v58, v61  }
0x11f: {  	v57 =	vor.u32 s15, v26  }
0x120: {  	v2 =	vmul.f32 v2, v55;
	_ =	sdelay $0x2  }
0x121: {  	v9 =	vmul.f32 v62, v9;
	[tilespmem:v56+s30+$0x0] =	vst.idx.msk $0xffff, v2  }
0x122: {  	v58 =	vld.idx.msk [tilespmem:v57+s3+$0x0], $0xffff;
	v2 =	vpop (erf)  }
0x123: {  	s11 =	simm.s32 $0x2;
	s4 =	simm.s32 $0x1;
	v59 =	vld.idx.msk [tilespmem:v57+s26+$0x0], $0xffff;
	v56 =	vmul.f32 v2, v9  }
.LBB2_7:
0x124: {  	_ =	sdelay $0x3  }
0x125: {  	p0 =	sne.s32 s11, $0x1F;
	v2 =	vor.u32 s4, v23;
	s14 =	smov.u32 s11;
	s11 =	sadd.s32 $0x1, s11;
	v9 =	vadd.f32 v59, v58  }
0x126: {  	_ = 	snop  }
0x127: {  	v9 =	vmul.f32 v9, v56;
	_ =	sdelay $0x1  }
0x128: {  	[tilespmem:v57+s30+$0x0] =	vst.idx.msk $0xffff, v9  }
0x129: {  	v9 =	vld.idx.msk [tilespmem:v2+s3+$0x0], $0xffff  }
0x12a: {  	v57 =	vld.idx.msk [tilespmem:v2+s26+$0x0], $0xffff;
	_ =	sdelay $0x5  }
0x12b: {  	v9 =	vadd.f32 v57, v9;
	v57 =	vor.u32 s4, v24;
	_ =	sdelay $0x1  }
0x12c: {  	v9 =	vmul.f32 v9, v53;
	_ =	sdelay $0x1  }
0x12d: {  	[tilespmem:v2+s30+$0x0] =	vst.idx.msk $0xffff, v9  }
0x12e: {  	v2 =	vld.idx.msk [tilespmem:v57+s3+$0x0], $0xffff  }
0x12f: {  	v9 =	vld.idx.msk [tilespmem:v57+s26+$0x0], $0xffff;
	_ =	sdelay $0x5  }
0x130: {  	v2 =	vadd.f32 v9, v2;
	v9 =	vor.u32 s4, v25;
	_ =	sdelay $0x1  }
0x131: {  	v2 =	vmul.f32 v2, v54;
	_ =	sdelay $0x1  }
0x132: {  	[tilespmem:v57+s30+$0x0] =	vst.idx.msk $0xffff, v2  }
0x133: {  	v2 =	vld.idx.msk [tilespmem:v9+s3+$0x0], $0xffff  }
0x134: {  	v57 =	vld.idx.msk [tilespmem:v9+s26+$0x0], $0xffff;
	_ =	sdelay $0x5  }
0x135: {  	v2 =	vadd.f32 v57, v2;
	v57 =	vor.u32 s4, v26;
	s4 =	smov.u32 s14;
	_ =	sdelay $0x1  }
.Ltmp2:
0x136: {  	v2 =	vmul.f32 v2, v55;
	(pc) =	sbr.rel @p0 .LBB2_7-.Ltmp2, $4  }
0x137: {  	_ = 	snop  }
0x138: {  	[tilespmem:v9+s30+$0x0] =	vst.idx.msk $0xffff, v2  }
0x139: {  	v58 =	vld.idx.msk [tilespmem:v57+s3+$0x0], $0xffff  }
0x13a: {  	v59 =	vld.idx.msk [tilespmem:v57+s26+$0x0], $0xffff  }
0x13b: {  	_ =	sdelay $0x3  }
0x13c: {  	v2 =	vor.u32 s4, v23;
	v9 =	vadd.f32 v59, v58;
	_ =	sdelay $0x1  }
0x13d: {  	v9 =	vmul.f32 v9, v56;
	_ =	sdelay $0x1  }
0x13e: {  	[tilespmem:v57+s30+$0x0] =	vst.idx.msk $0xffff, v9  }
0x13f: {  	v9 =	vld.idx.msk [tilespmem:v2+s3+$0x0], $0xffff  }
0x140: {  	v57 =	vld.idx.msk [tilespmem:v2+s26+$0x0], $0xffff;
	_ =	sdelay $0x4  }
0x141: {  	v63 =	vor.u32 s4, v24;
	v9 =	vadd.f32 v57, v9;
	_ =	sdelay $0x1  }
0x142: {  	v9 =	vmul.f32 v9, v53;
	_ =	sdelay $0x1  }
0x143: {  	[tilespmem:v2+s30+$0x0] =	vst.idx.msk $0xffff, v9  }
0x144: {  	v2 =	vld.idx.msk [tilespmem:v63+s3+$0x0], $0xffff  }
0x145: {  	v9 =	vld.idx.msk [tilespmem:v63+s26+$0x0], $0xffff;
	_ =	sdelay $0x4  }
0x146: {  	v2 =	vadd.f32 v9, v2;
	v9 =	vor.u32 s4, v25;
	_ =	sdelay $0x1  }
0x147: {  	v2 =	vmul.f32 v2, v54;
	_ =	sdelay $0x1  }
0x148: {  	[tilespmem:v63+s30+$0x0] =	vst.idx.msk $0xffff, v2  }
0x149: {  	v2 =	vld.idx.msk [tilespmem:v9+s3+$0x0], $0xffff  }
0x14a: {  	v60 =	vld.idx.msk [tilespmem:v9+s26+$0x0], $0xffff;
	_ =	sdelay $0x4  }
0x14b: {  	v61 =	vor.u32 s4, v26;
	v2 =	vadd.f32 v60, v2;
	_ =	sdelay $0x1  }
0x14c: {  	v2 =	vmul.f32 v2, v55;
	_ =	sdelay $0x1  }
0x14d: {  	[tilespmem:v9+s30+$0x0] =	vst.idx.msk $0xffff, v2  }
0x14e: {  	v2 =	vld.idx.msk [tilespmem:v61+s3+$0x0], $0xffff  }
0x14f: {  	v9 =	vld.idx.msk [tilespmem:v61+s26+$0x0], $0xffff;
	_ =	sdelay $0x4  }
0x150: {  	v2 =	vadd.f32 v9, v2;
	_ =	sdelay $0x1  }
0x151: {  	v2 =	vmul.f32 v2, v56;
	_ =	sdelay $0x1  }
0x152: {  	[tilespmem:v61+s30+$0x0] =	vst.idx.msk $0xffff, v2  }
0x153: {  	v2 =	vld.idx.msk [tilespmem:v28+s23+$0x0], $0xffff  }
0x154: {  	v9 =	vld.idx.msk [tilespmem:v28+s29+$0x0], $0xffff;
	_ =	sdelay $0x4  }
0x155: {  	v2 =	vadd.f32 v9, v2;
	_ =	sdelay $0x1  }
0x156: {  	s15 =	simm.s32 $0x0;
	v2 =	vadd.f32 $1.000000020e-16, v2  }
0x157: {  	v54 =	vor.u32 s15, v32;
	v53 =	vld.idx.msk [tilespmem:v27+s29+$0x0], $0xffff  }
0x158: {  	v62 =	vld.idx.msk [tilespmem:v29+s29+$0x0], $0xffff;
	(erf) = vrcp.f32 v2  }
0x159: {  	v9 =	vld.idx.msk [tilespmem:v27+s23+$0x0], $0xffff  }
0x15a: {  	v2 =	vld.idx.msk [tilespmem:v29+s23+$0x0], $0xffff  }
0x15b: {  	v63 =	vld.idx.msk [tilespmem:v28+s21+$0x0], $0xffff  }
0x15c: {  	v57 =	vld.idx.msk [tilespmem:v54+s3+$0x0], $0xffff  }
0x15d: {  	v58 =	vld.idx.msk [tilespmem:v54+s26+$0x0], $0xffff  }
0x15e: {  	v9 =	vadd.f32 v53, v9  }
0x15f: {  	v2 =	vadd.f32 v62, v2  }
0x160: {  	v55 =	vld.idx.msk [tilespmem:v29+s21+$0x0], $0xffff;
	v53 =	vmul.f32 v63, v9  }
0x161: {  	v56 =	vld.idx.msk [tilespmem:v30+s23+$0x0], $0xffff;
	v2 =	vadd.f32 $1.000000020e-16, v2;
	v59 =	vpop (erf)  }
0x162: {  	v60 =	vld.idx.msk [tilespmem:v30+s29+$0x0], $0xffff;
	v57 =	vadd.f32 v58, v57;
	v58 =	vor.u32 s15, v33;
	v53 =	vmul.f32 v59, v53  }
0x163: {  	v61 =	vld.idx.msk [tilespmem:v31+s29+$0x0], $0xffff;
	(erf) = vrcp.f32 v2  }
0x164: {  	v62 =	vld.idx.msk [tilespmem:v31+s21+$0x0], $0xffff;
	v57 =	vmul.f32 v57, v53  }
0x165: {  	v2 =	vld.idx.msk [tilespmem:v31+s23+$0x0], $0xffff  }
0x166: {  	v59 =	vld.idx.msk [tilespmem:v30+s21+$0x0], $0xffff;
	[tilespmem:v54+s30+$0x0] =	vst.idx.msk $0xffff, v57  }
0x167: {  	v57 =	vld.idx.msk [tilespmem:v58+s3+$0x0], $0xffff  }
0x168: {  	v63 =	vld.idx.msk [tilespmem:v58+s26+$0x0], $0xffff;
	_ =	sdelay $0x1  }
0x169: {  	v60 =	vadd.f32 v60, v56  }
0x16a: {  	v55 =	vmul.f32 v55, v9  }
0x16b: {  	v60 =	vadd.f32 $1.000000020e-16, v60;
	v56 =	vpop (erf)  }
0x16c: {  	v54 =	vmul.f32 v56, v55;
	v56 =	vor.u32 s15, v34;
	v63 =	vadd.f32 v63, v57  }
0x16d: {  	(erf) = vrcp.f32 v60  }
0x16e: {  	v55 =	vmul.f32 v63, v54;
	_ =	sdelay $0x1  }
0x16f: {  	v2 =	vadd.f32 v61, v2;
	[tilespmem:v58+s30+$0x0] =	vst.idx.msk $0xffff, v55  }
0x170: {  	v61 =	vld.idx.msk [tilespmem:v56+s3+$0x0], $0xffff  }
0x171: {  	v2 =	vadd.f32 $1.000000020e-16, v2;
	v58 =	vld.idx.msk [tilespmem:v56+s26+$0x0], $0xffff;
	_ =	sdelay $0x1  }
0x172: {  	(erf) = vrcp.f32 v2  }
0x173: {  	v2 =	vmul.f32 v59, v9  }
0x174: {  	v63 =	vpop (erf)  }
0x175: {  	v55 =	vmul.f32 v63, v2;
	v2 =	vadd.f32 v58, v61  }
0x176: {  	v57 =	vor.u32 s15, v35  }
0x177: {  	v2 =	vmul.f32 v2, v55;
	_ =	sdelay $0x2  }
0x178: {  	v9 =	vmul.f32 v62, v9;
	[tilespmem:v56+s30+$0x0] =	vst.idx.msk $0xffff, v2  }
0x179: {  	v58 =	vld.idx.msk [tilespmem:v57+s3+$0x0], $0xffff;
	v2 =	vpop (erf)  }
0x17a: {  	s11 =	simm.s32 $0x2;
	s4 =	simm.s32 $0x1;
	v59 =	vld.idx.msk [tilespmem:v57+s26+$0x0], $0xffff;
	v56 =	vmul.f32 v2, v9  }
.LBB2_9:
0x17b: {  	_ =	sdelay $0x3  }
0x17c: {  	p0 =	sne.s32 s11, $0x1F;
	v2 =	vor.u32 s4, v32;
	s14 =	smov.u32 s11;
	s11 =	sadd.s32 $0x1, s11;
	v9 =	vadd.f32 v59, v58  }
0x17d: {  	_ = 	snop  }
0x17e: {  	v9 =	vmul.f32 v9, v56;
	_ =	sdelay $0x1  }
0x17f: {  	[tilespmem:v57+s30+$0x0] =	vst.idx.msk $0xffff, v9  }
0x180: {  	v9 =	vld.idx.msk [tilespmem:v2+s3+$0x0], $0xffff  }
0x181: {  	v57 =	vld.idx.msk [tilespmem:v2+s26+$0x0], $0xffff;
	_ =	sdelay $0x5  }
0x182: {  	v9 =	vadd.f32 v57, v9;
	v57 =	vor.u32 s4, v33;
	_ =	sdelay $0x1  }
0x183: {  	v9 =	vmul.f32 v9, v53;
	_ =	sdelay $0x1  }
0x184: {  	[tilespmem:v2+s30+$0x0] =	vst.idx.msk $0xffff, v9  }
0x185: {  	v2 =	vld.idx.msk [tilespmem:v57+s3+$0x0], $0xffff  }
0x186: {  	v9 =	vld.idx.msk [tilespmem:v57+s26+$0x0], $0xffff;
	_ =	sdelay $0x5  }
0x187: {  	v2 =	vadd.f32 v9, v2;
	v9 =	vor.u32 s4, v34;
	_ =	sdelay $0x1  }
0x188: {  	v2 =	vmul.f32 v2, v54;
	_ =	sdelay $0x1  }
0x189: {  	[tilespmem:v57+s30+$0x0] =	vst.idx.msk $0xffff, v2  }
0x18a: {  	v2 =	vld.idx.msk [tilespmem:v9+s3+$0x0], $0xffff  }
0x18b: {  	v57 =	vld.idx.msk [tilespmem:v9+s26+$0x0], $0xffff;
	_ =	sdelay $0x5  }
0x18c: {  	v2 =	vadd.f32 v57, v2;
	v57 =	vor.u32 s4, v35;
	s4 =	smov.u32 s14;
	_ =	sdelay $0x1  }
.Ltmp3:
0x18d: {  	v2 =	vmul.f32 v2, v55;
	(pc) =	sbr.rel @p0 .LBB2_9-.Ltmp3, $4  }
0x18e: {  	_ = 	snop  }
0x18f: {  	[tilespmem:v9+s30+$0x0] =	vst.idx.msk $0xffff, v2  }
0x190: {  	v58 =	vld.idx.msk [tilespmem:v57+s3+$0x0], $0xffff  }
0x191: {  	v59 =	vld.idx.msk [tilespmem:v57+s26+$0x0], $0xffff  }
0x192: {  	_ =	sdelay $0x3  }
0x193: {  	v2 =	vor.u32 s4, v32;
	v9 =	vadd.f32 v59, v58;
	_ =	sdelay $0x1  }
0x194: {  	v9 =	vmul.f32 v9, v56;
	_ =	sdelay $0x1  }
0x195: {  	[tilespmem:v57+s30+$0x0] =	vst.idx.msk $0xffff, v9  }
0x196: {  	v9 =	vld.idx.msk [tilespmem:v2+s3+$0x0], $0xffff  }
0x197: {  	v57 =	vld.idx.msk [tilespmem:v2+s26+$0x0], $0xffff;
	_ =	sdelay $0x4  }
0x198: {  	v63 =	vor.u32 s4, v33;
	v9 =	vadd.f32 v57, v9;
	_ =	sdelay $0x1  }
0x199: {  	v9 =	vmul.f32 v9, v53;
	_ =	sdelay $0x1  }
0x19a: {  	[tilespmem:v2+s30+$0x0] =	vst.idx.msk $0xffff, v9  }
0x19b: {  	v2 =	vld.idx.msk [tilespmem:v63+s3+$0x0], $0xffff  }
0x19c: {  	v9 =	vld.idx.msk [tilespmem:v63+s26+$0x0], $0xffff;
	_ =	sdelay $0x4  }
0x19d: {  	v2 =	vadd.f32 v9, v2;
	v9 =	vor.u32 s4, v34;
	_ =	sdelay $0x1  }
0x19e: {  	v2 =	vmul.f32 v2, v54;
	_ =	sdelay $0x1  }
0x19f: {  	[tilespmem:v63+s30+$0x0] =	vst.idx.msk $0xffff, v2  }
0x1a0: {  	v2 =	vld.idx.msk [tilespmem:v9+s3+$0x0], $0xffff  }
0x1a1: {  	v60 =	vld.idx.msk [tilespmem:v9+s26+$0x0], $0xffff;
	_ =	sdelay $0x4  }
0x1a2: {  	v61 =	vor.u32 s4, v35;
	v2 =	vadd.f32 v60, v2;
	_ =	sdelay $0x1  }
0x1a3: {  	v2 =	vmul.f32 v2, v55;
	_ =	sdelay $0x1  }
0x1a4: {  	[tilespmem:v9+s30+$0x0] =	vst.idx.msk $0xffff, v2  }
0x1a5: {  	v2 =	vld.idx.msk [tilespmem:v61+s3+$0x0], $0xffff  }
0x1a6: {  	v9 =	vld.idx.msk [tilespmem:v61+s26+$0x0], $0xffff;
	_ =	sdelay $0x4  }
0x1a7: {  	v2 =	vadd.f32 v9, v2;
	_ =	sdelay $0x1  }
0x1a8: {  	v2 =	vmul.f32 v2, v56;
	_ =	sdelay $0x1  }
0x1a9: {  	[tilespmem:v61+s30+$0x0] =	vst.idx.msk $0xffff, v2  }
0x1aa: {  	v2 =	vld.idx.msk [tilespmem:v37+s23+$0x0], $0xffff  }
0x1ab: {  	v9 =	vld.idx.msk [tilespmem:v37+s29+$0x0], $0xffff;
	_ =	sdelay $0x4  }
0x1ac: {  	v2 =	vadd.f32 v9, v2;
	_ =	sdelay $0x1  }
0x1ad: {  	s15 =	simm.s32 $0x0;
	v2 =	vadd.f32 $1.000000020e-16, v2  }
0x1ae: {  	v54 =	vor.u32 s15, v41;
	v53 =	vld.idx.msk [tilespmem:v36+s29+$0x0], $0xffff  }
0x1af: {  	v62 =	vld.idx.msk [tilespmem:v38+s29+$0x0], $0xffff;
	(erf) = vrcp.f32 v2  }
0x1b0: {  	v9 =	vld.idx.msk [tilespmem:v36+s23+$0x0], $0xffff  }
0x1b1: {  	v2 =	vld.idx.msk [tilespmem:v38+s23+$0x0], $0xffff  }
0x1b2: {  	v63 =	vld.idx.msk [tilespmem:v37+s21+$0x0], $0xffff  }
0x1b3: {  	v57 =	vld.idx.msk [tilespmem:v54+s3+$0x0], $0xffff  }
0x1b4: {  	v58 =	vld.idx.msk [tilespmem:v54+s26+$0x0], $0xffff  }
0x1b5: {  	v9 =	vadd.f32 v53, v9  }
0x1b6: {  	v2 =	vadd.f32 v62, v2  }
0x1b7: {  	v55 =	vld.idx.msk [tilespmem:v38+s21+$0x0], $0xffff;
	v53 =	vmul.f32 v63, v9  }
0x1b8: {  	v56 =	vld.idx.msk [tilespmem:v39+s23+$0x0], $0xffff;
	v2 =	vadd.f32 $1.000000020e-16, v2;
	v59 =	vpop (erf)  }
0x1b9: {  	v60 =	vld.idx.msk [tilespmem:v39+s29+$0x0], $0xffff;
	v57 =	vadd.f32 v58, v57;
	v58 =	vor.u32 s15, v42;
	v53 =	vmul.f32 v59, v53  }
0x1ba: {  	v61 =	vld.idx.msk [tilespmem:v40+s29+$0x0], $0xffff;
	(erf) = vrcp.f32 v2  }
0x1bb: {  	v62 =	vld.idx.msk [tilespmem:v40+s21+$0x0], $0xffff;
	v57 =	vmul.f32 v57, v53  }
0x1bc: {  	v2 =	vld.idx.msk [tilespmem:v40+s23+$0x0], $0xffff  }
0x1bd: {  	v59 =	vld.idx.msk [tilespmem:v39+s21+$0x0], $0xffff;
	[tilespmem:v54+s30+$0x0] =	vst.idx.msk $0xffff, v57  }
0x1be: {  	v57 =	vld.idx.msk [tilespmem:v58+s3+$0x0], $0xffff  }
0x1bf: {  	v63 =	vld.idx.msk [tilespmem:v58+s26+$0x0], $0xffff;
	_ =	sdelay $0x1  }
0x1c0: {  	v60 =	vadd.f32 v60, v56  }
0x1c1: {  	v55 =	vmul.f32 v55, v9  }
0x1c2: {  	v60 =	vadd.f32 $1.000000020e-16, v60;
	v56 =	vpop (erf)  }
0x1c3: {  	v54 =	vmul.f32 v56, v55;
	v56 =	vor.u32 s15, v43;
	v63 =	vadd.f32 v63, v57  }
0x1c4: {  	(erf) = vrcp.f32 v60  }
0x1c5: {  	v55 =	vmul.f32 v63, v54;
	_ =	sdelay $0x1  }
0x1c6: {  	v2 =	vadd.f32 v61, v2;
	[tilespmem:v58+s30+$0x0] =	vst.idx.msk $0xffff, v55  }
0x1c7: {  	v61 =	vld.idx.msk [tilespmem:v56+s3+$0x0], $0xffff  }
0x1c8: {  	v2 =	vadd.f32 $1.000000020e-16, v2;
	v58 =	vld.idx.msk [tilespmem:v56+s26+$0x0], $0xffff;
	_ =	sdelay $0x1  }
0x1c9: {  	(erf) = vrcp.f32 v2  }
0x1ca: {  	v2 =	vmul.f32 v59, v9  }
0x1cb: {  	v63 =	vpop (erf)  }
0x1cc: {  	v55 =	vmul.f32 v63, v2;
	v2 =	vadd.f32 v58, v61  }
0x1cd: {  	v57 =	vor.u32 s15, v44  }
0x1ce: {  	v2 =	vmul.f32 v2, v55;
	_ =	sdelay $0x2  }
0x1cf: {  	v9 =	vmul.f32 v62, v9;
	[tilespmem:v56+s30+$0x0] =	vst.idx.msk $0xffff, v2  }
0x1d0: {  	v58 =	vld.idx.msk [tilespmem:v57+s3+$0x0], $0xffff;
	v2 =	vpop (erf)  }
0x1d1: {  	s11 =	simm.s32 $0x2;
	s4 =	simm.s32 $0x1;
	v59 =	vld.idx.msk [tilespmem:v57+s26+$0x0], $0xffff;
	v56 =	vmul.f32 v2, v9  }
.LBB2_11:
0x1d2: {  	_ =	sdelay $0x3  }
0x1d3: {  	p0 =	sne.s32 s11, $0x1F;
	v2 =	vor.u32 s4, v41;
	s14 =	smov.u32 s11;
	s11 =	sadd.s32 $0x1, s11;
	v9 =	vadd.f32 v59, v58  }
0x1d4: {  	_ = 	snop  }
0x1d5: {  	v9 =	vmul.f32 v9, v56;
	_ =	sdelay $0x1  }
0x1d6: {  	[tilespmem:v57+s30+$0x0] =	vst.idx.msk $0xffff, v9  }
0x1d7: {  	v9 =	vld.idx.msk [tilespmem:v2+s3+$0x0], $0xffff  }
0x1d8: {  	v57 =	vld.idx.msk [tilespmem:v2+s26+$0x0], $0xffff;
	_ =	sdelay $0x5  }
0x1d9: {  	v9 =	vadd.f32 v57, v9;
	v57 =	vor.u32 s4, v42;
	_ =	sdelay $0x1  }
0x1da: {  	v9 =	vmul.f32 v9, v53;
	_ =	sdelay $0x1  }
0x1db: {  	[tilespmem:v2+s30+$0x0] =	vst.idx.msk $0xffff, v9  }
0x1dc: {  	v2 =	vld.idx.msk [tilespmem:v57+s3+$0x0], $0xffff  }
0x1dd: {  	v9 =	vld.idx.msk [tilespmem:v57+s26+$0x0], $0xffff;
	_ =	sdelay $0x5  }
0x1de: {  	v2 =	vadd.f32 v9, v2;
	v9 =	vor.u32 s4, v43;
	_ =	sdelay $0x1  }
0x1df: {  	v2 =	vmul.f32 v2, v54;
	_ =	sdelay $0x1  }
0x1e0: {  	[tilespmem:v57+s30+$0x0] =	vst.idx.msk $0xffff, v2  }
0x1e1: {  	v2 =	vld.idx.msk [tilespmem:v9+s3+$0x0], $0xffff  }
0x1e2: {  	v57 =	vld.idx.msk [tilespmem:v9+s26+$0x0], $0xffff;
	_ =	sdelay $0x5  }
0x1e3: {  	v2 =	vadd.f32 v57, v2;
	v57 =	vor.u32 s4, v44;
	s4 =	smov.u32 s14;
	_ =	sdelay $0x1  }
.Ltmp4:
0x1e4: {  	v2 =	vmul.f32 v2, v55;
	(pc) =	sbr.rel @p0 .LBB2_11-.Ltmp4, $4  }
0x1e5: {  	_ = 	snop  }
0x1e6: {  	[tilespmem:v9+s30+$0x0] =	vst.idx.msk $0xffff, v2  }
0x1e7: {  	v58 =	vld.idx.msk [tilespmem:v57+s3+$0x0], $0xffff  }
0x1e8: {  	v59 =	vld.idx.msk [tilespmem:v57+s26+$0x0], $0xffff  }
0x1e9: {  	_ =	sdelay $0x3  }
0x1ea: {  	v2 =	vor.u32 s4, v41;
	v9 =	vadd.f32 v59, v58;
	_ =	sdelay $0x1  }
0x1eb: {  	v9 =	vmul.f32 v9, v56;
	_ =	sdelay $0x1  }
0x1ec: {  	[tilespmem:v57+s30+$0x0] =	vst.idx.msk $0xffff, v9  }
0x1ed: {  	v9 =	vld.idx.msk [tilespmem:v2+s3+$0x0], $0xffff  }
0x1ee: {  	v57 =	vld.idx.msk [tilespmem:v2+s26+$0x0], $0xffff;
	_ =	sdelay $0x4  }
0x1ef: {  	v63 =	vor.u32 s4, v42;
	v9 =	vadd.f32 v57, v9;
	_ =	sdelay $0x1  }
0x1f0: {  	v9 =	vmul.f32 v9, v53;
	_ =	sdelay $0x1  }
0x1f1: {  	[tilespmem:v2+s30+$0x0] =	vst.idx.msk $0xffff, v9  }
0x1f2: {  	v2 =	vld.idx.msk [tilespmem:v63+s3+$0x0], $0xffff  }
0x1f3: {  	v9 =	vld.idx.msk [tilespmem:v63+s26+$0x0], $0xffff;
	_ =	sdelay $0x4  }
0x1f4: {  	v2 =	vadd.f32 v9, v2;
	v9 =	vor.u32 s4, v43;
	_ =	sdelay $0x1  }
0x1f5: {  	v2 =	vmul.f32 v2, v54;
	_ =	sdelay $0x1  }
0x1f6: {  	[tilespmem:v63+s30+$0x0] =	vst.idx.msk $0xffff, v2  }
0x1f7: {  	v2 =	vld.idx.msk [tilespmem:v9+s3+$0x0], $0xffff  }
0x1f8: {  	v60 =	vld.idx.msk [tilespmem:v9+s26+$0x0], $0xffff;
	_ =	sdelay $0x4  }
0x1f9: {  	v61 =	vor.u32 s4, v44;
	v2 =	vadd.f32 v60, v2;
	_ =	sdelay $0x1  }
0x1fa: {  	v2 =	vmul.f32 v2, v55;
	_ =	sdelay $0x1  }
0x1fb: {  	[tilespmem:v9+s30+$0x0] =	vst.idx.msk $0xffff, v2  }
0x1fc: {  	v2 =	vld.idx.msk [tilespmem:v61+s3+$0x0], $0xffff  }
0x1fd: {  	v9 =	vld.idx.msk [tilespmem:v61+s26+$0x0], $0xffff;
	_ =	sdelay $0x4  }
0x1fe: {  	v2 =	vadd.f32 v9, v2;
	_ =	sdelay $0x1  }
0x1ff: {  	v2 =	vmul.f32 v2, v56;
	_ =	sdelay $0x1  }
0x200: {  	[tilespmem:v61+s30+$0x0] =	vst.idx.msk $0xffff, v2  }
0x201: {  	v2 =	vld.idx.msk [tilespmem:v46+s23+$0x0], $0xffff  }
0x202: {  	v9 =	vld.idx.msk [tilespmem:v46+s29+$0x0], $0xffff;
	_ =	sdelay $0x4  }
0x203: {  	v2 =	vadd.f32 v9, v2;
	_ =	sdelay $0x1  }
0x204: {  	s15 =	simm.s32 $0x0;
	v2 =	vadd.f32 $1.000000020e-16, v2  }
0x205: {  	v54 =	vor.u32 s15, v50;
	v53 =	vld.idx.msk [tilespmem:v45+s29+$0x0], $0xffff  }
0x206: {  	v62 =	vld.idx.msk [tilespmem:v47+s29+$0x0], $0xffff;
	(erf) = vrcp.f32 v2  }
0x207: {  	v9 =	vld.idx.msk [tilespmem:v45+s23+$0x0], $0xffff  }
0x208: {  	v2 =	vld.idx.msk [tilespmem:v47+s23+$0x0], $0xffff  }
0x209: {  	v63 =	vld.idx.msk [tilespmem:v46+s21+$0x0], $0xffff  }
0x20a: {  	v57 =	vld.idx.msk [tilespmem:v54+s3+$0x0], $0xffff  }
0x20b: {  	v58 =	vld.idx.msk [tilespmem:v54+s26+$0x0], $0xffff  }
0x20c: {  	v9 =	vadd.f32 v53, v9  }
0x20d: {  	v2 =	vadd.f32 v62, v2  }
0x20e: {  	v55 =	vld.idx.msk [tilespmem:v47+s21+$0x0], $0xffff;
	v53 =	vmul.f32 v63, v9  }
0x20f: {  	v56 =	vld.idx.msk [tilespmem:v48+s23+$0x0], $0xffff;
	v2 =	vadd.f32 $1.000000020e-16, v2;
	v59 =	vpop (erf)  }
0x210: {  	v60 =	vld.idx.msk [tilespmem:v48+s29+$0x0], $0xffff;
	v57 =	vadd.f32 v58, v57;
	v58 =	vor.u32 s15, v51;
	v53 =	vmul.f32 v59, v53  }
0x211: {  	v61 =	vld.idx.msk [tilespmem:v49+s29+$0x0], $0xffff;
	(erf) = vrcp.f32 v2  }
0x212: {  	v62 =	vld.idx.msk [tilespmem:v49+s21+$0x0], $0xffff;
	v57 =	vmul.f32 v57, v53  }
0x213: {  	v2 =	vld.idx.msk [tilespmem:v49+s23+$0x0], $0xffff  }
0x214: {  	v59 =	vld.idx.msk [tilespmem:v48+s21+$0x0], $0xffff;
	[tilespmem:v54+s30+$0x0] =	vst.idx.msk $0xffff, v57  }
0x215: {  	v57 =	vld.idx.msk [tilespmem:v58+s3+$0x0], $0xffff  }
0x216: {  	v63 =	vld.idx.msk [tilespmem:v58+s26+$0x0], $0xffff;
	_ =	sdelay $0x1  }
0x217: {  	v60 =	vadd.f32 v60, v56  }
0x218: {  	v55 =	vmul.f32 v55, v9  }
0x219: {  	v60 =	vadd.f32 $1.000000020e-16, v60;
	v56 =	vpop (erf)  }
0x21a: {  	v54 =	vmul.f32 v56, v55;
	v63 =	vadd.f32 v63, v57;
	v57 =	vor.u32 s15, v52  }
0x21b: {  	(erf) = vrcp.f32 v60  }
0x21c: {  	v55 =	vmul.f32 v63, v54;
	_ =	sdelay $0x1  }
0x21d: {  	v2 =	vadd.f32 v61, v2;
	[tilespmem:v58+s30+$0x0] =	vst.idx.msk $0xffff, v55  }
0x21e: {  	v58 =	vld.idx.msk [tilespmem:v57+s3+$0x0], $0xffff  }
0x21f: {  	v2 =	vadd.f32 $1.000000020e-16, v2;
	v60 =	vld.idx.msk [tilespmem:v57+s26+$0x0], $0xffff;
	_ =	sdelay $0x1  }
0x220: {  	(erf) = vrcp.f32 v2  }
0x221: {  	v2 =	vmul.f32 v59, v9  }
0x222: {  	v63 =	vpop (erf)  }
0x223: {  	v56 =	vor.u32 $0x2860, v1;
	v55 =	vmul.f32 v63, v2;
	v2 =	vadd.f32 v60, v58  }
0x224: {  	v58 =	vor.u32 s15, v56  }
0x225: {  	v2 =	vmul.f32 v2, v55;
	_ =	sdelay $0x2  }
0x226: {  	v9 =	vmul.f32 v62, v9;
	[tilespmem:v57+s30+$0x0] =	vst.idx.msk $0xffff, v2  }
0x227: {  	v59 =	vld.idx.msk [tilespmem:v58+s3+$0x0], $0xffff;
	v2 =	vpop (erf)  }
0x228: {  	s11 =	simm.s32 $0x2;
	s4 =	simm.s32 $0x1;
	v60 =	vld.idx.msk [tilespmem:v58+s26+$0x0], $0xffff;
	v57 =	vmul.f32 v2, v9  }
.LBB2_13:
0x229: {  	_ =	sdelay $0x3  }
0x22a: {  	p0 =	sne.s32 s11, $0x1F;
	v2 =	vor.u32 s4, v50;
	s14 =	smov.u32 s11;
	s11 =	sadd.s32 $0x1, s11;
	v9 =	vadd.f32 v60, v59  }
0x22b: {  	_ = 	snop  }
0x22c: {  	v9 =	vmul.f32 v9, v57;
	_ =	sdelay $0x1  }
0x22d: {  	[tilespmem:v58+s30+$0x0] =	vst.idx.msk $0xffff, v9  }
0x22e: {  	v9 =	vld.idx.msk [tilespmem:v2+s3+$0x0], $0xffff  }
0x22f: {  	v58 =	vld.idx.msk [tilespmem:v2+s26+$0x0], $0xffff;
	_ =	sdelay $0x5  }
0x230: {  	v9 =	vadd.f32 v58, v9;
	v58 =	vor.u32 s4, v51;
	_ =	sdelay $0x1  }
0x231: {  	v9 =	vmul.f32 v9, v53;
	_ =	sdelay $0x1  }
0x232: {  	[tilespmem:v2+s30+$0x0] =	vst.idx.msk $0xffff, v9  }
0x233: {  	v2 =	vld.idx.msk [tilespmem:v58+s3+$0x0], $0xffff  }
0x234: {  	v9 =	vld.idx.msk [tilespmem:v58+s26+$0x0], $0xffff;
	_ =	sdelay $0x5  }
0x235: {  	v2 =	vadd.f32 v9, v2;
	v9 =	vor.u32 s4, v52;
	_ =	sdelay $0x1  }
0x236: {  	v2 =	vmul.f32 v2, v54;
	_ =	sdelay $0x1  }
0x237: {  	[tilespmem:v58+s30+$0x0] =	vst.idx.msk $0xffff, v2  }
0x238: {  	v2 =	vld.idx.msk [tilespmem:v9+s3+$0x0], $0xffff  }
0x239: {  	v58 =	vld.idx.msk [tilespmem:v9+s26+$0x0], $0xffff;
	_ =	sdelay $0x5  }
0x23a: {  	v2 =	vadd.f32 v58, v2;
	v58 =	vor.u32 s4, v56;
	s4 =	smov.u32 s14;
	_ =	sdelay $0x1  }
.Ltmp5:
0x23b: {  	v2 =	vmul.f32 v2, v55;
	(pc) =	sbr.rel @p0 .LBB2_13-.Ltmp5, $4  }
0x23c: {  	_ = 	snop  }
0x23d: {  	[tilespmem:v9+s30+$0x0] =	vst.idx.msk $0xffff, v2  }
0x23e: {  	v59 =	vld.idx.msk [tilespmem:v58+s3+$0x0], $0xffff  }
0x23f: {  	v60 =	vld.idx.msk [tilespmem:v58+s26+$0x0], $0xffff  }
0x240: {  	_ =	sdelay $0x3  }
0x241: {  	v2 =	vor.u32 s4, v50;
	v9 =	vadd.f32 v60, v59;
	_ =	sdelay $0x1  }
0x242: {  	v9 =	vmul.f32 v9, v57;
	_ =	sdelay $0x1  }
0x243: {  	[tilespmem:v58+s30+$0x0] =	vst.idx.msk $0xffff, v9  }
0x244: {  	v9 =	vld.idx.msk [tilespmem:v2+s3+$0x0], $0xffff  }
0x245: {  	v58 =	vld.idx.msk [tilespmem:v2+s26+$0x0], $0xffff;
	_ =	sdelay $0x4  }
0x246: {  	v61 =	vor.u32 s4, v51;
	v9 =	vadd.f32 v58, v9;
	_ =	sdelay $0x1  }
0x247: {  	v9 =	vmul.f32 v9, v53;
	_ =	sdelay $0x1  }
0x248: {  	[tilespmem:v2+s30+$0x0] =	vst.idx.msk $0xffff, v9  }
0x249: {  	v2 =	vld.idx.msk [tilespmem:v61+s3+$0x0], $0xffff  }
0x24a: {  	v9 =	vld.idx.msk [tilespmem:v61+s26+$0x0], $0xffff;
	_ =	sdelay $0x4  }
0x24b: {  	v2 =	vadd.f32 v9, v2;
	v9 =	vor.u32 s4, v52;
	_ =	sdelay $0x1  }
0x24c: {  	v2 =	vmul.f32 v2, v54;
	_ =	sdelay $0x1  }
0x24d: {  	[tilespmem:v61+s30+$0x0] =	vst.idx.msk $0xffff, v2  }
0x24e: {  	v2 =	vld.idx.msk [tilespmem:v9+s3+$0x0], $0xffff  }
0x24f: {  	v62 =	vld.idx.msk [tilespmem:v9+s26+$0x0], $0xffff;
	_ =	sdelay $0x4  }
0x250: {  	v63 =	vor.u32 s4, v56;
	v2 =	vadd.f32 v62, v2;
	_ =	sdelay $0x1  }
0x251: {  	v2 =	vmul.f32 v2, v55;
	_ =	sdelay $0x1  }
0x252: {  	[tilespmem:v9+s30+$0x0] =	vst.idx.msk $0xffff, v2  }
0x253: {  	v2 =	vld.idx.msk [tilespmem:v63+s3+$0x0], $0xffff  }
0x254: {  	v9 =	vld.idx.msk [tilespmem:v63+s26+$0x0], $0xffff;
	_ =	sdelay $0x4  }
0x255: {  	v2 =	vadd.f32 v9, v2;
	_ =	sdelay $0x1  }
0x256: {  	s0 =	sadd.s32 $0x1, s0;
	v2 =	vmul.f32 v2, v57  }
0x257: {  	p0 =	sne.s32 s0, $0x6C  }
.Ltmp6:
0x258: {  	[tilespmem:v63+s30+$0x0] =	vst.idx.msk $0xffff, v2;
	(pc) =	sbr.rel @p0 .LBB2_2-.Ltmp6, $4  }
0x259: {  	[spmem:s2] =	stream.indirect.scatter.add.f32 [tilespmem:s30], [sflag:$0x3], $0x80, s19, s22, $0xb8;
	[tilespmem:$0x1E380] =	vst v63  }
0x25a: {  	_ =	swait.ge [sflag:s17], $0x3000  }
0x25b: {  	[sflag:s17] =	ssyncset.done $0x0  }
0x25c: {  	[sflag:s17] =	ssyncadd.s32 $0xFFFFD000  }
0x25d: {  	[bflag:$0x0] =	sbarrier.arrive $0xFFFF  }
0x25e: {  	s0 =	rddreg [dreg:$0x5]  }
0x25f: {  	[hbm:s0], [sflag:s12] =	dma.local [spmem:s16], $0x2800  }
0x260: {  	_ =	swait.ge [sflag:s17], $0x2800  }
0x261: {  	s31 =	sadd.s32 $0x1, s31;
	s15 =	rddreg [dreg:$0x6]  }
0x262: {  	p0 =	sne.s32 s31, s15  }
.Ltmp7:
0x263: {  	_ = 	snop;
	(pc) =	sbr.rel @p0 .LBB2_1-.Ltmp7, $3  }
0x264: {  	_ =	sdelay $0x1  }
0x265: {  	[sflag:s17] =	ssyncset.done $0x0  }
0x266: {  	[sflag:s17] =	ssyncadd.s32 $0xFFFFD800  }
0x267: {  	_ =	sfence.sel $0x180000  }
0x268: {  	[bflag:$0x0] =	sbarrier.arrive $0xFFFF  }
0x269: {  	_ =	strace $0x9000004A  }
0x26a: {  	s0 =	stileid.u32;
	[bflag:$0x2] =	sbarrier.arrive $0xFFFF  }
0x26b: {  	p0 =	sne.s32 s0, $0x0;
	s0 =	rddreg [dreg:$0x3]  }
0x26c: {  	s0 =	sadd.s32 @!p0 $0x100000, s0  }
0x26d: {  	[sflag:s0] =	ssyncadd.tile.s32 @!p0 $0x1;
	_ =	shalt  }
.Lfunc_end2:
_tile_overlayer_lowered:
.L_overlay_start_2:
0x26e: {  	(tag) =	ssettag $0x2  }
0x26f: {  	s0 =	rddreg [dreg:$0x0];
	s2 =	stileid.u32  }
0x270: {  	s1 =	rddreg [dreg:$0x1];
	p0 =	sne.s32 s2, $0x0  }
0x271: {  	s3 =	rddreg [dreg:$0x2];
	[bflag:$0x3] =	sbarrier.arrive $0xFFFF;
	s2 =	simm.s32 @!p0 $0x1C03  }
0x272: {  	[timem:s3], [sflag:s2] =	dma.local @!p0 [hbm:s0], s1  }
0x273: {  	s0 =	simm.s32 @!p0 $0x3  }
0x274: {  	_ =	swait.ge @!p0 [sflag:s0], s1  }
0x275: {  	s1 =	ssub.s32 @!p0 $0x0, s1;
	[sflag:s0] =	ssyncset.done @!p0 $0x0  }
0x276: {  	[sflag:s0] =	ssyncadd.s32 @!p0 s1  }
0x277: {  	[bflag:$0x3] =	sbarrier.arrive $0xFFFF  }
0x278: {  	_ =	shalt  }

</sc_bundles>
